<compile_context>
chip_gen: v7x
topology: tpu7x:2x2x1
jax: 0.10.2.dev20260603
libtpu: 0.0.44.dev20260713+nightly
codegen_flags: <defaults>
</compile_context>

<pallas_src>
import functools

import jax
import jax.numpy as jnp
from jax import lax
from jax.experimental import pallas as pl
from jax.experimental.pallas import tpu as pltpu
from jax.experimental.pallas import tpu_sc as plsc

N_NODES = 10000
N_EDGES = 160000
IN_CH = 256
HID_CH = 256
OUT_CH = 128
K_PROP = 10
ALPHA = 0.1

NC = 2
NS = 16
NT = NC * NS
NPAD = 10240
CH = 128
EPT = 5120
NCHUNK = EPT // CH
ROWS_PER_TILE = NPAD // NS
RB = 1280

_f32 = jnp.float32
_i32 = jnp.int32

_MESH = plsc.VectorSubcoreMesh(core_axis_name="c", subcore_axis_name="s")


def _fill_rows(ref, nrows, width, value):

  def body(i, carry):
    for j in range(width // 16):
      ref[i, 16 * j:16 * (j + 1)] = jnp.full((16,), value, _f32)
    return carry

  lax.fori_loop(0, nrows, body, 0)


@functools.partial(
    pl.kernel,
    out_type=jax.ShapeDtypeStruct((NC, 2, NPAD, OUT_CH), _f32),
    mesh=_MESH,
    scratch_types=[
        pltpu.VMEM_SHARED((NPAD, OUT_CH), _f32),
        pltpu.VMEM((CH, OUT_CH), _f32),
        pltpu.VMEM((NCHUNK, CH), _i32),
        pltpu.SemaphoreType.DMA,
    ],
)
def _deg_kernel(srci_hbm, dsti_hbm, zrs_hbm, out_hbm, agg_sh, buf, idxv, sem):
  c = lax.axis_index("c")
  s = lax.axis_index("s")
  tid = c * NS + s
  base = s * ROWS_PER_TILE
  _fill_rows(buf, CH, OUT_CH, 1.0)

  for which, idx_hbm in ((0, srci_hbm), (1, dsti_hbm)):
    pltpu.sync_copy(zrs_hbm.at[pl.ds(base, ROWS_PER_TILE)],
                    agg_sh.at[pl.ds(base, ROWS_PER_TILE)])
    plsc.subcore_barrier()
    pltpu.sync_copy(idx_hbm.at[tid], idxv)

    def body(j, carry):
      pltpu.async_copy(buf, agg_sh.at[idxv.at[j]], sem, add=True)
      return carry

    lax.fori_loop(0, NCHUNK, body, 0)

    def drain(j, carry):
      pltpu.make_async_copy(buf, agg_sh.at[idxv.at[j]], sem).wait()
      return carry

    lax.fori_loop(0, NCHUNK, drain, 0)
    plsc.subcore_barrier()
    pltpu.sync_copy(agg_sh.at[pl.ds(base, ROWS_PER_TILE)],
                    out_hbm.at[c].at[which].at[pl.ds(base, ROWS_PER_TILE)])
    plsc.subcore_barrier()


@functools.partial(
    pl.kernel,
    out_type=jax.ShapeDtypeStruct((NC, NPAD, OUT_CH), _f32),
    mesh=_MESH,
    scratch_types=[
        pltpu.VMEM_SHARED((NPAD, OUT_CH), _f32),
        pltpu.VMEM((CH, OUT_CH), _f32),
        pltpu.VMEM((CH, OUT_CH), _f32),
        pltpu.VMEM((NCHUNK, CH), _i32),
        pltpu.VMEM((NCHUNK, CH), _i32),
        pltpu.SemaphoreType.DMA,
        pltpu.SemaphoreType.DMA,
    ],
)
def _step_kernel(g_hbm, srci_hbm, dsti_hbm, zrs_hbm, out_hbm, agg_sh, b0, b1,
                 srcv, dstv, sem0, sem1):
  c = lax.axis_index("c")
  s = lax.axis_index("s")
  tid = c * NS + s
  base = s * ROWS_PER_TILE
  pltpu.sync_copy(zrs_hbm.at[pl.ds(base, ROWS_PER_TILE)],
                  agg_sh.at[pl.ds(base, ROWS_PER_TILE)])
  pltpu.sync_copy(srci_hbm.at[tid], srcv)
  pltpu.sync_copy(dsti_hbm.at[tid], dstv)
  plsc.subcore_barrier()

  bufs = (b0, b1)
  sems = (sem0, sem1)
  for b in range(2):
    pltpu.async_copy(g_hbm.at[srcv.at[b]], bufs[b], sems[b])

  def body(grp, carry):
    for b in range(2):
      j = grp * 2 + b
      pltpu.make_async_copy(g_hbm.at[srcv.at[j]], bufs[b], sems[b]).wait()
      pltpu.sync_copy(bufs[b], agg_sh.at[dstv.at[j]], add=True)

      @pl.when(j + 2 < NCHUNK)
      def _():
        pltpu.async_copy(g_hbm.at[srcv.at[j + 2]], bufs[b], sems[b])
    return carry

  lax.fori_loop(0, NCHUNK // 2, body, 0)
  plsc.subcore_barrier()
  pltpu.sync_copy(agg_sh.at[pl.ds(base, ROWS_PER_TILE)],
                  out_hbm.at[c].at[pl.ds(base, ROWS_PER_TILE)])


def _mlp_body(x_ref, w1_ref, b1_ref, w2_ref, b2_ref, w3_ref, b3_ref, o_ref):
  h = jnp.dot(x_ref[...], w1_ref[...], preferred_element_type=_f32)
  h = jnp.maximum(h + b1_ref[...], 0.0)
  h = jnp.dot(h, w2_ref[...], preferred_element_type=_f32)
  h = jnp.maximum(h + b2_ref[...], 0.0)
  o_ref[...] = jnp.dot(h, w3_ref[...], preferred_element_type=_f32) + b3_ref[...]


def _mlp(x_pad, W1, b1, W2, b2, W3, b3):
  nb = NPAD // RB
  full = lambda shape: pl.BlockSpec(shape, lambda i: tuple(0 for _ in shape))
  return pl.pallas_call(
      _mlp_body,
      grid=(nb,),
      in_specs=[
          pl.BlockSpec((RB, IN_CH), lambda i: (i, 0)),
          full((IN_CH, HID_CH)), full((1, HID_CH)),
          full((HID_CH, HID_CH)), full((1, HID_CH)),
          full((HID_CH, OUT_CH)), full((1, OUT_CH)),
      ],
      out_specs=pl.BlockSpec((RB, OUT_CH), lambda i: (i, 0)),
      out_shape=jax.ShapeDtypeStruct((NPAD, OUT_CH), _f32),
  )(x_pad, W1, b1, W2, b2, W3, b3)


def _prep_body(h_ref, deg_ref, g0_ref, c0_ref, c1_ref, fd_ref, ah0_ref):
  h = h_ref[...]
  dsrc = deg_ref[0, 0, :, 0:1] + deg_ref[1, 0, :, 0:1]
  ddst = deg_ref[0, 1, :, 0:1] + deg_ref[1, 1, :, 0:1]
  rs = lax.rsqrt(jnp.maximum(dsrc, 1.0))
  rd = lax.rsqrt(jnp.maximum(ddst, 1.0))
  g0_ref[...] = rs * h
  ah0_ref[...] = ALPHA * h
  c0_ref[...] = (ALPHA * rs) * h
  c1_ref[...] = jnp.broadcast_to((1.0 - ALPHA) * rs * rd, h.shape)
  fd_ref[...] = jnp.broadcast_to((1.0 - ALPHA) * rd, h.shape)


def _prep(h_pad, degs):
  nb = NPAD // RB
  sds = jax.ShapeDtypeStruct((NPAD, OUT_CH), _f32)
  return pl.pallas_call(
      _prep_body,
      grid=(nb,),
      in_specs=[
          pl.BlockSpec((RB, OUT_CH), lambda i: (i, 0)),
          pl.BlockSpec((NC, 2, RB, OUT_CH), lambda i: (0, 0, i, 0)),
      ],
      out_specs=[pl.BlockSpec((RB, OUT_CH), lambda i: (i, 0))] * 5,
      out_shape=[sds] * 5,
  )(h_pad, degs)


def _combine_body(s_ref, c1_ref, c0_ref, g_ref):
  g_ref[...] = c1_ref[...] * (s_ref[0] + s_ref[1]) + c0_ref[...]


def _combine(S2, c1f, c0):
  nb = NPAD // RB
  return pl.pallas_call(
      _combine_body,
      grid=(nb,),
      in_specs=[
          pl.BlockSpec((NC, RB, OUT_CH), lambda i: (0, i, 0)),
          pl.BlockSpec((RB, OUT_CH), lambda i: (i, 0)),
          pl.BlockSpec((RB, OUT_CH), lambda i: (i, 0)),
      ],
      out_specs=pl.BlockSpec((RB, OUT_CH), lambda i: (i, 0)),
      out_shape=jax.ShapeDtypeStruct((NPAD, OUT_CH), _f32),
  )(S2, c1f, c0)


def _final_body(s_ref, fd_ref, ah0_ref, o_ref):
  z = fd_ref[...] * (s_ref[0] + s_ref[1]) + ah0_ref[...]
  m = jnp.max(z, axis=1, keepdims=True)
  lse = jnp.log(jnp.sum(jnp.exp(z - m), axis=1, keepdims=True)) + m
  o_ref[...] = z - lse


def _final(S2, fd, ah0):
  fb = 1000
  nb = N_NODES // fb
  return pl.pallas_call(
      _final_body,
      grid=(nb,),
      in_specs=[
          pl.BlockSpec((NC, fb, OUT_CH), lambda i: (0, i, 0)),
          pl.BlockSpec((fb, OUT_CH), lambda i: (i, 0)),
          pl.BlockSpec((fb, OUT_CH), lambda i: (i, 0)),
      ],
      out_specs=pl.BlockSpec((fb, OUT_CH), lambda i: (i, 0)),
      out_shape=jax.ShapeDtypeStruct((N_NODES, OUT_CH), _f32),
  )(S2, fd, ah0)


def kernel(x, edge_index, W1, b1, W2, b2, W3, b3):
  x_pad = jnp.concatenate(
      [x, jnp.zeros((NPAD - N_NODES, IN_CH), _f32)], axis=0)
  pad_n = NT * EPT - N_EDGES
  src = edge_index[0].astype(_i32)
  dst = edge_index[1].astype(_i32)
  pad_idx = jnp.full((pad_n,), N_NODES, _i32)
  srci = jnp.concatenate([src, pad_idx]).reshape(NT, NCHUNK, CH)
  dsti = jnp.concatenate([dst, pad_idx]).reshape(NT, NCHUNK, CH)
  zrs = jnp.zeros((NPAD, OUT_CH), _f32)

  h_pad = _mlp(x_pad, W1, b1.reshape(1, HID_CH), W2, b2.reshape(1, HID_CH),
               W3, b3.reshape(1, OUT_CH))
  degs = _deg_kernel(srci, dsti, zrs)
  g, c0, c1f, fd, ah0 = _prep(h_pad, degs)
  for _ in range(K_PROP - 1):
    S2 = _step_kernel(g, srci, dsti, zrs)
    g = _combine(S2, c1f, c0)
  S2 = _step_kernel(g, srci, dsti, zrs)
  return _final(S2, fd, ah0)

# --- scband reference (transcript-rebuilt; emitter-appended) ---
"""Pipeline reference for scband-ortgnn-26225070309448 (READ-ONLY COPY).

The authoritative reference and input builder live on the scoring server;
editing this copy changes nothing except your own understanding.
"""

import jax, jax.numpy as jnp
import numpy as np

N_NODES = 10000
N_EDGES = 160000
IN_CH = 256
HID_CH = 256
OUT_CH = 128
K_PROP = 10
ALPHA = 0.1


def setup_inputs(seed: int = 0) -> dict:
    key = jax.random.key(seed)
    ks = jax.random.split(key, 8)
    x = jax.random.normal(ks[0], (N_NODES, IN_CH), dtype=jnp.float32)
    edge_index = jax.random.randint(ks[1], (2, N_EDGES), 0, N_NODES, dtype=jnp.int64)
    W1 = jax.random.normal(ks[2], (IN_CH, HID_CH), dtype=jnp.float32) / np.sqrt(IN_CH)
    b1 = jnp.zeros((HID_CH,), dtype=jnp.float32)
    W2 = jax.random.normal(ks[3], (HID_CH, HID_CH), dtype=jnp.float32) / np.sqrt(HID_CH)
    b2 = jnp.zeros((HID_CH,), dtype=jnp.float32)
    W3 = jax.random.normal(ks[4], (HID_CH, OUT_CH), dtype=jnp.float32) / np.sqrt(HID_CH)
    b3 = jnp.zeros((OUT_CH,), dtype=jnp.float32)
    return {"x": x, "edge_index": edge_index, "W1": W1, "b1": b1, "W2": W2, "b2": b2, "W3": W3, "b3": b3}


def reference(x, edge_index, W1, b1, W2, b2, W3, b3):
    # MLP part of ORTGNN forward (dropout is identity in eval; bns unused in forward)
    h = jax.nn.relu(x @ W1 + b1)
    h = jax.nn.relu(h @ W2 + b2)
    h = h @ W3 + b3
    # APPNP-style ORTGNN propagation with symmetric normalization
    src = edge_index[0]
    dst = edge_index[1]
    ones = jnp.ones((N_EDGES,), dtype=jnp.float32)
    deg_src = jnp.maximum(jax.ops.segment_sum(ones, src, num_segments=N_NODES), 1.0)
    deg_dst = jnp.maximum(jax.ops.segment_sum(ones, dst, num_segments=N_NODES), 1.0)
    norm = jax.lax.rsqrt(deg_src[src] * deg_dst[dst])
    h0 = h
    for _ in range(K_PROP):
        msg = h[src] * norm[:, None]
        agg = jax.ops.segment_sum(msg, dst, num_segments=N_NODES)
        h = (1.0 - ALPHA) * agg + ALPHA * h0
    return jax.nn.log_softmax(h, axis=1)

if __name__ == "__main__":
    import jax
    _d = setup_inputs()
    print(jax.jit(kernel)(*tuple(_d.values())))

</pallas_src>

<mosaic_0001>
#map = affine_map<(d0, d1) -> (0, 0)>
#map1 = affine_map<(d0, d1) -> (0, 0, 0)>
module attributes {stable_mosaic.version = 14 : i64} {
  func.func @_step_kernel(%arg0: i32, %arg1: i32, %arg2: memref<10240x128xf32, #tpu.memory_space<hbm>>, %arg3: memref<32x40x128xi32, #tpu.memory_space<hbm>>, %arg4: memref<32x40x128xi32, #tpu.memory_space<hbm>>, %arg5: memref<10240x128xf32, #tpu.memory_space<hbm>>, %arg6: memref<2x10240x128xf32, #tpu.memory_space<hbm>>, %arg7: memref<10240x128xf32, #tpu.memory_space<vmem_shared>>, %arg8: memref<128x128xf32, #tpu.memory_space<vmem>>, %arg9: memref<128x128xf32, #tpu.memory_space<vmem>>, %arg10: memref<40x128xi32, #tpu.memory_space<vmem>>, %arg11: memref<40x128xi32, #tpu.memory_space<vmem>>, %arg12: memref<!tpu.dma_semaphore, #tpu.memory_space<semaphore_mem>>, %arg13: memref<!tpu.dma_semaphore, #tpu.memory_space<semaphore_mem>>) attributes {dimension_semantics = [#tpu.dimension_semantics<core_parallel>, #tpu.dimension_semantics<subcore_parallel>], iteration_bounds = array<i64: 2, 16>, scalar_prefetch = 0 : i64, scratch_operands = 7 : i64, tpu.core_type = #tpu.core_type<sc_vector_subcore>, window_params = [{transform_indices = #map}, {transform_indices = #map1}, {transform_indices = #map1}, {transform_indices = #map}, {transform_indices = #map1}]} {
    %mul3A = arith.constant 16 : i32
    %mul3A_0 = arith.muli %arg0, %mul3A : i32
    %add3A = arith.addi %mul3A_0, %arg1 : i32
    %mul3A_1 = arith.constant 640 : i32
    %mul3A_2 = arith.muli %arg1, %mul3A_1 : i32
    "tpu.region"() ({
      %run_scoped3A = tpu.sem_alloc : memref<!tpu.dma_semaphore, #tpu.memory_space<semaphore_mem>>
      %dma_start3A_22 = arith.constant 0 : i32
      %dma_start3A_23 = tpu.memref_slice %arg7[%mul3A_2, %dma_start3A_22] : memref<10240x128xf32, #tpu.memory_space<vmem_shared>> -> memref<640x128xf32, #tpu.memory_space<vmem_shared>>
      %dma_start3A_24 = arith.constant 0 : i32
      %dma_start3A_25 = tpu.memref_slice %arg5[%mul3A_2, %dma_start3A_24] : memref<10240x128xf32, #tpu.memory_space<hbm>> -> memref<640x128xf32, #tpu.memory_space<hbm>>
      tpu.enqueue_dma source(%dma_start3A_25 : memref<640x128xf32, #tpu.memory_space<hbm>>) target(%dma_start3A_23 : memref<640x128xf32, #tpu.memory_space<vmem_shared>>) target_semaphore(%run_scoped3A : memref<!tpu.dma_semaphore, #tpu.memory_space<semaphore_mem>>)
      %dma_wait3A = arith.constant 0 : i32
      %dma_wait3A_26 = tpu.memref_slice %arg7[%mul3A_2, %dma_wait3A] : memref<10240x128xf32, #tpu.memory_space<vmem_shared>> -> memref<640x128xf32, #tpu.memory_space<vmem_shared>>
      %dma_wait3A_27 = arith.constant 0 : i32
      %dma_wait3A_28 = tpu.memref_slice %arg5[%mul3A_2, %dma_wait3A_27] : memref<10240x128xf32, #tpu.memory_space<hbm>> -> memref<640x128xf32, #tpu.memory_space<hbm>>
      tpu.wait_dma2 semaphore(%run_scoped3A : memref<!tpu.dma_semaphore, #tpu.memory_space<semaphore_mem>>) src(%dma_wait3A_28 : memref<640x128xf32, #tpu.memory_space<hbm>>) dst(%dma_wait3A_26 : memref<640x128xf32, #tpu.memory_space<vmem_shared>>)
      tpu.yield
    }) : () -> ()
    "tpu.region"() ({
      %run_scoped3A = tpu.sem_alloc : memref<!tpu.dma_semaphore, #tpu.memory_space<semaphore_mem>>
      %dma_start3A_22 = arith.constant 0 : i32
      %dma_start3A_23 = arith.constant 0 : i32
      %dma_start3A_24 = tpu.memref_slice %arg3[%add3A, %dma_start3A_22, %dma_start3A_23] : memref<32x40x128xi32, #tpu.memory_space<hbm>> -> memref<1x40x128xi32, #tpu.memory_space<hbm>>
      %dma_start3A_25 = tpu.memref_squeeze %dma_start3A_24 : memref<1x40x128xi32, #tpu.memory_space<hbm>> -> memref<40x128xi32, #tpu.memory_space<hbm>>
      %dma_start3A_26 = arith.constant 0 : i32
      %dma_start3A_27 = arith.constant 0 : i32
      %dma_start3A_28 = tpu.memref_slice %arg3[%add3A, %dma_start3A_26, %dma_start3A_27] : memref<32x40x128xi32, #tpu.memory_space<hbm>> -> memref<1x40x128xi32, #tpu.memory_space<hbm>>
      %dma_start3A_29 = tpu.memref_squeeze %dma_start3A_28 : memref<1x40x128xi32, #tpu.memory_space<hbm>> -> memref<40x128xi32, #tpu.memory_space<hbm>>
      tpu.enqueue_dma source(%dma_start3A_29 : memref<40x128xi32, #tpu.memory_space<hbm>>) target(%arg10 : memref<40x128xi32, #tpu.memory_space<vmem>>) target_semaphore(%run_scoped3A : memref<!tpu.dma_semaphore, #tpu.memory_space<semaphore_mem>>)
      %dma_wait3A = arith.constant 0 : i32
      %dma_wait3A_30 = arith.constant 0 : i32
      %dma_wait3A_31 = tpu.memref_slice %arg3[%add3A, %dma_wait3A, %dma_wait3A_30] : memref<32x40x128xi32, #tpu.memory_space<hbm>> -> memref<1x40x128xi32, #tpu.memory_space<hbm>>
      %dma_wait3A_32 = tpu.memref_squeeze %dma_wait3A_31 : memref<1x40x128xi32, #tpu.memory_space<hbm>> -> memref<40x128xi32, #tpu.memory_space<hbm>>
      %dma_wait3A_33 = arith.constant 0 : i32
      %dma_wait3A_34 = arith.constant 0 : i32
      %dma_wait3A_35 = tpu.memref_slice %arg3[%add3A, %dma_wait3A_33, %dma_wait3A_34] : memref<32x40x128xi32, #tpu.memory_space<hbm>> -> memref<1x40x128xi32, #tpu.memory_space<hbm>>
      %dma_wait3A_36 = tpu.memref_squeeze %dma_wait3A_35 : memref<1x40x128xi32, #tpu.memory_space<hbm>> -> memref<40x128xi32, #tpu.memory_space<hbm>>
      tpu.wait_dma2 semaphore(%run_scoped3A : memref<!tpu.dma_semaphore, #tpu.memory_space<semaphore_mem>>) src(%dma_wait3A_36 : memref<40x128xi32, #tpu.memory_space<hbm>>) dst(%arg10 : memref<40x128xi32, #tpu.memory_space<vmem>>)
      tpu.yield
    }) : () -> ()
    "tpu.region"() ({
      %run_scoped3A = tpu.sem_alloc : memref<!tpu.dma_semaphore, #tpu.memory_space<semaphore_mem>>
      %dma_start3A_22 = arith.constant 0 : i32
      %dma_start3A_23 = arith.constant 0 : i32
      %dma_start3A_24 = tpu.memref_slice %arg4[%add3A, %dma_start3A_22, %dma_start3A_23] : memref<32x40x128xi32, #tpu.memory_space<hbm>> -> memref<1x40x128xi32, #tpu.memory_space<hbm>>
      %dma_start3A_25 = tpu.memref_squeeze %dma_start3A_24 : memref<1x40x128xi32, #tpu.memory_space<hbm>> -> memref<40x128xi32, #tpu.memory_space<hbm>>
      %dma_start3A_26 = arith.constant 0 : i32
      %dma_start3A_27 = arith.constant 0 : i32
      %dma_start3A_28 = tpu.memref_slice %arg4[%add3A, %dma_start3A_26, %dma_start3A_27] : memref<32x40x128xi32, #tpu.memory_space<hbm>> -> memref<1x40x128xi32, #tpu.memory_space<hbm>>
      %dma_start3A_29 = tpu.memref_squeeze %dma_start3A_28 : memref<1x40x128xi32, #tpu.memory_space<hbm>> -> memref<40x128xi32, #tpu.memory_space<hbm>>
      tpu.enqueue_dma source(%dma_start3A_29 : memref<40x128xi32, #tpu.memory_space<hbm>>) target(%arg11 : memref<40x128xi32, #tpu.memory_space<vmem>>) target_semaphore(%run_scoped3A : memref<!tpu.dma_semaphore, #tpu.memory_space<semaphore_mem>>)
      %dma_wait3A = arith.constant 0 : i32
      %dma_wait3A_30 = arith.constant 0 : i32
      %dma_wait3A_31 = tpu.memref_slice %arg4[%add3A, %dma_wait3A, %dma_wait3A_30] : memref<32x40x128xi32, #tpu.memory_space<hbm>> -> memref<1x40x128xi32, #tpu.memory_space<hbm>>
      %dma_wait3A_32 = tpu.memref_squeeze %dma_wait3A_31 : memref<1x40x128xi32, #tpu.memory_space<hbm>> -> memref<40x128xi32, #tpu.memory_space<hbm>>
      %dma_wait3A_33 = arith.constant 0 : i32
      %dma_wait3A_34 = arith.constant 0 : i32
      %dma_wait3A_35 = tpu.memref_slice %arg4[%add3A, %dma_wait3A_33, %dma_wait3A_34] : memref<32x40x128xi32, #tpu.memory_space<hbm>> -> memref<1x40x128xi32, #tpu.memory_space<hbm>>
      %dma_wait3A_36 = tpu.memref_squeeze %dma_wait3A_35 : memref<1x40x128xi32, #tpu.memory_space<hbm>> -> memref<40x128xi32, #tpu.memory_space<hbm>>
      tpu.wait_dma2 semaphore(%run_scoped3A : memref<!tpu.dma_semaphore, #tpu.memory_space<semaphore_mem>>) src(%dma_wait3A_36 : memref<40x128xi32, #tpu.memory_space<hbm>>) dst(%arg11 : memref<40x128xi32, #tpu.memory_space<vmem>>)
      tpu.yield
    }) : () -> ()
    %barrier3A = arith.constant 0 : index
    tpu.barrier barrier_id(%barrier3A)
    %dma_start3A = arith.constant 0 : i32
    %dma_start3A_3 = arith.constant 0 : i32
    %dma_start3A_4 = tpu.memref_slice %arg10[%dma_start3A, %dma_start3A_3] : memref<40x128xi32, #tpu.memory_space<vmem>> -> memref<1x128xi32, #tpu.memory_space<vmem>>
    %dma_start3A_5 = tpu.memref_squeeze %dma_start3A_4 : memref<1x128xi32, #tpu.memory_space<vmem>> -> memref<128xi32, #tpu.memory_space<vmem>>
    %dma_start3A_6 = arith.constant 0 : i32
    %dma_start3A_7 = arith.constant 0 : i32
    %dma_start3A_8 = tpu.memref_slice %arg2[%dma_start3A_6, %dma_start3A_7] : memref<10240x128xf32, #tpu.memory_space<hbm>> -> memref<10240x128xf32, #tpu.memory_space<hbm>>
    tpu.enqueue_indirect_dma source(%dma_start3A_8 : memref<10240x128xf32, #tpu.memory_space<hbm>>) target(%arg8 : memref<128x128xf32, #tpu.memory_space<vmem>>) offsets(%dma_start3A_5 : memref<128xi32, #tpu.memory_space<vmem>>) semaphore(%arg12 : memref<!tpu.dma_semaphore, #tpu.memory_space<semaphore_mem>>)
    %dma_start3A_9 = arith.constant 1 : i32
    %dma_start3A_10 = arith.constant 0 : i32
    %dma_start3A_11 = tpu.memref_slice %arg10[%dma_start3A_9, %dma_start3A_10] : memref<40x128xi32, #tpu.memory_space<vmem>> -> memref<1x128xi32, #tpu.memory_space<vmem>>
    %dma_start3A_12 = tpu.memref_squeeze %dma_start3A_11 : memref<1x128xi32, #tpu.memory_space<vmem>> -> memref<128xi32, #tpu.memory_space<vmem>>
    %dma_start3A_13 = arith.constant 0 : i32
    %dma_start3A_14 = arith.constant 0 : i32
    %dma_start3A_15 = tpu.memref_slice %arg2[%dma_start3A_13, %dma_start3A_14] : memref<10240x128xf32, #tpu.memory_space<hbm>> -> memref<10240x128xf32, #tpu.memory_space<hbm>>
    tpu.enqueue_indirect_dma source(%dma_start3A_15 : memref<10240x128xf32, #tpu.memory_space<hbm>>) target(%arg9 : memref<128x128xf32, #tpu.memory_space<vmem>>) offsets(%dma_start3A_12 : memref<128xi32, #tpu.memory_space<vmem>>) semaphore(%arg13 : memref<!tpu.dma_semaphore, #tpu.memory_space<semaphore_mem>>)
    %scan3A = arith.constant 0 : i32
    %scan3A_16 = arith.constant 0 : i32
    %scan3A_17 = arith.constant 20 : i32
    %scan3A_18 = arith.addi %scan3A_16, %scan3A_17 : i32
    %scan3A_19 = arith.constant 1 : i32
    scf.for %scan3A_22 = %scan3A_16 to %scan3A_18 step %scan3A_19  : i32 {
      %mul3A_23 = arith.constant 2 : i32
      %mul3A_24 = arith.muli %scan3A_22, %mul3A_23 : i32
      %add3A_25 = arith.constant 0 : i32
      %add3A_26 = arith.addi %mul3A_24, %add3A_25 : i32
      %dma_wait3A = arith.constant 0 : i32
      %dma_wait3A_27 = tpu.memref_slice %arg10[%add3A_26, %dma_wait3A] : memref<40x128xi32, #tpu.memory_space<vmem>> -> memref<1x128xi32, #tpu.memory_space<vmem>>
      %dma_wait3A_28 = tpu.memref_squeeze %dma_wait3A_27 : memref<1x128xi32, #tpu.memory_space<vmem>> -> memref<128xi32, #tpu.memory_space<vmem>>
      %dma_wait3A_29 = arith.constant 0 : i32
      %dma_wait3A_30 = arith.constant 0 : i32
      %dma_wait3A_31 = tpu.memref_slice %arg2[%dma_wait3A_29, %dma_wait3A_30] : memref<10240x128xf32, #tpu.memory_space<hbm>> -> memref<10240x128xf32, #tpu.memory_space<hbm>>
      tpu.wait_indirect_dma semaphore(%arg12 : memref<!tpu.dma_semaphore, #tpu.memory_space<semaphore_mem>>) src(%dma_wait3A_31 : memref<10240x128xf32, #tpu.memory_space<hbm>>) dst(%arg8 : memref<128x128xf32, #tpu.memory_space<vmem>>)
      "tpu.region"() ({
        %run_scoped3A = tpu.sem_alloc : memref<!tpu.dma_semaphore, #tpu.memory_space<semaphore_mem>>
        %dma_start3A_53 = arith.constant 0 : i32
        %dma_start3A_54 = tpu.memref_slice %arg11[%add3A_26, %dma_start3A_53] : memref<40x128xi32, #tpu.memory_space<vmem>> -> memref<1x128xi32, #tpu.memory_space<vmem>>
        %dma_start3A_55 = tpu.memref_squeeze %dma_start3A_54 : memref<1x128xi32, #tpu.memory_space<vmem>> -> memref<128xi32, #tpu.memory_space<vmem>>
        %dma_start3A_56 = arith.constant 0 : i32
        %dma_start3A_57 = arith.constant 0 : i32
        %dma_start3A_58 = tpu.memref_slice %arg7[%dma_start3A_56, %dma_start3A_57] : memref<10240x128xf32, #tpu.memory_space<vmem_shared>> -> memref<10240x128xf32, #tpu.memory_space<vmem_shared>>
        tpu.enqueue_indirect_dma source(%arg8 : memref<128x128xf32, #tpu.memory_space<vmem>>) target(%dma_start3A_58 : memref<10240x128xf32, #tpu.memory_space<vmem_shared>>) offsets(%dma_start3A_55 : memref<128xi32, #tpu.memory_space<vmem>>) semaphore(%run_scoped3A : memref<!tpu.dma_semaphore, #tpu.memory_space<semaphore_mem>>) {add = true}
        %dma_wait3A_59 = arith.constant 0 : i32
        %dma_wait3A_60 = tpu.memref_slice %arg11[%add3A_26, %dma_wait3A_59] : memref<40x128xi32, #tpu.memory_space<vmem>> -> memref<1x128xi32, #tpu.memory_space<vmem>>
        %dma_wait3A_61 = tpu.memref_squeeze %dma_wait3A_60 : memref<1x128xi32, #tpu.memory_space<vmem>> -> memref<128xi32, #tpu.memory_space<vmem>>
        %dma_wait3A_62 = arith.constant 0 : i32
        %dma_wait3A_63 = arith.constant 0 : i32
        %dma_wait3A_64 = tpu.memref_slice %arg7[%dma_wait3A_62, %dma_wait3A_63] : memref<10240x128xf32, #tpu.memory_space<vmem_shared>> -> memref<10240x128xf32, #tpu.memory_space<vmem_shared>>
        tpu.wait_indirect_dma semaphore(%run_scoped3A : memref<!tpu.dma_semaphore, #tpu.memory_space<semaphore_mem>>) src(%arg8 : memref<128x128xf32, #tpu.memory_space<vmem>>) dst(%dma_wait3A_64 : memref<10240x128xf32, #tpu.memory_space<vmem_shared>>)
        tpu.yield
      }) : () -> ()
      %add3A_32 = arith.constant 2 : i32
      %add3A_33 = arith.addi %add3A_26, %add3A_32 : i32
      %lt3A = arith.constant 40 : i32
      %lt3A_34 = arith.cmpi slt, %add3A_33, %lt3A : i32
      %convert_element_type3A = arith.extui %lt3A_34 : i1 to i32
      %cond3A = arith.constant 0 : i32
      %cond3A_35 = arith.cmpi ne, %convert_element_type3A, %cond3A : i32
      scf.if %cond3A_35 {
        %add3A_53 = arith.constant 2 : i32
        %add3A_54 = arith.addi %add3A_26, %add3A_53 : i32
        %dma_start3A_55 = arith.constant 0 : i32
        %dma_start3A_56 = tpu.memref_slice %arg10[%add3A_54, %dma_start3A_55] : memref<40x128xi32, #tpu.memory_space<vmem>> -> memref<1x128xi32, #tpu.memory_space<vmem>>
        %dma_start3A_57 = tpu.memref_squeeze %dma_start3A_56 : memref<1x128xi32, #tpu.memory_space<vmem>> -> memref<128xi32, #tpu.memory_space<vmem>>
        %dma_start3A_58 = arith.constant 0 : i32
        %dma_start3A_59 = arith.constant 0 : i32
        %dma_start3A_60 = tpu.memref_slice %arg2[%dma_start3A_58, %dma_start3A_59] : memref<10240x128xf32, #tpu.memory_space<hbm>> -> memref<10240x128xf32, #tpu.memory_space<hbm>>
        tpu.enqueue_indirect_dma source(%dma_start3A_60 : memref<10240x128xf32, #tpu.memory_space<hbm>>) target(%arg8 : memref<128x128xf32, #tpu.memory_space<vmem>>) offsets(%dma_start3A_57 : memref<128xi32, #tpu.memory_space<vmem>>) semaphore(%arg12 : memref<!tpu.dma_semaphore, #tpu.memory_space<semaphore_mem>>)
      } else {
      }
      %mul3A_36 = arith.constant 2 : i32
      %mul3A_37 = arith.muli %scan3A_22, %mul3A_36 : i32
      %add3A_38 = arith.constant 1 : i32
      %add3A_39 = arith.addi %mul3A_37, %add3A_38 : i32
      %dma_wait3A_40 = arith.constant 0 : i32
      %dma_wait3A_41 = tpu.memref_slice %arg10[%add3A_39, %dma_wait3A_40] : memref<40x128xi32, #tpu.memory_space<vmem>> -> memref<1x128xi32, #tpu.memory_space<vmem>>
      %dma_wait3A_42 = tpu.memref_squeeze %dma_wait3A_41 : memref<1x128xi32, #tpu.memory_space<vmem>> -> memref<128xi32, #tpu.memory_space<vmem>>
      %dma_wait3A_43 = arith.constant 0 : i32
      %dma_wait3A_44 = arith.constant 0 : i32
      %dma_wait3A_45 = tpu.memref_slice %arg2[%dma_wait3A_43, %dma_wait3A_44] : memref<10240x128xf32, #tpu.memory_space<hbm>> -> memref<10240x128xf32, #tpu.memory_space<hbm>>
      tpu.wait_indirect_dma semaphore(%arg13 : memref<!tpu.dma_semaphore, #tpu.memory_space<semaphore_mem>>) src(%dma_wait3A_45 : memref<10240x128xf32, #tpu.memory_space<hbm>>) dst(%arg9 : memref<128x128xf32, #tpu.memory_space<vmem>>)
      "tpu.region"() ({
        %run_scoped3A = tpu.sem_alloc : memref<!tpu.dma_semaphore, #tpu.memory_space<semaphore_mem>>
        %dma_start3A_53 = arith.constant 0 : i32
        %dma_start3A_54 = tpu.memref_slice %arg11[%add3A_39, %dma_start3A_53] : memref<40x128xi32, #tpu.memory_space<vmem>> -> memref<1x128xi32, #tpu.memory_space<vmem>>
        %dma_start3A_55 = tpu.memref_squeeze %dma_start3A_54 : memref<1x128xi32, #tpu.memory_space<vmem>> -> memref<128xi32, #tpu.memory_space<vmem>>
        %dma_start3A_56 = arith.constant 0 : i32
        %dma_start3A_57 = arith.constant 0 : i32
        %dma_start3A_58 = tpu.memref_slice %arg7[%dma_start3A_56, %dma_start3A_57] : memref<10240x128xf32, #tpu.memory_space<vmem_shared>> -> memref<10240x128xf32, #tpu.memory_space<vmem_shared>>
        tpu.enqueue_indirect_dma source(%arg9 : memref<128x128xf32, #tpu.memory_space<vmem>>) target(%dma_start3A_58 : memref<10240x128xf32, #tpu.memory_space<vmem_shared>>) offsets(%dma_start3A_55 : memref<128xi32, #tpu.memory_space<vmem>>) semaphore(%run_scoped3A : memref<!tpu.dma_semaphore, #tpu.memory_space<semaphore_mem>>) {add = true}
        %dma_wait3A_59 = arith.constant 0 : i32
        %dma_wait3A_60 = tpu.memref_slice %arg11[%add3A_39, %dma_wait3A_59] : memref<40x128xi32, #tpu.memory_space<vmem>> -> memref<1x128xi32, #tpu.memory_space<vmem>>
        %dma_wait3A_61 = tpu.memref_squeeze %dma_wait3A_60 : memref<1x128xi32, #tpu.memory_space<vmem>> -> memref<128xi32, #tpu.memory_space<vmem>>
        %dma_wait3A_62 = arith.constant 0 : i32
        %dma_wait3A_63 = arith.constant 0 : i32
        %dma_wait3A_64 = tpu.memref_slice %arg7[%dma_wait3A_62, %dma_wait3A_63] : memref<10240x128xf32, #tpu.memory_space<vmem_shared>> -> memref<10240x128xf32, #tpu.memory_space<vmem_shared>>
        tpu.wait_indirect_dma semaphore(%run_scoped3A : memref<!tpu.dma_semaphore, #tpu.memory_space<semaphore_mem>>) src(%arg9 : memref<128x128xf32, #tpu.memory_space<vmem>>) dst(%dma_wait3A_64 : memref<10240x128xf32, #tpu.memory_space<vmem_shared>>)
        tpu.yield
      }) : () -> ()
      %add3A_46 = arith.constant 2 : i32
      %add3A_47 = arith.addi %add3A_39, %add3A_46 : i32
      %lt3A_48 = arith.constant 40 : i32
      %lt3A_49 = arith.cmpi slt, %add3A_47, %lt3A_48 : i32
      %convert_element_type3A_50 = arith.extui %lt3A_49 : i1 to i32
      %cond3A_51 = arith.constant 0 : i32
      %cond3A_52 = arith.cmpi ne, %convert_element_type3A_50, %cond3A_51 : i32
      scf.if %cond3A_52 {
        %add3A_53 = arith.constant 2 : i32
        %add3A_54 = arith.addi %add3A_39, %add3A_53 : i32
        %dma_start3A_55 = arith.constant 0 : i32
        %dma_start3A_56 = tpu.memref_slice %arg10[%add3A_54, %dma_start3A_55] : memref<40x128xi32, #tpu.memory_space<vmem>> -> memref<1x128xi32, #tpu.memory_space<vmem>>
        %dma_start3A_57 = tpu.memref_squeeze %dma_start3A_56 : memref<1x128xi32, #tpu.memory_space<vmem>> -> memref<128xi32, #tpu.memory_space<vmem>>
        %dma_start3A_58 = arith.constant 0 : i32
        %dma_start3A_59 = arith.constant 0 : i32
        %dma_start3A_60 = tpu.memref_slice %arg2[%dma_start3A_58, %dma_start3A_59] : memref<10240x128xf32, #tpu.memory_space<hbm>> -> memref<10240x128xf32, #tpu.memory_space<hbm>>
        tpu.enqueue_indirect_dma source(%dma_start3A_60 : memref<10240x128xf32, #tpu.memory_space<hbm>>) target(%arg9 : memref<128x128xf32, #tpu.memory_space<vmem>>) offsets(%dma_start3A_57 : memref<128xi32, #tpu.memory_space<vmem>>) semaphore(%arg13 : memref<!tpu.dma_semaphore, #tpu.memory_space<semaphore_mem>>)
      } else {
      }
    }
    %scan3A_20 = arith.constant 20 : i32
    %barrier3A_21 = arith.constant 0 : index
    tpu.barrier barrier_id(%barrier3A_21)
    "tpu.region"() ({
      %run_scoped3A = tpu.sem_alloc : memref<!tpu.dma_semaphore, #tpu.memory_space<semaphore_mem>>
      %dma_start3A_22 = arith.constant 0 : i32
      %dma_start3A_23 = arith.constant 0 : i32
      %dma_start3A_24 = tpu.memref_slice %arg6[%arg0, %dma_start3A_22, %dma_start3A_23] : memref<2x10240x128xf32, #tpu.memory_space<hbm>> -> memref<1x10240x128xf32, #tpu.memory_space<hbm>>
      %dma_start3A_25 = tpu.memref_squeeze %dma_start3A_24 : memref<1x10240x128xf32, #tpu.memory_space<hbm>> -> memref<10240x128xf32, #tpu.memory_space<hbm>>
      %dma_start3A_26 = arith.constant 0 : i32
      %dma_start3A_27 = tpu.memref_slice %dma_start3A_25[%mul3A_2, %dma_start3A_26] : memref<10240x128xf32, #tpu.memory_space<hbm>> -> memref<640x128xf32, #tpu.memory_space<hbm>>
      %dma_start3A_28 = arith.constant 0 : i32
      %dma_start3A_29 = tpu.memref_slice %arg7[%mul3A_2, %dma_start3A_28] : memref<10240x128xf32, #tpu.memory_space<vmem_shared>> -> memref<640x128xf32, #tpu.memory_space<vmem_shared>>
      tpu.enqueue_dma source(%dma_start3A_29 : memref<640x128xf32, #tpu.memory_space<vmem_shared>>) target(%dma_start3A_27 : memref<640x128xf32, #tpu.memory_space<hbm>>) target_semaphore(%run_scoped3A : memref<!tpu.dma_semaphore, #tpu.memory_space<semaphore_mem>>)
      %dma_wait3A = arith.constant 0 : i32
      %dma_wait3A_30 = arith.constant 0 : i32
      %dma_wait3A_31 = tpu.memref_slice %arg6[%arg0, %dma_wait3A, %dma_wait3A_30] : memref<2x10240x128xf32, #tpu.memory_space<hbm>> -> memref<1x10240x128xf32, #tpu.memory_space<hbm>>
      %dma_wait3A_32 = tpu.memref_squeeze %dma_wait3A_31 : memref<1x10240x128xf32, #tpu.memory_space<hbm>> -> memref<10240x128xf32, #tpu.memory_space<hbm>>
      %dma_wait3A_33 = arith.constant 0 : i32
      %dma_wait3A_34 = tpu.memref_slice %dma_wait3A_32[%mul3A_2, %dma_wait3A_33] : memref<10240x128xf32, #tpu.memory_space<hbm>> -> memref<640x128xf32, #tpu.memory_space<hbm>>
      %dma_wait3A_35 = arith.constant 0 : i32
      %dma_wait3A_36 = tpu.memref_slice %arg7[%mul3A_2, %dma_wait3A_35] : memref<10240x128xf32, #tpu.memory_space<vmem_shared>> -> memref<640x128xf32, #tpu.memory_space<vmem_shared>>
      tpu.wait_dma2 semaphore(%run_scoped3A : memref<!tpu.dma_semaphore, #tpu.memory_space<semaphore_mem>>) src(%dma_wait3A_36 : memref<640x128xf32, #tpu.memory_space<vmem_shared>>) dst(%dma_wait3A_34 : memref<640x128xf32, #tpu.memory_space<hbm>>)
      tpu.yield
    }) : () -> ()
    return
  }
}

#map = affine_map<(d0, d1) -> (0, 0, 0)>
#map1 = affine_map<(d0, d1) -> (0, 0)>
#map2 = affine_map<(d0, d1) -> (0, 0, 0, 0)>
module attributes {stable_mosaic.version = 14 : i64} {
  func.func @_deg_kernel(%arg0: i32, %arg1: i32, %arg2: memref<32x40x128xi32, #tpu.memory_space<hbm>>, %arg3: memref<32x40x128xi32, #tpu.memory_space<hbm>>, %arg4: memref<10240x128xf32, #tpu.memory_space<hbm>>, %arg5: memref<2x2x10240x128xf32, #tpu.memory_space<hbm>>, %arg6: memref<10240x128xf32, #tpu.memory_space<vmem_shared>>, %arg7: memref<128x128xf32, #tpu.memory_space<vmem>>, %arg8: memref<40x128xi32, #tpu.memory_space<vmem>>, %arg9: memref<!tpu.dma_semaphore, #tpu.memory_space<semaphore_mem>>) attributes {dimension_semantics = [#tpu.dimension_semantics<core_parallel>, #tpu.dimension_semantics<subcore_parallel>], iteration_bounds = array<i64: 2, 16>, scalar_prefetch = 0 : i64, scratch_operands = 4 : i64, tpu.core_type = #tpu.core_type<sc_vector_subcore>, window_params = [{transform_indices = #map}, {transform_indices = #map}, {transform_indices = #map1}, {transform_indices = #map2}]} {
    %mul3A = arith.constant 16 : i32
    %mul3A_0 = arith.muli %arg0, %mul3A : i32
    %add3A = arith.addi %mul3A_0, %arg1 : i32
    %mul3A_1 = arith.constant 640 : i32
    %mul3A_2 = arith.muli %arg1, %mul3A_1 : i32
    %scan3A = arith.constant 0 : i32
    %scan3A_3 = arith.constant 0 : i32
    %scan3A_4 = arith.constant 128 : i32
    %scan3A_5 = arith.addi %scan3A_3, %scan3A_4 : i32
    %scan3A_6 = arith.constant 1 : i32
    scf.for %scan3A_38 = %scan3A_3 to %scan3A_5 step %scan3A_6  : i32 {
      %broadcast_in_dim3A = arith.constant 1.000000e+00 : f32
      %broadcast_in_dim3A_39 = vector.broadcast %broadcast_in_dim3A : f32 to vector<16xf32>
      %swap3A = arith.index_cast %scan3A_38 : i32 to index
      %swap3A_40 = arith.constant 0 : index
      %swap3A_41 = tpu.vector_load %arg7[%swap3A, %swap3A_40] {strides = array<i32>} : memref<128x128xf32, #tpu.memory_space<vmem>>, vector<1x16xf32>,
      %swap3A_42 = vector.shape_cast %swap3A_41 : vector<1x16xf32> to vector<16xf32>
      %swap3A_43 = vector.shape_cast %broadcast_in_dim3A_39 : vector<16xf32> to vector<1x16xf32>
      tpu.vector_store %arg7[%swap3A, %swap3A_40], %swap3A_43 {strides = array<i32>} : memref<128x128xf32, #tpu.memory_space<vmem>>, vector<1x16xf32>,
      %broadcast_in_dim3A_44 = arith.constant 1.000000e+00 : f32
      %broadcast_in_dim3A_45 = vector.broadcast %broadcast_in_dim3A_44 : f32 to vector<16xf32>
      %swap3A_46 = arith.index_cast %scan3A_38 : i32 to index
      %swap3A_47 = arith.constant 16 : index
      %swap3A_48 = tpu.vector_load %arg7[%swap3A_46, %swap3A_47] {strides = array<i32>} : memref<128x128xf32, #tpu.memory_space<vmem>>, vector<1x16xf32>,
      %swap3A_49 = vector.shape_cast %swap3A_48 : vector<1x16xf32> to vector<16xf32>
      %swap3A_50 = vector.shape_cast %broadcast_in_dim3A_45 : vector<16xf32> to vector<1x16xf32>
      tpu.vector_store %arg7[%swap3A_46, %swap3A_47], %swap3A_50 {strides = array<i32>} : memref<128x128xf32, #tpu.memory_space<vmem>>, vector<1x16xf32>,
      %broadcast_in_dim3A_51 = arith.constant 1.000000e+00 : f32
      %broadcast_in_dim3A_52 = vector.broadcast %broadcast_in_dim3A_51 : f32 to vector<16xf32>
      %swap3A_53 = arith.index_cast %scan3A_38 : i32 to index
      %swap3A_54 = arith.constant 32 : index
      %swap3A_55 = tpu.vector_load %arg7[%swap3A_53, %swap3A_54] {strides = array<i32>} : memref<128x128xf32, #tpu.memory_space<vmem>>, vector<1x16xf32>,
      %swap3A_56 = vector.shape_cast %swap3A_55 : vector<1x16xf32> to vector<16xf32>
      %swap3A_57 = vector.shape_cast %broadcast_in_dim3A_52 : vector<16xf32> to vector<1x16xf32>
      tpu.vector_store %arg7[%swap3A_53, %swap3A_54], %swap3A_57 {strides = array<i32>} : memref<128x128xf32, #tpu.memory_space<vmem>>, vector<1x16xf32>,
      %broadcast_in_dim3A_58 = arith.constant 1.000000e+00 : f32
      %broadcast_in_dim3A_59 = vector.broadcast %broadcast_in_dim3A_58 : f32 to vector<16xf32>
      %swap3A_60 = arith.index_cast %scan3A_38 : i32 to index
      %swap3A_61 = arith.constant 48 : index
      %swap3A_62 = tpu.vector_load %arg7[%swap3A_60, %swap3A_61] {strides = array<i32>} : memref<128x128xf32, #tpu.memory_space<vmem>>, vector<1x16xf32>,
      %swap3A_63 = vector.shape_cast %swap3A_62 : vector<1x16xf32> to vector<16xf32>
      %swap3A_64 = vector.shape_cast %broadcast_in_dim3A_59 : vector<16xf32> to vector<1x16xf32>
      tpu.vector_store %arg7[%swap3A_60, %swap3A_61], %swap3A_64 {strides = array<i32>} : memref<128x128xf32, #tpu.memory_space<vmem>>, vector<1x16xf32>,
      %broadcast_in_dim3A_65 = arith.constant 1.000000e+00 : f32
      %broadcast_in_dim3A_66 = vector.broadcast %broadcast_in_dim3A_65 : f32 to vector<16xf32>
      %swap3A_67 = arith.index_cast %scan3A_38 : i32 to index
      %swap3A_68 = arith.constant 64 : index
      %swap3A_69 = tpu.vector_load %arg7[%swap3A_67, %swap3A_68] {strides = array<i32>} : memref<128x128xf32, #tpu.memory_space<vmem>>, vector<1x16xf32>,
      %swap3A_70 = vector.shape_cast %swap3A_69 : vector<1x16xf32> to vector<16xf32>
      %swap3A_71 = vector.shape_cast %broadcast_in_dim3A_66 : vector<16xf32> to vector<1x16xf32>
      tpu.vector_store %arg7[%swap3A_67, %swap3A_68], %swap3A_71 {strides = array<i32>} : memref<128x128xf32, #tpu.memory_space<vmem>>, vector<1x16xf32>,
      %broadcast_in_dim3A_72 = arith.constant 1.000000e+00 : f32
      %broadcast_in_dim3A_73 = vector.broadcast %broadcast_in_dim3A_72 : f32 to vector<16xf32>
      %swap3A_74 = arith.index_cast %scan3A_38 : i32 to index
      %swap3A_75 = arith.constant 80 : index
      %swap3A_76 = tpu.vector_load %arg7[%swap3A_74, %swap3A_75] {strides = array<i32>} : memref<128x128xf32, #tpu.memory_space<vmem>>, vector<1x16xf32>,
      %swap3A_77 = vector.shape_cast %swap3A_76 : vector<1x16xf32> to vector<16xf32>
      %swap3A_78 = vector.shape_cast %broadcast_in_dim3A_73 : vector<16xf32> to vector<1x16xf32>
      tpu.vector_store %arg7[%swap3A_74, %swap3A_75], %swap3A_78 {strides = array<i32>} : memref<128x128xf32, #tpu.memory_space<vmem>>, vector<1x16xf32>,
      %broadcast_in_dim3A_79 = arith.constant 1.000000e+00 : f32
      %broadcast_in_dim3A_80 = vector.broadcast %broadcast_in_dim3A_79 : f32 to vector<16xf32>
      %swap3A_81 = arith.index_cast %scan3A_38 : i32 to index
      %swap3A_82 = arith.constant 96 : index
      %swap3A_83 = tpu.vector_load %arg7[%swap3A_81, %swap3A_82] {strides = array<i32>} : memref<128x128xf32, #tpu.memory_space<vmem>>, vector<1x16xf32>,
      %swap3A_84 = vector.shape_cast %swap3A_83 : vector<1x16xf32> to vector<16xf32>
      %swap3A_85 = vector.shape_cast %broadcast_in_dim3A_80 : vector<16xf32> to vector<1x16xf32>
      tpu.vector_store %arg7[%swap3A_81, %swap3A_82], %swap3A_85 {strides = array<i32>} : memref<128x128xf32, #tpu.memory_space<vmem>>, vector<1x16xf32>,
      %broadcast_in_dim3A_86 = arith.constant 1.000000e+00 : f32
      %broadcast_in_dim3A_87 = vector.broadcast %broadcast_in_dim3A_86 : f32 to vector<16xf32>
      %swap3A_88 = arith.index_cast %scan3A_38 : i32 to index
      %swap3A_89 = arith.constant 112 : index
      %swap3A_90 = tpu.vector_load %arg7[%swap3A_88, %swap3A_89] {strides = array<i32>} : memref<128x128xf32, #tpu.memory_space<vmem>>, vector<1x16xf32>,
      %swap3A_91 = vector.shape_cast %swap3A_90 : vector<1x16xf32> to vector<16xf32>
      %swap3A_92 = vector.shape_cast %broadcast_in_dim3A_87 : vector<16xf32> to vector<1x16xf32>
      tpu.vector_store %arg7[%swap3A_88, %swap3A_89], %swap3A_92 {strides = array<i32>} : memref<128x128xf32, #tpu.memory_space<vmem>>, vector<1x16xf32>,
    }
    %scan3A_7 = arith.constant 128 : i32
    "tpu.region"() ({
      %run_scoped3A_38 = tpu.sem_alloc : memref<!tpu.dma_semaphore, #tpu.memory_space<semaphore_mem>>
      %dma_start3A = arith.constant 0 : i32
      %dma_start3A_39 = tpu.memref_slice %arg6[%mul3A_2, %dma_start3A] : memref<10240x128xf32, #tpu.memory_space<vmem_shared>> -> memref<640x128xf32, #tpu.memory_space<vmem_shared>>
      %dma_start3A_40 = arith.constant 0 : i32
      %dma_start3A_41 = tpu.memref_slice %arg4[%mul3A_2, %dma_start3A_40] : memref<10240x128xf32, #tpu.memory_space<hbm>> -> memref<640x128xf32, #tpu.memory_space<hbm>>
      tpu.enqueue_dma source(%dma_start3A_41 : memref<640x128xf32, #tpu.memory_space<hbm>>) target(%dma_start3A_39 : memref<640x128xf32, #tpu.memory_space<vmem_shared>>) target_semaphore(%run_scoped3A_38 : memref<!tpu.dma_semaphore, #tpu.memory_space<semaphore_mem>>)
      %dma_wait3A = arith.constant 0 : i32
      %dma_wait3A_42 = tpu.memref_slice %arg6[%mul3A_2, %dma_wait3A] : memref<10240x128xf32, #tpu.memory_space<vmem_shared>> -> memref<640x128xf32, #tpu.memory_space<vmem_shared>>
      %dma_wait3A_43 = arith.constant 0 : i32
      %dma_wait3A_44 = tpu.memref_slice %arg4[%mul3A_2, %dma_wait3A_43] : memref<10240x128xf32, #tpu.memory_space<hbm>> -> memref<640x128xf32, #tpu.memory_space<hbm>>
      tpu.wait_dma2 semaphore(%run_scoped3A_38 : memref<!tpu.dma_semaphore, #tpu.memory_space<semaphore_mem>>) src(%dma_wait3A_44 : memref<640x128xf32, #tpu.memory_space<hbm>>) dst(%dma_wait3A_42 : memref<640x128xf32, #tpu.memory_space<vmem_shared>>)
      tpu.yield
    }) : () -> ()
    %barrier3A = arith.constant 0 : index
    tpu.barrier barrier_id(%barrier3A)
    "tpu.region"() ({
      %run_scoped3A_38 = tpu.sem_alloc : memref<!tpu.dma_semaphore, #tpu.memory_space<semaphore_mem>>
      %dma_start3A = arith.constant 0 : i32
      %dma_start3A_39 = arith.constant 0 : i32
      %dma_start3A_40 = tpu.memref_slice %arg2[%add3A, %dma_start3A, %dma_start3A_39] : memref<32x40x128xi32, #tpu.memory_space<hbm>> -> memref<1x40x128xi32, #tpu.memory_space<hbm>>
      %dma_start3A_41 = tpu.memref_squeeze %dma_start3A_40 : memref<1x40x128xi32, #tpu.memory_space<hbm>> -> memref<40x128xi32, #tpu.memory_space<hbm>>
      %dma_start3A_42 = arith.constant 0 : i32
      %dma_start3A_43 = arith.constant 0 : i32
      %dma_start3A_44 = tpu.memref_slice %arg2[%add3A, %dma_start3A_42, %dma_start3A_43] : memref<32x40x128xi32, #tpu.memory_space<hbm>> -> memref<1x40x128xi32, #tpu.memory_space<hbm>>
      %dma_start3A_45 = tpu.memref_squeeze %dma_start3A_44 : memref<1x40x128xi32, #tpu.memory_space<hbm>> -> memref<40x128xi32, #tpu.memory_space<hbm>>
      tpu.enqueue_dma source(%dma_start3A_45 : memref<40x128xi32, #tpu.memory_space<hbm>>) target(%arg8 : memref<40x128xi32, #tpu.memory_space<vmem>>) target_semaphore(%run_scoped3A_38 : memref<!tpu.dma_semaphore, #tpu.memory_space<semaphore_mem>>)
      %dma_wait3A = arith.constant 0 : i32
      %dma_wait3A_46 = arith.constant 0 : i32
      %dma_wait3A_47 = tpu.memref_slice %arg2[%add3A, %dma_wait3A, %dma_wait3A_46] : memref<32x40x128xi32, #tpu.memory_space<hbm>> -> memref<1x40x128xi32, #tpu.memory_space<hbm>>
      %dma_wait3A_48 = tpu.memref_squeeze %dma_wait3A_47 : memref<1x40x128xi32, #tpu.memory_space<hbm>> -> memref<40x128xi32, #tpu.memory_space<hbm>>
      %dma_wait3A_49 = arith.constant 0 : i32
      %dma_wait3A_50 = arith.constant 0 : i32
      %dma_wait3A_51 = tpu.memref_slice %arg2[%add3A, %dma_wait3A_49, %dma_wait3A_50] : memref<32x40x128xi32, #tpu.memory_space<hbm>> -> memref<1x40x128xi32, #tpu.memory_space<hbm>>
      %dma_wait3A_52 = tpu.memref_squeeze %dma_wait3A_51 : memref<1x40x128xi32, #tpu.memory_space<hbm>> -> memref<40x128xi32, #tpu.memory_space<hbm>>
      tpu.wait_dma2 semaphore(%run_scoped3A_38 : memref<!tpu.dma_semaphore, #tpu.memory_space<semaphore_mem>>) src(%dma_wait3A_52 : memref<40x128xi32, #tpu.memory_space<hbm>>) dst(%arg8 : memref<40x128xi32, #tpu.memory_space<vmem>>)
      tpu.yield
    }) : () -> ()
    %scan3A_8 = arith.constant 0 : i32
    %scan3A_9 = arith.constant 0 : i32
    %scan3A_10 = arith.constant 40 : i32
    %scan3A_11 = arith.addi %scan3A_9, %scan3A_10 : i32
    %scan3A_12 = arith.constant 1 : i32
    scf.for %scan3A_38 = %scan3A_9 to %scan3A_11 step %scan3A_12  : i32 {
      %dma_start3A = arith.constant 0 : i32
      %dma_start3A_39 = tpu.memref_slice %arg8[%scan3A_38, %dma_start3A] : memref<40x128xi32, #tpu.memory_space<vmem>> -> memref<1x128xi32, #tpu.memory_space<vmem>>
      %dma_start3A_40 = tpu.memref_squeeze %dma_start3A_39 : memref<1x128xi32, #tpu.memory_space<vmem>> -> memref<128xi32, #tpu.memory_space<vmem>>
      %dma_start3A_41 = arith.constant 0 : i32
      %dma_start3A_42 = arith.constant 0 : i32
      %dma_start3A_43 = tpu.memref_slice %arg6[%dma_start3A_41, %dma_start3A_42] : memref<10240x128xf32, #tpu.memory_space<vmem_shared>> -> memref<10240x128xf32, #tpu.memory_space<vmem_shared>>
      tpu.enqueue_indirect_dma source(%arg7 : memref<128x128xf32, #tpu.memory_space<vmem>>) target(%dma_start3A_43 : memref<10240x128xf32, #tpu.memory_space<vmem_shared>>) offsets(%dma_start3A_40 : memref<128xi32, #tpu.memory_space<vmem>>) semaphore(%arg9 : memref<!tpu.dma_semaphore, #tpu.memory_space<semaphore_mem>>) {add = true}
    }
    %scan3A_13 = arith.constant 40 : i32
    %scan3A_14 = arith.constant 0 : i32
    %scan3A_15 = arith.constant 0 : i32
    %scan3A_16 = arith.constant 40 : i32
    %scan3A_17 = arith.addi %scan3A_15, %scan3A_16 : i32
    %scan3A_18 = arith.constant 1 : i32
    scf.for %scan3A_38 = %scan3A_15 to %scan3A_17 step %scan3A_18  : i32 {
      %dma_wait3A = arith.constant 0 : i32
      %dma_wait3A_39 = tpu.memref_slice %arg8[%scan3A_38, %dma_wait3A] : memref<40x128xi32, #tpu.memory_space<vmem>> -> memref<1x128xi32, #tpu.memory_space<vmem>>
      %dma_wait3A_40 = tpu.memref_squeeze %dma_wait3A_39 : memref<1x128xi32, #tpu.memory_space<vmem>> -> memref<128xi32, #tpu.memory_space<vmem>>
      %dma_wait3A_41 = arith.constant 0 : i32
      %dma_wait3A_42 = arith.constant 0 : i32
      %dma_wait3A_43 = tpu.memref_slice %arg6[%dma_wait3A_41, %dma_wait3A_42] : memref<10240x128xf32, #tpu.memory_space<vmem_shared>> -> memref<10240x128xf32, #tpu.memory_space<vmem_shared>>
      tpu.wait_indirect_dma semaphore(%arg9 : memref<!tpu.dma_semaphore, #tpu.memory_space<semaphore_mem>>) src(%arg7 : memref<128x128xf32, #tpu.memory_space<vmem>>) dst(%dma_wait3A_43 : memref<10240x128xf32, #tpu.memory_space<vmem_shared>>)
    }
    %scan3A_19 = arith.constant 40 : i32
    %barrier3A_20 = arith.constant 0 : index
    tpu.barrier barrier_id(%barrier3A_20)
    %run_scoped3A = arith.constant 0 : i32
    "tpu.region"() ({
      %run_scoped3A_38 = tpu.sem_alloc : memref<!tpu.dma_semaphore, #tpu.memory_space<semaphore_mem>>
      %dma_start3A = arith.constant 0 : i32
      %dma_start3A_39 = arith.constant 0 : i32
      %dma_start3A_40 = arith.constant 0 : i32
      %dma_start3A_41 = tpu.memref_slice %arg5[%arg0, %dma_start3A, %dma_start3A_39, %dma_start3A_40] : memref<2x2x10240x128xf32, #tpu.memory_space<hbm>> -> memref<1x2x10240x128xf32, #tpu.memory_space<hbm>>
      %dma_start3A_42 = tpu.memref_squeeze %dma_start3A_41 : memref<1x2x10240x128xf32, #tpu.memory_space<hbm>> -> memref<2x10240x128xf32, #tpu.memory_space<hbm>>
      %dma_start3A_43 = arith.constant 0 : i32
      %dma_start3A_44 = arith.constant 0 : i32
      %dma_start3A_45 = tpu.memref_slice %dma_start3A_42[%run_scoped3A, %dma_start3A_43, %dma_start3A_44] : memref<2x10240x128xf32, #tpu.memory_space<hbm>> -> memref<1x10240x128xf32, #tpu.memory_space<hbm>>
      %dma_start3A_46 = tpu.memref_squeeze %dma_start3A_45 : memref<1x10240x128xf32, #tpu.memory_space<hbm>> -> memref<10240x128xf32, #tpu.memory_space<hbm>>
      %dma_start3A_47 = arith.constant 0 : i32
      %dma_start3A_48 = tpu.memref_slice %dma_start3A_46[%mul3A_2, %dma_start3A_47] : memref<10240x128xf32, #tpu.memory_space<hbm>> -> memref<640x128xf32, #tpu.memory_space<hbm>>
      %dma_start3A_49 = arith.constant 0 : i32
      %dma_start3A_50 = tpu.memref_slice %arg6[%mul3A_2, %dma_start3A_49] : memref<10240x128xf32, #tpu.memory_space<vmem_shared>> -> memref<640x128xf32, #tpu.memory_space<vmem_shared>>
      tpu.enqueue_dma source(%dma_start3A_50 : memref<640x128xf32, #tpu.memory_space<vmem_shared>>) target(%dma_start3A_48 : memref<640x128xf32, #tpu.memory_space<hbm>>) target_semaphore(%run_scoped3A_38 : memref<!tpu.dma_semaphore, #tpu.memory_space<semaphore_mem>>)
      %dma_wait3A = arith.constant 0 : i32
      %dma_wait3A_51 = arith.constant 0 : i32
      %dma_wait3A_52 = arith.constant 0 : i32
      %dma_wait3A_53 = tpu.memref_slice %arg5[%arg0, %dma_wait3A, %dma_wait3A_51, %dma_wait3A_52] : memref<2x2x10240x128xf32, #tpu.memory_space<hbm>> -> memref<1x2x10240x128xf32, #tpu.memory_space<hbm>>
      %dma_wait3A_54 = tpu.memref_squeeze %dma_wait3A_53 : memref<1x2x10240x128xf32, #tpu.memory_space<hbm>> -> memref<2x10240x128xf32, #tpu.memory_space<hbm>>
      %dma_wait3A_55 = arith.constant 0 : i32
      %dma_wait3A_56 = arith.constant 0 : i32
      %dma_wait3A_57 = tpu.memref_slice %dma_wait3A_54[%run_scoped3A, %dma_wait3A_55, %dma_wait3A_56] : memref<2x10240x128xf32, #tpu.memory_space<hbm>> -> memref<1x10240x128xf32, #tpu.memory_space<hbm>>
      %dma_wait3A_58 = tpu.memref_squeeze %dma_wait3A_57 : memref<1x10240x128xf32, #tpu.memory_space<hbm>> -> memref<10240x128xf32, #tpu.memory_space<hbm>>
      %dma_wait3A_59 = arith.constant 0 : i32
      %dma_wait3A_60 = tpu.memref_slice %dma_wait3A_58[%mul3A_2, %dma_wait3A_59] : memref<10240x128xf32, #tpu.memory_space<hbm>> -> memref<640x128xf32, #tpu.memory_space<hbm>>
      %dma_wait3A_61 = arith.constant 0 : i32
      %dma_wait3A_62 = tpu.memref_slice %arg6[%mul3A_2, %dma_wait3A_61] : memref<10240x128xf32, #tpu.memory_space<vmem_shared>> -> memref<640x128xf32, #tpu.memory_space<vmem_shared>>
      tpu.wait_dma2 semaphore(%run_scoped3A_38 : memref<!tpu.dma_semaphore, #tpu.memory_space<semaphore_mem>>) src(%dma_wait3A_62 : memref<640x128xf32, #tpu.memory_space<vmem_shared>>) dst(%dma_wait3A_60 : memref<640x128xf32, #tpu.memory_space<hbm>>)
      tpu.yield
    }) : () -> ()
    %barrier3A_21 = arith.constant 0 : index
    tpu.barrier barrier_id(%barrier3A_21)
    "tpu.region"() ({
      %run_scoped3A_38 = tpu.sem_alloc : memref<!tpu.dma_semaphore, #tpu.memory_space<semaphore_mem>>
      %dma_start3A = arith.constant 0 : i32
      %dma_start3A_39 = tpu.memref_slice %arg6[%mul3A_2, %dma_start3A] : memref<10240x128xf32, #tpu.memory_space<vmem_shared>> -> memref<640x128xf32, #tpu.memory_space<vmem_shared>>
      %dma_start3A_40 = arith.constant 0 : i32
      %dma_start3A_41 = tpu.memref_slice %arg4[%mul3A_2, %dma_start3A_40] : memref<10240x128xf32, #tpu.memory_space<hbm>> -> memref<640x128xf32, #tpu.memory_space<hbm>>
      tpu.enqueue_dma source(%dma_start3A_41 : memref<640x128xf32, #tpu.memory_space<hbm>>) target(%dma_start3A_39 : memref<640x128xf32, #tpu.memory_space<vmem_shared>>) target_semaphore(%run_scoped3A_38 : memref<!tpu.dma_semaphore, #tpu.memory_space<semaphore_mem>>)
      %dma_wait3A = arith.constant 0 : i32
      %dma_wait3A_42 = tpu.memref_slice %arg6[%mul3A_2, %dma_wait3A] : memref<10240x128xf32, #tpu.memory_space<vmem_shared>> -> memref<640x128xf32, #tpu.memory_space<vmem_shared>>
      %dma_wait3A_43 = arith.constant 0 : i32
      %dma_wait3A_44 = tpu.memref_slice %arg4[%mul3A_2, %dma_wait3A_43] : memref<10240x128xf32, #tpu.memory_space<hbm>> -> memref<640x128xf32, #tpu.memory_space<hbm>>
      tpu.wait_dma2 semaphore(%run_scoped3A_38 : memref<!tpu.dma_semaphore, #tpu.memory_space<semaphore_mem>>) src(%dma_wait3A_44 : memref<640x128xf32, #tpu.memory_space<hbm>>) dst(%dma_wait3A_42 : memref<640x128xf32, #tpu.memory_space<vmem_shared>>)
      tpu.yield
    }) : () -> ()
    %barrier3A_22 = arith.constant 0 : index
    tpu.barrier barrier_id(%barrier3A_22)
    "tpu.region"() ({
      %run_scoped3A_38 = tpu.sem_alloc : memref<!tpu.dma_semaphore, #tpu.memory_space<semaphore_mem>>
      %dma_start3A = arith.constant 0 : i32
      %dma_start3A_39 = arith.constant 0 : i32
      %dma_start3A_40 = tpu.memref_slice %arg3[%add3A, %dma_start3A, %dma_start3A_39] : memref<32x40x128xi32, #tpu.memory_space<hbm>> -> memref<1x40x128xi32, #tpu.memory_space<hbm>>
      %dma_start3A_41 = tpu.memref_squeeze %dma_start3A_40 : memref<1x40x128xi32, #tpu.memory_space<hbm>> -> memref<40x128xi32, #tpu.memory_space<hbm>>
      %dma_start3A_42 = arith.constant 0 : i32
      %dma_start3A_43 = arith.constant 0 : i32
      %dma_start3A_44 = tpu.memref_slice %arg3[%add3A, %dma_start3A_42, %dma_start3A_43] : memref<32x40x128xi32, #tpu.memory_space<hbm>> -> memref<1x40x128xi32, #tpu.memory_space<hbm>>
      %dma_start3A_45 = tpu.memref_squeeze %dma_start3A_44 : memref<1x40x128xi32, #tpu.memory_space<hbm>> -> memref<40x128xi32, #tpu.memory_space<hbm>>
      tpu.enqueue_dma source(%dma_start3A_45 : memref<40x128xi32, #tpu.memory_space<hbm>>) target(%arg8 : memref<40x128xi32, #tpu.memory_space<vmem>>) target_semaphore(%run_scoped3A_38 : memref<!tpu.dma_semaphore, #tpu.memory_space<semaphore_mem>>)
      %dma_wait3A = arith.constant 0 : i32
      %dma_wait3A_46 = arith.constant 0 : i32
      %dma_wait3A_47 = tpu.memref_slice %arg3[%add3A, %dma_wait3A, %dma_wait3A_46] : memref<32x40x128xi32, #tpu.memory_space<hbm>> -> memref<1x40x128xi32, #tpu.memory_space<hbm>>
      %dma_wait3A_48 = tpu.memref_squeeze %dma_wait3A_47 : memref<1x40x128xi32, #tpu.memory_space<hbm>> -> memref<40x128xi32, #tpu.memory_space<hbm>>
      %dma_wait3A_49 = arith.constant 0 : i32
      %dma_wait3A_50 = arith.constant 0 : i32
      %dma_wait3A_51 = tpu.memref_slice %arg3[%add3A, %dma_wait3A_49, %dma_wait3A_50] : memref<32x40x128xi32, #tpu.memory_space<hbm>> -> memref<1x40x128xi32, #tpu.memory_space<hbm>>
      %dma_wait3A_52 = tpu.memref_squeeze %dma_wait3A_51 : memref<1x40x128xi32, #tpu.memory_space<hbm>> -> memref<40x128xi32, #tpu.memory_space<hbm>>
      tpu.wait_dma2 semaphore(%run_scoped3A_38 : memref<!tpu.dma_semaphore, #tpu.memory_space<semaphore_mem>>) src(%dma_wait3A_52 : memref<40x128xi32, #tpu.memory_space<hbm>>) dst(%arg8 : memref<40x128xi32, #tpu.memory_space<vmem>>)
      tpu.yield
    }) : () -> ()
    %scan3A_23 = arith.constant 0 : i32
    %scan3A_24 = arith.constant 0 : i32
    %scan3A_25 = arith.constant 40 : i32
    %scan3A_26 = arith.addi %scan3A_24, %scan3A_25 : i32
    %scan3A_27 = arith.constant 1 : i32
    scf.for %scan3A_38 = %scan3A_24 to %scan3A_26 step %scan3A_27  : i32 {
      %dma_start3A = arith.constant 0 : i32
      %dma_start3A_39 = tpu.memref_slice %arg8[%scan3A_38, %dma_start3A] : memref<40x128xi32, #tpu.memory_space<vmem>> -> memref<1x128xi32, #tpu.memory_space<vmem>>
      %dma_start3A_40 = tpu.memref_squeeze %dma_start3A_39 : memref<1x128xi32, #tpu.memory_space<vmem>> -> memref<128xi32, #tpu.memory_space<vmem>>
      %dma_start3A_41 = arith.constant 0 : i32
      %dma_start3A_42 = arith.constant 0 : i32
      %dma_start3A_43 = tpu.memref_slice %arg6[%dma_start3A_41, %dma_start3A_42] : memref<10240x128xf32, #tpu.memory_space<vmem_shared>> -> memref<10240x128xf32, #tpu.memory_space<vmem_shared>>
      tpu.enqueue_indirect_dma source(%arg7 : memref<128x128xf32, #tpu.memory_space<vmem>>) target(%dma_start3A_43 : memref<10240x128xf32, #tpu.memory_space<vmem_shared>>) offsets(%dma_start3A_40 : memref<128xi32, #tpu.memory_space<vmem>>) semaphore(%arg9 : memref<!tpu.dma_semaphore, #tpu.memory_space<semaphore_mem>>) {add = true}
    }
    %scan3A_28 = arith.constant 40 : i32
    %scan3A_29 = arith.constant 0 : i32
    %scan3A_30 = arith.constant 0 : i32
    %scan3A_31 = arith.constant 40 : i32
    %scan3A_32 = arith.addi %scan3A_30, %scan3A_31 : i32
    %scan3A_33 = arith.constant 1 : i32
    scf.for %scan3A_38 = %scan3A_30 to %scan3A_32 step %scan3A_33  : i32 {
      %dma_wait3A = arith.constant 0 : i32
      %dma_wait3A_39 = tpu.memref_slice %arg8[%scan3A_38, %dma_wait3A] : memref<40x128xi32, #tpu.memory_space<vmem>> -> memref<1x128xi32, #tpu.memory_space<vmem>>
      %dma_wait3A_40 = tpu.memref_squeeze %dma_wait3A_39 : memref<1x128xi32, #tpu.memory_space<vmem>> -> memref<128xi32, #tpu.memory_space<vmem>>
      %dma_wait3A_41 = arith.constant 0 : i32
      %dma_wait3A_42 = arith.constant 0 : i32
      %dma_wait3A_43 = tpu.memref_slice %arg6[%dma_wait3A_41, %dma_wait3A_42] : memref<10240x128xf32, #tpu.memory_space<vmem_shared>> -> memref<10240x128xf32, #tpu.memory_space<vmem_shared>>
      tpu.wait_indirect_dma semaphore(%arg9 : memref<!tpu.dma_semaphore, #tpu.memory_space<semaphore_mem>>) src(%arg7 : memref<128x128xf32, #tpu.memory_space<vmem>>) dst(%dma_wait3A_43 : memref<10240x128xf32, #tpu.memory_space<vmem_shared>>)
    }
    %scan3A_34 = arith.constant 40 : i32
    %barrier3A_35 = arith.constant 0 : index
    tpu.barrier barrier_id(%barrier3A_35)
    %run_scoped3A_36 = arith.constant 1 : i32
    "tpu.region"() ({
      %run_scoped3A_38 = tpu.sem_alloc : memref<!tpu.dma_semaphore, #tpu.memory_space<semaphore_mem>>
      %dma_start3A = arith.constant 0 : i32
      %dma_start3A_39 = arith.constant 0 : i32
      %dma_start3A_40 = arith.constant 0 : i32
      %dma_start3A_41 = tpu.memref_slice %arg5[%arg0, %dma_start3A, %dma_start3A_39, %dma_start3A_40] : memref<2x2x10240x128xf32, #tpu.memory_space<hbm>> -> memref<1x2x10240x128xf32, #tpu.memory_space<hbm>>
      %dma_start3A_42 = tpu.memref_squeeze %dma_start3A_41 : memref<1x2x10240x128xf32, #tpu.memory_space<hbm>> -> memref<2x10240x128xf32, #tpu.memory_space<hbm>>
      %dma_start3A_43 = arith.constant 0 : i32
      %dma_start3A_44 = arith.constant 0 : i32
      %dma_start3A_45 = tpu.memref_slice %dma_start3A_42[%run_scoped3A_36, %dma_start3A_43, %dma_start3A_44] : memref<2x10240x128xf32, #tpu.memory_space<hbm>> -> memref<1x10240x128xf32, #tpu.memory_space<hbm>>
      %dma_start3A_46 = tpu.memref_squeeze %dma_start3A_45 : memref<1x10240x128xf32, #tpu.memory_space<hbm>> -> memref<10240x128xf32, #tpu.memory_space<hbm>>
      %dma_start3A_47 = arith.constant 0 : i32
      %dma_start3A_48 = tpu.memref_slice %dma_start3A_46[%mul3A_2, %dma_start3A_47] : memref<10240x128xf32, #tpu.memory_space<hbm>> -> memref<640x128xf32, #tpu.memory_space<hbm>>
      %dma_start3A_49 = arith.constant 0 : i32
      %dma_start3A_50 = tpu.memref_slice %arg6[%mul3A_2, %dma_start3A_49] : memref<10240x128xf32, #tpu.memory_space<vmem_shared>> -> memref<640x128xf32, #tpu.memory_space<vmem_shared>>
      tpu.enqueue_dma source(%dma_start3A_50 : memref<640x128xf32, #tpu.memory_space<vmem_shared>>) target(%dma_start3A_48 : memref<640x128xf32, #tpu.memory_space<hbm>>) target_semaphore(%run_scoped3A_38 : memref<!tpu.dma_semaphore, #tpu.memory_space<semaphore_mem>>)
      %dma_wait3A = arith.constant 0 : i32
      %dma_wait3A_51 = arith.constant 0 : i32
      %dma_wait3A_52 = arith.constant 0 : i32
      %dma_wait3A_53 = tpu.memref_slice %arg5[%arg0, %dma_wait3A, %dma_wait3A_51, %dma_wait3A_52] : memref<2x2x10240x128xf32, #tpu.memory_space<hbm>> -> memref<1x2x10240x128xf32, #tpu.memory_space<hbm>>
      %dma_wait3A_54 = tpu.memref_squeeze %dma_wait3A_53 : memref<1x2x10240x128xf32, #tpu.memory_space<hbm>> -> memref<2x10240x128xf32, #tpu.memory_space<hbm>>
      %dma_wait3A_55 = arith.constant 0 : i32
      %dma_wait3A_56 = arith.constant 0 : i32
      %dma_wait3A_57 = tpu.memref_slice %dma_wait3A_54[%run_scoped3A_36, %dma_wait3A_55, %dma_wait3A_56] : memref<2x10240x128xf32, #tpu.memory_space<hbm>> -> memref<1x10240x128xf32, #tpu.memory_space<hbm>>
      %dma_wait3A_58 = tpu.memref_squeeze %dma_wait3A_57 : memref<1x10240x128xf32, #tpu.memory_space<hbm>> -> memref<10240x128xf32, #tpu.memory_space<hbm>>
      %dma_wait3A_59 = arith.constant 0 : i32
      %dma_wait3A_60 = tpu.memref_slice %dma_wait3A_58[%mul3A_2, %dma_wait3A_59] : memref<10240x128xf32, #tpu.memory_space<hbm>> -> memref<640x128xf32, #tpu.memory_space<hbm>>
      %dma_wait3A_61 = arith.constant 0 : i32
      %dma_wait3A_62 = tpu.memref_slice %arg6[%mul3A_2, %dma_wait3A_61] : memref<10240x128xf32, #tpu.memory_space<vmem_shared>> -> memref<640x128xf32, #tpu.memory_space<vmem_shared>>
      tpu.wait_dma2 semaphore(%run_scoped3A_38 : memref<!tpu.dma_semaphore, #tpu.memory_space<semaphore_mem>>) src(%dma_wait3A_62 : memref<640x128xf32, #tpu.memory_space<vmem_shared>>) dst(%dma_wait3A_60 : memref<640x128xf32, #tpu.memory_space<hbm>>)
      tpu.yield
    }) : () -> ()
    %barrier3A_37 = arith.constant 0 : index
    tpu.barrier barrier_id(%barrier3A_37)
    return
  }
}

#map = affine_map<(d0, d1) -> (0, 0)>
#map1 = affine_map<(d0, d1) -> (0, 0, 0)>
module attributes {stable_mosaic.version = 14 : i64} {
  func.func @_step_kernel(%arg0: i32, %arg1: i32, %arg2: memref<10240x128xf32, #tpu.memory_space<hbm>>, %arg3: memref<32x40x128xi32, #tpu.memory_space<hbm>>, %arg4: memref<32x40x128xi32, #tpu.memory_space<hbm>>, %arg5: memref<10240x128xf32, #tpu.memory_space<hbm>>, %arg6: memref<2x10240x128xf32, #tpu.memory_space<hbm>>, %arg7: memref<10240x128xf32, #tpu.memory_space<vmem_shared>>, %arg8: memref<128x128xf32, #tpu.memory_space<vmem>>, %arg9: memref<128x128xf32, #tpu.memory_space<vmem>>, %arg10: memref<40x128xi32, #tpu.memory_space<vmem>>, %arg11: memref<40x128xi32, #tpu.memory_space<vmem>>, %arg12: memref<!tpu.dma_semaphore, #tpu.memory_space<semaphore_mem>>, %arg13: memref<!tpu.dma_semaphore, #tpu.memory_space<semaphore_mem>>) attributes {dimension_semantics = [#tpu.dimension_semantics<core_parallel>, #tpu.dimension_semantics<subcore_parallel>], iteration_bounds = array<i64: 2, 16>, scalar_prefetch = 0 : i64, scratch_operands = 7 : i64, tpu.core_type = #tpu.core_type<sc_vector_subcore>, window_params = [{transform_indices = #map}, {transform_indices = #map1}, {transform_indices = #map1}, {transform_indices = #map}, {transform_indices = #map1}]} {
    %mul3A = arith.constant 16 : i32
    %mul3A_0 = arith.muli %arg0, %mul3A : i32
    %add3A = arith.addi %mul3A_0, %arg1 : i32
    %mul3A_1 = arith.constant 640 : i32
    %mul3A_2 = arith.muli %arg1, %mul3A_1 : i32
    "tpu.region"() ({
      %run_scoped3A = tpu.sem_alloc : memref<!tpu.dma_semaphore, #tpu.memory_space<semaphore_mem>>
      %dma_start3A_22 = arith.constant 0 : i32
      %dma_start3A_23 = tpu.memref_slice %arg7[%mul3A_2, %dma_start3A_22] : memref<10240x128xf32, #tpu.memory_space<vmem_shared>> -> memref<640x128xf32, #tpu.memory_space<vmem_shared>>
      %dma_start3A_24 = arith.constant 0 : i32
      %dma_start3A_25 = tpu.memref_slice %arg5[%mul3A_2, %dma_start3A_24] : memref<10240x128xf32, #tpu.memory_space<hbm>> -> memref<640x128xf32, #tpu.memory_space<hbm>>
      tpu.enqueue_dma source(%dma_start3A_25 : memref<640x128xf32, #tpu.memory_space<hbm>>) target(%dma_start3A_23 : memref<640x128xf32, #tpu.memory_space<vmem_shared>>) target_semaphore(%run_scoped3A : memref<!tpu.dma_semaphore, #tpu.memory_space<semaphore_mem>>)
      %dma_wait3A = arith.constant 0 : i32
      %dma_wait3A_26 = tpu.memref_slice %arg7[%mul3A_2, %dma_wait3A] : memref<10240x128xf32, #tpu.memory_space<vmem_shared>> -> memref<640x128xf32, #tpu.memory_space<vmem_shared>>
      %dma_wait3A_27 = arith.constant 0 : i32
      %dma_wait3A_28 = tpu.memref_slice %arg5[%mul3A_2, %dma_wait3A_27] : memref<10240x128xf32, #tpu.memory_space<hbm>> -> memref<640x128xf32, #tpu.memory_space<hbm>>
      tpu.wait_dma2 semaphore(%run_scoped3A : memref<!tpu.dma_semaphore, #tpu.memory_space<semaphore_mem>>) src(%dma_wait3A_28 : memref<640x128xf32, #tpu.memory_space<hbm>>) dst(%dma_wait3A_26 : memref<640x128xf32, #tpu.memory_space<vmem_shared>>)
      tpu.yield
    }) : () -> ()
    "tpu.region"() ({
      %run_scoped3A = tpu.sem_alloc : memref<!tpu.dma_semaphore, #tpu.memory_space<semaphore_mem>>
      %dma_start3A_22 = arith.constant 0 : i32
      %dma_start3A_23 = arith.constant 0 : i32
      %dma_start3A_24 = tpu.memref_slice %arg3[%add3A, %dma_start3A_22, %dma_start3A_23] : memref<32x40x128xi32, #tpu.memory_space<hbm>> -> memref<1x40x128xi32, #tpu.memory_space<hbm>>
      %dma_start3A_25 = tpu.memref_squeeze %dma_start3A_24 : memref<1x40x128xi32, #tpu.memory_space<hbm>> -> memref<40x128xi32, #tpu.memory_space<hbm>>
      %dma_start3A_26 = arith.constant 0 : i32
      %dma_start3A_27 = arith.constant 0 : i32
      %dma_start3A_28 = tpu.memref_slice %arg3[%add3A, %dma_start3A_26, %dma_start3A_27] : memref<32x40x128xi32, #tpu.memory_space<hbm>> -> memref<1x40x128xi32, #tpu.memory_space<hbm>>
      %dma_start3A_29 = tpu.memref_squeeze %dma_start3A_28 : memref<1x40x128xi32, #tpu.memory_space<hbm>> -> memref<40x128xi32, #tpu.memory_space<hbm>>
      tpu.enqueue_dma source(%dma_start3A_29 : memref<40x128xi32, #tpu.memory_space<hbm>>) target(%arg10 : memref<40x128xi32, #tpu.memory_space<vmem>>) target_semaphore(%run_scoped3A : memref<!tpu.dma_semaphore, #tpu.memory_space<semaphore_mem>>)
      %dma_wait3A = arith.constant 0 : i32
      %dma_wait3A_30 = arith.constant 0 : i32
      %dma_wait3A_31 = tpu.memref_slice %arg3[%add3A, %dma_wait3A, %dma_wait3A_30] : memref<32x40x128xi32, #tpu.memory_space<hbm>> -> memref<1x40x128xi32, #tpu.memory_space<hbm>>
      %dma_wait3A_32 = tpu.memref_squeeze %dma_wait3A_31 : memref<1x40x128xi32, #tpu.memory_space<hbm>> -> memref<40x128xi32, #tpu.memory_space<hbm>>
      %dma_wait3A_33 = arith.constant 0 : i32
      %dma_wait3A_34 = arith.constant 0 : i32
      %dma_wait3A_35 = tpu.memref_slice %arg3[%add3A, %dma_wait3A_33, %dma_wait3A_34] : memref<32x40x128xi32, #tpu.memory_space<hbm>> -> memref<1x40x128xi32, #tpu.memory_space<hbm>>
      %dma_wait3A_36 = tpu.memref_squeeze %dma_wait3A_35 : memref<1x40x128xi32, #tpu.memory_space<hbm>> -> memref<40x128xi32, #tpu.memory_space<hbm>>
      tpu.wait_dma2 semaphore(%run_scoped3A : memref<!tpu.dma_semaphore, #tpu.memory_space<semaphore_mem>>) src(%dma_wait3A_36 : memref<40x128xi32, #tpu.memory_space<hbm>>) dst(%arg10 : memref<40x128xi32, #tpu.memory_space<vmem>>)
      tpu.yield
    }) : () -> ()
    "tpu.region"() ({
      %run_scoped3A = tpu.sem_alloc : memref<!tpu.dma_semaphore, #tpu.memory_space<semaphore_mem>>
      %dma_start3A_22 = arith.constant 0 : i32
      %dma_start3A_23 = arith.constant 0 : i32
      %dma_start3A_24 = tpu.memref_slice %arg4[%add3A, %dma_start3A_22, %dma_start3A_23] : memref<32x40x128xi32, #tpu.memory_space<hbm>> -> memref<1x40x128xi32, #tpu.memory_space<hbm>>
      %dma_start3A_25 = tpu.memref_squeeze %dma_start3A_24 : memref<1x40x128xi32, #tpu.memory_space<hbm>> -> memref<40x128xi32, #tpu.memory_space<hbm>>
      %dma_start3A_26 = arith.constant 0 : i32
      %dma_start3A_27 = arith.constant 0 : i32
      %dma_start3A_28 = tpu.memref_slice %arg4[%add3A, %dma_start3A_26, %dma_start3A_27] : memref<32x40x128xi32, #tpu.memory_space<hbm>> -> memref<1x40x128xi32, #tpu.memory_space<hbm>>
      %dma_start3A_29 = tpu.memref_squeeze %dma_start3A_28 : memref<1x40x128xi32, #tpu.memory_space<hbm>> -> memref<40x128xi32, #tpu.memory_space<hbm>>
      tpu.enqueue_dma source(%dma_start3A_29 : memref<40x128xi32, #tpu.memory_space<hbm>>) target(%arg11 : memref<40x128xi32, #tpu.memory_space<vmem>>) target_semaphore(%run_scoped3A : memref<!tpu.dma_semaphore, #tpu.memory_space<semaphore_mem>>)
      %dma_wait3A = arith.constant 0 : i32
      %dma_wait3A_30 = arith.constant 0 : i32
      %dma_wait3A_31 = tpu.memref_slice %arg4[%add3A, %dma_wait3A, %dma_wait3A_30] : memref<32x40x128xi32, #tpu.memory_space<hbm>> -> memref<1x40x128xi32, #tpu.memory_space<hbm>>
      %dma_wait3A_32 = tpu.memref_squeeze %dma_wait3A_31 : memref<1x40x128xi32, #tpu.memory_space<hbm>> -> memref<40x128xi32, #tpu.memory_space<hbm>>
      %dma_wait3A_33 = arith.constant 0 : i32
      %dma_wait3A_34 = arith.constant 0 : i32
      %dma_wait3A_35 = tpu.memref_slice %arg4[%add3A, %dma_wait3A_33, %dma_wait3A_34] : memref<32x40x128xi32, #tpu.memory_space<hbm>> -> memref<1x40x128xi32, #tpu.memory_space<hbm>>
      %dma_wait3A_36 = tpu.memref_squeeze %dma_wait3A_35 : memref<1x40x128xi32, #tpu.memory_space<hbm>> -> memref<40x128xi32, #tpu.memory_space<hbm>>
      tpu.wait_dma2 semaphore(%run_scoped3A : memref<!tpu.dma_semaphore, #tpu.memory_space<semaphore_mem>>) src(%dma_wait3A_36 : memref<40x128xi32, #tpu.memory_space<hbm>>) dst(%arg11 : memref<40x128xi32, #tpu.memory_space<vmem>>)
      tpu.yield
    }) : () -> ()
    %barrier3A = arith.constant 0 : index
    tpu.barrier barrier_id(%barrier3A)
    %dma_start3A = arith.constant 0 : i32
    %dma_start3A_3 = arith.constant 0 : i32
    %dma_start3A_4 = tpu.memref_slice %arg10[%dma_start3A, %dma_start3A_3] : memref<40x128xi32, #tpu.memory_space<vmem>> -> memref<1x128xi32, #tpu.memory_space<vmem>>
    %dma_start3A_5 = tpu.memref_squeeze %dma_start3A_4 : memref<1x128xi32, #tpu.memory_space<vmem>> -> memref<128xi32, #tpu.memory_space<vmem>>
    %dma_start3A_6 = arith.constant 0 : i32
    %dma_start3A_7 = arith.constant 0 : i32
    %dma_start3A_8 = tpu.memref_slice %arg2[%dma_start3A_6, %dma_start3A_7] : memref<10240x128xf32, #tpu.memory_space<hbm>> -> memref<10240x128xf32, #tpu.memory_space<hbm>>
    tpu.enqueue_indirect_dma source(%dma_start3A_8 : memref<10240x128xf32, #tpu.memory_space<hbm>>) target(%arg8 : memref<128x128xf32, #tpu.memory_space<vmem>>) offsets(%dma_start3A_5 : memref<128xi32, #tpu.memory_space<vmem>>) semaphore(%arg12 : memref<!tpu.dma_semaphore, #tpu.memory_space<semaphore_mem>>)
    %dma_start3A_9 = arith.constant 1 : i32
    %dma_start3A_10 = arith.constant 0 : i32
    %dma_start3A_11 = tpu.memref_slice %arg10[%dma_start3A_9, %dma_start3A_10] : memref<40x128xi32, #tpu.memory_space<vmem>> -> memref<1x128xi32, #tpu.memory_space<vmem>>
    %dma_start3A_12 = tpu.memref_squeeze %dma_start3A_11 : memref<1x128xi32, #tpu.memory_space<vmem>> -> memref<128xi32, #tpu.memory_space<vmem>>
    %dma_start3A_13 = arith.constant 0 : i32
    %dma_start3A_14 = arith.constant 0 : i32
    %dma_start3A_15 = tpu.memref_slice %arg2[%dma_start3A_13, %dma_start3A_14] : memref<10240x128xf32, #tpu.memory_space<hbm>> -> memref<10240x128xf32, #tpu.memory_space<hbm>>
    tpu.enqueue_indirect_dma source(%dma_start3A_15 : memref<10240x128xf32, #tpu.memory_space<hbm>>) target(%arg9 : memref<128x128xf32, #tpu.memory_space<vmem>>) offsets(%dma_start3A_12 : memref<128xi32, #tpu.memory_space<vmem>>) semaphore(%arg13 : memref<!tpu.dma_semaphore, #tpu.memory_space<semaphore_mem>>)
    %scan3A = arith.constant 0 : i32
    %scan3A_16 = arith.constant 0 : i32
    %scan3A_17 = arith.constant 20 : i32
    %scan3A_18 = arith.addi %scan3A_16, %scan3A_17 : i32
    %scan3A_19 = arith.constant 1 : i32
    scf.for %scan3A_22 = %scan3A_16 to %scan3A_18 step %scan3A_19  : i32 {
      %mul3A_23 = arith.constant 2 : i32
      %mul3A_24 = arith.muli %scan3A_22, %mul3A_23 : i32
      %add3A_25 = arith.constant 0 : i32
      %add3A_26 = arith.addi %mul3A_24, %add3A_25 : i32
      %dma_wait3A = arith.constant 0 : i32
      %dma_wait3A_27 = tpu.memref_slice %arg10[%add3A_26, %dma_wait3A] : memref<40x128xi32, #tpu.memory_space<vmem>> -> memref<1x128xi32, #tpu.memory_space<vmem>>
      %dma_wait3A_28 = tpu.memref_squeeze %dma_wait3A_27 : memref<1x128xi32, #tpu.memory_space<vmem>> -> memref<128xi32, #tpu.memory_space<vmem>>
      %dma_wait3A_29 = arith.constant 0 : i32
      %dma_wait3A_30 = arith.constant 0 : i32
      %dma_wait3A_31 = tpu.memref_slice %arg2[%dma_wait3A_29, %dma_wait3A_30] : memref<10240x128xf32, #tpu.memory_space<hbm>> -> memref<10240x128xf32, #tpu.memory_space<hbm>>
      tpu.wait_indirect_dma semaphore(%arg12 : memref<!tpu.dma_semaphore, #tpu.memory_space<semaphore_mem>>) src(%dma_wait3A_31 : memref<10240x128xf32, #tpu.memory_space<hbm>>) dst(%arg8 : memref<128x128xf32, #tpu.memory_space<vmem>>)
      "tpu.region"() ({
        %run_scoped3A = tpu.sem_alloc : memref<!tpu.dma_semaphore, #tpu.memory_space<semaphore_mem>>
        %dma_start3A_53 = arith.constant 0 : i32
        %dma_start3A_54 = tpu.memref_slice %arg11[%add3A_26, %dma_start3A_53] : memref<40x128xi32, #tpu.memory_space<vmem>> -> memref<1x128xi32, #tpu.memory_space<vmem>>
        %dma_start3A_55 = tpu.memref_squeeze %dma_start3A_54 : memref<1x128xi32, #tpu.memory_space<vmem>> -> memref<128xi32, #tpu.memory_space<vmem>>
        %dma_start3A_56 = arith.constant 0 : i32
        %dma_start3A_57 = arith.constant 0 : i32
        %dma_start3A_58 = tpu.memref_slice %arg7[%dma_start3A_56, %dma_start3A_57] : memref<10240x128xf32, #tpu.memory_space<vmem_shared>> -> memref<10240x128xf32, #tpu.memory_space<vmem_shared>>
        tpu.enqueue_indirect_dma source(%arg8 : memref<128x128xf32, #tpu.memory_space<vmem>>) target(%dma_start3A_58 : memref<10240x128xf32, #tpu.memory_space<vmem_shared>>) offsets(%dma_start3A_55 : memref<128xi32, #tpu.memory_space<vmem>>) semaphore(%run_scoped3A : memref<!tpu.dma_semaphore, #tpu.memory_space<semaphore_mem>>) {add = true}
        %dma_wait3A_59 = arith.constant 0 : i32
        %dma_wait3A_60 = tpu.memref_slice %arg11[%add3A_26, %dma_wait3A_59] : memref<40x128xi32, #tpu.memory_space<vmem>> -> memref<1x128xi32, #tpu.memory_space<vmem>>
        %dma_wait3A_61 = tpu.memref_squeeze %dma_wait3A_60 : memref<1x128xi32, #tpu.memory_space<vmem>> -> memref<128xi32, #tpu.memory_space<vmem>>
        %dma_wait3A_62 = arith.constant 0 : i32
        %dma_wait3A_63 = arith.constant 0 : i32
        %dma_wait3A_64 = tpu.memref_slice %arg7[%dma_wait3A_62, %dma_wait3A_63] : memref<10240x128xf32, #tpu.memory_space<vmem_shared>> -> memref<10240x128xf32, #tpu.memory_space<vmem_shared>>
        tpu.wait_indirect_dma semaphore(%run_scoped3A : memref<!tpu.dma_semaphore, #tpu.memory_space<semaphore_mem>>) src(%arg8 : memref<128x128xf32, #tpu.memory_space<vmem>>) dst(%dma_wait3A_64 : memref<10240x128xf32, #tpu.memory_space<vmem_shared>>)
        tpu.yield
      }) : () -> ()
      %add3A_32 = arith.constant 2 : i32
      %add3A_33 = arith.addi %add3A_26, %add3A_32 : i32
      %lt3A = arith.constant 40 : i32
      %lt3A_34 = arith.cmpi slt, %add3A_33, %lt3A : i32
      %convert_element_type3A = arith.extui %lt3A_34 : i1 to i32
      %cond3A = arith.constant 0 : i32
      %cond3A_35 = arith.cmpi ne, %convert_element_type3A, %cond3A : i32
      scf.if %cond3A_35 {
        %add3A_53 = arith.constant 2 : i32
        %add3A_54 = arith.addi %add3A_26, %add3A_53 : i32
        %dma_start3A_55 = arith.constant 0 : i32
        %dma_start3A_56 = tpu.memref_slice %arg10[%add3A_54, %dma_start3A_55] : memref<40x128xi32, #tpu.memory_space<vmem>> -> memref<1x128xi32, #tpu.memory_space<vmem>>
        %dma_start3A_57 = tpu.memref_squeeze %dma_start3A_56 : memref<1x128xi32, #tpu.memory_space<vmem>> -> memref<128xi32, #tpu.memory_space<vmem>>
        %dma_start3A_58 = arith.constant 0 : i32
        %dma_start3A_59 = arith.constant 0 : i32
        %dma_start3A_60 = tpu.memref_slice %arg2[%dma_start3A_58, %dma_start3A_59] : memref<10240x128xf32, #tpu.memory_space<hbm>> -> memref<10240x128xf32, #tpu.memory_space<hbm>>
        tpu.enqueue_indirect_dma source(%dma_start3A_60 : memref<10240x128xf32, #tpu.memory_space<hbm>>) target(%arg8 : memref<128x128xf32, #tpu.memory_space<vmem>>) offsets(%dma_start3A_57 : memref<128xi32, #tpu.memory_space<vmem>>) semaphore(%arg12 : memref<!tpu.dma_semaphore, #tpu.memory_space<semaphore_mem>>)
      } else {
      }
      %mul3A_36 = arith.constant 2 : i32
      %mul3A_37 = arith.muli %scan3A_22, %mul3A_36 : i32
      %add3A_38 = arith.constant 1 : i32
      %add3A_39 = arith.addi %mul3A_37, %add3A_38 : i32
      %dma_wait3A_40 = arith.constant 0 : i32
      %dma_wait3A_41 = tpu.memref_slice %arg10[%add3A_39, %dma_wait3A_40] : memref<40x128xi32, #tpu.memory_space<vmem>> -> memref<1x128xi32, #tpu.memory_space<vmem>>
      %dma_wait3A_42 = tpu.memref_squeeze %dma_wait3A_41 : memref<1x128xi32, #tpu.memory_space<vmem>> -> memref<128xi32, #tpu.memory_space<vmem>>
      %dma_wait3A_43 = arith.constant 0 : i32
      %dma_wait3A_44 = arith.constant 0 : i32
      %dma_wait3A_45 = tpu.memref_slice %arg2[%dma_wait3A_43, %dma_wait3A_44] : memref<10240x128xf32, #tpu.memory_space<hbm>> -> memref<10240x128xf32, #tpu.memory_space<hbm>>
      tpu.wait_indirect_dma semaphore(%arg13 : memref<!tpu.dma_semaphore, #tpu.memory_space<semaphore_mem>>) src(%dma_wait3A_45 : memref<10240x128xf32, #tpu.memory_space<hbm>>) dst(%arg9 : memref<128x128xf32, #tpu.memory_space<vmem>>)
      "tpu.region"() ({
        %run_scoped3A = tpu.sem_alloc : memref<!tpu.dma_semaphore, #tpu.memory_space<semaphore_mem>>
        %dma_start3A_53 = arith.constant 0 : i32
        %dma_start3A_54 = tpu.memref_slice %arg11[%add3A_39, %dma_start3A_53] : memref<40x128xi32, #tpu.memory_space<vmem>> -> memref<1x128xi32, #tpu.memory_space<vmem>>
        %dma_start3A_55 = tpu.memref_squeeze %dma_start3A_54 : memref<1x128xi32, #tpu.memory_space<vmem>> -> memref<128xi32, #tpu.memory_space<vmem>>
        %dma_start3A_56 = arith.constant 0 : i32
        %dma_start3A_57 = arith.constant 0 : i32
        %dma_start3A_58 = tpu.memref_slice %arg7[%dma_start3A_56, %dma_start3A_57] : memref<10240x128xf32, #tpu.memory_space<vmem_shared>> -> memref<10240x128xf32, #tpu.memory_space<vmem_shared>>
        tpu.enqueue_indirect_dma source(%arg9 : memref<128x128xf32, #tpu.memory_space<vmem>>) target(%dma_start3A_58 : memref<10240x128xf32, #tpu.memory_space<vmem_shared>>) offsets(%dma_start3A_55 : memref<128xi32, #tpu.memory_space<vmem>>) semaphore(%run_scoped3A : memref<!tpu.dma_semaphore, #tpu.memory_space<semaphore_mem>>) {add = true}
        %dma_wait3A_59 = arith.constant 0 : i32
        %dma_wait3A_60 = tpu.memref_slice %arg11[%add3A_39, %dma_wait3A_59] : memref<40x128xi32, #tpu.memory_space<vmem>> -> memref<1x128xi32, #tpu.memory_space<vmem>>
        %dma_wait3A_61 = tpu.memref_squeeze %dma_wait3A_60 : memref<1x128xi32, #tpu.memory_space<vmem>> -> memref<128xi32, #tpu.memory_space<vmem>>
        %dma_wait3A_62 = arith.constant 0 : i32
        %dma_wait3A_63 = arith.constant 0 : i32
        %dma_wait3A_64 = tpu.memref_slice %arg7[%dma_wait3A_62, %dma_wait3A_63] : memref<10240x128xf32, #tpu.memory_space<vmem_shared>> -> memref<10240x128xf32, #tpu.memory_space<vmem_shared>>
        tpu.wait_indirect_dma semaphore(%run_scoped3A : memref<!tpu.dma_semaphore, #tpu.memory_space<semaphore_mem>>) src(%arg9 : memref<128x128xf32, #tpu.memory_space<vmem>>) dst(%dma_wait3A_64 : memref<10240x128xf32, #tpu.memory_space<vmem_shared>>)
        tpu.yield
      }) : () -> ()
      %add3A_46 = arith.constant 2 : i32
      %add3A_47 = arith.addi %add3A_39, %add3A_46 : i32
      %lt3A_48 = arith.constant 40 : i32
      %lt3A_49 = arith.cmpi slt, %add3A_47, %lt3A_48 : i32
      %convert_element_type3A_50 = arith.extui %lt3A_49 : i1 to i32
      %cond3A_51 = arith.constant 0 : i32
      %cond3A_52 = arith.cmpi ne, %convert_element_type3A_50, %cond3A_51 : i32
      scf.if %cond3A_52 {
        %add3A_53 = arith.constant 2 : i32
        %add3A_54 = arith.addi %add3A_39, %add3A_53 : i32
        %dma_start3A_55 = arith.constant 0 : i32
        %dma_start3A_56 = tpu.memref_slice %arg10[%add3A_54, %dma_start3A_55] : memref<40x128xi32, #tpu.memory_space<vmem>> -> memref<1x128xi32, #tpu.memory_space<vmem>>
        %dma_start3A_57 = tpu.memref_squeeze %dma_start3A_56 : memref<1x128xi32, #tpu.memory_space<vmem>> -> memref<128xi32, #tpu.memory_space<vmem>>
        %dma_start3A_58 = arith.constant 0 : i32
        %dma_start3A_59 = arith.constant 0 : i32
        %dma_start3A_60 = tpu.memref_slice %arg2[%dma_start3A_58, %dma_start3A_59] : memref<10240x128xf32, #tpu.memory_space<hbm>> -> memref<10240x128xf32, #tpu.memory_space<hbm>>
        tpu.enqueue_indirect_dma source(%dma_start3A_60 : memref<10240x128xf32, #tpu.memory_space<hbm>>) target(%arg9 : memref<128x128xf32, #tpu.memory_space<vmem>>) offsets(%dma_start3A_57 : memref<128xi32, #tpu.memory_space<vmem>>) semaphore(%arg13 : memref<!tpu.dma_semaphore, #tpu.memory_space<semaphore_mem>>)
      } else {
      }
    }
    %scan3A_20 = arith.constant 20 : i32
    %barrier3A_21 = arith.constant 0 : index
    tpu.barrier barrier_id(%barrier3A_21)
    "tpu.region"() ({
      %run_scoped3A = tpu.sem_alloc : memref<!tpu.dma_semaphore, #tpu.memory_space<semaphore_mem>>
      %dma_start3A_22 = arith.constant 0 : i32
      %dma_start3A_23 = arith.constant 0 : i32
      %dma_start3A_24 = tpu.memref_slice %arg6[%arg0, %dma_start3A_22, %dma_start3A_23] : memref<2x10240x128xf32, #tpu.memory_space<hbm>> -> memref<1x10240x128xf32, #tpu.memory_space<hbm>>
      %dma_start3A_25 = tpu.memref_squeeze %dma_start3A_24 : memref<1x10240x128xf32, #tpu.memory_space<hbm>> -> memref<10240x128xf32, #tpu.memory_space<hbm>>
      %dma_start3A_26 = arith.constant 0 : i32
      %dma_start3A_27 = tpu.memref_slice %dma_start3A_25[%mul3A_2, %dma_start3A_26] : memref<10240x128xf32, #tpu.memory_space<hbm>> -> memref<640x128xf32, #tpu.memory_space<hbm>>
      %dma_start3A_28 = arith.constant 0 : i32
      %dma_start3A_29 = tpu.memref_slice %arg7[%mul3A_2, %dma_start3A_28] : memref<10240x128xf32, #tpu.memory_space<vmem_shared>> -> memref<640x128xf32, #tpu.memory_space<vmem_shared>>
      tpu.enqueue_dma source(%dma_start3A_29 : memref<640x128xf32, #tpu.memory_space<vmem_shared>>) target(%dma_start3A_27 : memref<640x128xf32, #tpu.memory_space<hbm>>) target_semaphore(%run_scoped3A : memref<!tpu.dma_semaphore, #tpu.memory_space<semaphore_mem>>)
      %dma_wait3A = arith.constant 0 : i32
      %dma_wait3A_30 = arith.constant 0 : i32
      %dma_wait3A_31 = tpu.memref_slice %arg6[%arg0, %dma_wait3A, %dma_wait3A_30] : memref<2x10240x128xf32, #tpu.memory_space<hbm>> -> memref<1x10240x128xf32, #tpu.memory_space<hbm>>
      %dma_wait3A_32 = tpu.memref_squeeze %dma_wait3A_31 : memref<1x10240x128xf32, #tpu.memory_space<hbm>> -> memref<10240x128xf32, #tpu.memory_space<hbm>>
      %dma_wait3A_33 = arith.constant 0 : i32
      %dma_wait3A_34 = tpu.memref_slice %dma_wait3A_32[%mul3A_2, %dma_wait3A_33] : memref<10240x128xf32, #tpu.memory_space<hbm>> -> memref<640x128xf32, #tpu.memory_space<hbm>>
      %dma_wait3A_35 = arith.constant 0 : i32
      %dma_wait3A_36 = tpu.memref_slice %arg7[%mul3A_2, %dma_wait3A_35] : memref<10240x128xf32, #tpu.memory_space<vmem_shared>> -> memref<640x128xf32, #tpu.memory_space<vmem_shared>>
      tpu.wait_dma2 semaphore(%run_scoped3A : memref<!tpu.dma_semaphore, #tpu.memory_space<semaphore_mem>>) src(%dma_wait3A_36 : memref<640x128xf32, #tpu.memory_space<vmem_shared>>) dst(%dma_wait3A_34 : memref<640x128xf32, #tpu.memory_space<hbm>>)
      tpu.yield
    }) : () -> ()
    return
  }
}

#map = affine_map<(d0, d1) -> (0, 0)>
#map1 = affine_map<(d0, d1) -> (0, 0, 0)>
module attributes {stable_mosaic.version = 14 : i64} {
  func.func @_step_kernel(%arg0: i32, %arg1: i32, %arg2: memref<10240x128xf32, #tpu.memory_space<hbm>>, %arg3: memref<32x40x128xi32, #tpu.memory_space<hbm>>, %arg4: memref<32x40x128xi32, #tpu.memory_space<hbm>>, %arg5: memref<10240x128xf32, #tpu.memory_space<hbm>>, %arg6: memref<2x10240x128xf32, #tpu.memory_space<hbm>>, %arg7: memref<10240x128xf32, #tpu.memory_space<vmem_shared>>, %arg8: memref<128x128xf32, #tpu.memory_space<vmem>>, %arg9: memref<128x128xf32, #tpu.memory_space<vmem>>, %arg10: memref<40x128xi32, #tpu.memory_space<vmem>>, %arg11: memref<40x128xi32, #tpu.memory_space<vmem>>, %arg12: memref<!tpu.dma_semaphore, #tpu.memory_space<semaphore_mem>>, %arg13: memref<!tpu.dma_semaphore, #tpu.memory_space<semaphore_mem>>) attributes {dimension_semantics = [#tpu.dimension_semantics<core_parallel>, #tpu.dimension_semantics<subcore_parallel>], iteration_bounds = array<i64: 2, 16>, scalar_prefetch = 0 : i64, scratch_operands = 7 : i64, tpu.core_type = #tpu.core_type<sc_vector_subcore>, window_params = [{transform_indices = #map}, {transform_indices = #map1}, {transform_indices = #map1}, {transform_indices = #map}, {transform_indices = #map1}]} {
    %mul3A = arith.constant 16 : i32
    %mul3A_0 = arith.muli %arg0, %mul3A : i32
    %add3A = arith.addi %mul3A_0, %arg1 : i32
    %mul3A_1 = arith.constant 640 : i32
    %mul3A_2 = arith.muli %arg1, %mul3A_1 : i32
    "tpu.region"() ({
      %run_scoped3A = tpu.sem_alloc : memref<!tpu.dma_semaphore, #tpu.memory_space<semaphore_mem>>
      %dma_start3A_22 = arith.constant 0 : i32
      %dma_start3A_23 = tpu.memref_slice %arg7[%mul3A_2, %dma_start3A_22] : memref<10240x128xf32, #tpu.memory_space<vmem_shared>> -> memref<640x128xf32, #tpu.memory_space<vmem_shared>>
      %dma_start3A_24 = arith.constant 0 : i32
      %dma_start3A_25 = tpu.memref_slice %arg5[%mul3A_2, %dma_start3A_24] : memref<10240x128xf32, #tpu.memory_space<hbm>> -> memref<640x128xf32, #tpu.memory_space<hbm>>
      tpu.enqueue_dma source(%dma_start3A_25 : memref<640x128xf32, #tpu.memory_space<hbm>>) target(%dma_start3A_23 : memref<640x128xf32, #tpu.memory_space<vmem_shared>>) target_semaphore(%run_scoped3A : memref<!tpu.dma_semaphore, #tpu.memory_space<semaphore_mem>>)
      %dma_wait3A = arith.constant 0 : i32
      %dma_wait3A_26 = tpu.memref_slice %arg7[%mul3A_2, %dma_wait3A] : memref<10240x128xf32, #tpu.memory_space<vmem_shared>> -> memref<640x128xf32, #tpu.memory_space<vmem_shared>>
      %dma_wait3A_27 = arith.constant 0 : i32
      %dma_wait3A_28 = tpu.memref_slice %arg5[%mul3A_2, %dma_wait3A_27] : memref<10240x128xf32, #tpu.memory_space<hbm>> -> memref<640x128xf32, #tpu.memory_space<hbm>>
      tpu.wait_dma2 semaphore(%run_scoped3A : memref<!tpu.dma_semaphore, #tpu.memory_space<semaphore_mem>>) src(%dma_wait3A_28 : memref<640x128xf32, #tpu.memory_space<hbm>>) dst(%dma_wait3A_26 : memref<640x128xf32, #tpu.memory_space<vmem_shared>>)
      tpu.yield
    }) : () -> ()
    "tpu.region"() ({
      %run_scoped3A = tpu.sem_alloc : memref<!tpu.dma_semaphore, #tpu.memory_space<semaphore_mem>>
      %dma_start3A_22 = arith.constant 0 : i32
      %dma_start3A_23 = arith.constant 0 : i32
      %dma_start3A_24 = tpu.memref_slice %arg3[%add3A, %dma_start3A_22, %dma_start3A_23] : memref<32x40x128xi32, #tpu.memory_space<hbm>> -> memref<1x40x128xi32, #tpu.memory_space<hbm>>
      %dma_start3A_25 = tpu.memref_squeeze %dma_start3A_24 : memref<1x40x128xi32, #tpu.memory_space<hbm>> -> memref<40x128xi32, #tpu.memory_space<hbm>>
      %dma_start3A_26 = arith.constant 0 : i32
      %dma_start3A_27 = arith.constant 0 : i32
      %dma_start3A_28 = tpu.memref_slice %arg3[%add3A, %dma_start3A_26, %dma_start3A_27] : memref<32x40x128xi32, #tpu.memory_space<hbm>> -> memref<1x40x128xi32, #tpu.memory_space<hbm>>
      %dma_start3A_29 = tpu.memref_squeeze %dma_start3A_28 : memref<1x40x128xi32, #tpu.memory_space<hbm>> -> memref<40x128xi32, #tpu.memory_space<hbm>>
      tpu.enqueue_dma source(%dma_start3A_29 : memref<40x128xi32, #tpu.memory_space<hbm>>) target(%arg10 : memref<40x128xi32, #tpu.memory_space<vmem>>) target_semaphore(%run_scoped3A : memref<!tpu.dma_semaphore, #tpu.memory_space<semaphore_mem>>)
      %dma_wait3A = arith.constant 0 : i32
      %dma_wait3A_30 = arith.constant 0 : i32
      %dma_wait3A_31 = tpu.memref_slice %arg3[%add3A, %dma_wait3A, %dma_wait3A_30] : memref<32x40x128xi32, #tpu.memory_space<hbm>> -> memref<1x40x128xi32, #tpu.memory_space<hbm>>
      %dma_wait3A_32 = tpu.memref_squeeze %dma_wait3A_31 : memref<1x40x128xi32, #tpu.memory_space<hbm>> -> memref<40x128xi32, #tpu.memory_space<hbm>>
      %dma_wait3A_33 = arith.constant 0 : i32
      %dma_wait3A_34 = arith.constant 0 : i32
      %dma_wait3A_35 = tpu.memref_slice %arg3[%add3A, %dma_wait3A_33, %dma_wait3A_34] : memref<32x40x128xi32, #tpu.memory_space<hbm>> -> memref<1x40x128xi32, #tpu.memory_space<hbm>>
      %dma_wait3A_36 = tpu.memref_squeeze %dma_wait3A_35 : memref<1x40x128xi32, #tpu.memory_space<hbm>> -> memref<40x128xi32, #tpu.memory_space<hbm>>
      tpu.wait_dma2 semaphore(%run_scoped3A : memref<!tpu.dma_semaphore, #tpu.memory_space<semaphore_mem>>) src(%dma_wait3A_36 : memref<40x128xi32, #tpu.memory_space<hbm>>) dst(%arg10 : memref<40x128xi32, #tpu.memory_space<vmem>>)
      tpu.yield
    }) : () -> ()
    "tpu.region"() ({
      %run_scoped3A = tpu.sem_alloc : memref<!tpu.dma_semaphore, #tpu.memory_space<semaphore_mem>>
      %dma_start3A_22 = arith.constant 0 : i32
      %dma_start3A_23 = arith.constant 0 : i32
      %dma_start3A_24 = tpu.memref_slice %arg4[%add3A, %dma_start3A_22, %dma_start3A_23] : memref<32x40x128xi32, #tpu.memory_space<hbm>> -> memref<1x40x128xi32, #tpu.memory_space<hbm>>
      %dma_start3A_25 = tpu.memref_squeeze %dma_start3A_24 : memref<1x40x128xi32, #tpu.memory_space<hbm>> -> memref<40x128xi32, #tpu.memory_space<hbm>>
      %dma_start3A_26 = arith.constant 0 : i32
      %dma_start3A_27 = arith.constant 0 : i32
      %dma_start3A_28 = tpu.memref_slice %arg4[%add3A, %dma_start3A_26, %dma_start3A_27] : memref<32x40x128xi32, #tpu.memory_space<hbm>> -> memref<1x40x128xi32, #tpu.memory_space<hbm>>
      %dma_start3A_29 = tpu.memref_squeeze %dma_start3A_28 : memref<1x40x128xi32, #tpu.memory_space<hbm>> -> memref<40x128xi32, #tpu.memory_space<hbm>>
      tpu.enqueue_dma source(%dma_start3A_29 : memref<40x128xi32, #tpu.memory_space<hbm>>) target(%arg11 : memref<40x128xi32, #tpu.memory_space<vmem>>) target_semaphore(%run_scoped3A : memref<!tpu.dma_semaphore, #tpu.memory_space<semaphore_mem>>)
      %dma_wait3A = arith.constant 0 : i32
      %dma_wait3A_30 = arith.constant 0 : i32
      %dma_wait3A_31 = tpu.memref_slice %arg4[%add3A, %dma_wait3A, %dma_wait3A_30] : memref<32x40x128xi32, #tpu.memory_space<hbm>> -> memref<1x40x128xi32, #tpu.memory_space<hbm>>
      %dma_wait3A_32 = tpu.memref_squeeze %dma_wait3A_31 : memref<1x40x128xi32, #tpu.memory_space<hbm>> -> memref<40x128xi32, #tpu.memory_space<hbm>>
      %dma_wait3A_33 = arith.constant 0 : i32
      %dma_wait3A_34 = arith.constant 0 : i32
      %dma_wait3A_35 = tpu.memref_slice %arg4[%add3A, %dma_wait3A_33, %dma_wait3A_34] : memref<32x40x128xi32, #tpu.memory_space<hbm>> -> memref<1x40x128xi32, #tpu.memory_space<hbm>>
      %dma_wait3A_36 = tpu.memref_squeeze %dma_wait3A_35 : memref<1x40x128xi32, #tpu.memory_space<hbm>> -> memref<40x128xi32, #tpu.memory_space<hbm>>
      tpu.wait_dma2 semaphore(%run_scoped3A : memref<!tpu.dma_semaphore, #tpu.memory_space<semaphore_mem>>) src(%dma_wait3A_36 : memref<40x128xi32, #tpu.memory_space<hbm>>) dst(%arg11 : memref<40x128xi32, #tpu.memory_space<vmem>>)
      tpu.yield
    }) : () -> ()
    %barrier3A = arith.constant 0 : index
    tpu.barrier barrier_id(%barrier3A)
    %dma_start3A = arith.constant 0 : i32
    %dma_start3A_3 = arith.constant 0 : i32
    %dma_start3A_4 = tpu.memref_slice %arg10[%dma_start3A, %dma_start3A_3] : memref<40x128xi32, #tpu.memory_space<vmem>> -> memref<1x128xi32, #tpu.memory_space<vmem>>
    %dma_start3A_5 = tpu.memref_squeeze %dma_start3A_4 : memref<1x128xi32, #tpu.memory_space<vmem>> -> memref<128xi32, #tpu.memory_space<vmem>>
    %dma_start3A_6 = arith.constant 0 : i32
    %dma_start3A_7 = arith.constant 0 : i32
    %dma_start3A_8 = tpu.memref_slice %arg2[%dma_start3A_6, %dma_start3A_7] : memref<10240x128xf32, #tpu.memory_space<hbm>> -> memref<10240x128xf32, #tpu.memory_space<hbm>>
    tpu.enqueue_indirect_dma source(%dma_start3A_8 : memref<10240x128xf32, #tpu.memory_space<hbm>>) target(%arg8 : memref<128x128xf32, #tpu.memory_space<vmem>>) offsets(%dma_start3A_5 : memref<128xi32, #tpu.memory_space<vmem>>) semaphore(%arg12 : memref<!tpu.dma_semaphore, #tpu.memory_space<semaphore_mem>>)
    %dma_start3A_9 = arith.constant 1 : i32
    %dma_start3A_10 = arith.constant 0 : i32
    %dma_start3A_11 = tpu.memref_slice %arg10[%dma_start3A_9, %dma_start3A_10] : memref<40x128xi32, #tpu.memory_space<vmem>> -> memref<1x128xi32, #tpu.memory_space<vmem>>
    %dma_start3A_12 = tpu.memref_squeeze %dma_start3A_11 : memref<1x128xi32, #tpu.memory_space<vmem>> -> memref<128xi32, #tpu.memory_space<vmem>>
    %dma_start3A_13 = arith.constant 0 : i32
    %dma_start3A_14 = arith.constant 0 : i32
    %dma_start3A_15 = tpu.memref_slice %arg2[%dma_start3A_13, %dma_start3A_14] : memref<10240x128xf32, #tpu.memory_space<hbm>> -> memref<10240x128xf32, #tpu.memory_space<hbm>>
    tpu.enqueue_indirect_dma source(%dma_start3A_15 : memref<10240x128xf32, #tpu.memory_space<hbm>>) target(%arg9 : memref<128x128xf32, #tpu.memory_space<vmem>>) offsets(%dma_start3A_12 : memref<128xi32, #tpu.memory_space<vmem>>) semaphore(%arg13 : memref<!tpu.dma_semaphore, #tpu.memory_space<semaphore_mem>>)
    %scan3A = arith.constant 0 : i32
    %scan3A_16 = arith.constant 0 : i32
    %scan3A_17 = arith.constant 20 : i32
    %scan3A_18 = arith.addi %scan3A_16, %scan3A_17 : i32
    %scan3A_19 = arith.constant 1 : i32
    scf.for %scan3A_22 = %scan3A_16 to %scan3A_18 step %scan3A_19  : i32 {
      %mul3A_23 = arith.constant 2 : i32
      %mul3A_24 = arith.muli %scan3A_22, %mul3A_23 : i32
      %add3A_25 = arith.constant 0 : i32
      %add3A_26 = arith.addi %mul3A_24, %add3A_25 : i32
      %dma_wait3A = arith.constant 0 : i32
      %dma_wait3A_27 = tpu.memref_slice %arg10[%add3A_26, %dma_wait3A] : memref<40x128xi32, #tpu.memory_space<vmem>> -> memref<1x128xi32, #tpu.memory_space<vmem>>
      %dma_wait3A_28 = tpu.memref_squeeze %dma_wait3A_27 : memref<1x128xi32, #tpu.memory_space<vmem>> -> memref<128xi32, #tpu.memory_space<vmem>>
      %dma_wait3A_29 = arith.constant 0 : i32
      %dma_wait3A_30 = arith.constant 0 : i32
      %dma_wait3A_31 = tpu.memref_slice %arg2[%dma_wait3A_29, %dma_wait3A_30] : memref<10240x128xf32, #tpu.memory_space<hbm>> -> memref<10240x128xf32, #tpu.memory_space<hbm>>
      tpu.wait_indirect_dma semaphore(%arg12 : memref<!tpu.dma_semaphore, #tpu.memory_space<semaphore_mem>>) src(%dma_wait3A_31 : memref<10240x128xf32, #tpu.memory_space<hbm>>) dst(%arg8 : memref<128x128xf32, #tpu.memory_space<vmem>>)
      "tpu.region"() ({
        %run_scoped3A = tpu.sem_alloc : memref<!tpu.dma_semaphore, #tpu.memory_space<semaphore_mem>>
        %dma_start3A_53 = arith.constant 0 : i32
        %dma_start3A_54 = tpu.memref_slice %arg11[%add3A_26, %dma_start3A_53] : memref<40x128xi32, #tpu.memory_space<vmem>> -> memref<1x128xi32, #tpu.memory_space<vmem>>
        %dma_start3A_55 = tpu.memref_squeeze %dma_start3A_54 : memref<1x128xi32, #tpu.memory_space<vmem>> -> memref<128xi32, #tpu.memory_space<vmem>>
        %dma_start3A_56 = arith.constant 0 : i32
        %dma_start3A_57 = arith.constant 0 : i32
        %dma_start3A_58 = tpu.memref_slice %arg7[%dma_start3A_56, %dma_start3A_57] : memref<10240x128xf32, #tpu.memory_space<vmem_shared>> -> memref<10240x128xf32, #tpu.memory_space<vmem_shared>>
        tpu.enqueue_indirect_dma source(%arg8 : memref<128x128xf32, #tpu.memory_space<vmem>>) target(%dma_start3A_58 : memref<10240x128xf32, #tpu.memory_space<vmem_shared>>) offsets(%dma_start3A_55 : memref<128xi32, #tpu.memory_space<vmem>>) semaphore(%run_scoped3A : memref<!tpu.dma_semaphore, #tpu.memory_space<semaphore_mem>>) {add = true}
        %dma_wait3A_59 = arith.constant 0 : i32
        %dma_wait3A_60 = tpu.memref_slice %arg11[%add3A_26, %dma_wait3A_59] : memref<40x128xi32, #tpu.memory_space<vmem>> -> memref<1x128xi32, #tpu.memory_space<vmem>>
        %dma_wait3A_61 = tpu.memref_squeeze %dma_wait3A_60 : memref<1x128xi32, #tpu.memory_space<vmem>> -> memref<128xi32, #tpu.memory_space<vmem>>
        %dma_wait3A_62 = arith.constant 0 : i32
        %dma_wait3A_63 = arith.constant 0 : i32
        %dma_wait3A_64 = tpu.memref_slice %arg7[%dma_wait3A_62, %dma_wait3A_63] : memref<10240x128xf32, #tpu.memory_space<vmem_shared>> -> memref<10240x128xf32, #tpu.memory_space<vmem_shared>>
        tpu.wait_indirect_dma semaphore(%run_scoped3A : memref<!tpu.dma_semaphore, #tpu.memory_space<semaphore_mem>>) src(%arg8 : memref<128x128xf32, #tpu.memory_space<vmem>>) dst(%dma_wait3A_64 : memref<10240x128xf32, #tpu.memory_space<vmem_shared>>)
        tpu.yield
      }) : () -> ()
      %add3A_32 = arith.constant 2 : i32
      %add3A_33 = arith.addi %add3A_26, %add3A_32 : i32
      %lt3A = arith.constant 40 : i32
      %lt3A_34 = arith.cmpi slt, %add3A_33, %lt3A : i32
      %convert_element_type3A = arith.extui %lt3A_34 : i1 to i32
      %cond3A = arith.constant 0 : i32
      %cond3A_35 = arith.cmpi ne, %convert_element_type3A, %cond3A : i32
      scf.if %cond3A_35 {
        %add3A_53 = arith.constant 2 : i32
        %add3A_54 = arith.addi %add3A_26, %add3A_53 : i32
        %dma_start3A_55 = arith.constant 0 : i32
        %dma_start3A_56 = tpu.memref_slice %arg10[%add3A_54, %dma_start3A_55] : memref<40x128xi32, #tpu.memory_space<vmem>> -> memref<1x128xi32, #tpu.memory_space<vmem>>
        %dma_start3A_57 = tpu.memref_squeeze %dma_start3A_56 : memref<1x128xi32, #tpu.memory_space<vmem>> -> memref<128xi32, #tpu.memory_space<vmem>>
        %dma_start3A_58 = arith.constant 0 : i32
        %dma_start3A_59 = arith.constant 0 : i32
        %dma_start3A_60 = tpu.memref_slice %arg2[%dma_start3A_58, %dma_start3A_59] : memref<10240x128xf32, #tpu.memory_space<hbm>> -> memref<10240x128xf32, #tpu.memory_space<hbm>>
        tpu.enqueue_indirect_dma source(%dma_start3A_60 : memref<10240x128xf32, #tpu.memory_space<hbm>>) target(%arg8 : memref<128x128xf32, #tpu.memory_space<vmem>>) offsets(%dma_start3A_57 : memref<128xi32, #tpu.memory_space<vmem>>) semaphore(%arg12 : memref<!tpu.dma_semaphore, #tpu.memory_space<semaphore_mem>>)
      } else {
      }
      %mul3A_36 = arith.constant 2 : i32
      %mul3A_37 = arith.muli %scan3A_22, %mul3A_36 : i32
      %add3A_38 = arith.constant 1 : i32
      %add3A_39 = arith.addi %mul3A_37, %add3A_38 : i32
      %dma_wait3A_40 = arith.constant 0 : i32
      %dma_wait3A_41 = tpu.memref_slice %arg10[%add3A_39, %dma_wait3A_40] : memref<40x128xi32, #tpu.memory_space<vmem>> -> memref<1x128xi32, #tpu.memory_space<vmem>>
      %dma_wait3A_42 = tpu.memref_squeeze %dma_wait3A_41 : memref<1x128xi32, #tpu.memory_space<vmem>> -> memref<128xi32, #tpu.memory_space<vmem>>
      %dma_wait3A_43 = arith.constant 0 : i32
      %dma_wait3A_44 = arith.constant 0 : i32
      %dma_wait3A_45 = tpu.memref_slice %arg2[%dma_wait3A_43, %dma_wait3A_44] : memref<10240x128xf32, #tpu.memory_space<hbm>> -> memref<10240x128xf32, #tpu.memory_space<hbm>>
      tpu.wait_indirect_dma semaphore(%arg13 : memref<!tpu.dma_semaphore, #tpu.memory_space<semaphore_mem>>) src(%dma_wait3A_45 : memref<10240x128xf32, #tpu.memory_space<hbm>>) dst(%arg9 : memref<128x128xf32, #tpu.memory_space<vmem>>)
      "tpu.region"() ({
        %run_scoped3A = tpu.sem_alloc : memref<!tpu.dma_semaphore, #tpu.memory_space<semaphore_mem>>
        %dma_start3A_53 = arith.constant 0 : i32
        %dma_start3A_54 = tpu.memref_slice %arg11[%add3A_39, %dma_start3A_53] : memref<40x128xi32, #tpu.memory_space<vmem>> -> memref<1x128xi32, #tpu.memory_space<vmem>>
        %dma_start3A_55 = tpu.memref_squeeze %dma_start3A_54 : memref<1x128xi32, #tpu.memory_space<vmem>> -> memref<128xi32, #tpu.memory_space<vmem>>
        %dma_start3A_56 = arith.constant 0 : i32
        %dma_start3A_57 = arith.constant 0 : i32
        %dma_start3A_58 = tpu.memref_slice %arg7[%dma_start3A_56, %dma_start3A_57] : memref<10240x128xf32, #tpu.memory_space<vmem_shared>> -> memref<10240x128xf32, #tpu.memory_space<vmem_shared>>
        tpu.enqueue_indirect_dma source(%arg9 : memref<128x128xf32, #tpu.memory_space<vmem>>) target(%dma_start3A_58 : memref<10240x128xf32, #tpu.memory_space<vmem_shared>>) offsets(%dma_start3A_55 : memref<128xi32, #tpu.memory_space<vmem>>) semaphore(%run_scoped3A : memref<!tpu.dma_semaphore, #tpu.memory_space<semaphore_mem>>) {add = true}
        %dma_wait3A_59 = arith.constant 0 : i32
        %dma_wait3A_60 = tpu.memref_slice %arg11[%add3A_39, %dma_wait3A_59] : memref<40x128xi32, #tpu.memory_space<vmem>> -> memref<1x128xi32, #tpu.memory_space<vmem>>
        %dma_wait3A_61 = tpu.memref_squeeze %dma_wait3A_60 : memref<1x128xi32, #tpu.memory_space<vmem>> -> memref<128xi32, #tpu.memory_space<vmem>>
        %dma_wait3A_62 = arith.constant 0 : i32
        %dma_wait3A_63 = arith.constant 0 : i32
        %dma_wait3A_64 = tpu.memref_slice %arg7[%dma_wait3A_62, %dma_wait3A_63] : memref<10240x128xf32, #tpu.memory_space<vmem_shared>> -> memref<10240x128xf32, #tpu.memory_space<vmem_shared>>
        tpu.wait_indirect_dma semaphore(%run_scoped3A : memref<!tpu.dma_semaphore, #tpu.memory_space<semaphore_mem>>) src(%arg9 : memref<128x128xf32, #tpu.memory_space<vmem>>) dst(%dma_wait3A_64 : memref<10240x128xf32, #tpu.memory_space<vmem_shared>>)
        tpu.yield
      }) : () -> ()
      %add3A_46 = arith.constant 2 : i32
      %add3A_47 = arith.addi %add3A_39, %add3A_46 : i32
      %lt3A_48 = arith.constant 40 : i32
      %lt3A_49 = arith.cmpi slt, %add3A_47, %lt3A_48 : i32
      %convert_element_type3A_50 = arith.extui %lt3A_49 : i1 to i32
      %cond3A_51 = arith.constant 0 : i32
      %cond3A_52 = arith.cmpi ne, %convert_element_type3A_50, %cond3A_51 : i32
      scf.if %cond3A_52 {
        %add3A_53 = arith.constant 2 : i32
        %add3A_54 = arith.addi %add3A_39, %add3A_53 : i32
        %dma_start3A_55 = arith.constant 0 : i32
        %dma_start3A_56 = tpu.memref_slice %arg10[%add3A_54, %dma_start3A_55] : memref<40x128xi32, #tpu.memory_space<vmem>> -> memref<1x128xi32, #tpu.memory_space<vmem>>
        %dma_start3A_57 = tpu.memref_squeeze %dma_start3A_56 : memref<1x128xi32, #tpu.memory_space<vmem>> -> memref<128xi32, #tpu.memory_space<vmem>>
        %dma_start3A_58 = arith.constant 0 : i32
        %dma_start3A_59 = arith.constant 0 : i32
        %dma_start3A_60 = tpu.memref_slice %arg2[%dma_start3A_58, %dma_start3A_59] : memref<10240x128xf32, #tpu.memory_space<hbm>> -> memref<10240x128xf32, #tpu.memory_space<hbm>>
        tpu.enqueue_indirect_dma source(%dma_start3A_60 : memref<10240x128xf32, #tpu.memory_space<hbm>>) target(%arg9 : memref<128x128xf32, #tpu.memory_space<vmem>>) offsets(%dma_start3A_57 : memref<128xi32, #tpu.memory_space<vmem>>) semaphore(%arg13 : memref<!tpu.dma_semaphore, #tpu.memory_space<semaphore_mem>>)
      } else {
      }
    }
    %scan3A_20 = arith.constant 20 : i32
    %barrier3A_21 = arith.constant 0 : index
    tpu.barrier barrier_id(%barrier3A_21)
    "tpu.region"() ({
      %run_scoped3A = tpu.sem_alloc : memref<!tpu.dma_semaphore, #tpu.memory_space<semaphore_mem>>
      %dma_start3A_22 = arith.constant 0 : i32
      %dma_start3A_23 = arith.constant 0 : i32
      %dma_start3A_24 = tpu.memref_slice %arg6[%arg0, %dma_start3A_22, %dma_start3A_23] : memref<2x10240x128xf32, #tpu.memory_space<hbm>> -> memref<1x10240x128xf32, #tpu.memory_space<hbm>>
      %dma_start3A_25 = tpu.memref_squeeze %dma_start3A_24 : memref<1x10240x128xf32, #tpu.memory_space<hbm>> -> memref<10240x128xf32, #tpu.memory_space<hbm>>
      %dma_start3A_26 = arith.constant 0 : i32
      %dma_start3A_27 = tpu.memref_slice %dma_start3A_25[%mul3A_2, %dma_start3A_26] : memref<10240x128xf32, #tpu.memory_space<hbm>> -> memref<640x128xf32, #tpu.memory_space<hbm>>
      %dma_start3A_28 = arith.constant 0 : i32
      %dma_start3A_29 = tpu.memref_slice %arg7[%mul3A_2, %dma_start3A_28] : memref<10240x128xf32, #tpu.memory_space<vmem_shared>> -> memref<640x128xf32, #tpu.memory_space<vmem_shared>>
      tpu.enqueue_dma source(%dma_start3A_29 : memref<640x128xf32, #tpu.memory_space<vmem_shared>>) target(%dma_start3A_27 : memref<640x128xf32, #tpu.memory_space<hbm>>) target_semaphore(%run_scoped3A : memref<!tpu.dma_semaphore, #tpu.memory_space<semaphore_mem>>)
      %dma_wait3A = arith.constant 0 : i32
      %dma_wait3A_30 = arith.constant 0 : i32
      %dma_wait3A_31 = tpu.memref_slice %arg6[%arg0, %dma_wait3A, %dma_wait3A_30] : memref<2x10240x128xf32, #tpu.memory_space<hbm>> -> memref<1x10240x128xf32, #tpu.memory_space<hbm>>
      %dma_wait3A_32 = tpu.memref_squeeze %dma_wait3A_31 : memref<1x10240x128xf32, #tpu.memory_space<hbm>> -> memref<10240x128xf32, #tpu.memory_space<hbm>>
      %dma_wait3A_33 = arith.constant 0 : i32
      %dma_wait3A_34 = tpu.memref_slice %dma_wait3A_32[%mul3A_2, %dma_wait3A_33] : memref<10240x128xf32, #tpu.memory_space<hbm>> -> memref<640x128xf32, #tpu.memory_space<hbm>>
      %dma_wait3A_35 = arith.constant 0 : i32
      %dma_wait3A_36 = tpu.memref_slice %arg7[%mul3A_2, %dma_wait3A_35] : memref<10240x128xf32, #tpu.memory_space<vmem_shared>> -> memref<640x128xf32, #tpu.memory_space<vmem_shared>>
      tpu.wait_dma2 semaphore(%run_scoped3A : memref<!tpu.dma_semaphore, #tpu.memory_space<semaphore_mem>>) src(%dma_wait3A_36 : memref<640x128xf32, #tpu.memory_space<vmem_shared>>) dst(%dma_wait3A_34 : memref<640x128xf32, #tpu.memory_space<hbm>>)
      tpu.yield
    }) : () -> ()
    return
  }
}

#map = affine_map<(d0, d1) -> (0, 0)>
#map1 = affine_map<(d0, d1) -> (0, 0, 0)>
module attributes {stable_mosaic.version = 14 : i64} {
  func.func @_step_kernel(%arg0: i32, %arg1: i32, %arg2: memref<10240x128xf32, #tpu.memory_space<hbm>>, %arg3: memref<32x40x128xi32, #tpu.memory_space<hbm>>, %arg4: memref<32x40x128xi32, #tpu.memory_space<hbm>>, %arg5: memref<10240x128xf32, #tpu.memory_space<hbm>>, %arg6: memref<2x10240x128xf32, #tpu.memory_space<hbm>>, %arg7: memref<10240x128xf32, #tpu.memory_space<vmem_shared>>, %arg8: memref<128x128xf32, #tpu.memory_space<vmem>>, %arg9: memref<128x128xf32, #tpu.memory_space<vmem>>, %arg10: memref<40x128xi32, #tpu.memory_space<vmem>>, %arg11: memref<40x128xi32, #tpu.memory_space<vmem>>, %arg12: memref<!tpu.dma_semaphore, #tpu.memory_space<semaphore_mem>>, %arg13: memref<!tpu.dma_semaphore, #tpu.memory_space<semaphore_mem>>) attributes {dimension_semantics = [#tpu.dimension_semantics<core_parallel>, #tpu.dimension_semantics<subcore_parallel>], iteration_bounds = array<i64: 2, 16>, scalar_prefetch = 0 : i64, scratch_operands = 7 : i64, tpu.core_type = #tpu.core_type<sc_vector_subcore>, window_params = [{transform_indices = #map}, {transform_indices = #map1}, {transform_indices = #map1}, {transform_indices = #map}, {transform_indices = #map1}]} {
    %mul3A = arith.constant 16 : i32
    %mul3A_0 = arith.muli %arg0, %mul3A : i32
    %add3A = arith.addi %mul3A_0, %arg1 : i32
    %mul3A_1 = arith.constant 640 : i32
    %mul3A_2 = arith.muli %arg1, %mul3A_1 : i32
    "tpu.region"() ({
      %run_scoped3A = tpu.sem_alloc : memref<!tpu.dma_semaphore, #tpu.memory_space<semaphore_mem>>
      %dma_start3A_22 = arith.constant 0 : i32
      %dma_start3A_23 = tpu.memref_slice %arg7[%mul3A_2, %dma_start3A_22] : memref<10240x128xf32, #tpu.memory_space<vmem_shared>> -> memref<640x128xf32, #tpu.memory_space<vmem_shared>>
      %dma_start3A_24 = arith.constant 0 : i32
      %dma_start3A_25 = tpu.memref_slice %arg5[%mul3A_2, %dma_start3A_24] : memref<10240x128xf32, #tpu.memory_space<hbm>> -> memref<640x128xf32, #tpu.memory_space<hbm>>
      tpu.enqueue_dma source(%dma_start3A_25 : memref<640x128xf32, #tpu.memory_space<hbm>>) target(%dma_start3A_23 : memref<640x128xf32, #tpu.memory_space<vmem_shared>>) target_semaphore(%run_scoped3A : memref<!tpu.dma_semaphore, #tpu.memory_space<semaphore_mem>>)
      %dma_wait3A = arith.constant 0 : i32
      %dma_wait3A_26 = tpu.memref_slice %arg7[%mul3A_2, %dma_wait3A] : memref<10240x128xf32, #tpu.memory_space<vmem_shared>> -> memref<640x128xf32, #tpu.memory_space<vmem_shared>>
      %dma_wait3A_27 = arith.constant 0 : i32
      %dma_wait3A_28 = tpu.memref_slice %arg5[%mul3A_2, %dma_wait3A_27] : memref<10240x128xf32, #tpu.memory_space<hbm>> -> memref<640x128xf32, #tpu.memory_space<hbm>>
      tpu.wait_dma2 semaphore(%run_scoped3A : memref<!tpu.dma_semaphore, #tpu.memory_space<semaphore_mem>>) src(%dma_wait3A_28 : memref<640x128xf32, #tpu.memory_space<hbm>>) dst(%dma_wait3A_26 : memref<640x128xf32, #tpu.memory_space<vmem_shared>>)
      tpu.yield
    }) : () -> ()
    "tpu.region"() ({
      %run_scoped3A = tpu.sem_alloc : memref<!tpu.dma_semaphore, #tpu.memory_space<semaphore_mem>>
      %dma_start3A_22 = arith.constant 0 : i32
      %dma_start3A_23 = arith.constant 0 : i32
      %dma_start3A_24 = tpu.memref_slice %arg3[%add3A, %dma_start3A_22, %dma_start3A_23] : memref<32x40x128xi32, #tpu.memory_space<hbm>> -> memref<1x40x128xi32, #tpu.memory_space<hbm>>
      %dma_start3A_25 = tpu.memref_squeeze %dma_start3A_24 : memref<1x40x128xi32, #tpu.memory_space<hbm>> -> memref<40x128xi32, #tpu.memory_space<hbm>>
      %dma_start3A_26 = arith.constant 0 : i32
      %dma_start3A_27 = arith.constant 0 : i32
      %dma_start3A_28 = tpu.memref_slice %arg3[%add3A, %dma_start3A_26, %dma_start3A_27] : memref<32x40x128xi32, #tpu.memory_space<hbm>> -> memref<1x40x128xi32, #tpu.memory_space<hbm>>
      %dma_start3A_29 = tpu.memref_squeeze %dma_start3A_28 : memref<1x40x128xi32, #tpu.memory_space<hbm>> -> memref<40x128xi32, #tpu.memory_space<hbm>>
      tpu.enqueue_dma source(%dma_start3A_29 : memref<40x128xi32, #tpu.memory_space<hbm>>) target(%arg10 : memref<40x128xi32, #tpu.memory_space<vmem>>) target_semaphore(%run_scoped3A : memref<!tpu.dma_semaphore, #tpu.memory_space<semaphore_mem>>)
      %dma_wait3A = arith.constant 0 : i32
      %dma_wait3A_30 = arith.constant 0 : i32
      %dma_wait3A_31 = tpu.memref_slice %arg3[%add3A, %dma_wait3A, %dma_wait3A_30] : memref<32x40x128xi32, #tpu.memory_space<hbm>> -> memref<1x40x128xi32, #tpu.memory_space<hbm>>
      %dma_wait3A_32 = tpu.memref_squeeze %dma_wait3A_31 : memref<1x40x128xi32, #tpu.memory_space<hbm>> -> memref<40x128xi32, #tpu.memory_space<hbm>>
      %dma_wait3A_33 = arith.constant 0 : i32
      %dma_wait3A_34 = arith.constant 0 : i32
      %dma_wait3A_35 = tpu.memref_slice %arg3[%add3A, %dma_wait3A_33, %dma_wait3A_34] : memref<32x40x128xi32, #tpu.memory_space<hbm>> -> memref<1x40x128xi32, #tpu.memory_space<hbm>>
      %dma_wait3A_36 = tpu.memref_squeeze %dma_wait3A_35 : memref<1x40x128xi32, #tpu.memory_space<hbm>> -> memref<40x128xi32, #tpu.memory_space<hbm>>
      tpu.wait_dma2 semaphore(%run_scoped3A : memref<!tpu.dma_semaphore, #tpu.memory_space<semaphore_mem>>) src(%dma_wait3A_36 : memref<40x128xi32, #tpu.memory_space<hbm>>) dst(%arg10 : memref<40x128xi32, #tpu.memory_space<vmem>>)
      tpu.yield
    }) : () -> ()
    "tpu.region"() ({
      %run_scoped3A = tpu.sem_alloc : memref<!tpu.dma_semaphore, #tpu.memory_space<semaphore_mem>>
      %dma_start3A_22 = arith.constant 0 : i32
      %dma_start3A_23 = arith.constant 0 : i32
      %dma_start3A_24 = tpu.memref_slice %arg4[%add3A, %dma_start3A_22, %dma_start3A_23] : memref<32x40x128xi32, #tpu.memory_space<hbm>> -> memref<1x40x128xi32, #tpu.memory_space<hbm>>
      %dma_start3A_25 = tpu.memref_squeeze %dma_start3A_24 : memref<1x40x128xi32, #tpu.memory_space<hbm>> -> memref<40x128xi32, #tpu.memory_space<hbm>>
      %dma_start3A_26 = arith.constant 0 : i32
      %dma_start3A_27 = arith.constant 0 : i32
      %dma_start3A_28 = tpu.memref_slice %arg4[%add3A, %dma_start3A_26, %dma_start3A_27] : memref<32x40x128xi32, #tpu.memory_space<hbm>> -> memref<1x40x128xi32, #tpu.memory_space<hbm>>
      %dma_start3A_29 = tpu.memref_squeeze %dma_start3A_28 : memref<1x40x128xi32, #tpu.memory_space<hbm>> -> memref<40x128xi32, #tpu.memory_space<hbm>>
      tpu.enqueue_dma source(%dma_start3A_29 : memref<40x128xi32, #tpu.memory_space<hbm>>) target(%arg11 : memref<40x128xi32, #tpu.memory_space<vmem>>) target_semaphore(%run_scoped3A : memref<!tpu.dma_semaphore, #tpu.memory_space<semaphore_mem>>)
      %dma_wait3A = arith.constant 0 : i32
      %dma_wait3A_30 = arith.constant 0 : i32
      %dma_wait3A_31 = tpu.memref_slice %arg4[%add3A, %dma_wait3A, %dma_wait3A_30] : memref<32x40x128xi32, #tpu.memory_space<hbm>> -> memref<1x40x128xi32, #tpu.memory_space<hbm>>
      %dma_wait3A_32 = tpu.memref_squeeze %dma_wait3A_31 : memref<1x40x128xi32, #tpu.memory_space<hbm>> -> memref<40x128xi32, #tpu.memory_space<hbm>>
      %dma_wait3A_33 = arith.constant 0 : i32
      %dma_wait3A_34 = arith.constant 0 : i32
      %dma_wait3A_35 = tpu.memref_slice %arg4[%add3A, %dma_wait3A_33, %dma_wait3A_34] : memref<32x40x128xi32, #tpu.memory_space<hbm>> -> memref<1x40x128xi32, #tpu.memory_space<hbm>>
      %dma_wait3A_36 = tpu.memref_squeeze %dma_wait3A_35 : memref<1x40x128xi32, #tpu.memory_space<hbm>> -> memref<40x128xi32, #tpu.memory_space<hbm>>
      tpu.wait_dma2 semaphore(%run_scoped3A : memref<!tpu.dma_semaphore, #tpu.memory_space<semaphore_mem>>) src(%dma_wait3A_36 : memref<40x128xi32, #tpu.memory_space<hbm>>) dst(%arg11 : memref<40x128xi32, #tpu.memory_space<vmem>>)
      tpu.yield
    }) : () -> ()
    %barrier3A = arith.constant 0 : index
    tpu.barrier barrier_id(%barrier3A)
    %dma_start3A = arith.constant 0 : i32
    %dma_start3A_3 = arith.constant 0 : i32
    %dma_start3A_4 = tpu.memref_slice %arg10[%dma_start3A, %dma_start3A_3] : memref<40x128xi32, #tpu.memory_space<vmem>> -> memref<1x128xi32, #tpu.memory_space<vmem>>
    %dma_start3A_5 = tpu.memref_squeeze %dma_start3A_4 : memref<1x128xi32, #tpu.memory_space<vmem>> -> memref<128xi32, #tpu.memory_space<vmem>>
    %dma_start3A_6 = arith.constant 0 : i32
    %dma_start3A_7 = arith.constant 0 : i32
    %dma_start3A_8 = tpu.memref_slice %arg2[%dma_start3A_6, %dma_start3A_7] : memref<10240x128xf32, #tpu.memory_space<hbm>> -> memref<10240x128xf32, #tpu.memory_space<hbm>>
    tpu.enqueue_indirect_dma source(%dma_start3A_8 : memref<10240x128xf32, #tpu.memory_space<hbm>>) target(%arg8 : memref<128x128xf32, #tpu.memory_space<vmem>>) offsets(%dma_start3A_5 : memref<128xi32, #tpu.memory_space<vmem>>) semaphore(%arg12 : memref<!tpu.dma_semaphore, #tpu.memory_space<semaphore_mem>>)
    %dma_start3A_9 = arith.constant 1 : i32
    %dma_start3A_10 = arith.constant 0 : i32
    %dma_start3A_11 = tpu.memref_slice %arg10[%dma_start3A_9, %dma_start3A_10] : memref<40x128xi32, #tpu.memory_space<vmem>> -> memref<1x128xi32, #tpu.memory_space<vmem>>
    %dma_start3A_12 = tpu.memref_squeeze %dma_start3A_11 : memref<1x128xi32, #tpu.memory_space<vmem>> -> memref<128xi32, #tpu.memory_space<vmem>>
    %dma_start3A_13 = arith.constant 0 : i32
    %dma_start3A_14 = arith.constant 0 : i32
    %dma_start3A_15 = tpu.memref_slice %arg2[%dma_start3A_13, %dma_start3A_14] : memref<10240x128xf32, #tpu.memory_space<hbm>> -> memref<10240x128xf32, #tpu.memory_space<hbm>>
    tpu.enqueue_indirect_dma source(%dma_start3A_15 : memref<10240x128xf32, #tpu.memory_space<hbm>>) target(%arg9 : memref<128x128xf32, #tpu.memory_space<vmem>>) offsets(%dma_start3A_12 : memref<128xi32, #tpu.memory_space<vmem>>) semaphore(%arg13 : memref<!tpu.dma_semaphore, #tpu.memory_space<semaphore_mem>>)
    %scan3A = arith.constant 0 : i32
    %scan3A_16 = arith.constant 0 : i32
    %scan3A_17 = arith.constant 20 : i32
    %scan3A_18 = arith.addi %scan3A_16, %scan3A_17 : i32
    %scan3A_19 = arith.constant 1 : i32
    scf.for %scan3A_22 = %scan3A_16 to %scan3A_18 step %scan3A_19  : i32 {
      %mul3A_23 = arith.constant 2 : i32
      %mul3A_24 = arith.muli %scan3A_22, %mul3A_23 : i32
      %add3A_25 = arith.constant 0 : i32
      %add3A_26 = arith.addi %mul3A_24, %add3A_25 : i32
      %dma_wait3A = arith.constant 0 : i32
      %dma_wait3A_27 = tpu.memref_slice %arg10[%add3A_26, %dma_wait3A] : memref<40x128xi32, #tpu.memory_space<vmem>> -> memref<1x128xi32, #tpu.memory_space<vmem>>
      %dma_wait3A_28 = tpu.memref_squeeze %dma_wait3A_27 : memref<1x128xi32, #tpu.memory_space<vmem>> -> memref<128xi32, #tpu.memory_space<vmem>>
      %dma_wait3A_29 = arith.constant 0 : i32
      %dma_wait3A_30 = arith.constant 0 : i32
      %dma_wait3A_31 = tpu.memref_slice %arg2[%dma_wait3A_29, %dma_wait3A_30] : memref<10240x128xf32, #tpu.memory_space<hbm>> -> memref<10240x128xf32, #tpu.memory_space<hbm>>
      tpu.wait_indirect_dma semaphore(%arg12 : memref<!tpu.dma_semaphore, #tpu.memory_space<semaphore_mem>>) src(%dma_wait3A_31 : memref<10240x128xf32, #tpu.memory_space<hbm>>) dst(%arg8 : memref<128x128xf32, #tpu.memory_space<vmem>>)
      "tpu.region"() ({
        %run_scoped3A = tpu.sem_alloc : memref<!tpu.dma_semaphore, #tpu.memory_space<semaphore_mem>>
        %dma_start3A_53 = arith.constant 0 : i32
        %dma_start3A_54 = tpu.memref_slice %arg11[%add3A_26, %dma_start3A_53] : memref<40x128xi32, #tpu.memory_space<vmem>> -> memref<1x128xi32, #tpu.memory_space<vmem>>
        %dma_start3A_55 = tpu.memref_squeeze %dma_start3A_54 : memref<1x128xi32, #tpu.memory_space<vmem>> -> memref<128xi32, #tpu.memory_space<vmem>>
        %dma_start3A_56 = arith.constant 0 : i32
        %dma_start3A_57 = arith.constant 0 : i32
        %dma_start3A_58 = tpu.memref_slice %arg7[%dma_start3A_56, %dma_start3A_57] : memref<10240x128xf32, #tpu.memory_space<vmem_shared>> -> memref<10240x128xf32, #tpu.memory_space<vmem_shared>>
        tpu.enqueue_indirect_dma source(%arg8 : memref<128x128xf32, #tpu.memory_space<vmem>>) target(%dma_start3A_58 : memref<10240x128xf32, #tpu.memory_space<vmem_shared>>) offsets(%dma_start3A_55 : memref<128xi32, #tpu.memory_space<vmem>>) semaphore(%run_scoped3A : memref<!tpu.dma_semaphore, #tpu.memory_space<semaphore_mem>>) {add = true}
        %dma_wait3A_59 = arith.constant 0 : i32
        %dma_wait3A_60 = tpu.memref_slice %arg11[%add3A_26, %dma_wait3A_59] : memref<40x128xi32, #tpu.memory_space<vmem>> -> memref<1x128xi32, #tpu.memory_space<vmem>>
        %dma_wait3A_61 = tpu.memref_squeeze %dma_wait3A_60 : memref<1x128xi32, #tpu.memory_space<vmem>> -> memref<128xi32, #tpu.memory_space<vmem>>
        %dma_wait3A_62 = arith.constant 0 : i32
        %dma_wait3A_63 = arith.constant 0 : i32
        %dma_wait3A_64 = tpu.memref_slice %arg7[%dma_wait3A_62, %dma_wait3A_63] : memref<10240x128xf32, #tpu.memory_space<vmem_shared>> -> memref<10240x128xf32, #tpu.memory_space<vmem_shared>>
        tpu.wait_indirect_dma semaphore(%run_scoped3A : memref<!tpu.dma_semaphore, #tpu.memory_space<semaphore_mem>>) src(%arg8 : memref<128x128xf32, #tpu.memory_space<vmem>>) dst(%dma_wait3A_64 : memref<10240x128xf32, #tpu.memory_space<vmem_shared>>)
        tpu.yield
      }) : () -> ()
      %add3A_32 = arith.constant 2 : i32
      %add3A_33 = arith.addi %add3A_26, %add3A_32 : i32
      %lt3A = arith.constant 40 : i32
      %lt3A_34 = arith.cmpi slt, %add3A_33, %lt3A : i32
      %convert_element_type3A = arith.extui %lt3A_34 : i1 to i32
      %cond3A = arith.constant 0 : i32
      %cond3A_35 = arith.cmpi ne, %convert_element_type3A, %cond3A : i32
      scf.if %cond3A_35 {
        %add3A_53 = arith.constant 2 : i32
        %add3A_54 = arith.addi %add3A_26, %add3A_53 : i32
        %dma_start3A_55 = arith.constant 0 : i32
        %dma_start3A_56 = tpu.memref_slice %arg10[%add3A_54, %dma_start3A_55] : memref<40x128xi32, #tpu.memory_space<vmem>> -> memref<1x128xi32, #tpu.memory_space<vmem>>
        %dma_start3A_57 = tpu.memref_squeeze %dma_start3A_56 : memref<1x128xi32, #tpu.memory_space<vmem>> -> memref<128xi32, #tpu.memory_space<vmem>>
        %dma_start3A_58 = arith.constant 0 : i32
        %dma_start3A_59 = arith.constant 0 : i32
        %dma_start3A_60 = tpu.memref_slice %arg2[%dma_start3A_58, %dma_start3A_59] : memref<10240x128xf32, #tpu.memory_space<hbm>> -> memref<10240x128xf32, #tpu.memory_space<hbm>>
        tpu.enqueue_indirect_dma source(%dma_start3A_60 : memref<10240x128xf32, #tpu.memory_space<hbm>>) target(%arg8 : memref<128x128xf32, #tpu.memory_space<vmem>>) offsets(%dma_start3A_57 : memref<128xi32, #tpu.memory_space<vmem>>) semaphore(%arg12 : memref<!tpu.dma_semaphore, #tpu.memory_space<semaphore_mem>>)
      } else {
      }
      %mul3A_36 = arith.constant 2 : i32
      %mul3A_37 = arith.muli %scan3A_22, %mul3A_36 : i32
      %add3A_38 = arith.constant 1 : i32
      %add3A_39 = arith.addi %mul3A_37, %add3A_38 : i32
      %dma_wait3A_40 = arith.constant 0 : i32
      %dma_wait3A_41 = tpu.memref_slice %arg10[%add3A_39, %dma_wait3A_40] : memref<40x128xi32, #tpu.memory_space<vmem>> -> memref<1x128xi32, #tpu.memory_space<vmem>>
      %dma_wait3A_42 = tpu.memref_squeeze %dma_wait3A_41 : memref<1x128xi32, #tpu.memory_space<vmem>> -> memref<128xi32, #tpu.memory_space<vmem>>
      %dma_wait3A_43 = arith.constant 0 : i32
      %dma_wait3A_44 = arith.constant 0 : i32
      %dma_wait3A_45 = tpu.memref_slice %arg2[%dma_wait3A_43, %dma_wait3A_44] : memref<10240x128xf32, #tpu.memory_space<hbm>> -> memref<10240x128xf32, #tpu.memory_space<hbm>>
      tpu.wait_indirect_dma semaphore(%arg13 : memref<!tpu.dma_semaphore, #tpu.memory_space<semaphore_mem>>) src(%dma_wait3A_45 : memref<10240x128xf32, #tpu.memory_space<hbm>>) dst(%arg9 : memref<128x128xf32, #tpu.memory_space<vmem>>)
      "tpu.region"() ({
        %run_scoped3A = tpu.sem_alloc : memref<!tpu.dma_semaphore, #tpu.memory_space<semaphore_mem>>
        %dma_start3A_53 = arith.constant 0 : i32
        %dma_start3A_54 = tpu.memref_slice %arg11[%add3A_39, %dma_start3A_53] : memref<40x128xi32, #tpu.memory_space<vmem>> -> memref<1x128xi32, #tpu.memory_space<vmem>>
        %dma_start3A_55 = tpu.memref_squeeze %dma_start3A_54 : memref<1x128xi32, #tpu.memory_space<vmem>> -> memref<128xi32, #tpu.memory_space<vmem>>
        %dma_start3A_56 = arith.constant 0 : i32
        %dma_start3A_57 = arith.constant 0 : i32
        %dma_start3A_58 = tpu.memref_slice %arg7[%dma_start3A_56, %dma_start3A_57] : memref<10240x128xf32, #tpu.memory_space<vmem_shared>> -> memref<10240x128xf32, #tpu.memory_space<vmem_shared>>
        tpu.enqueue_indirect_dma source(%arg9 : memref<128x128xf32, #tpu.memory_space<vmem>>) target(%dma_start3A_58 : memref<10240x128xf32, #tpu.memory_space<vmem_shared>>) offsets(%dma_start3A_55 : memref<128xi32, #tpu.memory_space<vmem>>) semaphore(%run_scoped3A : memref<!tpu.dma_semaphore, #tpu.memory_space<semaphore_mem>>) {add = true}
        %dma_wait3A_59 = arith.constant 0 : i32
        %dma_wait3A_60 = tpu.memref_slice %arg11[%add3A_39, %dma_wait3A_59] : memref<40x128xi32, #tpu.memory_space<vmem>> -> memref<1x128xi32, #tpu.memory_space<vmem>>
        %dma_wait3A_61 = tpu.memref_squeeze %dma_wait3A_60 : memref<1x128xi32, #tpu.memory_space<vmem>> -> memref<128xi32, #tpu.memory_space<vmem>>
        %dma_wait3A_62 = arith.constant 0 : i32
        %dma_wait3A_63 = arith.constant 0 : i32
        %dma_wait3A_64 = tpu.memref_slice %arg7[%dma_wait3A_62, %dma_wait3A_63] : memref<10240x128xf32, #tpu.memory_space<vmem_shared>> -> memref<10240x128xf32, #tpu.memory_space<vmem_shared>>
        tpu.wait_indirect_dma semaphore(%run_scoped3A : memref<!tpu.dma_semaphore, #tpu.memory_space<semaphore_mem>>) src(%arg9 : memref<128x128xf32, #tpu.memory_space<vmem>>) dst(%dma_wait3A_64 : memref<10240x128xf32, #tpu.memory_space<vmem_shared>>)
        tpu.yield
      }) : () -> ()
      %add3A_46 = arith.constant 2 : i32
      %add3A_47 = arith.addi %add3A_39, %add3A_46 : i32
      %lt3A_48 = arith.constant 40 : i32
      %lt3A_49 = arith.cmpi slt, %add3A_47, %lt3A_48 : i32
      %convert_element_type3A_50 = arith.extui %lt3A_49 : i1 to i32
      %cond3A_51 = arith.constant 0 : i32
      %cond3A_52 = arith.cmpi ne, %convert_element_type3A_50, %cond3A_51 : i32
      scf.if %cond3A_52 {
        %add3A_53 = arith.constant 2 : i32
        %add3A_54 = arith.addi %add3A_39, %add3A_53 : i32
        %dma_start3A_55 = arith.constant 0 : i32
        %dma_start3A_56 = tpu.memref_slice %arg10[%add3A_54, %dma_start3A_55] : memref<40x128xi32, #tpu.memory_space<vmem>> -> memref<1x128xi32, #tpu.memory_space<vmem>>
        %dma_start3A_57 = tpu.memref_squeeze %dma_start3A_56 : memref<1x128xi32, #tpu.memory_space<vmem>> -> memref<128xi32, #tpu.memory_space<vmem>>
        %dma_start3A_58 = arith.constant 0 : i32
        %dma_start3A_59 = arith.constant 0 : i32
        %dma_start3A_60 = tpu.memref_slice %arg2[%dma_start3A_58, %dma_start3A_59] : memref<10240x128xf32, #tpu.memory_space<hbm>> -> memref<10240x128xf32, #tpu.memory_space<hbm>>
        tpu.enqueue_indirect_dma source(%dma_start3A_60 : memref<10240x128xf32, #tpu.memory_space<hbm>>) target(%arg9 : memref<128x128xf32, #tpu.memory_space<vmem>>) offsets(%dma_start3A_57 : memref<128xi32, #tpu.memory_space<vmem>>) semaphore(%arg13 : memref<!tpu.dma_semaphore, #tpu.memory_space<semaphore_mem>>)
      } else {
      }
    }
    %scan3A_20 = arith.constant 20 : i32
    %barrier3A_21 = arith.constant 0 : index
    tpu.barrier barrier_id(%barrier3A_21)
    "tpu.region"() ({
      %run_scoped3A = tpu.sem_alloc : memref<!tpu.dma_semaphore, #tpu.memory_space<semaphore_mem>>
      %dma_start3A_22 = arith.constant 0 : i32
      %dma_start3A_23 = arith.constant 0 : i32
      %dma_start3A_24 = tpu.memref_slice %arg6[%arg0, %dma_start3A_22, %dma_start3A_23] : memref<2x10240x128xf32, #tpu.memory_space<hbm>> -> memref<1x10240x128xf32, #tpu.memory_space<hbm>>
      %dma_start3A_25 = tpu.memref_squeeze %dma_start3A_24 : memref<1x10240x128xf32, #tpu.memory_space<hbm>> -> memref<10240x128xf32, #tpu.memory_space<hbm>>
      %dma_start3A_26 = arith.constant 0 : i32
      %dma_start3A_27 = tpu.memref_slice %dma_start3A_25[%mul3A_2, %dma_start3A_26] : memref<10240x128xf32, #tpu.memory_space<hbm>> -> memref<640x128xf32, #tpu.memory_space<hbm>>
      %dma_start3A_28 = arith.constant 0 : i32
      %dma_start3A_29 = tpu.memref_slice %arg7[%mul3A_2, %dma_start3A_28] : memref<10240x128xf32, #tpu.memory_space<vmem_shared>> -> memref<640x128xf32, #tpu.memory_space<vmem_shared>>
      tpu.enqueue_dma source(%dma_start3A_29 : memref<640x128xf32, #tpu.memory_space<vmem_shared>>) target(%dma_start3A_27 : memref<640x128xf32, #tpu.memory_space<hbm>>) target_semaphore(%run_scoped3A : memref<!tpu.dma_semaphore, #tpu.memory_space<semaphore_mem>>)
      %dma_wait3A = arith.constant 0 : i32
      %dma_wait3A_30 = arith.constant 0 : i32
      %dma_wait3A_31 = tpu.memref_slice %arg6[%arg0, %dma_wait3A, %dma_wait3A_30] : memref<2x10240x128xf32, #tpu.memory_space<hbm>> -> memref<1x10240x128xf32, #tpu.memory_space<hbm>>
      %dma_wait3A_32 = tpu.memref_squeeze %dma_wait3A_31 : memref<1x10240x128xf32, #tpu.memory_space<hbm>> -> memref<10240x128xf32, #tpu.memory_space<hbm>>
      %dma_wait3A_33 = arith.constant 0 : i32
      %dma_wait3A_34 = tpu.memref_slice %dma_wait3A_32[%mul3A_2, %dma_wait3A_33] : memref<10240x128xf32, #tpu.memory_space<hbm>> -> memref<640x128xf32, #tpu.memory_space<hbm>>
      %dma_wait3A_35 = arith.constant 0 : i32
      %dma_wait3A_36 = tpu.memref_slice %arg7[%mul3A_2, %dma_wait3A_35] : memref<10240x128xf32, #tpu.memory_space<vmem_shared>> -> memref<640x128xf32, #tpu.memory_space<vmem_shared>>
      tpu.wait_dma2 semaphore(%run_scoped3A : memref<!tpu.dma_semaphore, #tpu.memory_space<semaphore_mem>>) src(%dma_wait3A_36 : memref<640x128xf32, #tpu.memory_space<vmem_shared>>) dst(%dma_wait3A_34 : memref<640x128xf32, #tpu.memory_space<hbm>>)
      tpu.yield
    }) : () -> ()
    return
  }
}

#map = affine_map<(d0, d1) -> (0, 0)>
#map1 = affine_map<(d0, d1) -> (0, 0, 0)>
module attributes {stable_mosaic.version = 14 : i64} {
  func.func @_step_kernel(%arg0: i32, %arg1: i32, %arg2: memref<10240x128xf32, #tpu.memory_space<hbm>>, %arg3: memref<32x40x128xi32, #tpu.memory_space<hbm>>, %arg4: memref<32x40x128xi32, #tpu.memory_space<hbm>>, %arg5: memref<10240x128xf32, #tpu.memory_space<hbm>>, %arg6: memref<2x10240x128xf32, #tpu.memory_space<hbm>>, %arg7: memref<10240x128xf32, #tpu.memory_space<vmem_shared>>, %arg8: memref<128x128xf32, #tpu.memory_space<vmem>>, %arg9: memref<128x128xf32, #tpu.memory_space<vmem>>, %arg10: memref<40x128xi32, #tpu.memory_space<vmem>>, %arg11: memref<40x128xi32, #tpu.memory_space<vmem>>, %arg12: memref<!tpu.dma_semaphore, #tpu.memory_space<semaphore_mem>>, %arg13: memref<!tpu.dma_semaphore, #tpu.memory_space<semaphore_mem>>) attributes {dimension_semantics = [#tpu.dimension_semantics<core_parallel>, #tpu.dimension_semantics<subcore_parallel>], iteration_bounds = array<i64: 2, 16>, scalar_prefetch = 0 : i64, scratch_operands = 7 : i64, tpu.core_type = #tpu.core_type<sc_vector_subcore>, window_params = [{transform_indices = #map}, {transform_indices = #map1}, {transform_indices = #map1}, {transform_indices = #map}, {transform_indices = #map1}]} {
    %mul3A = arith.constant 16 : i32
    %mul3A_0 = arith.muli %arg0, %mul3A : i32
    %add3A = arith.addi %mul3A_0, %arg1 : i32
    %mul3A_1 = arith.constant 640 : i32
    %mul3A_2 = arith.muli %arg1, %mul3A_1 : i32
    "tpu.region"() ({
      %run_scoped3A = tpu.sem_alloc : memref<!tpu.dma_semaphore, #tpu.memory_space<semaphore_mem>>
      %dma_start3A_22 = arith.constant 0 : i32
      %dma_start3A_23 = tpu.memref_slice %arg7[%mul3A_2, %dma_start3A_22] : memref<10240x128xf32, #tpu.memory_space<vmem_shared>> -> memref<640x128xf32, #tpu.memory_space<vmem_shared>>
      %dma_start3A_24 = arith.constant 0 : i32
      %dma_start3A_25 = tpu.memref_slice %arg5[%mul3A_2, %dma_start3A_24] : memref<10240x128xf32, #tpu.memory_space<hbm>> -> memref<640x128xf32, #tpu.memory_space<hbm>>
      tpu.enqueue_dma source(%dma_start3A_25 : memref<640x128xf32, #tpu.memory_space<hbm>>) target(%dma_start3A_23 : memref<640x128xf32, #tpu.memory_space<vmem_shared>>) target_semaphore(%run_scoped3A : memref<!tpu.dma_semaphore, #tpu.memory_space<semaphore_mem>>)
      %dma_wait3A = arith.constant 0 : i32
      %dma_wait3A_26 = tpu.memref_slice %arg7[%mul3A_2, %dma_wait3A] : memref<10240x128xf32, #tpu.memory_space<vmem_shared>> -> memref<640x128xf32, #tpu.memory_space<vmem_shared>>
      %dma_wait3A_27 = arith.constant 0 : i32
      %dma_wait3A_28 = tpu.memref_slice %arg5[%mul3A_2, %dma_wait3A_27] : memref<10240x128xf32, #tpu.memory_space<hbm>> -> memref<640x128xf32, #tpu.memory_space<hbm>>
      tpu.wait_dma2 semaphore(%run_scoped3A : memref<!tpu.dma_semaphore, #tpu.memory_space<semaphore_mem>>) src(%dma_wait3A_28 : memref<640x128xf32, #tpu.memory_space<hbm>>) dst(%dma_wait3A_26 : memref<640x128xf32, #tpu.memory_space<vmem_shared>>)
      tpu.yield
    }) : () -> ()
    "tpu.region"() ({
      %run_scoped3A = tpu.sem_alloc : memref<!tpu.dma_semaphore, #tpu.memory_space<semaphore_mem>>
      %dma_start3A_22 = arith.constant 0 : i32
      %dma_start3A_23 = arith.constant 0 : i32
      %dma_start3A_24 = tpu.memref_slice %arg3[%add3A, %dma_start3A_22, %dma_start3A_23] : memref<32x40x128xi32, #tpu.memory_space<hbm>> -> memref<1x40x128xi32, #tpu.memory_space<hbm>>
      %dma_start3A_25 = tpu.memref_squeeze %dma_start3A_24 : memref<1x40x128xi32, #tpu.memory_space<hbm>> -> memref<40x128xi32, #tpu.memory_space<hbm>>
      %dma_start3A_26 = arith.constant 0 : i32
      %dma_start3A_27 = arith.constant 0 : i32
      %dma_start3A_28 = tpu.memref_slice %arg3[%add3A, %dma_start3A_26, %dma_start3A_27] : memref<32x40x128xi32, #tpu.memory_space<hbm>> -> memref<1x40x128xi32, #tpu.memory_space<hbm>>
      %dma_start3A_29 = tpu.memref_squeeze %dma_start3A_28 : memref<1x40x128xi32, #tpu.memory_space<hbm>> -> memref<40x128xi32, #tpu.memory_space<hbm>>
      tpu.enqueue_dma source(%dma_start3A_29 : memref<40x128xi32, #tpu.memory_space<hbm>>) target(%arg10 : memref<40x128xi32, #tpu.memory_space<vmem>>) target_semaphore(%run_scoped3A : memref<!tpu.dma_semaphore, #tpu.memory_space<semaphore_mem>>)
      %dma_wait3A = arith.constant 0 : i32
      %dma_wait3A_30 = arith.constant 0 : i32
      %dma_wait3A_31 = tpu.memref_slice %arg3[%add3A, %dma_wait3A, %dma_wait3A_30] : memref<32x40x128xi32, #tpu.memory_space<hbm>> -> memref<1x40x128xi32, #tpu.memory_space<hbm>>
      %dma_wait3A_32 = tpu.memref_squeeze %dma_wait3A_31 : memref<1x40x128xi32, #tpu.memory_space<hbm>> -> memref<40x128xi32, #tpu.memory_space<hbm>>
      %dma_wait3A_33 = arith.constant 0 : i32
      %dma_wait3A_34 = arith.constant 0 : i32
      %dma_wait3A_35 = tpu.memref_slice %arg3[%add3A, %dma_wait3A_33, %dma_wait3A_34] : memref<32x40x128xi32, #tpu.memory_space<hbm>> -> memref<1x40x128xi32, #tpu.memory_space<hbm>>
      %dma_wait3A_36 = tpu.memref_squeeze %dma_wait3A_35 : memref<1x40x128xi32, #tpu.memory_space<hbm>> -> memref<40x128xi32, #tpu.memory_space<hbm>>
      tpu.wait_dma2 semaphore(%run_scoped3A : memref<!tpu.dma_semaphore, #tpu.memory_space<semaphore_mem>>) src(%dma_wait3A_36 : memref<40x128xi32, #tpu.memory_space<hbm>>) dst(%arg10 : memref<40x128xi32, #tpu.memory_space<vmem>>)
      tpu.yield
    }) : () -> ()
    "tpu.region"() ({
      %run_scoped3A = tpu.sem_alloc : memref<!tpu.dma_semaphore, #tpu.memory_space<semaphore_mem>>
      %dma_start3A_22 = arith.constant 0 : i32
      %dma_start3A_23 = arith.constant 0 : i32
      %dma_start3A_24 = tpu.memref_slice %arg4[%add3A, %dma_start3A_22, %dma_start3A_23] : memref<32x40x128xi32, #tpu.memory_space<hbm>> -> memref<1x40x128xi32, #tpu.memory_space<hbm>>
      %dma_start3A_25 = tpu.memref_squeeze %dma_start3A_24 : memref<1x40x128xi32, #tpu.memory_space<hbm>> -> memref<40x128xi32, #tpu.memory_space<hbm>>
      %dma_start3A_26 = arith.constant 0 : i32
      %dma_start3A_27 = arith.constant 0 : i32
      %dma_start3A_28 = tpu.memref_slice %arg4[%add3A, %dma_start3A_26, %dma_start3A_27] : memref<32x40x128xi32, #tpu.memory_space<hbm>> -> memref<1x40x128xi32, #tpu.memory_space<hbm>>
      %dma_start3A_29 = tpu.memref_squeeze %dma_start3A_28 : memref<1x40x128xi32, #tpu.memory_space<hbm>> -> memref<40x128xi32, #tpu.memory_space<hbm>>
      tpu.enqueue_dma source(%dma_start3A_29 : memref<40x128xi32, #tpu.memory_space<hbm>>) target(%arg11 : memref<40x128xi32, #tpu.memory_space<vmem>>) target_semaphore(%run_scoped3A : memref<!tpu.dma_semaphore, #tpu.memory_space<semaphore_mem>>)
      %dma_wait3A = arith.constant 0 : i32
      %dma_wait3A_30 = arith.constant 0 : i32
      %dma_wait3A_31 = tpu.memref_slice %arg4[%add3A, %dma_wait3A, %dma_wait3A_30] : memref<32x40x128xi32, #tpu.memory_space<hbm>> -> memref<1x40x128xi32, #tpu.memory_space<hbm>>
      %dma_wait3A_32 = tpu.memref_squeeze %dma_wait3A_31 : memref<1x40x128xi32, #tpu.memory_space<hbm>> -> memref<40x128xi32, #tpu.memory_space<hbm>>
      %dma_wait3A_33 = arith.constant 0 : i32
      %dma_wait3A_34 = arith.constant 0 : i32
      %dma_wait3A_35 = tpu.memref_slice %arg4[%add3A, %dma_wait3A_33, %dma_wait3A_34] : memref<32x40x128xi32, #tpu.memory_space<hbm>> -> memref<1x40x128xi32, #tpu.memory_space<hbm>>
      %dma_wait3A_36 = tpu.memref_squeeze %dma_wait3A_35 : memref<1x40x128xi32, #tpu.memory_space<hbm>> -> memref<40x128xi32, #tpu.memory_space<hbm>>
      tpu.wait_dma2 semaphore(%run_scoped3A : memref<!tpu.dma_semaphore, #tpu.memory_space<semaphore_mem>>) src(%dma_wait3A_36 : memref<40x128xi32, #tpu.memory_space<hbm>>) dst(%arg11 : memref<40x128xi32, #tpu.memory_space<vmem>>)
      tpu.yield
    }) : () -> ()
    %barrier3A = arith.constant 0 : index
    tpu.barrier barrier_id(%barrier3A)
    %dma_start3A = arith.constant 0 : i32
    %dma_start3A_3 = arith.constant 0 : i32
    %dma_start3A_4 = tpu.memref_slice %arg10[%dma_start3A, %dma_start3A_3] : memref<40x128xi32, #tpu.memory_space<vmem>> -> memref<1x128xi32, #tpu.memory_space<vmem>>
    %dma_start3A_5 = tpu.memref_squeeze %dma_start3A_4 : memref<1x128xi32, #tpu.memory_space<vmem>> -> memref<128xi32, #tpu.memory_space<vmem>>
    %dma_start3A_6 = arith.constant 0 : i32
    %dma_start3A_7 = arith.constant 0 : i32
    %dma_start3A_8 = tpu.memref_slice %arg2[%dma_start3A_6, %dma_start3A_7] : memref<10240x128xf32, #tpu.memory_space<hbm>> -> memref<10240x128xf32, #tpu.memory_space<hbm>>
    tpu.enqueue_indirect_dma source(%dma_start3A_8 : memref<10240x128xf32, #tpu.memory_space<hbm>>) target(%arg8 : memref<128x128xf32, #tpu.memory_space<vmem>>) offsets(%dma_start3A_5 : memref<128xi32, #tpu.memory_space<vmem>>) semaphore(%arg12 : memref<!tpu.dma_semaphore, #tpu.memory_space<semaphore_mem>>)
    %dma_start3A_9 = arith.constant 1 : i32
    %dma_start3A_10 = arith.constant 0 : i32
    %dma_start3A_11 = tpu.memref_slice %arg10[%dma_start3A_9, %dma_start3A_10] : memref<40x128xi32, #tpu.memory_space<vmem>> -> memref<1x128xi32, #tpu.memory_space<vmem>>
    %dma_start3A_12 = tpu.memref_squeeze %dma_start3A_11 : memref<1x128xi32, #tpu.memory_space<vmem>> -> memref<128xi32, #tpu.memory_space<vmem>>
    %dma_start3A_13 = arith.constant 0 : i32
    %dma_start3A_14 = arith.constant 0 : i32
    %dma_start3A_15 = tpu.memref_slice %arg2[%dma_start3A_13, %dma_start3A_14] : memref<10240x128xf32, #tpu.memory_space<hbm>> -> memref<10240x128xf32, #tpu.memory_space<hbm>>
    tpu.enqueue_indirect_dma source(%dma_start3A_15 : memref<10240x128xf32, #tpu.memory_space<hbm>>) target(%arg9 : memref<128x128xf32, #tpu.memory_space<vmem>>) offsets(%dma_start3A_12 : memref<128xi32, #tpu.memory_space<vmem>>) semaphore(%arg13 : memref<!tpu.dma_semaphore, #tpu.memory_space<semaphore_mem>>)
    %scan3A = arith.constant 0 : i32
    %scan3A_16 = arith.constant 0 : i32
    %scan3A_17 = arith.constant 20 : i32
    %scan3A_18 = arith.addi %scan3A_16, %scan3A_17 : i32
    %scan3A_19 = arith.constant 1 : i32
    scf.for %scan3A_22 = %scan3A_16 to %scan3A_18 step %scan3A_19  : i32 {
      %mul3A_23 = arith.constant 2 : i32
      %mul3A_24 = arith.muli %scan3A_22, %mul3A_23 : i32
      %add3A_25 = arith.constant 0 : i32
      %add3A_26 = arith.addi %mul3A_24, %add3A_25 : i32
      %dma_wait3A = arith.constant 0 : i32
      %dma_wait3A_27 = tpu.memref_slice %arg10[%add3A_26, %dma_wait3A] : memref<40x128xi32, #tpu.memory_space<vmem>> -> memref<1x128xi32, #tpu.memory_space<vmem>>
      %dma_wait3A_28 = tpu.memref_squeeze %dma_wait3A_27 : memref<1x128xi32, #tpu.memory_space<vmem>> -> memref<128xi32, #tpu.memory_space<vmem>>
      %dma_wait3A_29 = arith.constant 0 : i32
      %dma_wait3A_30 = arith.constant 0 : i32
      %dma_wait3A_31 = tpu.memref_slice %arg2[%dma_wait3A_29, %dma_wait3A_30] : memref<10240x128xf32, #tpu.memory_space<hbm>> -> memref<10240x128xf32, #tpu.memory_space<hbm>>
      tpu.wait_indirect_dma semaphore(%arg12 : memref<!tpu.dma_semaphore, #tpu.memory_space<semaphore_mem>>) src(%dma_wait3A_31 : memref<10240x128xf32, #tpu.memory_space<hbm>>) dst(%arg8 : memref<128x128xf32, #tpu.memory_space<vmem>>)
      "tpu.region"() ({
        %run_scoped3A = tpu.sem_alloc : memref<!tpu.dma_semaphore, #tpu.memory_space<semaphore_mem>>
        %dma_start3A_53 = arith.constant 0 : i32
        %dma_start3A_54 = tpu.memref_slice %arg11[%add3A_26, %dma_start3A_53] : memref<40x128xi32, #tpu.memory_space<vmem>> -> memref<1x128xi32, #tpu.memory_space<vmem>>
        %dma_start3A_55 = tpu.memref_squeeze %dma_start3A_54 : memref<1x128xi32, #tpu.memory_space<vmem>> -> memref<128xi32, #tpu.memory_space<vmem>>
        %dma_start3A_56 = arith.constant 0 : i32
        %dma_start3A_57 = arith.constant 0 : i32
        %dma_start3A_58 = tpu.memref_slice %arg7[%dma_start3A_56, %dma_start3A_57] : memref<10240x128xf32, #tpu.memory_space<vmem_shared>> -> memref<10240x128xf32, #tpu.memory_space<vmem_shared>>
        tpu.enqueue_indirect_dma source(%arg8 : memref<128x128xf32, #tpu.memory_space<vmem>>) target(%dma_start3A_58 : memref<10240x128xf32, #tpu.memory_space<vmem_shared>>) offsets(%dma_start3A_55 : memref<128xi32, #tpu.memory_space<vmem>>) semaphore(%run_scoped3A : memref<!tpu.dma_semaphore, #tpu.memory_space<semaphore_mem>>) {add = true}
        %dma_wait3A_59 = arith.constant 0 : i32
        %dma_wait3A_60 = tpu.memref_slice %arg11[%add3A_26, %dma_wait3A_59] : memref<40x128xi32, #tpu.memory_space<vmem>> -> memref<1x128xi32, #tpu.memory_space<vmem>>
        %dma_wait3A_61 = tpu.memref_squeeze %dma_wait3A_60 : memref<1x128xi32, #tpu.memory_space<vmem>> -> memref<128xi32, #tpu.memory_space<vmem>>
        %dma_wait3A_62 = arith.constant 0 : i32
        %dma_wait3A_63 = arith.constant 0 : i32
        %dma_wait3A_64 = tpu.memref_slice %arg7[%dma_wait3A_62, %dma_wait3A_63] : memref<10240x128xf32, #tpu.memory_space<vmem_shared>> -> memref<10240x128xf32, #tpu.memory_space<vmem_shared>>
        tpu.wait_indirect_dma semaphore(%run_scoped3A : memref<!tpu.dma_semaphore, #tpu.memory_space<semaphore_mem>>) src(%arg8 : memref<128x128xf32, #tpu.memory_space<vmem>>) dst(%dma_wait3A_64 : memref<10240x128xf32, #tpu.memory_space<vmem_shared>>)
        tpu.yield
      }) : () -> ()
      %add3A_32 = arith.constant 2 : i32
      %add3A_33 = arith.addi %add3A_26, %add3A_32 : i32
      %lt3A = arith.constant 40 : i32
      %lt3A_34 = arith.cmpi slt, %add3A_33, %lt3A : i32
      %convert_element_type3A = arith.extui %lt3A_34 : i1 to i32
      %cond3A = arith.constant 0 : i32
      %cond3A_35 = arith.cmpi ne, %convert_element_type3A, %cond3A : i32
      scf.if %cond3A_35 {
        %add3A_53 = arith.constant 2 : i32
        %add3A_54 = arith.addi %add3A_26, %add3A_53 : i32
        %dma_start3A_55 = arith.constant 0 : i32
        %dma_start3A_56 = tpu.memref_slice %arg10[%add3A_54, %dma_start3A_55] : memref<40x128xi32, #tpu.memory_space<vmem>> -> memref<1x128xi32, #tpu.memory_space<vmem>>
        %dma_start3A_57 = tpu.memref_squeeze %dma_start3A_56 : memref<1x128xi32, #tpu.memory_space<vmem>> -> memref<128xi32, #tpu.memory_space<vmem>>
        %dma_start3A_58 = arith.constant 0 : i32
        %dma_start3A_59 = arith.constant 0 : i32
        %dma_start3A_60 = tpu.memref_slice %arg2[%dma_start3A_58, %dma_start3A_59] : memref<10240x128xf32, #tpu.memory_space<hbm>> -> memref<10240x128xf32, #tpu.memory_space<hbm>>
        tpu.enqueue_indirect_dma source(%dma_start3A_60 : memref<10240x128xf32, #tpu.memory_space<hbm>>) target(%arg8 : memref<128x128xf32, #tpu.memory_space<vmem>>) offsets(%dma_start3A_57 : memref<128xi32, #tpu.memory_space<vmem>>) semaphore(%arg12 : memref<!tpu.dma_semaphore, #tpu.memory_space<semaphore_mem>>)
      } else {
      }
      %mul3A_36 = arith.constant 2 : i32
      %mul3A_37 = arith.muli %scan3A_22, %mul3A_36 : i32
      %add3A_38 = arith.constant 1 : i32
      %add3A_39 = arith.addi %mul3A_37, %add3A_38 : i32
      %dma_wait3A_40 = arith.constant 0 : i32
      %dma_wait3A_41 = tpu.memref_slice %arg10[%add3A_39, %dma_wait3A_40] : memref<40x128xi32, #tpu.memory_space<vmem>> -> memref<1x128xi32, #tpu.memory_space<vmem>>
      %dma_wait3A_42 = tpu.memref_squeeze %dma_wait3A_41 : memref<1x128xi32, #tpu.memory_space<vmem>> -> memref<128xi32, #tpu.memory_space<vmem>>
      %dma_wait3A_43 = arith.constant 0 : i32
      %dma_wait3A_44 = arith.constant 0 : i32
      %dma_wait3A_45 = tpu.memref_slice %arg2[%dma_wait3A_43, %dma_wait3A_44] : memref<10240x128xf32, #tpu.memory_space<hbm>> -> memref<10240x128xf32, #tpu.memory_space<hbm>>
      tpu.wait_indirect_dma semaphore(%arg13 : memref<!tpu.dma_semaphore, #tpu.memory_space<semaphore_mem>>) src(%dma_wait3A_45 : memref<10240x128xf32, #tpu.memory_space<hbm>>) dst(%arg9 : memref<128x128xf32, #tpu.memory_space<vmem>>)
      "tpu.region"() ({
        %run_scoped3A = tpu.sem_alloc : memref<!tpu.dma_semaphore, #tpu.memory_space<semaphore_mem>>
        %dma_start3A_53 = arith.constant 0 : i32
        %dma_start3A_54 = tpu.memref_slice %arg11[%add3A_39, %dma_start3A_53] : memref<40x128xi32, #tpu.memory_space<vmem>> -> memref<1x128xi32, #tpu.memory_space<vmem>>
        %dma_start3A_55 = tpu.memref_squeeze %dma_start3A_54 : memref<1x128xi32, #tpu.memory_space<vmem>> -> memref<128xi32, #tpu.memory_space<vmem>>
        %dma_start3A_56 = arith.constant 0 : i32
        %dma_start3A_57 = arith.constant 0 : i32
        %dma_start3A_58 = tpu.memref_slice %arg7[%dma_start3A_56, %dma_start3A_57] : memref<10240x128xf32, #tpu.memory_space<vmem_shared>> -> memref<10240x128xf32, #tpu.memory_space<vmem_shared>>
        tpu.enqueue_indirect_dma source(%arg9 : memref<128x128xf32, #tpu.memory_space<vmem>>) target(%dma_start3A_58 : memref<10240x128xf32, #tpu.memory_space<vmem_shared>>) offsets(%dma_start3A_55 : memref<128xi32, #tpu.memory_space<vmem>>) semaphore(%run_scoped3A : memref<!tpu.dma_semaphore, #tpu.memory_space<semaphore_mem>>) {add = true}
        %dma_wait3A_59 = arith.constant 0 : i32
        %dma_wait3A_60 = tpu.memref_slice %arg11[%add3A_39, %dma_wait3A_59] : memref<40x128xi32, #tpu.memory_space<vmem>> -> memref<1x128xi32, #tpu.memory_space<vmem>>
        %dma_wait3A_61 = tpu.memref_squeeze %dma_wait3A_60 : memref<1x128xi32, #tpu.memory_space<vmem>> -> memref<128xi32, #tpu.memory_space<vmem>>
        %dma_wait3A_62 = arith.constant 0 : i32
        %dma_wait3A_63 = arith.constant 0 : i32
        %dma_wait3A_64 = tpu.memref_slice %arg7[%dma_wait3A_62, %dma_wait3A_63] : memref<10240x128xf32, #tpu.memory_space<vmem_shared>> -> memref<10240x128xf32, #tpu.memory_space<vmem_shared>>
        tpu.wait_indirect_dma semaphore(%run_scoped3A : memref<!tpu.dma_semaphore, #tpu.memory_space<semaphore_mem>>) src(%arg9 : memref<128x128xf32, #tpu.memory_space<vmem>>) dst(%dma_wait3A_64 : memref<10240x128xf32, #tpu.memory_space<vmem_shared>>)
        tpu.yield
      }) : () -> ()
      %add3A_46 = arith.constant 2 : i32
      %add3A_47 = arith.addi %add3A_39, %add3A_46 : i32
      %lt3A_48 = arith.constant 40 : i32
      %lt3A_49 = arith.cmpi slt, %add3A_47, %lt3A_48 : i32
      %convert_element_type3A_50 = arith.extui %lt3A_49 : i1 to i32
      %cond3A_51 = arith.constant 0 : i32
      %cond3A_52 = arith.cmpi ne, %convert_element_type3A_50, %cond3A_51 : i32
      scf.if %cond3A_52 {
        %add3A_53 = arith.constant 2 : i32
        %add3A_54 = arith.addi %add3A_39, %add3A_53 : i32
        %dma_start3A_55 = arith.constant 0 : i32
        %dma_start3A_56 = tpu.memref_slice %arg10[%add3A_54, %dma_start3A_55] : memref<40x128xi32, #tpu.memory_space<vmem>> -> memref<1x128xi32, #tpu.memory_space<vmem>>
        %dma_start3A_57 = tpu.memref_squeeze %dma_start3A_56 : memref<1x128xi32, #tpu.memory_space<vmem>> -> memref<128xi32, #tpu.memory_space<vmem>>
        %dma_start3A_58 = arith.constant 0 : i32
        %dma_start3A_59 = arith.constant 0 : i32
        %dma_start3A_60 = tpu.memref_slice %arg2[%dma_start3A_58, %dma_start3A_59] : memref<10240x128xf32, #tpu.memory_space<hbm>> -> memref<10240x128xf32, #tpu.memory_space<hbm>>
        tpu.enqueue_indirect_dma source(%dma_start3A_60 : memref<10240x128xf32, #tpu.memory_space<hbm>>) target(%arg9 : memref<128x128xf32, #tpu.memory_space<vmem>>) offsets(%dma_start3A_57 : memref<128xi32, #tpu.memory_space<vmem>>) semaphore(%arg13 : memref<!tpu.dma_semaphore, #tpu.memory_space<semaphore_mem>>)
      } else {
      }
    }
    %scan3A_20 = arith.constant 20 : i32
    %barrier3A_21 = arith.constant 0 : index
    tpu.barrier barrier_id(%barrier3A_21)
    "tpu.region"() ({
      %run_scoped3A = tpu.sem_alloc : memref<!tpu.dma_semaphore, #tpu.memory_space<semaphore_mem>>
      %dma_start3A_22 = arith.constant 0 : i32
      %dma_start3A_23 = arith.constant 0 : i32
      %dma_start3A_24 = tpu.memref_slice %arg6[%arg0, %dma_start3A_22, %dma_start3A_23] : memref<2x10240x128xf32, #tpu.memory_space<hbm>> -> memref<1x10240x128xf32, #tpu.memory_space<hbm>>
      %dma_start3A_25 = tpu.memref_squeeze %dma_start3A_24 : memref<1x10240x128xf32, #tpu.memory_space<hbm>> -> memref<10240x128xf32, #tpu.memory_space<hbm>>
      %dma_start3A_26 = arith.constant 0 : i32
      %dma_start3A_27 = tpu.memref_slice %dma_start3A_25[%mul3A_2, %dma_start3A_26] : memref<10240x128xf32, #tpu.memory_space<hbm>> -> memref<640x128xf32, #tpu.memory_space<hbm>>
      %dma_start3A_28 = arith.constant 0 : i32
      %dma_start3A_29 = tpu.memref_slice %arg7[%mul3A_2, %dma_start3A_28] : memref<10240x128xf32, #tpu.memory_space<vmem_shared>> -> memref<640x128xf32, #tpu.memory_space<vmem_shared>>
      tpu.enqueue_dma source(%dma_start3A_29 : memref<640x128xf32, #tpu.memory_space<vmem_shared>>) target(%dma_start3A_27 : memref<640x128xf32, #tpu.memory_space<hbm>>) target_semaphore(%run_scoped3A : memref<!tpu.dma_semaphore, #tpu.memory_space<semaphore_mem>>)
      %dma_wait3A = arith.constant 0 : i32
      %dma_wait3A_30 = arith.constant 0 : i32
      %dma_wait3A_31 = tpu.memref_slice %arg6[%arg0, %dma_wait3A, %dma_wait3A_30] : memref<2x10240x128xf32, #tpu.memory_space<hbm>> -> memref<1x10240x128xf32, #tpu.memory_space<hbm>>
      %dma_wait3A_32 = tpu.memref_squeeze %dma_wait3A_31 : memref<1x10240x128xf32, #tpu.memory_space<hbm>> -> memref<10240x128xf32, #tpu.memory_space<hbm>>
      %dma_wait3A_33 = arith.constant 0 : i32
      %dma_wait3A_34 = tpu.memref_slice %dma_wait3A_32[%mul3A_2, %dma_wait3A_33] : memref<10240x128xf32, #tpu.memory_space<hbm>> -> memref<640x128xf32, #tpu.memory_space<hbm>>
      %dma_wait3A_35 = arith.constant 0 : i32
      %dma_wait3A_36 = tpu.memref_slice %arg7[%mul3A_2, %dma_wait3A_35] : memref<10240x128xf32, #tpu.memory_space<vmem_shared>> -> memref<640x128xf32, #tpu.memory_space<vmem_shared>>
      tpu.wait_dma2 semaphore(%run_scoped3A : memref<!tpu.dma_semaphore, #tpu.memory_space<semaphore_mem>>) src(%dma_wait3A_36 : memref<640x128xf32, #tpu.memory_space<vmem_shared>>) dst(%dma_wait3A_34 : memref<640x128xf32, #tpu.memory_space<hbm>>)
      tpu.yield
    }) : () -> ()
    return
  }
}

#map = affine_map<(d0, d1) -> (0, 0)>
#map1 = affine_map<(d0, d1) -> (0, 0, 0)>
module attributes {stable_mosaic.version = 14 : i64} {
  func.func @_step_kernel(%arg0: i32, %arg1: i32, %arg2: memref<10240x128xf32, #tpu.memory_space<hbm>>, %arg3: memref<32x40x128xi32, #tpu.memory_space<hbm>>, %arg4: memref<32x40x128xi32, #tpu.memory_space<hbm>>, %arg5: memref<10240x128xf32, #tpu.memory_space<hbm>>, %arg6: memref<2x10240x128xf32, #tpu.memory_space<hbm>>, %arg7: memref<10240x128xf32, #tpu.memory_space<vmem_shared>>, %arg8: memref<128x128xf32, #tpu.memory_space<vmem>>, %arg9: memref<128x128xf32, #tpu.memory_space<vmem>>, %arg10: memref<40x128xi32, #tpu.memory_space<vmem>>, %arg11: memref<40x128xi32, #tpu.memory_space<vmem>>, %arg12: memref<!tpu.dma_semaphore, #tpu.memory_space<semaphore_mem>>, %arg13: memref<!tpu.dma_semaphore, #tpu.memory_space<semaphore_mem>>) attributes {dimension_semantics = [#tpu.dimension_semantics<core_parallel>, #tpu.dimension_semantics<subcore_parallel>], iteration_bounds = array<i64: 2, 16>, scalar_prefetch = 0 : i64, scratch_operands = 7 : i64, tpu.core_type = #tpu.core_type<sc_vector_subcore>, window_params = [{transform_indices = #map}, {transform_indices = #map1}, {transform_indices = #map1}, {transform_indices = #map}, {transform_indices = #map1}]} {
    %mul3A = arith.constant 16 : i32
    %mul3A_0 = arith.muli %arg0, %mul3A : i32
    %add3A = arith.addi %mul3A_0, %arg1 : i32
    %mul3A_1 = arith.constant 640 : i32
    %mul3A_2 = arith.muli %arg1, %mul3A_1 : i32
    "tpu.region"() ({
      %run_scoped3A = tpu.sem_alloc : memref<!tpu.dma_semaphore, #tpu.memory_space<semaphore_mem>>
      %dma_start3A_22 = arith.constant 0 : i32
      %dma_start3A_23 = tpu.memref_slice %arg7[%mul3A_2, %dma_start3A_22] : memref<10240x128xf32, #tpu.memory_space<vmem_shared>> -> memref<640x128xf32, #tpu.memory_space<vmem_shared>>
      %dma_start3A_24 = arith.constant 0 : i32
      %dma_start3A_25 = tpu.memref_slice %arg5[%mul3A_2, %dma_start3A_24] : memref<10240x128xf32, #tpu.memory_space<hbm>> -> memref<640x128xf32, #tpu.memory_space<hbm>>
      tpu.enqueue_dma source(%dma_start3A_25 : memref<640x128xf32, #tpu.memory_space<hbm>>) target(%dma_start3A_23 : memref<640x128xf32, #tpu.memory_space<vmem_shared>>) target_semaphore(%run_scoped3A : memref<!tpu.dma_semaphore, #tpu.memory_space<semaphore_mem>>)
      %dma_wait3A = arith.constant 0 : i32
      %dma_wait3A_26 = tpu.memref_slice %arg7[%mul3A_2, %dma_wait3A] : memref<10240x128xf32, #tpu.memory_space<vmem_shared>> -> memref<640x128xf32, #tpu.memory_space<vmem_shared>>
      %dma_wait3A_27 = arith.constant 0 : i32
      %dma_wait3A_28 = tpu.memref_slice %arg5[%mul3A_2, %dma_wait3A_27] : memref<10240x128xf32, #tpu.memory_space<hbm>> -> memref<640x128xf32, #tpu.memory_space<hbm>>
      tpu.wait_dma2 semaphore(%run_scoped3A : memref<!tpu.dma_semaphore, #tpu.memory_space<semaphore_mem>>) src(%dma_wait3A_28 : memref<640x128xf32, #tpu.memory_space<hbm>>) dst(%dma_wait3A_26 : memref<640x128xf32, #tpu.memory_space<vmem_shared>>)
      tpu.yield
    }) : () -> ()
    "tpu.region"() ({
      %run_scoped3A = tpu.sem_alloc : memref<!tpu.dma_semaphore, #tpu.memory_space<semaphore_mem>>
      %dma_start3A_22 = arith.constant 0 : i32
      %dma_start3A_23 = arith.constant 0 : i32
      %dma_start3A_24 = tpu.memref_slice %arg3[%add3A, %dma_start3A_22, %dma_start3A_23] : memref<32x40x128xi32, #tpu.memory_space<hbm>> -> memref<1x40x128xi32, #tpu.memory_space<hbm>>
      %dma_start3A_25 = tpu.memref_squeeze %dma_start3A_24 : memref<1x40x128xi32, #tpu.memory_space<hbm>> -> memref<40x128xi32, #tpu.memory_space<hbm>>
      %dma_start3A_26 = arith.constant 0 : i32
      %dma_start3A_27 = arith.constant 0 : i32
      %dma_start3A_28 = tpu.memref_slice %arg3[%add3A, %dma_start3A_26, %dma_start3A_27] : memref<32x40x128xi32, #tpu.memory_space<hbm>> -> memref<1x40x128xi32, #tpu.memory_space<hbm>>
      %dma_start3A_29 = tpu.memref_squeeze %dma_start3A_28 : memref<1x40x128xi32, #tpu.memory_space<hbm>> -> memref<40x128xi32, #tpu.memory_space<hbm>>
      tpu.enqueue_dma source(%dma_start3A_29 : memref<40x128xi32, #tpu.memory_space<hbm>>) target(%arg10 : memref<40x128xi32, #tpu.memory_space<vmem>>) target_semaphore(%run_scoped3A : memref<!tpu.dma_semaphore, #tpu.memory_space<semaphore_mem>>)
      %dma_wait3A = arith.constant 0 : i32
      %dma_wait3A_30 = arith.constant 0 : i32
      %dma_wait3A_31 = tpu.memref_slice %arg3[%add3A, %dma_wait3A, %dma_wait3A_30] : memref<32x40x128xi32, #tpu.memory_space<hbm>> -> memref<1x40x128xi32, #tpu.memory_space<hbm>>
      %dma_wait3A_32 = tpu.memref_squeeze %dma_wait3A_31 : memref<1x40x128xi32, #tpu.memory_space<hbm>> -> memref<40x128xi32, #tpu.memory_space<hbm>>
      %dma_wait3A_33 = arith.constant 0 : i32
      %dma_wait3A_34 = arith.constant 0 : i32
      %dma_wait3A_35 = tpu.memref_slice %arg3[%add3A, %dma_wait3A_33, %dma_wait3A_34] : memref<32x40x128xi32, #tpu.memory_space<hbm>> -> memref<1x40x128xi32, #tpu.memory_space<hbm>>
      %dma_wait3A_36 = tpu.memref_squeeze %dma_wait3A_35 : memref<1x40x128xi32, #tpu.memory_space<hbm>> -> memref<40x128xi32, #tpu.memory_space<hbm>>
      tpu.wait_dma2 semaphore(%run_scoped3A : memref<!tpu.dma_semaphore, #tpu.memory_space<semaphore_mem>>) src(%dma_wait3A_36 : memref<40x128xi32, #tpu.memory_space<hbm>>) dst(%arg10 : memref<40x128xi32, #tpu.memory_space<vmem>>)
      tpu.yield
    }) : () -> ()
    "tpu.region"() ({
      %run_scoped3A = tpu.sem_alloc : memref<!tpu.dma_semaphore, #tpu.memory_space<semaphore_mem>>
      %dma_start3A_22 = arith.constant 0 : i32
      %dma_start3A_23 = arith.constant 0 : i32
      %dma_start3A_24 = tpu.memref_slice %arg4[%add3A, %dma_start3A_22, %dma_start3A_23] : memref<32x40x128xi32, #tpu.memory_space<hbm>> -> memref<1x40x128xi32, #tpu.memory_space<hbm>>
      %dma_start3A_25 = tpu.memref_squeeze %dma_start3A_24 : memref<1x40x128xi32, #tpu.memory_space<hbm>> -> memref<40x128xi32, #tpu.memory_space<hbm>>
      %dma_start3A_26 = arith.constant 0 : i32
      %dma_start3A_27 = arith.constant 0 : i32
      %dma_start3A_28 = tpu.memref_slice %arg4[%add3A, %dma_start3A_26, %dma_start3A_27] : memref<32x40x128xi32, #tpu.memory_space<hbm>> -> memref<1x40x128xi32, #tpu.memory_space<hbm>>
      %dma_start3A_29 = tpu.memref_squeeze %dma_start3A_28 : memref<1x40x128xi32, #tpu.memory_space<hbm>> -> memref<40x128xi32, #tpu.memory_space<hbm>>
      tpu.enqueue_dma source(%dma_start3A_29 : memref<40x128xi32, #tpu.memory_space<hbm>>) target(%arg11 : memref<40x128xi32, #tpu.memory_space<vmem>>) target_semaphore(%run_scoped3A : memref<!tpu.dma_semaphore, #tpu.memory_space<semaphore_mem>>)
      %dma_wait3A = arith.constant 0 : i32
      %dma_wait3A_30 = arith.constant 0 : i32
      %dma_wait3A_31 = tpu.memref_slice %arg4[%add3A, %dma_wait3A, %dma_wait3A_30] : memref<32x40x128xi32, #tpu.memory_space<hbm>> -> memref<1x40x128xi32, #tpu.memory_space<hbm>>
      %dma_wait3A_32 = tpu.memref_squeeze %dma_wait3A_31 : memref<1x40x128xi32, #tpu.memory_space<hbm>> -> memref<40x128xi32, #tpu.memory_space<hbm>>
      %dma_wait3A_33 = arith.constant 0 : i32
      %dma_wait3A_34 = arith.constant 0 : i32
      %dma_wait3A_35 = tpu.memref_slice %arg4[%add3A, %dma_wait3A_33, %dma_wait3A_34] : memref<32x40x128xi32, #tpu.memory_space<hbm>> -> memref<1x40x128xi32, #tpu.memory_space<hbm>>
      %dma_wait3A_36 = tpu.memref_squeeze %dma_wait3A_35 : memref<1x40x128xi32, #tpu.memory_space<hbm>> -> memref<40x128xi32, #tpu.memory_space<hbm>>
      tpu.wait_dma2 semaphore(%run_scoped3A : memref<!tpu.dma_semaphore, #tpu.memory_space<semaphore_mem>>) src(%dma_wait3A_36 : memref<40x128xi32, #tpu.memory_space<hbm>>) dst(%arg11 : memref<40x128xi32, #tpu.memory_space<vmem>>)
      tpu.yield
    }) : () -> ()
    %barrier3A = arith.constant 0 : index
    tpu.barrier barrier_id(%barrier3A)
    %dma_start3A = arith.constant 0 : i32
    %dma_start3A_3 = arith.constant 0 : i32
    %dma_start3A_4 = tpu.memref_slice %arg10[%dma_start3A, %dma_start3A_3] : memref<40x128xi32, #tpu.memory_space<vmem>> -> memref<1x128xi32, #tpu.memory_space<vmem>>
    %dma_start3A_5 = tpu.memref_squeeze %dma_start3A_4 : memref<1x128xi32, #tpu.memory_space<vmem>> -> memref<128xi32, #tpu.memory_space<vmem>>
    %dma_start3A_6 = arith.constant 0 : i32
    %dma_start3A_7 = arith.constant 0 : i32
    %dma_start3A_8 = tpu.memref_slice %arg2[%dma_start3A_6, %dma_start3A_7] : memref<10240x128xf32, #tpu.memory_space<hbm>> -> memref<10240x128xf32, #tpu.memory_space<hbm>>
    tpu.enqueue_indirect_dma source(%dma_start3A_8 : memref<10240x128xf32, #tpu.memory_space<hbm>>) target(%arg8 : memref<128x128xf32, #tpu.memory_space<vmem>>) offsets(%dma_start3A_5 : memref<128xi32, #tpu.memory_space<vmem>>) semaphore(%arg12 : memref<!tpu.dma_semaphore, #tpu.memory_space<semaphore_mem>>)
    %dma_start3A_9 = arith.constant 1 : i32
    %dma_start3A_10 = arith.constant 0 : i32
    %dma_start3A_11 = tpu.memref_slice %arg10[%dma_start3A_9, %dma_start3A_10] : memref<40x128xi32, #tpu.memory_space<vmem>> -> memref<1x128xi32, #tpu.memory_space<vmem>>
    %dma_start3A_12 = tpu.memref_squeeze %dma_start3A_11 : memref<1x128xi32, #tpu.memory_space<vmem>> -> memref<128xi32, #tpu.memory_space<vmem>>
    %dma_start3A_13 = arith.constant 0 : i32
    %dma_start3A_14 = arith.constant 0 : i32
    %dma_start3A_15 = tpu.memref_slice %arg2[%dma_start3A_13, %dma_start3A_14] : memref<10240x128xf32, #tpu.memory_space<hbm>> -> memref<10240x128xf32, #tpu.memory_space<hbm>>
    tpu.enqueue_indirect_dma source(%dma_start3A_15 : memref<10240x128xf32, #tpu.memory_space<hbm>>) target(%arg9 : memref<128x128xf32, #tpu.memory_space<vmem>>) offsets(%dma_start3A_12 : memref<128xi32, #tpu.memory_space<vmem>>) semaphore(%arg13 : memref<!tpu.dma_semaphore, #tpu.memory_space<semaphore_mem>>)
    %scan3A = arith.constant 0 : i32
    %scan3A_16 = arith.constant 0 : i32
    %scan3A_17 = arith.constant 20 : i32
    %scan3A_18 = arith.addi %scan3A_16, %scan3A_17 : i32
    %scan3A_19 = arith.constant 1 : i32
    scf.for %scan3A_22 = %scan3A_16 to %scan3A_18 step %scan3A_19  : i32 {
      %mul3A_23 = arith.constant 2 : i32
      %mul3A_24 = arith.muli %scan3A_22, %mul3A_23 : i32
      %add3A_25 = arith.constant 0 : i32
      %add3A_26 = arith.addi %mul3A_24, %add3A_25 : i32
      %dma_wait3A = arith.constant 0 : i32
      %dma_wait3A_27 = tpu.memref_slice %arg10[%add3A_26, %dma_wait3A] : memref<40x128xi32, #tpu.memory_space<vmem>> -> memref<1x128xi32, #tpu.memory_space<vmem>>
      %dma_wait3A_28 = tpu.memref_squeeze %dma_wait3A_27 : memref<1x128xi32, #tpu.memory_space<vmem>> -> memref<128xi32, #tpu.memory_space<vmem>>
      %dma_wait3A_29 = arith.constant 0 : i32
      %dma_wait3A_30 = arith.constant 0 : i32
      %dma_wait3A_31 = tpu.memref_slice %arg2[%dma_wait3A_29, %dma_wait3A_30] : memref<10240x128xf32, #tpu.memory_space<hbm>> -> memref<10240x128xf32, #tpu.memory_space<hbm>>
      tpu.wait_indirect_dma semaphore(%arg12 : memref<!tpu.dma_semaphore, #tpu.memory_space<semaphore_mem>>) src(%dma_wait3A_31 : memref<10240x128xf32, #tpu.memory_space<hbm>>) dst(%arg8 : memref<128x128xf32, #tpu.memory_space<vmem>>)
      "tpu.region"() ({
        %run_scoped3A = tpu.sem_alloc : memref<!tpu.dma_semaphore, #tpu.memory_space<semaphore_mem>>
        %dma_start3A_53 = arith.constant 0 : i32
        %dma_start3A_54 = tpu.memref_slice %arg11[%add3A_26, %dma_start3A_53] : memref<40x128xi32, #tpu.memory_space<vmem>> -> memref<1x128xi32, #tpu.memory_space<vmem>>
        %dma_start3A_55 = tpu.memref_squeeze %dma_start3A_54 : memref<1x128xi32, #tpu.memory_space<vmem>> -> memref<128xi32, #tpu.memory_space<vmem>>
        %dma_start3A_56 = arith.constant 0 : i32
        %dma_start3A_57 = arith.constant 0 : i32
        %dma_start3A_58 = tpu.memref_slice %arg7[%dma_start3A_56, %dma_start3A_57] : memref<10240x128xf32, #tpu.memory_space<vmem_shared>> -> memref<10240x128xf32, #tpu.memory_space<vmem_shared>>
        tpu.enqueue_indirect_dma source(%arg8 : memref<128x128xf32, #tpu.memory_space<vmem>>) target(%dma_start3A_58 : memref<10240x128xf32, #tpu.memory_space<vmem_shared>>) offsets(%dma_start3A_55 : memref<128xi32, #tpu.memory_space<vmem>>) semaphore(%run_scoped3A : memref<!tpu.dma_semaphore, #tpu.memory_space<semaphore_mem>>) {add = true}
        %dma_wait3A_59 = arith.constant 0 : i32
        %dma_wait3A_60 = tpu.memref_slice %arg11[%add3A_26, %dma_wait3A_59] : memref<40x128xi32, #tpu.memory_space<vmem>> -> memref<1x128xi32, #tpu.memory_space<vmem>>
        %dma_wait3A_61 = tpu.memref_squeeze %dma_wait3A_60 : memref<1x128xi32, #tpu.memory_space<vmem>> -> memref<128xi32, #tpu.memory_space<vmem>>
        %dma_wait3A_62 = arith.constant 0 : i32
        %dma_wait3A_63 = arith.constant 0 : i32
        %dma_wait3A_64 = tpu.memref_slice %arg7[%dma_wait3A_62, %dma_wait3A_63] : memref<10240x128xf32, #tpu.memory_space<vmem_shared>> -> memref<10240x128xf32, #tpu.memory_space<vmem_shared>>
        tpu.wait_indirect_dma semaphore(%run_scoped3A : memref<!tpu.dma_semaphore, #tpu.memory_space<semaphore_mem>>) src(%arg8 : memref<128x128xf32, #tpu.memory_space<vmem>>) dst(%dma_wait3A_64 : memref<10240x128xf32, #tpu.memory_space<vmem_shared>>)
        tpu.yield
      }) : () -> ()
      %add3A_32 = arith.constant 2 : i32
      %add3A_33 = arith.addi %add3A_26, %add3A_32 : i32
      %lt3A = arith.constant 40 : i32
      %lt3A_34 = arith.cmpi slt, %add3A_33, %lt3A : i32
      %convert_element_type3A = arith.extui %lt3A_34 : i1 to i32
      %cond3A = arith.constant 0 : i32
      %cond3A_35 = arith.cmpi ne, %convert_element_type3A, %cond3A : i32
      scf.if %cond3A_35 {
        %add3A_53 = arith.constant 2 : i32
        %add3A_54 = arith.addi %add3A_26, %add3A_53 : i32
        %dma_start3A_55 = arith.constant 0 : i32
        %dma_start3A_56 = tpu.memref_slice %arg10[%add3A_54, %dma_start3A_55] : memref<40x128xi32, #tpu.memory_space<vmem>> -> memref<1x128xi32, #tpu.memory_space<vmem>>
        %dma_start3A_57 = tpu.memref_squeeze %dma_start3A_56 : memref<1x128xi32, #tpu.memory_space<vmem>> -> memref<128xi32, #tpu.memory_space<vmem>>
        %dma_start3A_58 = arith.constant 0 : i32
        %dma_start3A_59 = arith.constant 0 : i32
        %dma_start3A_60 = tpu.memref_slice %arg2[%dma_start3A_58, %dma_start3A_59] : memref<10240x128xf32, #tpu.memory_space<hbm>> -> memref<10240x128xf32, #tpu.memory_space<hbm>>
        tpu.enqueue_indirect_dma source(%dma_start3A_60 : memref<10240x128xf32, #tpu.memory_space<hbm>>) target(%arg8 : memref<128x128xf32, #tpu.memory_space<vmem>>) offsets(%dma_start3A_57 : memref<128xi32, #tpu.memory_space<vmem>>) semaphore(%arg12 : memref<!tpu.dma_semaphore, #tpu.memory_space<semaphore_mem>>)
      } else {
      }
      %mul3A_36 = arith.constant 2 : i32
      %mul3A_37 = arith.muli %scan3A_22, %mul3A_36 : i32
      %add3A_38 = arith.constant 1 : i32
      %add3A_39 = arith.addi %mul3A_37, %add3A_38 : i32
      %dma_wait3A_40 = arith.constant 0 : i32
      %dma_wait3A_41 = tpu.memref_slice %arg10[%add3A_39, %dma_wait3A_40] : memref<40x128xi32, #tpu.memory_space<vmem>> -> memref<1x128xi32, #tpu.memory_space<vmem>>
      %dma_wait3A_42 = tpu.memref_squeeze %dma_wait3A_41 : memref<1x128xi32, #tpu.memory_space<vmem>> -> memref<128xi32, #tpu.memory_space<vmem>>
      %dma_wait3A_43 = arith.constant 0 : i32
      %dma_wait3A_44 = arith.constant 0 : i32
      %dma_wait3A_45 = tpu.memref_slice %arg2[%dma_wait3A_43, %dma_wait3A_44] : memref<10240x128xf32, #tpu.memory_space<hbm>> -> memref<10240x128xf32, #tpu.memory_space<hbm>>
      tpu.wait_indirect_dma semaphore(%arg13 : memref<!tpu.dma_semaphore, #tpu.memory_space<semaphore_mem>>) src(%dma_wait3A_45 : memref<10240x128xf32, #tpu.memory_space<hbm>>) dst(%arg9 : memref<128x128xf32, #tpu.memory_space<vmem>>)
      "tpu.region"() ({
        %run_scoped3A = tpu.sem_alloc : memref<!tpu.dma_semaphore, #tpu.memory_space<semaphore_mem>>
        %dma_start3A_53 = arith.constant 0 : i32
        %dma_start3A_54 = tpu.memref_slice %arg11[%add3A_39, %dma_start3A_53] : memref<40x128xi32, #tpu.memory_space<vmem>> -> memref<1x128xi32, #tpu.memory_space<vmem>>
        %dma_start3A_55 = tpu.memref_squeeze %dma_start3A_54 : memref<1x128xi32, #tpu.memory_space<vmem>> -> memref<128xi32, #tpu.memory_space<vmem>>
        %dma_start3A_56 = arith.constant 0 : i32
        %dma_start3A_57 = arith.constant 0 : i32
        %dma_start3A_58 = tpu.memref_slice %arg7[%dma_start3A_56, %dma_start3A_57] : memref<10240x128xf32, #tpu.memory_space<vmem_shared>> -> memref<10240x128xf32, #tpu.memory_space<vmem_shared>>
        tpu.enqueue_indirect_dma source(%arg9 : memref<128x128xf32, #tpu.memory_space<vmem>>) target(%dma_start3A_58 : memref<10240x128xf32, #tpu.memory_space<vmem_shared>>) offsets(%dma_start3A_55 : memref<128xi32, #tpu.memory_space<vmem>>) semaphore(%run_scoped3A : memref<!tpu.dma_semaphore, #tpu.memory_space<semaphore_mem>>) {add = true}
        %dma_wait3A_59 = arith.constant 0 : i32
        %dma_wait3A_60 = tpu.memref_slice %arg11[%add3A_39, %dma_wait3A_59] : memref<40x128xi32, #tpu.memory_space<vmem>> -> memref<1x128xi32, #tpu.memory_space<vmem>>
        %dma_wait3A_61 = tpu.memref_squeeze %dma_wait3A_60 : memref<1x128xi32, #tpu.memory_space<vmem>> -> memref<128xi32, #tpu.memory_space<vmem>>
        %dma_wait3A_62 = arith.constant 0 : i32
        %dma_wait3A_63 = arith.constant 0 : i32
        %dma_wait3A_64 = tpu.memref_slice %arg7[%dma_wait3A_62, %dma_wait3A_63] : memref<10240x128xf32, #tpu.memory_space<vmem_shared>> -> memref<10240x128xf32, #tpu.memory_space<vmem_shared>>
        tpu.wait_indirect_dma semaphore(%run_scoped3A : memref<!tpu.dma_semaphore, #tpu.memory_space<semaphore_mem>>) src(%arg9 : memref<128x128xf32, #tpu.memory_space<vmem>>) dst(%dma_wait3A_64 : memref<10240x128xf32, #tpu.memory_space<vmem_shared>>)
        tpu.yield
      }) : () -> ()
      %add3A_46 = arith.constant 2 : i32
      %add3A_47 = arith.addi %add3A_39, %add3A_46 : i32
      %lt3A_48 = arith.constant 40 : i32
      %lt3A_49 = arith.cmpi slt, %add3A_47, %lt3A_48 : i32
      %convert_element_type3A_50 = arith.extui %lt3A_49 : i1 to i32
      %cond3A_51 = arith.constant 0 : i32
      %cond3A_52 = arith.cmpi ne, %convert_element_type3A_50, %cond3A_51 : i32
      scf.if %cond3A_52 {
        %add3A_53 = arith.constant 2 : i32
        %add3A_54 = arith.addi %add3A_39, %add3A_53 : i32
        %dma_start3A_55 = arith.constant 0 : i32
        %dma_start3A_56 = tpu.memref_slice %arg10[%add3A_54, %dma_start3A_55] : memref<40x128xi32, #tpu.memory_space<vmem>> -> memref<1x128xi32, #tpu.memory_space<vmem>>
        %dma_start3A_57 = tpu.memref_squeeze %dma_start3A_56 : memref<1x128xi32, #tpu.memory_space<vmem>> -> memref<128xi32, #tpu.memory_space<vmem>>
        %dma_start3A_58 = arith.constant 0 : i32
        %dma_start3A_59 = arith.constant 0 : i32
        %dma_start3A_60 = tpu.memref_slice %arg2[%dma_start3A_58, %dma_start3A_59] : memref<10240x128xf32, #tpu.memory_space<hbm>> -> memref<10240x128xf32, #tpu.memory_space<hbm>>
        tpu.enqueue_indirect_dma source(%dma_start3A_60 : memref<10240x128xf32, #tpu.memory_space<hbm>>) target(%arg9 : memref<128x128xf32, #tpu.memory_space<vmem>>) offsets(%dma_start3A_57 : memref<128xi32, #tpu.memory_space<vmem>>) semaphore(%arg13 : memref<!tpu.dma_semaphore, #tpu.memory_space<semaphore_mem>>)
      } else {
      }
    }
    %scan3A_20 = arith.constant 20 : i32
    %barrier3A_21 = arith.constant 0 : index
    tpu.barrier barrier_id(%barrier3A_21)
    "tpu.region"() ({
      %run_scoped3A = tpu.sem_alloc : memref<!tpu.dma_semaphore, #tpu.memory_space<semaphore_mem>>
      %dma_start3A_22 = arith.constant 0 : i32
      %dma_start3A_23 = arith.constant 0 : i32
      %dma_start3A_24 = tpu.memref_slice %arg6[%arg0, %dma_start3A_22, %dma_start3A_23] : memref<2x10240x128xf32, #tpu.memory_space<hbm>> -> memref<1x10240x128xf32, #tpu.memory_space<hbm>>
      %dma_start3A_25 = tpu.memref_squeeze %dma_start3A_24 : memref<1x10240x128xf32, #tpu.memory_space<hbm>> -> memref<10240x128xf32, #tpu.memory_space<hbm>>
      %dma_start3A_26 = arith.constant 0 : i32
      %dma_start3A_27 = tpu.memref_slice %dma_start3A_25[%mul3A_2, %dma_start3A_26] : memref<10240x128xf32, #tpu.memory_space<hbm>> -> memref<640x128xf32, #tpu.memory_space<hbm>>
      %dma_start3A_28 = arith.constant 0 : i32
      %dma_start3A_29 = tpu.memref_slice %arg7[%mul3A_2, %dma_start3A_28] : memref<10240x128xf32, #tpu.memory_space<vmem_shared>> -> memref<640x128xf32, #tpu.memory_space<vmem_shared>>
      tpu.enqueue_dma source(%dma_start3A_29 : memref<640x128xf32, #tpu.memory_space<vmem_shared>>) target(%dma_start3A_27 : memref<640x128xf32, #tpu.memory_space<hbm>>) target_semaphore(%run_scoped3A : memref<!tpu.dma_semaphore, #tpu.memory_space<semaphore_mem>>)
      %dma_wait3A = arith.constant 0 : i32
      %dma_wait3A_30 = arith.constant 0 : i32
      %dma_wait3A_31 = tpu.memref_slice %arg6[%arg0, %dma_wait3A, %dma_wait3A_30] : memref<2x10240x128xf32, #tpu.memory_space<hbm>> -> memref<1x10240x128xf32, #tpu.memory_space<hbm>>
      %dma_wait3A_32 = tpu.memref_squeeze %dma_wait3A_31 : memref<1x10240x128xf32, #tpu.memory_space<hbm>> -> memref<10240x128xf32, #tpu.memory_space<hbm>>
      %dma_wait3A_33 = arith.constant 0 : i32
      %dma_wait3A_34 = tpu.memref_slice %dma_wait3A_32[%mul3A_2, %dma_wait3A_33] : memref<10240x128xf32, #tpu.memory_space<hbm>> -> memref<640x128xf32, #tpu.memory_space<hbm>>
      %dma_wait3A_35 = arith.constant 0 : i32
      %dma_wait3A_36 = tpu.memref_slice %arg7[%mul3A_2, %dma_wait3A_35] : memref<10240x128xf32, #tpu.memory_space<vmem_shared>> -> memref<640x128xf32, #tpu.memory_space<vmem_shared>>
      tpu.wait_dma2 semaphore(%run_scoped3A : memref<!tpu.dma_semaphore, #tpu.memory_space<semaphore_mem>>) src(%dma_wait3A_36 : memref<640x128xf32, #tpu.memory_space<vmem_shared>>) dst(%dma_wait3A_34 : memref<640x128xf32, #tpu.memory_space<hbm>>)
      tpu.yield
    }) : () -> ()
    return
  }
}

#map = affine_map<(d0, d1) -> (0, 0)>
#map1 = affine_map<(d0, d1) -> (0, 0, 0)>
module attributes {stable_mosaic.version = 14 : i64} {
  func.func @_step_kernel(%arg0: i32, %arg1: i32, %arg2: memref<10240x128xf32, #tpu.memory_space<hbm>>, %arg3: memref<32x40x128xi32, #tpu.memory_space<hbm>>, %arg4: memref<32x40x128xi32, #tpu.memory_space<hbm>>, %arg5: memref<10240x128xf32, #tpu.memory_space<hbm>>, %arg6: memref<2x10240x128xf32, #tpu.memory_space<hbm>>, %arg7: memref<10240x128xf32, #tpu.memory_space<vmem_shared>>, %arg8: memref<128x128xf32, #tpu.memory_space<vmem>>, %arg9: memref<128x128xf32, #tpu.memory_space<vmem>>, %arg10: memref<40x128xi32, #tpu.memory_space<vmem>>, %arg11: memref<40x128xi32, #tpu.memory_space<vmem>>, %arg12: memref<!tpu.dma_semaphore, #tpu.memory_space<semaphore_mem>>, %arg13: memref<!tpu.dma_semaphore, #tpu.memory_space<semaphore_mem>>) attributes {dimension_semantics = [#tpu.dimension_semantics<core_parallel>, #tpu.dimension_semantics<subcore_parallel>], iteration_bounds = array<i64: 2, 16>, scalar_prefetch = 0 : i64, scratch_operands = 7 : i64, tpu.core_type = #tpu.core_type<sc_vector_subcore>, window_params = [{transform_indices = #map}, {transform_indices = #map1}, {transform_indices = #map1}, {transform_indices = #map}, {transform_indices = #map1}]} {
    %mul3A = arith.constant 16 : i32
    %mul3A_0 = arith.muli %arg0, %mul3A : i32
    %add3A = arith.addi %mul3A_0, %arg1 : i32
    %mul3A_1 = arith.constant 640 : i32
    %mul3A_2 = arith.muli %arg1, %mul3A_1 : i32
    "tpu.region"() ({
      %run_scoped3A = tpu.sem_alloc : memref<!tpu.dma_semaphore, #tpu.memory_space<semaphore_mem>>
      %dma_start3A_22 = arith.constant 0 : i32
      %dma_start3A_23 = tpu.memref_slice %arg7[%mul3A_2, %dma_start3A_22] : memref<10240x128xf32, #tpu.memory_space<vmem_shared>> -> memref<640x128xf32, #tpu.memory_space<vmem_shared>>
      %dma_start3A_24 = arith.constant 0 : i32
      %dma_start3A_25 = tpu.memref_slice %arg5[%mul3A_2, %dma_start3A_24] : memref<10240x128xf32, #tpu.memory_space<hbm>> -> memref<640x128xf32, #tpu.memory_space<hbm>>
      tpu.enqueue_dma source(%dma_start3A_25 : memref<640x128xf32, #tpu.memory_space<hbm>>) target(%dma_start3A_23 : memref<640x128xf32, #tpu.memory_space<vmem_shared>>) target_semaphore(%run_scoped3A : memref<!tpu.dma_semaphore, #tpu.memory_space<semaphore_mem>>)
      %dma_wait3A = arith.constant 0 : i32
      %dma_wait3A_26 = tpu.memref_slice %arg7[%mul3A_2, %dma_wait3A] : memref<10240x128xf32, #tpu.memory_space<vmem_shared>> -> memref<640x128xf32, #tpu.memory_space<vmem_shared>>
      %dma_wait3A_27 = arith.constant 0 : i32
      %dma_wait3A_28 = tpu.memref_slice %arg5[%mul3A_2, %dma_wait3A_27] : memref<10240x128xf32, #tpu.memory_space<hbm>> -> memref<640x128xf32, #tpu.memory_space<hbm>>
      tpu.wait_dma2 semaphore(%run_scoped3A : memref<!tpu.dma_semaphore, #tpu.memory_space<semaphore_mem>>) src(%dma_wait3A_28 : memref<640x128xf32, #tpu.memory_space<hbm>>) dst(%dma_wait3A_26 : memref<640x128xf32, #tpu.memory_space<vmem_shared>>)
      tpu.yield
    }) : () -> ()
    "tpu.region"() ({
      %run_scoped3A = tpu.sem_alloc : memref<!tpu.dma_semaphore, #tpu.memory_space<semaphore_mem>>
      %dma_start3A_22 = arith.constant 0 : i32
      %dma_start3A_23 = arith.constant 0 : i32
      %dma_start3A_24 = tpu.memref_slice %arg3[%add3A, %dma_start3A_22, %dma_start3A_23] : memref<32x40x128xi32, #tpu.memory_space<hbm>> -> memref<1x40x128xi32, #tpu.memory_space<hbm>>
      %dma_start3A_25 = tpu.memref_squeeze %dma_start3A_24 : memref<1x40x128xi32, #tpu.memory_space<hbm>> -> memref<40x128xi32, #tpu.memory_space<hbm>>
      %dma_start3A_26 = arith.constant 0 : i32
      %dma_start3A_27 = arith.constant 0 : i32
      %dma_start3A_28 = tpu.memref_slice %arg3[%add3A, %dma_start3A_26, %dma_start3A_27] : memref<32x40x128xi32, #tpu.memory_space<hbm>> -> memref<1x40x128xi32, #tpu.memory_space<hbm>>
      %dma_start3A_29 = tpu.memref_squeeze %dma_start3A_28 : memref<1x40x128xi32, #tpu.memory_space<hbm>> -> memref<40x128xi32, #tpu.memory_space<hbm>>
      tpu.enqueue_dma source(%dma_start3A_29 : memref<40x128xi32, #tpu.memory_space<hbm>>) target(%arg10 : memref<40x128xi32, #tpu.memory_space<vmem>>) target_semaphore(%run_scoped3A : memref<!tpu.dma_semaphore, #tpu.memory_space<semaphore_mem>>)
      %dma_wait3A = arith.constant 0 : i32
      %dma_wait3A_30 = arith.constant 0 : i32
      %dma_wait3A_31 = tpu.memref_slice %arg3[%add3A, %dma_wait3A, %dma_wait3A_30] : memref<32x40x128xi32, #tpu.memory_space<hbm>> -> memref<1x40x128xi32, #tpu.memory_space<hbm>>
      %dma_wait3A_32 = tpu.memref_squeeze %dma_wait3A_31 : memref<1x40x128xi32, #tpu.memory_space<hbm>> -> memref<40x128xi32, #tpu.memory_space<hbm>>
      %dma_wait3A_33 = arith.constant 0 : i32
      %dma_wait3A_34 = arith.constant 0 : i32
      %dma_wait3A_35 = tpu.memref_slice %arg3[%add3A, %dma_wait3A_33, %dma_wait3A_34] : memref<32x40x128xi32, #tpu.memory_space<hbm>> -> memref<1x40x128xi32, #tpu.memory_space<hbm>>
      %dma_wait3A_36 = tpu.memref_squeeze %dma_wait3A_35 : memref<1x40x128xi32, #tpu.memory_space<hbm>> -> memref<40x128xi32, #tpu.memory_space<hbm>>
      tpu.wait_dma2 semaphore(%run_scoped3A : memref<!tpu.dma_semaphore, #tpu.memory_space<semaphore_mem>>) src(%dma_wait3A_36 : memref<40x128xi32, #tpu.memory_space<hbm>>) dst(%arg10 : memref<40x128xi32, #tpu.memory_space<vmem>>)
      tpu.yield
    }) : () -> ()
    "tpu.region"() ({
      %run_scoped3A = tpu.sem_alloc : memref<!tpu.dma_semaphore, #tpu.memory_space<semaphore_mem>>
      %dma_start3A_22 = arith.constant 0 : i32
      %dma_start3A_23 = arith.constant 0 : i32
      %dma_start3A_24 = tpu.memref_slice %arg4[%add3A, %dma_start3A_22, %dma_start3A_23] : memref<32x40x128xi32, #tpu.memory_space<hbm>> -> memref<1x40x128xi32, #tpu.memory_space<hbm>>
      %dma_start3A_25 = tpu.memref_squeeze %dma_start3A_24 : memref<1x40x128xi32, #tpu.memory_space<hbm>> -> memref<40x128xi32, #tpu.memory_space<hbm>>
      %dma_start3A_26 = arith.constant 0 : i32
      %dma_start3A_27 = arith.constant 0 : i32
      %dma_start3A_28 = tpu.memref_slice %arg4[%add3A, %dma_start3A_26, %dma_start3A_27] : memref<32x40x128xi32, #tpu.memory_space<hbm>> -> memref<1x40x128xi32, #tpu.memory_space<hbm>>
      %dma_start3A_29 = tpu.memref_squeeze %dma_start3A_28 : memref<1x40x128xi32, #tpu.memory_space<hbm>> -> memref<40x128xi32, #tpu.memory_space<hbm>>
      tpu.enqueue_dma source(%dma_start3A_29 : memref<40x128xi32, #tpu.memory_space<hbm>>) target(%arg11 : memref<40x128xi32, #tpu.memory_space<vmem>>) target_semaphore(%run_scoped3A : memref<!tpu.dma_semaphore, #tpu.memory_space<semaphore_mem>>)
      %dma_wait3A = arith.constant 0 : i32
      %dma_wait3A_30 = arith.constant 0 : i32
      %dma_wait3A_31 = tpu.memref_slice %arg4[%add3A, %dma_wait3A, %dma_wait3A_30] : memref<32x40x128xi32, #tpu.memory_space<hbm>> -> memref<1x40x128xi32, #tpu.memory_space<hbm>>
      %dma_wait3A_32 = tpu.memref_squeeze %dma_wait3A_31 : memref<1x40x128xi32, #tpu.memory_space<hbm>> -> memref<40x128xi32, #tpu.memory_space<hbm>>
      %dma_wait3A_33 = arith.constant 0 : i32
      %dma_wait3A_34 = arith.constant 0 : i32
      %dma_wait3A_35 = tpu.memref_slice %arg4[%add3A, %dma_wait3A_33, %dma_wait3A_34] : memref<32x40x128xi32, #tpu.memory_space<hbm>> -> memref<1x40x128xi32, #tpu.memory_space<hbm>>
      %dma_wait3A_36 = tpu.memref_squeeze %dma_wait3A_35 : memref<1x40x128xi32, #tpu.memory_space<hbm>> -> memref<40x128xi32, #tpu.memory_space<hbm>>
      tpu.wait_dma2 semaphore(%run_scoped3A : memref<!tpu.dma_semaphore, #tpu.memory_space<semaphore_mem>>) src(%dma_wait3A_36 : memref<40x128xi32, #tpu.memory_space<hbm>>) dst(%arg11 : memref<40x128xi32, #tpu.memory_space<vmem>>)
      tpu.yield
    }) : () -> ()
    %barrier3A = arith.constant 0 : index
    tpu.barrier barrier_id(%barrier3A)
    %dma_start3A = arith.constant 0 : i32
    %dma_start3A_3 = arith.constant 0 : i32
    %dma_start3A_4 = tpu.memref_slice %arg10[%dma_start3A, %dma_start3A_3] : memref<40x128xi32, #tpu.memory_space<vmem>> -> memref<1x128xi32, #tpu.memory_space<vmem>>
    %dma_start3A_5 = tpu.memref_squeeze %dma_start3A_4 : memref<1x128xi32, #tpu.memory_space<vmem>> -> memref<128xi32, #tpu.memory_space<vmem>>
    %dma_start3A_6 = arith.constant 0 : i32
    %dma_start3A_7 = arith.constant 0 : i32
    %dma_start3A_8 = tpu.memref_slice %arg2[%dma_start3A_6, %dma_start3A_7] : memref<10240x128xf32, #tpu.memory_space<hbm>> -> memref<10240x128xf32, #tpu.memory_space<hbm>>
    tpu.enqueue_indirect_dma source(%dma_start3A_8 : memref<10240x128xf32, #tpu.memory_space<hbm>>) target(%arg8 : memref<128x128xf32, #tpu.memory_space<vmem>>) offsets(%dma_start3A_5 : memref<128xi32, #tpu.memory_space<vmem>>) semaphore(%arg12 : memref<!tpu.dma_semaphore, #tpu.memory_space<semaphore_mem>>)
    %dma_start3A_9 = arith.constant 1 : i32
    %dma_start3A_10 = arith.constant 0 : i32
    %dma_start3A_11 = tpu.memref_slice %arg10[%dma_start3A_9, %dma_start3A_10] : memref<40x128xi32, #tpu.memory_space<vmem>> -> memref<1x128xi32, #tpu.memory_space<vmem>>
    %dma_start3A_12 = tpu.memref_squeeze %dma_start3A_11 : memref<1x128xi32, #tpu.memory_space<vmem>> -> memref<128xi32, #tpu.memory_space<vmem>>
    %dma_start3A_13 = arith.constant 0 : i32
    %dma_start3A_14 = arith.constant 0 : i32
    %dma_start3A_15 = tpu.memref_slice %arg2[%dma_start3A_13, %dma_start3A_14] : memref<10240x128xf32, #tpu.memory_space<hbm>> -> memref<10240x128xf32, #tpu.memory_space<hbm>>
    tpu.enqueue_indirect_dma source(%dma_start3A_15 : memref<10240x128xf32, #tpu.memory_space<hbm>>) target(%arg9 : memref<128x128xf32, #tpu.memory_space<vmem>>) offsets(%dma_start3A_12 : memref<128xi32, #tpu.memory_space<vmem>>) semaphore(%arg13 : memref<!tpu.dma_semaphore, #tpu.memory_space<semaphore_mem>>)
    %scan3A = arith.constant 0 : i32
    %scan3A_16 = arith.constant 0 : i32
    %scan3A_17 = arith.constant 20 : i32
    %scan3A_18 = arith.addi %scan3A_16, %scan3A_17 : i32
    %scan3A_19 = arith.constant 1 : i32
    scf.for %scan3A_22 = %scan3A_16 to %scan3A_18 step %scan3A_19  : i32 {
      %mul3A_23 = arith.constant 2 : i32
      %mul3A_24 = arith.muli %scan3A_22, %mul3A_23 : i32
      %add3A_25 = arith.constant 0 : i32
      %add3A_26 = arith.addi %mul3A_24, %add3A_25 : i32
      %dma_wait3A = arith.constant 0 : i32
      %dma_wait3A_27 = tpu.memref_slice %arg10[%add3A_26, %dma_wait3A] : memref<40x128xi32, #tpu.memory_space<vmem>> -> memref<1x128xi32, #tpu.memory_space<vmem>>
      %dma_wait3A_28 = tpu.memref_squeeze %dma_wait3A_27 : memref<1x128xi32, #tpu.memory_space<vmem>> -> memref<128xi32, #tpu.memory_space<vmem>>
      %dma_wait3A_29 = arith.constant 0 : i32
      %dma_wait3A_30 = arith.constant 0 : i32
      %dma_wait3A_31 = tpu.memref_slice %arg2[%dma_wait3A_29, %dma_wait3A_30] : memref<10240x128xf32, #tpu.memory_space<hbm>> -> memref<10240x128xf32, #tpu.memory_space<hbm>>
      tpu.wait_indirect_dma semaphore(%arg12 : memref<!tpu.dma_semaphore, #tpu.memory_space<semaphore_mem>>) src(%dma_wait3A_31 : memref<10240x128xf32, #tpu.memory_space<hbm>>) dst(%arg8 : memref<128x128xf32, #tpu.memory_space<vmem>>)
      "tpu.region"() ({
        %run_scoped3A = tpu.sem_alloc : memref<!tpu.dma_semaphore, #tpu.memory_space<semaphore_mem>>
        %dma_start3A_53 = arith.constant 0 : i32
        %dma_start3A_54 = tpu.memref_slice %arg11[%add3A_26, %dma_start3A_53] : memref<40x128xi32, #tpu.memory_space<vmem>> -> memref<1x128xi32, #tpu.memory_space<vmem>>
        %dma_start3A_55 = tpu.memref_squeeze %dma_start3A_54 : memref<1x128xi32, #tpu.memory_space<vmem>> -> memref<128xi32, #tpu.memory_space<vmem>>
        %dma_start3A_56 = arith.constant 0 : i32
        %dma_start3A_57 = arith.constant 0 : i32
        %dma_start3A_58 = tpu.memref_slice %arg7[%dma_start3A_56, %dma_start3A_57] : memref<10240x128xf32, #tpu.memory_space<vmem_shared>> -> memref<10240x128xf32, #tpu.memory_space<vmem_shared>>
        tpu.enqueue_indirect_dma source(%arg8 : memref<128x128xf32, #tpu.memory_space<vmem>>) target(%dma_start3A_58 : memref<10240x128xf32, #tpu.memory_space<vmem_shared>>) offsets(%dma_start3A_55 : memref<128xi32, #tpu.memory_space<vmem>>) semaphore(%run_scoped3A : memref<!tpu.dma_semaphore, #tpu.memory_space<semaphore_mem>>) {add = true}
        %dma_wait3A_59 = arith.constant 0 : i32
        %dma_wait3A_60 = tpu.memref_slice %arg11[%add3A_26, %dma_wait3A_59] : memref<40x128xi32, #tpu.memory_space<vmem>> -> memref<1x128xi32, #tpu.memory_space<vmem>>
        %dma_wait3A_61 = tpu.memref_squeeze %dma_wait3A_60 : memref<1x128xi32, #tpu.memory_space<vmem>> -> memref<128xi32, #tpu.memory_space<vmem>>
        %dma_wait3A_62 = arith.constant 0 : i32
        %dma_wait3A_63 = arith.constant 0 : i32
        %dma_wait3A_64 = tpu.memref_slice %arg7[%dma_wait3A_62, %dma_wait3A_63] : memref<10240x128xf32, #tpu.memory_space<vmem_shared>> -> memref<10240x128xf32, #tpu.memory_space<vmem_shared>>
        tpu.wait_indirect_dma semaphore(%run_scoped3A : memref<!tpu.dma_semaphore, #tpu.memory_space<semaphore_mem>>) src(%arg8 : memref<128x128xf32, #tpu.memory_space<vmem>>) dst(%dma_wait3A_64 : memref<10240x128xf32, #tpu.memory_space<vmem_shared>>)
        tpu.yield
      }) : () -> ()
      %add3A_32 = arith.constant 2 : i32
      %add3A_33 = arith.addi %add3A_26, %add3A_32 : i32
      %lt3A = arith.constant 40 : i32
      %lt3A_34 = arith.cmpi slt, %add3A_33, %lt3A : i32
      %convert_element_type3A = arith.extui %lt3A_34 : i1 to i32
      %cond3A = arith.constant 0 : i32
      %cond3A_35 = arith.cmpi ne, %convert_element_type3A, %cond3A : i32
      scf.if %cond3A_35 {
        %add3A_53 = arith.constant 2 : i32
        %add3A_54 = arith.addi %add3A_26, %add3A_53 : i32
        %dma_start3A_55 = arith.constant 0 : i32
        %dma_start3A_56 = tpu.memref_slice %arg10[%add3A_54, %dma_start3A_55] : memref<40x128xi32, #tpu.memory_space<vmem>> -> memref<1x128xi32, #tpu.memory_space<vmem>>
        %dma_start3A_57 = tpu.memref_squeeze %dma_start3A_56 : memref<1x128xi32, #tpu.memory_space<vmem>> -> memref<128xi32, #tpu.memory_space<vmem>>
        %dma_start3A_58 = arith.constant 0 : i32
        %dma_start3A_59 = arith.constant 0 : i32
        %dma_start3A_60 = tpu.memref_slice %arg2[%dma_start3A_58, %dma_start3A_59] : memref<10240x128xf32, #tpu.memory_space<hbm>> -> memref<10240x128xf32, #tpu.memory_space<hbm>>
        tpu.enqueue_indirect_dma source(%dma_start3A_60 : memref<10240x128xf32, #tpu.memory_space<hbm>>) target(%arg8 : memref<128x128xf32, #tpu.memory_space<vmem>>) offsets(%dma_start3A_57 : memref<128xi32, #tpu.memory_space<vmem>>) semaphore(%arg12 : memref<!tpu.dma_semaphore, #tpu.memory_space<semaphore_mem>>)
      } else {
      }
      %mul3A_36 = arith.constant 2 : i32
      %mul3A_37 = arith.muli %scan3A_22, %mul3A_36 : i32
      %add3A_38 = arith.constant 1 : i32
      %add3A_39 = arith.addi %mul3A_37, %add3A_38 : i32
      %dma_wait3A_40 = arith.constant 0 : i32
      %dma_wait3A_41 = tpu.memref_slice %arg10[%add3A_39, %dma_wait3A_40] : memref<40x128xi32, #tpu.memory_space<vmem>> -> memref<1x128xi32, #tpu.memory_space<vmem>>
      %dma_wait3A_42 = tpu.memref_squeeze %dma_wait3A_41 : memref<1x128xi32, #tpu.memory_space<vmem>> -> memref<128xi32, #tpu.memory_space<vmem>>
      %dma_wait3A_43 = arith.constant 0 : i32
      %dma_wait3A_44 = arith.constant 0 : i32
      %dma_wait3A_45 = tpu.memref_slice %arg2[%dma_wait3A_43, %dma_wait3A_44] : memref<10240x128xf32, #tpu.memory_space<hbm>> -> memref<10240x128xf32, #tpu.memory_space<hbm>>
      tpu.wait_indirect_dma semaphore(%arg13 : memref<!tpu.dma_semaphore, #tpu.memory_space<semaphore_mem>>) src(%dma_wait3A_45 : memref<10240x128xf32, #tpu.memory_space<hbm>>) dst(%arg9 : memref<128x128xf32, #tpu.memory_space<vmem>>)
      "tpu.region"() ({
        %run_scoped3A = tpu.sem_alloc : memref<!tpu.dma_semaphore, #tpu.memory_space<semaphore_mem>>
        %dma_start3A_53 = arith.constant 0 : i32
        %dma_start3A_54 = tpu.memref_slice %arg11[%add3A_39, %dma_start3A_53] : memref<40x128xi32, #tpu.memory_space<vmem>> -> memref<1x128xi32, #tpu.memory_space<vmem>>
        %dma_start3A_55 = tpu.memref_squeeze %dma_start3A_54 : memref<1x128xi32, #tpu.memory_space<vmem>> -> memref<128xi32, #tpu.memory_space<vmem>>
        %dma_start3A_56 = arith.constant 0 : i32
        %dma_start3A_57 = arith.constant 0 : i32
        %dma_start3A_58 = tpu.memref_slice %arg7[%dma_start3A_56, %dma_start3A_57] : memref<10240x128xf32, #tpu.memory_space<vmem_shared>> -> memref<10240x128xf32, #tpu.memory_space<vmem_shared>>
        tpu.enqueue_indirect_dma source(%arg9 : memref<128x128xf32, #tpu.memory_space<vmem>>) target(%dma_start3A_58 : memref<10240x128xf32, #tpu.memory_space<vmem_shared>>) offsets(%dma_start3A_55 : memref<128xi32, #tpu.memory_space<vmem>>) semaphore(%run_scoped3A : memref<!tpu.dma_semaphore, #tpu.memory_space<semaphore_mem>>) {add = true}
        %dma_wait3A_59 = arith.constant 0 : i32
        %dma_wait3A_60 = tpu.memref_slice %arg11[%add3A_39, %dma_wait3A_59] : memref<40x128xi32, #tpu.memory_space<vmem>> -> memref<1x128xi32, #tpu.memory_space<vmem>>
        %dma_wait3A_61 = tpu.memref_squeeze %dma_wait3A_60 : memref<1x128xi32, #tpu.memory_space<vmem>> -> memref<128xi32, #tpu.memory_space<vmem>>
        %dma_wait3A_62 = arith.constant 0 : i32
        %dma_wait3A_63 = arith.constant 0 : i32
        %dma_wait3A_64 = tpu.memref_slice %arg7[%dma_wait3A_62, %dma_wait3A_63] : memref<10240x128xf32, #tpu.memory_space<vmem_shared>> -> memref<10240x128xf32, #tpu.memory_space<vmem_shared>>
        tpu.wait_indirect_dma semaphore(%run_scoped3A : memref<!tpu.dma_semaphore, #tpu.memory_space<semaphore_mem>>) src(%arg9 : memref<128x128xf32, #tpu.memory_space<vmem>>) dst(%dma_wait3A_64 : memref<10240x128xf32, #tpu.memory_space<vmem_shared>>)
        tpu.yield
      }) : () -> ()
      %add3A_46 = arith.constant 2 : i32
      %add3A_47 = arith.addi %add3A_39, %add3A_46 : i32
      %lt3A_48 = arith.constant 40 : i32
      %lt3A_49 = arith.cmpi slt, %add3A_47, %lt3A_48 : i32
      %convert_element_type3A_50 = arith.extui %lt3A_49 : i1 to i32
      %cond3A_51 = arith.constant 0 : i32
      %cond3A_52 = arith.cmpi ne, %convert_element_type3A_50, %cond3A_51 : i32
      scf.if %cond3A_52 {
        %add3A_53 = arith.constant 2 : i32
        %add3A_54 = arith.addi %add3A_39, %add3A_53 : i32
        %dma_start3A_55 = arith.constant 0 : i32
        %dma_start3A_56 = tpu.memref_slice %arg10[%add3A_54, %dma_start3A_55] : memref<40x128xi32, #tpu.memory_space<vmem>> -> memref<1x128xi32, #tpu.memory_space<vmem>>
        %dma_start3A_57 = tpu.memref_squeeze %dma_start3A_56 : memref<1x128xi32, #tpu.memory_space<vmem>> -> memref<128xi32, #tpu.memory_space<vmem>>
        %dma_start3A_58 = arith.constant 0 : i32
        %dma_start3A_59 = arith.constant 0 : i32
        %dma_start3A_60 = tpu.memref_slice %arg2[%dma_start3A_58, %dma_start3A_59] : memref<10240x128xf32, #tpu.memory_space<hbm>> -> memref<10240x128xf32, #tpu.memory_space<hbm>>
        tpu.enqueue_indirect_dma source(%dma_start3A_60 : memref<10240x128xf32, #tpu.memory_space<hbm>>) target(%arg9 : memref<128x128xf32, #tpu.memory_space<vmem>>) offsets(%dma_start3A_57 : memref<128xi32, #tpu.memory_space<vmem>>) semaphore(%arg13 : memref<!tpu.dma_semaphore, #tpu.memory_space<semaphore_mem>>)
      } else {
      }
    }
    %scan3A_20 = arith.constant 20 : i32
    %barrier3A_21 = arith.constant 0 : index
    tpu.barrier barrier_id(%barrier3A_21)
    "tpu.region"() ({
      %run_scoped3A = tpu.sem_alloc : memref<!tpu.dma_semaphore, #tpu.memory_space<semaphore_mem>>
      %dma_start3A_22 = arith.constant 0 : i32
      %dma_start3A_23 = arith.constant 0 : i32
      %dma_start3A_24 = tpu.memref_slice %arg6[%arg0, %dma_start3A_22, %dma_start3A_23] : memref<2x10240x128xf32, #tpu.memory_space<hbm>> -> memref<1x10240x128xf32, #tpu.memory_space<hbm>>
      %dma_start3A_25 = tpu.memref_squeeze %dma_start3A_24 : memref<1x10240x128xf32, #tpu.memory_space<hbm>> -> memref<10240x128xf32, #tpu.memory_space<hbm>>
      %dma_start3A_26 = arith.constant 0 : i32
      %dma_start3A_27 = tpu.memref_slice %dma_start3A_25[%mul3A_2, %dma_start3A_26] : memref<10240x128xf32, #tpu.memory_space<hbm>> -> memref<640x128xf32, #tpu.memory_space<hbm>>
      %dma_start3A_28 = arith.constant 0 : i32
      %dma_start3A_29 = tpu.memref_slice %arg7[%mul3A_2, %dma_start3A_28] : memref<10240x128xf32, #tpu.memory_space<vmem_shared>> -> memref<640x128xf32, #tpu.memory_space<vmem_shared>>
      tpu.enqueue_dma source(%dma_start3A_29 : memref<640x128xf32, #tpu.memory_space<vmem_shared>>) target(%dma_start3A_27 : memref<640x128xf32, #tpu.memory_space<hbm>>) target_semaphore(%run_scoped3A : memref<!tpu.dma_semaphore, #tpu.memory_space<semaphore_mem>>)
      %dma_wait3A = arith.constant 0 : i32
      %dma_wait3A_30 = arith.constant 0 : i32
      %dma_wait3A_31 = tpu.memref_slice %arg6[%arg0, %dma_wait3A, %dma_wait3A_30] : memref<2x10240x128xf32, #tpu.memory_space<hbm>> -> memref<1x10240x128xf32, #tpu.memory_space<hbm>>
      %dma_wait3A_32 = tpu.memref_squeeze %dma_wait3A_31 : memref<1x10240x128xf32, #tpu.memory_space<hbm>> -> memref<10240x128xf32, #tpu.memory_space<hbm>>
      %dma_wait3A_33 = arith.constant 0 : i32
      %dma_wait3A_34 = tpu.memref_slice %dma_wait3A_32[%mul3A_2, %dma_wait3A_33] : memref<10240x128xf32, #tpu.memory_space<hbm>> -> memref<640x128xf32, #tpu.memory_space<hbm>>
      %dma_wait3A_35 = arith.constant 0 : i32
      %dma_wait3A_36 = tpu.memref_slice %arg7[%mul3A_2, %dma_wait3A_35] : memref<10240x128xf32, #tpu.memory_space<vmem_shared>> -> memref<640x128xf32, #tpu.memory_space<vmem_shared>>
      tpu.wait_dma2 semaphore(%run_scoped3A : memref<!tpu.dma_semaphore, #tpu.memory_space<semaphore_mem>>) src(%dma_wait3A_36 : memref<640x128xf32, #tpu.memory_space<vmem_shared>>) dst(%dma_wait3A_34 : memref<640x128xf32, #tpu.memory_space<hbm>>)
      tpu.yield
    }) : () -> ()
    return
  }
}

#map = affine_map<(d0, d1) -> (0, 0)>
#map1 = affine_map<(d0, d1) -> (0, 0, 0)>
module attributes {stable_mosaic.version = 14 : i64} {
  func.func @_step_kernel(%arg0: i32, %arg1: i32, %arg2: memref<10240x128xf32, #tpu.memory_space<hbm>>, %arg3: memref<32x40x128xi32, #tpu.memory_space<hbm>>, %arg4: memref<32x40x128xi32, #tpu.memory_space<hbm>>, %arg5: memref<10240x128xf32, #tpu.memory_space<hbm>>, %arg6: memref<2x10240x128xf32, #tpu.memory_space<hbm>>, %arg7: memref<10240x128xf32, #tpu.memory_space<vmem_shared>>, %arg8: memref<128x128xf32, #tpu.memory_space<vmem>>, %arg9: memref<128x128xf32, #tpu.memory_space<vmem>>, %arg10: memref<40x128xi32, #tpu.memory_space<vmem>>, %arg11: memref<40x128xi32, #tpu.memory_space<vmem>>, %arg12: memref<!tpu.dma_semaphore, #tpu.memory_space<semaphore_mem>>, %arg13: memref<!tpu.dma_semaphore, #tpu.memory_space<semaphore_mem>>) attributes {dimension_semantics = [#tpu.dimension_semantics<core_parallel>, #tpu.dimension_semantics<subcore_parallel>], iteration_bounds = array<i64: 2, 16>, scalar_prefetch = 0 : i64, scratch_operands = 7 : i64, tpu.core_type = #tpu.core_type<sc_vector_subcore>, window_params = [{transform_indices = #map}, {transform_indices = #map1}, {transform_indices = #map1}, {transform_indices = #map}, {transform_indices = #map1}]} {
    %mul3A = arith.constant 16 : i32
    %mul3A_0 = arith.muli %arg0, %mul3A : i32
    %add3A = arith.addi %mul3A_0, %arg1 : i32
    %mul3A_1 = arith.constant 640 : i32
    %mul3A_2 = arith.muli %arg1, %mul3A_1 : i32
    "tpu.region"() ({
      %run_scoped3A = tpu.sem_alloc : memref<!tpu.dma_semaphore, #tpu.memory_space<semaphore_mem>>
      %dma_start3A_22 = arith.constant 0 : i32
      %dma_start3A_23 = tpu.memref_slice %arg7[%mul3A_2, %dma_start3A_22] : memref<10240x128xf32, #tpu.memory_space<vmem_shared>> -> memref<640x128xf32, #tpu.memory_space<vmem_shared>>
      %dma_start3A_24 = arith.constant 0 : i32
      %dma_start3A_25 = tpu.memref_slice %arg5[%mul3A_2, %dma_start3A_24] : memref<10240x128xf32, #tpu.memory_space<hbm>> -> memref<640x128xf32, #tpu.memory_space<hbm>>
      tpu.enqueue_dma source(%dma_start3A_25 : memref<640x128xf32, #tpu.memory_space<hbm>>) target(%dma_start3A_23 : memref<640x128xf32, #tpu.memory_space<vmem_shared>>) target_semaphore(%run_scoped3A : memref<!tpu.dma_semaphore, #tpu.memory_space<semaphore_mem>>)
      %dma_wait3A = arith.constant 0 : i32
      %dma_wait3A_26 = tpu.memref_slice %arg7[%mul3A_2, %dma_wait3A] : memref<10240x128xf32, #tpu.memory_space<vmem_shared>> -> memref<640x128xf32, #tpu.memory_space<vmem_shared>>
      %dma_wait3A_27 = arith.constant 0 : i32
      %dma_wait3A_28 = tpu.memref_slice %arg5[%mul3A_2, %dma_wait3A_27] : memref<10240x128xf32, #tpu.memory_space<hbm>> -> memref<640x128xf32, #tpu.memory_space<hbm>>
      tpu.wait_dma2 semaphore(%run_scoped3A : memref<!tpu.dma_semaphore, #tpu.memory_space<semaphore_mem>>) src(%dma_wait3A_28 : memref<640x128xf32, #tpu.memory_space<hbm>>) dst(%dma_wait3A_26 : memref<640x128xf32, #tpu.memory_space<vmem_shared>>)
      tpu.yield
    }) : () -> ()
    "tpu.region"() ({
      %run_scoped3A = tpu.sem_alloc : memref<!tpu.dma_semaphore, #tpu.memory_space<semaphore_mem>>
      %dma_start3A_22 = arith.constant 0 : i32
      %dma_start3A_23 = arith.constant 0 : i32
      %dma_start3A_24 = tpu.memref_slice %arg3[%add3A, %dma_start3A_22, %dma_start3A_23] : memref<32x40x128xi32, #tpu.memory_space<hbm>> -> memref<1x40x128xi32, #tpu.memory_space<hbm>>
      %dma_start3A_25 = tpu.memref_squeeze %dma_start3A_24 : memref<1x40x128xi32, #tpu.memory_space<hbm>> -> memref<40x128xi32, #tpu.memory_space<hbm>>
      %dma_start3A_26 = arith.constant 0 : i32
      %dma_start3A_27 = arith.constant 0 : i32
      %dma_start3A_28 = tpu.memref_slice %arg3[%add3A, %dma_start3A_26, %dma_start3A_27] : memref<32x40x128xi32, #tpu.memory_space<hbm>> -> memref<1x40x128xi32, #tpu.memory_space<hbm>>
      %dma_start3A_29 = tpu.memref_squeeze %dma_start3A_28 : memref<1x40x128xi32, #tpu.memory_space<hbm>> -> memref<40x128xi32, #tpu.memory_space<hbm>>
      tpu.enqueue_dma source(%dma_start3A_29 : memref<40x128xi32, #tpu.memory_space<hbm>>) target(%arg10 : memref<40x128xi32, #tpu.memory_space<vmem>>) target_semaphore(%run_scoped3A : memref<!tpu.dma_semaphore, #tpu.memory_space<semaphore_mem>>)
      %dma_wait3A = arith.constant 0 : i32
      %dma_wait3A_30 = arith.constant 0 : i32
      %dma_wait3A_31 = tpu.memref_slice %arg3[%add3A, %dma_wait3A, %dma_wait3A_30] : memref<32x40x128xi32, #tpu.memory_space<hbm>> -> memref<1x40x128xi32, #tpu.memory_space<hbm>>
      %dma_wait3A_32 = tpu.memref_squeeze %dma_wait3A_31 : memref<1x40x128xi32, #tpu.memory_space<hbm>> -> memref<40x128xi32, #tpu.memory_space<hbm>>
      %dma_wait3A_33 = arith.constant 0 : i32
      %dma_wait3A_34 = arith.constant 0 : i32
      %dma_wait3A_35 = tpu.memref_slice %arg3[%add3A, %dma_wait3A_33, %dma_wait3A_34] : memref<32x40x128xi32, #tpu.memory_space<hbm>> -> memref<1x40x128xi32, #tpu.memory_space<hbm>>
      %dma_wait3A_36 = tpu.memref_squeeze %dma_wait3A_35 : memref<1x40x128xi32, #tpu.memory_space<hbm>> -> memref<40x128xi32, #tpu.memory_space<hbm>>
      tpu.wait_dma2 semaphore(%run_scoped3A : memref<!tpu.dma_semaphore, #tpu.memory_space<semaphore_mem>>) src(%dma_wait3A_36 : memref<40x128xi32, #tpu.memory_space<hbm>>) dst(%arg10 : memref<40x128xi32, #tpu.memory_space<vmem>>)
      tpu.yield
    }) : () -> ()
    "tpu.region"() ({
      %run_scoped3A = tpu.sem_alloc : memref<!tpu.dma_semaphore, #tpu.memory_space<semaphore_mem>>
      %dma_start3A_22 = arith.constant 0 : i32
      %dma_start3A_23 = arith.constant 0 : i32
      %dma_start3A_24 = tpu.memref_slice %arg4[%add3A, %dma_start3A_22, %dma_start3A_23] : memref<32x40x128xi32, #tpu.memory_space<hbm>> -> memref<1x40x128xi32, #tpu.memory_space<hbm>>
      %dma_start3A_25 = tpu.memref_squeeze %dma_start3A_24 : memref<1x40x128xi32, #tpu.memory_space<hbm>> -> memref<40x128xi32, #tpu.memory_space<hbm>>
      %dma_start3A_26 = arith.constant 0 : i32
      %dma_start3A_27 = arith.constant 0 : i32
      %dma_start3A_28 = tpu.memref_slice %arg4[%add3A, %dma_start3A_26, %dma_start3A_27] : memref<32x40x128xi32, #tpu.memory_space<hbm>> -> memref<1x40x128xi32, #tpu.memory_space<hbm>>
      %dma_start3A_29 = tpu.memref_squeeze %dma_start3A_28 : memref<1x40x128xi32, #tpu.memory_space<hbm>> -> memref<40x128xi32, #tpu.memory_space<hbm>>
      tpu.enqueue_dma source(%dma_start3A_29 : memref<40x128xi32, #tpu.memory_space<hbm>>) target(%arg11 : memref<40x128xi32, #tpu.memory_space<vmem>>) target_semaphore(%run_scoped3A : memref<!tpu.dma_semaphore, #tpu.memory_space<semaphore_mem>>)
      %dma_wait3A = arith.constant 0 : i32
      %dma_wait3A_30 = arith.constant 0 : i32
      %dma_wait3A_31 = tpu.memref_slice %arg4[%add3A, %dma_wait3A, %dma_wait3A_30] : memref<32x40x128xi32, #tpu.memory_space<hbm>> -> memref<1x40x128xi32, #tpu.memory_space<hbm>>
      %dma_wait3A_32 = tpu.memref_squeeze %dma_wait3A_31 : memref<1x40x128xi32, #tpu.memory_space<hbm>> -> memref<40x128xi32, #tpu.memory_space<hbm>>
      %dma_wait3A_33 = arith.constant 0 : i32
      %dma_wait3A_34 = arith.constant 0 : i32
      %dma_wait3A_35 = tpu.memref_slice %arg4[%add3A, %dma_wait3A_33, %dma_wait3A_34] : memref<32x40x128xi32, #tpu.memory_space<hbm>> -> memref<1x40x128xi32, #tpu.memory_space<hbm>>
      %dma_wait3A_36 = tpu.memref_squeeze %dma_wait3A_35 : memref<1x40x128xi32, #tpu.memory_space<hbm>> -> memref<40x128xi32, #tpu.memory_space<hbm>>
      tpu.wait_dma2 semaphore(%run_scoped3A : memref<!tpu.dma_semaphore, #tpu.memory_space<semaphore_mem>>) src(%dma_wait3A_36 : memref<40x128xi32, #tpu.memory_space<hbm>>) dst(%arg11 : memref<40x128xi32, #tpu.memory_space<vmem>>)
      tpu.yield
    }) : () -> ()
    %barrier3A = arith.constant 0 : index
    tpu.barrier barrier_id(%barrier3A)
    %dma_start3A = arith.constant 0 : i32
    %dma_start3A_3 = arith.constant 0 : i32
    %dma_start3A_4 = tpu.memref_slice %arg10[%dma_start3A, %dma_start3A_3] : memref<40x128xi32, #tpu.memory_space<vmem>> -> memref<1x128xi32, #tpu.memory_space<vmem>>
    %dma_start3A_5 = tpu.memref_squeeze %dma_start3A_4 : memref<1x128xi32, #tpu.memory_space<vmem>> -> memref<128xi32, #tpu.memory_space<vmem>>
    %dma_start3A_6 = arith.constant 0 : i32
    %dma_start3A_7 = arith.constant 0 : i32
    %dma_start3A_8 = tpu.memref_slice %arg2[%dma_start3A_6, %dma_start3A_7] : memref<10240x128xf32, #tpu.memory_space<hbm>> -> memref<10240x128xf32, #tpu.memory_space<hbm>>
    tpu.enqueue_indirect_dma source(%dma_start3A_8 : memref<10240x128xf32, #tpu.memory_space<hbm>>) target(%arg8 : memref<128x128xf32, #tpu.memory_space<vmem>>) offsets(%dma_start3A_5 : memref<128xi32, #tpu.memory_space<vmem>>) semaphore(%arg12 : memref<!tpu.dma_semaphore, #tpu.memory_space<semaphore_mem>>)
    %dma_start3A_9 = arith.constant 1 : i32
    %dma_start3A_10 = arith.constant 0 : i32
    %dma_start3A_11 = tpu.memref_slice %arg10[%dma_start3A_9, %dma_start3A_10] : memref<40x128xi32, #tpu.memory_space<vmem>> -> memref<1x128xi32, #tpu.memory_space<vmem>>
    %dma_start3A_12 = tpu.memref_squeeze %dma_start3A_11 : memref<1x128xi32, #tpu.memory_space<vmem>> -> memref<128xi32, #tpu.memory_space<vmem>>
    %dma_start3A_13 = arith.constant 0 : i32
    %dma_start3A_14 = arith.constant 0 : i32
    %dma_start3A_15 = tpu.memref_slice %arg2[%dma_start3A_13, %dma_start3A_14] : memref<10240x128xf32, #tpu.memory_space<hbm>> -> memref<10240x128xf32, #tpu.memory_space<hbm>>
    tpu.enqueue_indirect_dma source(%dma_start3A_15 : memref<10240x128xf32, #tpu.memory_space<hbm>>) target(%arg9 : memref<128x128xf32, #tpu.memory_space<vmem>>) offsets(%dma_start3A_12 : memref<128xi32, #tpu.memory_space<vmem>>) semaphore(%arg13 : memref<!tpu.dma_semaphore, #tpu.memory_space<semaphore_mem>>)
    %scan3A = arith.constant 0 : i32
    %scan3A_16 = arith.constant 0 : i32
    %scan3A_17 = arith.constant 20 : i32
    %scan3A_18 = arith.addi %scan3A_16, %scan3A_17 : i32
    %scan3A_19 = arith.constant 1 : i32
    scf.for %scan3A_22 = %scan3A_16 to %scan3A_18 step %scan3A_19  : i32 {
      %mul3A_23 = arith.constant 2 : i32
      %mul3A_24 = arith.muli %scan3A_22, %mul3A_23 : i32
      %add3A_25 = arith.constant 0 : i32
      %add3A_26 = arith.addi %mul3A_24, %add3A_25 : i32
      %dma_wait3A = arith.constant 0 : i32
      %dma_wait3A_27 = tpu.memref_slice %arg10[%add3A_26, %dma_wait3A] : memref<40x128xi32, #tpu.memory_space<vmem>> -> memref<1x128xi32, #tpu.memory_space<vmem>>
      %dma_wait3A_28 = tpu.memref_squeeze %dma_wait3A_27 : memref<1x128xi32, #tpu.memory_space<vmem>> -> memref<128xi32, #tpu.memory_space<vmem>>
      %dma_wait3A_29 = arith.constant 0 : i32
      %dma_wait3A_30 = arith.constant 0 : i32
      %dma_wait3A_31 = tpu.memref_slice %arg2[%dma_wait3A_29, %dma_wait3A_30] : memref<10240x128xf32, #tpu.memory_space<hbm>> -> memref<10240x128xf32, #tpu.memory_space<hbm>>
      tpu.wait_indirect_dma semaphore(%arg12 : memref<!tpu.dma_semaphore, #tpu.memory_space<semaphore_mem>>) src(%dma_wait3A_31 : memref<10240x128xf32, #tpu.memory_space<hbm>>) dst(%arg8 : memref<128x128xf32, #tpu.memory_space<vmem>>)
      "tpu.region"() ({
        %run_scoped3A = tpu.sem_alloc : memref<!tpu.dma_semaphore, #tpu.memory_space<semaphore_mem>>
        %dma_start3A_53 = arith.constant 0 : i32
        %dma_start3A_54 = tpu.memref_slice %arg11[%add3A_26, %dma_start3A_53] : memref<40x128xi32, #tpu.memory_space<vmem>> -> memref<1x128xi32, #tpu.memory_space<vmem>>
        %dma_start3A_55 = tpu.memref_squeeze %dma_start3A_54 : memref<1x128xi32, #tpu.memory_space<vmem>> -> memref<128xi32, #tpu.memory_space<vmem>>
        %dma_start3A_56 = arith.constant 0 : i32
        %dma_start3A_57 = arith.constant 0 : i32
        %dma_start3A_58 = tpu.memref_slice %arg7[%dma_start3A_56, %dma_start3A_57] : memref<10240x128xf32, #tpu.memory_space<vmem_shared>> -> memref<10240x128xf32, #tpu.memory_space<vmem_shared>>
        tpu.enqueue_indirect_dma source(%arg8 : memref<128x128xf32, #tpu.memory_space<vmem>>) target(%dma_start3A_58 : memref<10240x128xf32, #tpu.memory_space<vmem_shared>>) offsets(%dma_start3A_55 : memref<128xi32, #tpu.memory_space<vmem>>) semaphore(%run_scoped3A : memref<!tpu.dma_semaphore, #tpu.memory_space<semaphore_mem>>) {add = true}
        %dma_wait3A_59 = arith.constant 0 : i32
        %dma_wait3A_60 = tpu.memref_slice %arg11[%add3A_26, %dma_wait3A_59] : memref<40x128xi32, #tpu.memory_space<vmem>> -> memref<1x128xi32, #tpu.memory_space<vmem>>
        %dma_wait3A_61 = tpu.memref_squeeze %dma_wait3A_60 : memref<1x128xi32, #tpu.memory_space<vmem>> -> memref<128xi32, #tpu.memory_space<vmem>>
        %dma_wait3A_62 = arith.constant 0 : i32
        %dma_wait3A_63 = arith.constant 0 : i32
        %dma_wait3A_64 = tpu.memref_slice %arg7[%dma_wait3A_62, %dma_wait3A_63] : memref<10240x128xf32, #tpu.memory_space<vmem_shared>> -> memref<10240x128xf32, #tpu.memory_space<vmem_shared>>
        tpu.wait_indirect_dma semaphore(%run_scoped3A : memref<!tpu.dma_semaphore, #tpu.memory_space<semaphore_mem>>) src(%arg8 : memref<128x128xf32, #tpu.memory_space<vmem>>) dst(%dma_wait3A_64 : memref<10240x128xf32, #tpu.memory_space<vmem_shared>>)
        tpu.yield
      }) : () -> ()
      %add3A_32 = arith.constant 2 : i32
      %add3A_33 = arith.addi %add3A_26, %add3A_32 : i32
      %lt3A = arith.constant 40 : i32
      %lt3A_34 = arith.cmpi slt, %add3A_33, %lt3A : i32
      %convert_element_type3A = arith.extui %lt3A_34 : i1 to i32
      %cond3A = arith.constant 0 : i32
      %cond3A_35 = arith.cmpi ne, %convert_element_type3A, %cond3A : i32
      scf.if %cond3A_35 {
        %add3A_53 = arith.constant 2 : i32
        %add3A_54 = arith.addi %add3A_26, %add3A_53 : i32
        %dma_start3A_55 = arith.constant 0 : i32
        %dma_start3A_56 = tpu.memref_slice %arg10[%add3A_54, %dma_start3A_55] : memref<40x128xi32, #tpu.memory_space<vmem>> -> memref<1x128xi32, #tpu.memory_space<vmem>>
        %dma_start3A_57 = tpu.memref_squeeze %dma_start3A_56 : memref<1x128xi32, #tpu.memory_space<vmem>> -> memref<128xi32, #tpu.memory_space<vmem>>
        %dma_start3A_58 = arith.constant 0 : i32
        %dma_start3A_59 = arith.constant 0 : i32
        %dma_start3A_60 = tpu.memref_slice %arg2[%dma_start3A_58, %dma_start3A_59] : memref<10240x128xf32, #tpu.memory_space<hbm>> -> memref<10240x128xf32, #tpu.memory_space<hbm>>
        tpu.enqueue_indirect_dma source(%dma_start3A_60 : memref<10240x128xf32, #tpu.memory_space<hbm>>) target(%arg8 : memref<128x128xf32, #tpu.memory_space<vmem>>) offsets(%dma_start3A_57 : memref<128xi32, #tpu.memory_space<vmem>>) semaphore(%arg12 : memref<!tpu.dma_semaphore, #tpu.memory_space<semaphore_mem>>)
      } else {
      }
      %mul3A_36 = arith.constant 2 : i32
      %mul3A_37 = arith.muli %scan3A_22, %mul3A_36 : i32
      %add3A_38 = arith.constant 1 : i32
      %add3A_39 = arith.addi %mul3A_37, %add3A_38 : i32
      %dma_wait3A_40 = arith.constant 0 : i32
      %dma_wait3A_41 = tpu.memref_slice %arg10[%add3A_39, %dma_wait3A_40] : memref<40x128xi32, #tpu.memory_space<vmem>> -> memref<1x128xi32, #tpu.memory_space<vmem>>
      %dma_wait3A_42 = tpu.memref_squeeze %dma_wait3A_41 : memref<1x128xi32, #tpu.memory_space<vmem>> -> memref<128xi32, #tpu.memory_space<vmem>>
      %dma_wait3A_43 = arith.constant 0 : i32
      %dma_wait3A_44 = arith.constant 0 : i32
      %dma_wait3A_45 = tpu.memref_slice %arg2[%dma_wait3A_43, %dma_wait3A_44] : memref<10240x128xf32, #tpu.memory_space<hbm>> -> memref<10240x128xf32, #tpu.memory_space<hbm>>
      tpu.wait_indirect_dma semaphore(%arg13 : memref<!tpu.dma_semaphore, #tpu.memory_space<semaphore_mem>>) src(%dma_wait3A_45 : memref<10240x128xf32, #tpu.memory_space<hbm>>) dst(%arg9 : memref<128x128xf32, #tpu.memory_space<vmem>>)
      "tpu.region"() ({
        %run_scoped3A = tpu.sem_alloc : memref<!tpu.dma_semaphore, #tpu.memory_space<semaphore_mem>>
        %dma_start3A_53 = arith.constant 0 : i32
        %dma_start3A_54 = tpu.memref_slice %arg11[%add3A_39, %dma_start3A_53] : memref<40x128xi32, #tpu.memory_space<vmem>> -> memref<1x128xi32, #tpu.memory_space<vmem>>
        %dma_start3A_55 = tpu.memref_squeeze %dma_start3A_54 : memref<1x128xi32, #tpu.memory_space<vmem>> -> memref<128xi32, #tpu.memory_space<vmem>>
        %dma_start3A_56 = arith.constant 0 : i32
        %dma_start3A_57 = arith.constant 0 : i32
        %dma_start3A_58 = tpu.memref_slice %arg7[%dma_start3A_56, %dma_start3A_57] : memref<10240x128xf32, #tpu.memory_space<vmem_shared>> -> memref<10240x128xf32, #tpu.memory_space<vmem_shared>>
        tpu.enqueue_indirect_dma source(%arg9 : memref<128x128xf32, #tpu.memory_space<vmem>>) target(%dma_start3A_58 : memref<10240x128xf32, #tpu.memory_space<vmem_shared>>) offsets(%dma_start3A_55 : memref<128xi32, #tpu.memory_space<vmem>>) semaphore(%run_scoped3A : memref<!tpu.dma_semaphore, #tpu.memory_space<semaphore_mem>>) {add = true}
        %dma_wait3A_59 = arith.constant 0 : i32
        %dma_wait3A_60 = tpu.memref_slice %arg11[%add3A_39, %dma_wait3A_59] : memref<40x128xi32, #tpu.memory_space<vmem>> -> memref<1x128xi32, #tpu.memory_space<vmem>>
        %dma_wait3A_61 = tpu.memref_squeeze %dma_wait3A_60 : memref<1x128xi32, #tpu.memory_space<vmem>> -> memref<128xi32, #tpu.memory_space<vmem>>
        %dma_wait3A_62 = arith.constant 0 : i32
        %dma_wait3A_63 = arith.constant 0 : i32
        %dma_wait3A_64 = tpu.memref_slice %arg7[%dma_wait3A_62, %dma_wait3A_63] : memref<10240x128xf32, #tpu.memory_space<vmem_shared>> -> memref<10240x128xf32, #tpu.memory_space<vmem_shared>>
        tpu.wait_indirect_dma semaphore(%run_scoped3A : memref<!tpu.dma_semaphore, #tpu.memory_space<semaphore_mem>>) src(%arg9 : memref<128x128xf32, #tpu.memory_space<vmem>>) dst(%dma_wait3A_64 : memref<10240x128xf32, #tpu.memory_space<vmem_shared>>)
        tpu.yield
      }) : () -> ()
      %add3A_46 = arith.constant 2 : i32
      %add3A_47 = arith.addi %add3A_39, %add3A_46 : i32
      %lt3A_48 = arith.constant 40 : i32
      %lt3A_49 = arith.cmpi slt, %add3A_47, %lt3A_48 : i32
      %convert_element_type3A_50 = arith.extui %lt3A_49 : i1 to i32
      %cond3A_51 = arith.constant 0 : i32
      %cond3A_52 = arith.cmpi ne, %convert_element_type3A_50, %cond3A_51 : i32
      scf.if %cond3A_52 {
        %add3A_53 = arith.constant 2 : i32
        %add3A_54 = arith.addi %add3A_39, %add3A_53 : i32
        %dma_start3A_55 = arith.constant 0 : i32
        %dma_start3A_56 = tpu.memref_slice %arg10[%add3A_54, %dma_start3A_55] : memref<40x128xi32, #tpu.memory_space<vmem>> -> memref<1x128xi32, #tpu.memory_space<vmem>>
        %dma_start3A_57 = tpu.memref_squeeze %dma_start3A_56 : memref<1x128xi32, #tpu.memory_space<vmem>> -> memref<128xi32, #tpu.memory_space<vmem>>
        %dma_start3A_58 = arith.constant 0 : i32
        %dma_start3A_59 = arith.constant 0 : i32
        %dma_start3A_60 = tpu.memref_slice %arg2[%dma_start3A_58, %dma_start3A_59] : memref<10240x128xf32, #tpu.memory_space<hbm>> -> memref<10240x128xf32, #tpu.memory_space<hbm>>
        tpu.enqueue_indirect_dma source(%dma_start3A_60 : memref<10240x128xf32, #tpu.memory_space<hbm>>) target(%arg9 : memref<128x128xf32, #tpu.memory_space<vmem>>) offsets(%dma_start3A_57 : memref<128xi32, #tpu.memory_space<vmem>>) semaphore(%arg13 : memref<!tpu.dma_semaphore, #tpu.memory_space<semaphore_mem>>)
      } else {
      }
    }
    %scan3A_20 = arith.constant 20 : i32
    %barrier3A_21 = arith.constant 0 : index
    tpu.barrier barrier_id(%barrier3A_21)
    "tpu.region"() ({
      %run_scoped3A = tpu.sem_alloc : memref<!tpu.dma_semaphore, #tpu.memory_space<semaphore_mem>>
      %dma_start3A_22 = arith.constant 0 : i32
      %dma_start3A_23 = arith.constant 0 : i32
      %dma_start3A_24 = tpu.memref_slice %arg6[%arg0, %dma_start3A_22, %dma_start3A_23] : memref<2x10240x128xf32, #tpu.memory_space<hbm>> -> memref<1x10240x128xf32, #tpu.memory_space<hbm>>
      %dma_start3A_25 = tpu.memref_squeeze %dma_start3A_24 : memref<1x10240x128xf32, #tpu.memory_space<hbm>> -> memref<10240x128xf32, #tpu.memory_space<hbm>>
      %dma_start3A_26 = arith.constant 0 : i32
      %dma_start3A_27 = tpu.memref_slice %dma_start3A_25[%mul3A_2, %dma_start3A_26] : memref<10240x128xf32, #tpu.memory_space<hbm>> -> memref<640x128xf32, #tpu.memory_space<hbm>>
      %dma_start3A_28 = arith.constant 0 : i32
      %dma_start3A_29 = tpu.memref_slice %arg7[%mul3A_2, %dma_start3A_28] : memref<10240x128xf32, #tpu.memory_space<vmem_shared>> -> memref<640x128xf32, #tpu.memory_space<vmem_shared>>
      tpu.enqueue_dma source(%dma_start3A_29 : memref<640x128xf32, #tpu.memory_space<vmem_shared>>) target(%dma_start3A_27 : memref<640x128xf32, #tpu.memory_space<hbm>>) target_semaphore(%run_scoped3A : memref<!tpu.dma_semaphore, #tpu.memory_space<semaphore_mem>>)
      %dma_wait3A = arith.constant 0 : i32
      %dma_wait3A_30 = arith.constant 0 : i32
      %dma_wait3A_31 = tpu.memref_slice %arg6[%arg0, %dma_wait3A, %dma_wait3A_30] : memref<2x10240x128xf32, #tpu.memory_space<hbm>> -> memref<1x10240x128xf32, #tpu.memory_space<hbm>>
      %dma_wait3A_32 = tpu.memref_squeeze %dma_wait3A_31 : memref<1x10240x128xf32, #tpu.memory_space<hbm>> -> memref<10240x128xf32, #tpu.memory_space<hbm>>
      %dma_wait3A_33 = arith.constant 0 : i32
      %dma_wait3A_34 = tpu.memref_slice %dma_wait3A_32[%mul3A_2, %dma_wait3A_33] : memref<10240x128xf32, #tpu.memory_space<hbm>> -> memref<640x128xf32, #tpu.memory_space<hbm>>
      %dma_wait3A_35 = arith.constant 0 : i32
      %dma_wait3A_36 = tpu.memref_slice %arg7[%mul3A_2, %dma_wait3A_35] : memref<10240x128xf32, #tpu.memory_space<vmem_shared>> -> memref<640x128xf32, #tpu.memory_space<vmem_shared>>
      tpu.wait_dma2 semaphore(%run_scoped3A : memref<!tpu.dma_semaphore, #tpu.memory_space<semaphore_mem>>) src(%dma_wait3A_36 : memref<640x128xf32, #tpu.memory_space<vmem_shared>>) dst(%dma_wait3A_34 : memref<640x128xf32, #tpu.memory_space<hbm>>)
      tpu.yield
    }) : () -> ()
    return
  }
}

#map = affine_map<(d0, d1) -> (0, 0)>
#map1 = affine_map<(d0, d1) -> (0, 0, 0)>
module attributes {stable_mosaic.version = 14 : i64} {
  func.func @_step_kernel(%arg0: i32, %arg1: i32, %arg2: memref<10240x128xf32, #tpu.memory_space<hbm>>, %arg3: memref<32x40x128xi32, #tpu.memory_space<hbm>>, %arg4: memref<32x40x128xi32, #tpu.memory_space<hbm>>, %arg5: memref<10240x128xf32, #tpu.memory_space<hbm>>, %arg6: memref<2x10240x128xf32, #tpu.memory_space<hbm>>, %arg7: memref<10240x128xf32, #tpu.memory_space<vmem_shared>>, %arg8: memref<128x128xf32, #tpu.memory_space<vmem>>, %arg9: memref<128x128xf32, #tpu.memory_space<vmem>>, %arg10: memref<40x128xi32, #tpu.memory_space<vmem>>, %arg11: memref<40x128xi32, #tpu.memory_space<vmem>>, %arg12: memref<!tpu.dma_semaphore, #tpu.memory_space<semaphore_mem>>, %arg13: memref<!tpu.dma_semaphore, #tpu.memory_space<semaphore_mem>>) attributes {dimension_semantics = [#tpu.dimension_semantics<core_parallel>, #tpu.dimension_semantics<subcore_parallel>], iteration_bounds = array<i64: 2, 16>, scalar_prefetch = 0 : i64, scratch_operands = 7 : i64, tpu.core_type = #tpu.core_type<sc_vector_subcore>, window_params = [{transform_indices = #map}, {transform_indices = #map1}, {transform_indices = #map1}, {transform_indices = #map}, {transform_indices = #map1}]} {
    %mul3A = arith.constant 16 : i32
    %mul3A_0 = arith.muli %arg0, %mul3A : i32
    %add3A = arith.addi %mul3A_0, %arg1 : i32
    %mul3A_1 = arith.constant 640 : i32
    %mul3A_2 = arith.muli %arg1, %mul3A_1 : i32
    "tpu.region"() ({
      %run_scoped3A = tpu.sem_alloc : memref<!tpu.dma_semaphore, #tpu.memory_space<semaphore_mem>>
      %dma_start3A_22 = arith.constant 0 : i32
      %dma_start3A_23 = tpu.memref_slice %arg7[%mul3A_2, %dma_start3A_22] : memref<10240x128xf32, #tpu.memory_space<vmem_shared>> -> memref<640x128xf32, #tpu.memory_space<vmem_shared>>
      %dma_start3A_24 = arith.constant 0 : i32
      %dma_start3A_25 = tpu.memref_slice %arg5[%mul3A_2, %dma_start3A_24] : memref<10240x128xf32, #tpu.memory_space<hbm>> -> memref<640x128xf32, #tpu.memory_space<hbm>>
      tpu.enqueue_dma source(%dma_start3A_25 : memref<640x128xf32, #tpu.memory_space<hbm>>) target(%dma_start3A_23 : memref<640x128xf32, #tpu.memory_space<vmem_shared>>) target_semaphore(%run_scoped3A : memref<!tpu.dma_semaphore, #tpu.memory_space<semaphore_mem>>)
      %dma_wait3A = arith.constant 0 : i32
      %dma_wait3A_26 = tpu.memref_slice %arg7[%mul3A_2, %dma_wait3A] : memref<10240x128xf32, #tpu.memory_space<vmem_shared>> -> memref<640x128xf32, #tpu.memory_space<vmem_shared>>
      %dma_wait3A_27 = arith.constant 0 : i32
      %dma_wait3A_28 = tpu.memref_slice %arg5[%mul3A_2, %dma_wait3A_27] : memref<10240x128xf32, #tpu.memory_space<hbm>> -> memref<640x128xf32, #tpu.memory_space<hbm>>
      tpu.wait_dma2 semaphore(%run_scoped3A : memref<!tpu.dma_semaphore, #tpu.memory_space<semaphore_mem>>) src(%dma_wait3A_28 : memref<640x128xf32, #tpu.memory_space<hbm>>) dst(%dma_wait3A_26 : memref<640x128xf32, #tpu.memory_space<vmem_shared>>)
      tpu.yield
    }) : () -> ()
    "tpu.region"() ({
      %run_scoped3A = tpu.sem_alloc : memref<!tpu.dma_semaphore, #tpu.memory_space<semaphore_mem>>
      %dma_start3A_22 = arith.constant 0 : i32
      %dma_start3A_23 = arith.constant 0 : i32
      %dma_start3A_24 = tpu.memref_slice %arg3[%add3A, %dma_start3A_22, %dma_start3A_23] : memref<32x40x128xi32, #tpu.memory_space<hbm>> -> memref<1x40x128xi32, #tpu.memory_space<hbm>>
      %dma_start3A_25 = tpu.memref_squeeze %dma_start3A_24 : memref<1x40x128xi32, #tpu.memory_space<hbm>> -> memref<40x128xi32, #tpu.memory_space<hbm>>
      %dma_start3A_26 = arith.constant 0 : i32
      %dma_start3A_27 = arith.constant 0 : i32
      %dma_start3A_28 = tpu.memref_slice %arg3[%add3A, %dma_start3A_26, %dma_start3A_27] : memref<32x40x128xi32, #tpu.memory_space<hbm>> -> memref<1x40x128xi32, #tpu.memory_space<hbm>>
      %dma_start3A_29 = tpu.memref_squeeze %dma_start3A_28 : memref<1x40x128xi32, #tpu.memory_space<hbm>> -> memref<40x128xi32, #tpu.memory_space<hbm>>
      tpu.enqueue_dma source(%dma_start3A_29 : memref<40x128xi32, #tpu.memory_space<hbm>>) target(%arg10 : memref<40x128xi32, #tpu.memory_space<vmem>>) target_semaphore(%run_scoped3A : memref<!tpu.dma_semaphore, #tpu.memory_space<semaphore_mem>>)
      %dma_wait3A = arith.constant 0 : i32
      %dma_wait3A_30 = arith.constant 0 : i32
      %dma_wait3A_31 = tpu.memref_slice %arg3[%add3A, %dma_wait3A, %dma_wait3A_30] : memref<32x40x128xi32, #tpu.memory_space<hbm>> -> memref<1x40x128xi32, #tpu.memory_space<hbm>>
      %dma_wait3A_32 = tpu.memref_squeeze %dma_wait3A_31 : memref<1x40x128xi32, #tpu.memory_space<hbm>> -> memref<40x128xi32, #tpu.memory_space<hbm>>
      %dma_wait3A_33 = arith.constant 0 : i32
      %dma_wait3A_34 = arith.constant 0 : i32
      %dma_wait3A_35 = tpu.memref_slice %arg3[%add3A, %dma_wait3A_33, %dma_wait3A_34] : memref<32x40x128xi32, #tpu.memory_space<hbm>> -> memref<1x40x128xi32, #tpu.memory_space<hbm>>
      %dma_wait3A_36 = tpu.memref_squeeze %dma_wait3A_35 : memref<1x40x128xi32, #tpu.memory_space<hbm>> -> memref<40x128xi32, #tpu.memory_space<hbm>>
      tpu.wait_dma2 semaphore(%run_scoped3A : memref<!tpu.dma_semaphore, #tpu.memory_space<semaphore_mem>>) src(%dma_wait3A_36 : memref<40x128xi32, #tpu.memory_space<hbm>>) dst(%arg10 : memref<40x128xi32, #tpu.memory_space<vmem>>)
      tpu.yield
    }) : () -> ()
    "tpu.region"() ({
      %run_scoped3A = tpu.sem_alloc : memref<!tpu.dma_semaphore, #tpu.memory_space<semaphore_mem>>
      %dma_start3A_22 = arith.constant 0 : i32
      %dma_start3A_23 = arith.constant 0 : i32
      %dma_start3A_24 = tpu.memref_slice %arg4[%add3A, %dma_start3A_22, %dma_start3A_23] : memref<32x40x128xi32, #tpu.memory_space<hbm>> -> memref<1x40x128xi32, #tpu.memory_space<hbm>>
      %dma_start3A_25 = tpu.memref_squeeze %dma_start3A_24 : memref<1x40x128xi32, #tpu.memory_space<hbm>> -> memref<40x128xi32, #tpu.memory_space<hbm>>
      %dma_start3A_26 = arith.constant 0 : i32
      %dma_start3A_27 = arith.constant 0 : i32
      %dma_start3A_28 = tpu.memref_slice %arg4[%add3A, %dma_start3A_26, %dma_start3A_27] : memref<32x40x128xi32, #tpu.memory_space<hbm>> -> memref<1x40x128xi32, #tpu.memory_space<hbm>>
      %dma_start3A_29 = tpu.memref_squeeze %dma_start3A_28 : memref<1x40x128xi32, #tpu.memory_space<hbm>> -> memref<40x128xi32, #tpu.memory_space<hbm>>
      tpu.enqueue_dma source(%dma_start3A_29 : memref<40x128xi32, #tpu.memory_space<hbm>>) target(%arg11 : memref<40x128xi32, #tpu.memory_space<vmem>>) target_semaphore(%run_scoped3A : memref<!tpu.dma_semaphore, #tpu.memory_space<semaphore_mem>>)
      %dma_wait3A = arith.constant 0 : i32
      %dma_wait3A_30 = arith.constant 0 : i32
      %dma_wait3A_31 = tpu.memref_slice %arg4[%add3A, %dma_wait3A, %dma_wait3A_30] : memref<32x40x128xi32, #tpu.memory_space<hbm>> -> memref<1x40x128xi32, #tpu.memory_space<hbm>>
      %dma_wait3A_32 = tpu.memref_squeeze %dma_wait3A_31 : memref<1x40x128xi32, #tpu.memory_space<hbm>> -> memref<40x128xi32, #tpu.memory_space<hbm>>
      %dma_wait3A_33 = arith.constant 0 : i32
      %dma_wait3A_34 = arith.constant 0 : i32
      %dma_wait3A_35 = tpu.memref_slice %arg4[%add3A, %dma_wait3A_33, %dma_wait3A_34] : memref<32x40x128xi32, #tpu.memory_space<hbm>> -> memref<1x40x128xi32, #tpu.memory_space<hbm>>
      %dma_wait3A_36 = tpu.memref_squeeze %dma_wait3A_35 : memref<1x40x128xi32, #tpu.memory_space<hbm>> -> memref<40x128xi32, #tpu.memory_space<hbm>>
      tpu.wait_dma2 semaphore(%run_scoped3A : memref<!tpu.dma_semaphore, #tpu.memory_space<semaphore_mem>>) src(%dma_wait3A_36 : memref<40x128xi32, #tpu.memory_space<hbm>>) dst(%arg11 : memref<40x128xi32, #tpu.memory_space<vmem>>)
      tpu.yield
    }) : () -> ()
    %barrier3A = arith.constant 0 : index
    tpu.barrier barrier_id(%barrier3A)
    %dma_start3A = arith.constant 0 : i32
    %dma_start3A_3 = arith.constant 0 : i32
    %dma_start3A_4 = tpu.memref_slice %arg10[%dma_start3A, %dma_start3A_3] : memref<40x128xi32, #tpu.memory_space<vmem>> -> memref<1x128xi32, #tpu.memory_space<vmem>>
    %dma_start3A_5 = tpu.memref_squeeze %dma_start3A_4 : memref<1x128xi32, #tpu.memory_space<vmem>> -> memref<128xi32, #tpu.memory_space<vmem>>
    %dma_start3A_6 = arith.constant 0 : i32
    %dma_start3A_7 = arith.constant 0 : i32
    %dma_start3A_8 = tpu.memref_slice %arg2[%dma_start3A_6, %dma_start3A_7] : memref<10240x128xf32, #tpu.memory_space<hbm>> -> memref<10240x128xf32, #tpu.memory_space<hbm>>
    tpu.enqueue_indirect_dma source(%dma_start3A_8 : memref<10240x128xf32, #tpu.memory_space<hbm>>) target(%arg8 : memref<128x128xf32, #tpu.memory_space<vmem>>) offsets(%dma_start3A_5 : memref<128xi32, #tpu.memory_space<vmem>>) semaphore(%arg12 : memref<!tpu.dma_semaphore, #tpu.memory_space<semaphore_mem>>)
    %dma_start3A_9 = arith.constant 1 : i32
    %dma_start3A_10 = arith.constant 0 : i32
    %dma_start3A_11 = tpu.memref_slice %arg10[%dma_start3A_9, %dma_start3A_10] : memref<40x128xi32, #tpu.memory_space<vmem>> -> memref<1x128xi32, #tpu.memory_space<vmem>>
    %dma_start3A_12 = tpu.memref_squeeze %dma_start3A_11 : memref<1x128xi32, #tpu.memory_space<vmem>> -> memref<128xi32, #tpu.memory_space<vmem>>
    %dma_start3A_13 = arith.constant 0 : i32
    %dma_start3A_14 = arith.constant 0 : i32
    %dma_start3A_15 = tpu.memref_slice %arg2[%dma_start3A_13, %dma_start3A_14] : memref<10240x128xf32, #tpu.memory_space<hbm>> -> memref<10240x128xf32, #tpu.memory_space<hbm>>
    tpu.enqueue_indirect_dma source(%dma_start3A_15 : memref<10240x128xf32, #tpu.memory_space<hbm>>) target(%arg9 : memref<128x128xf32, #tpu.memory_space<vmem>>) offsets(%dma_start3A_12 : memref<128xi32, #tpu.memory_space<vmem>>) semaphore(%arg13 : memref<!tpu.dma_semaphore, #tpu.memory_space<semaphore_mem>>)
    %scan3A = arith.constant 0 : i32
    %scan3A_16 = arith.constant 0 : i32
    %scan3A_17 = arith.constant 20 : i32
    %scan3A_18 = arith.addi %scan3A_16, %scan3A_17 : i32
    %scan3A_19 = arith.constant 1 : i32
    scf.for %scan3A_22 = %scan3A_16 to %scan3A_18 step %scan3A_19  : i32 {
      %mul3A_23 = arith.constant 2 : i32
      %mul3A_24 = arith.muli %scan3A_22, %mul3A_23 : i32
      %add3A_25 = arith.constant 0 : i32
      %add3A_26 = arith.addi %mul3A_24, %add3A_25 : i32
      %dma_wait3A = arith.constant 0 : i32
      %dma_wait3A_27 = tpu.memref_slice %arg10[%add3A_26, %dma_wait3A] : memref<40x128xi32, #tpu.memory_space<vmem>> -> memref<1x128xi32, #tpu.memory_space<vmem>>
      %dma_wait3A_28 = tpu.memref_squeeze %dma_wait3A_27 : memref<1x128xi32, #tpu.memory_space<vmem>> -> memref<128xi32, #tpu.memory_space<vmem>>
      %dma_wait3A_29 = arith.constant 0 : i32
      %dma_wait3A_30 = arith.constant 0 : i32
      %dma_wait3A_31 = tpu.memref_slice %arg2[%dma_wait3A_29, %dma_wait3A_30] : memref<10240x128xf32, #tpu.memory_space<hbm>> -> memref<10240x128xf32, #tpu.memory_space<hbm>>
      tpu.wait_indirect_dma semaphore(%arg12 : memref<!tpu.dma_semaphore, #tpu.memory_space<semaphore_mem>>) src(%dma_wait3A_31 : memref<10240x128xf32, #tpu.memory_space<hbm>>) dst(%arg8 : memref<128x128xf32, #tpu.memory_space<vmem>>)
      "tpu.region"() ({
        %run_scoped3A = tpu.sem_alloc : memref<!tpu.dma_semaphore, #tpu.memory_space<semaphore_mem>>
        %dma_start3A_53 = arith.constant 0 : i32
        %dma_start3A_54 = tpu.memref_slice %arg11[%add3A_26, %dma_start3A_53] : memref<40x128xi32, #tpu.memory_space<vmem>> -> memref<1x128xi32, #tpu.memory_space<vmem>>
        %dma_start3A_55 = tpu.memref_squeeze %dma_start3A_54 : memref<1x128xi32, #tpu.memory_space<vmem>> -> memref<128xi32, #tpu.memory_space<vmem>>
        %dma_start3A_56 = arith.constant 0 : i32
        %dma_start3A_57 = arith.constant 0 : i32
        %dma_start3A_58 = tpu.memref_slice %arg7[%dma_start3A_56, %dma_start3A_57] : memref<10240x128xf32, #tpu.memory_space<vmem_shared>> -> memref<10240x128xf32, #tpu.memory_space<vmem_shared>>
        tpu.enqueue_indirect_dma source(%arg8 : memref<128x128xf32, #tpu.memory_space<vmem>>) target(%dma_start3A_58 : memref<10240x128xf32, #tpu.memory_space<vmem_shared>>) offsets(%dma_start3A_55 : memref<128xi32, #tpu.memory_space<vmem>>) semaphore(%run_scoped3A : memref<!tpu.dma_semaphore, #tpu.memory_space<semaphore_mem>>) {add = true}
        %dma_wait3A_59 = arith.constant 0 : i32
        %dma_wait3A_60 = tpu.memref_slice %arg11[%add3A_26, %dma_wait3A_59] : memref<40x128xi32, #tpu.memory_space<vmem>> -> memref<1x128xi32, #tpu.memory_space<vmem>>
        %dma_wait3A_61 = tpu.memref_squeeze %dma_wait3A_60 : memref<1x128xi32, #tpu.memory_space<vmem>> -> memref<128xi32, #tpu.memory_space<vmem>>
        %dma_wait3A_62 = arith.constant 0 : i32
        %dma_wait3A_63 = arith.constant 0 : i32
        %dma_wait3A_64 = tpu.memref_slice %arg7[%dma_wait3A_62, %dma_wait3A_63] : memref<10240x128xf32, #tpu.memory_space<vmem_shared>> -> memref<10240x128xf32, #tpu.memory_space<vmem_shared>>
        tpu.wait_indirect_dma semaphore(%run_scoped3A : memref<!tpu.dma_semaphore, #tpu.memory_space<semaphore_mem>>) src(%arg8 : memref<128x128xf32, #tpu.memory_space<vmem>>) dst(%dma_wait3A_64 : memref<10240x128xf32, #tpu.memory_space<vmem_shared>>)
        tpu.yield
      }) : () -> ()
      %add3A_32 = arith.constant 2 : i32
      %add3A_33 = arith.addi %add3A_26, %add3A_32 : i32
      %lt3A = arith.constant 40 : i32
      %lt3A_34 = arith.cmpi slt, %add3A_33, %lt3A : i32
      %convert_element_type3A = arith.extui %lt3A_34 : i1 to i32
      %cond3A = arith.constant 0 : i32
      %cond3A_35 = arith.cmpi ne, %convert_element_type3A, %cond3A : i32
      scf.if %cond3A_35 {
        %add3A_53 = arith.constant 2 : i32
        %add3A_54 = arith.addi %add3A_26, %add3A_53 : i32
        %dma_start3A_55 = arith.constant 0 : i32
        %dma_start3A_56 = tpu.memref_slice %arg10[%add3A_54, %dma_start3A_55] : memref<40x128xi32, #tpu.memory_space<vmem>> -> memref<1x128xi32, #tpu.memory_space<vmem>>
        %dma_start3A_57 = tpu.memref_squeeze %dma_start3A_56 : memref<1x128xi32, #tpu.memory_space<vmem>> -> memref<128xi32, #tpu.memory_space<vmem>>
        %dma_start3A_58 = arith.constant 0 : i32
        %dma_start3A_59 = arith.constant 0 : i32
        %dma_start3A_60 = tpu.memref_slice %arg2[%dma_start3A_58, %dma_start3A_59] : memref<10240x128xf32, #tpu.memory_space<hbm>> -> memref<10240x128xf32, #tpu.memory_space<hbm>>
        tpu.enqueue_indirect_dma source(%dma_start3A_60 : memref<10240x128xf32, #tpu.memory_space<hbm>>) target(%arg8 : memref<128x128xf32, #tpu.memory_space<vmem>>) offsets(%dma_start3A_57 : memref<128xi32, #tpu.memory_space<vmem>>) semaphore(%arg12 : memref<!tpu.dma_semaphore, #tpu.memory_space<semaphore_mem>>)
      } else {
      }
      %mul3A_36 = arith.constant 2 : i32
      %mul3A_37 = arith.muli %scan3A_22, %mul3A_36 : i32
      %add3A_38 = arith.constant 1 : i32
      %add3A_39 = arith.addi %mul3A_37, %add3A_38 : i32
      %dma_wait3A_40 = arith.constant 0 : i32
      %dma_wait3A_41 = tpu.memref_slice %arg10[%add3A_39, %dma_wait3A_40] : memref<40x128xi32, #tpu.memory_space<vmem>> -> memref<1x128xi32, #tpu.memory_space<vmem>>
      %dma_wait3A_42 = tpu.memref_squeeze %dma_wait3A_41 : memref<1x128xi32, #tpu.memory_space<vmem>> -> memref<128xi32, #tpu.memory_space<vmem>>
      %dma_wait3A_43 = arith.constant 0 : i32
      %dma_wait3A_44 = arith.constant 0 : i32
      %dma_wait3A_45 = tpu.memref_slice %arg2[%dma_wait3A_43, %dma_wait3A_44] : memref<10240x128xf32, #tpu.memory_space<hbm>> -> memref<10240x128xf32, #tpu.memory_space<hbm>>
      tpu.wait_indirect_dma semaphore(%arg13 : memref<!tpu.dma_semaphore, #tpu.memory_space<semaphore_mem>>) src(%dma_wait3A_45 : memref<10240x128xf32, #tpu.memory_space<hbm>>) dst(%arg9 : memref<128x128xf32, #tpu.memory_space<vmem>>)
      "tpu.region"() ({
        %run_scoped3A = tpu.sem_alloc : memref<!tpu.dma_semaphore, #tpu.memory_space<semaphore_mem>>
        %dma_start3A_53 = arith.constant 0 : i32
        %dma_start3A_54 = tpu.memref_slice %arg11[%add3A_39, %dma_start3A_53] : memref<40x128xi32, #tpu.memory_space<vmem>> -> memref<1x128xi32, #tpu.memory_space<vmem>>
        %dma_start3A_55 = tpu.memref_squeeze %dma_start3A_54 : memref<1x128xi32, #tpu.memory_space<vmem>> -> memref<128xi32, #tpu.memory_space<vmem>>
        %dma_start3A_56 = arith.constant 0 : i32
        %dma_start3A_57 = arith.constant 0 : i32
        %dma_start3A_58 = tpu.memref_slice %arg7[%dma_start3A_56, %dma_start3A_57] : memref<10240x128xf32, #tpu.memory_space<vmem_shared>> -> memref<10240x128xf32, #tpu.memory_space<vmem_shared>>
        tpu.enqueue_indirect_dma source(%arg9 : memref<128x128xf32, #tpu.memory_space<vmem>>) target(%dma_start3A_58 : memref<10240x128xf32, #tpu.memory_space<vmem_shared>>) offsets(%dma_start3A_55 : memref<128xi32, #tpu.memory_space<vmem>>) semaphore(%run_scoped3A : memref<!tpu.dma_semaphore, #tpu.memory_space<semaphore_mem>>) {add = true}
        %dma_wait3A_59 = arith.constant 0 : i32
        %dma_wait3A_60 = tpu.memref_slice %arg11[%add3A_39, %dma_wait3A_59] : memref<40x128xi32, #tpu.memory_space<vmem>> -> memref<1x128xi32, #tpu.memory_space<vmem>>
        %dma_wait3A_61 = tpu.memref_squeeze %dma_wait3A_60 : memref<1x128xi32, #tpu.memory_space<vmem>> -> memref<128xi32, #tpu.memory_space<vmem>>
        %dma_wait3A_62 = arith.constant 0 : i32
        %dma_wait3A_63 = arith.constant 0 : i32
        %dma_wait3A_64 = tpu.memref_slice %arg7[%dma_wait3A_62, %dma_wait3A_63] : memref<10240x128xf32, #tpu.memory_space<vmem_shared>> -> memref<10240x128xf32, #tpu.memory_space<vmem_shared>>
        tpu.wait_indirect_dma semaphore(%run_scoped3A : memref<!tpu.dma_semaphore, #tpu.memory_space<semaphore_mem>>) src(%arg9 : memref<128x128xf32, #tpu.memory_space<vmem>>) dst(%dma_wait3A_64 : memref<10240x128xf32, #tpu.memory_space<vmem_shared>>)
        tpu.yield
      }) : () -> ()
      %add3A_46 = arith.constant 2 : i32
      %add3A_47 = arith.addi %add3A_39, %add3A_46 : i32
      %lt3A_48 = arith.constant 40 : i32
      %lt3A_49 = arith.cmpi slt, %add3A_47, %lt3A_48 : i32
      %convert_element_type3A_50 = arith.extui %lt3A_49 : i1 to i32
      %cond3A_51 = arith.constant 0 : i32
      %cond3A_52 = arith.cmpi ne, %convert_element_type3A_50, %cond3A_51 : i32
      scf.if %cond3A_52 {
        %add3A_53 = arith.constant 2 : i32
        %add3A_54 = arith.addi %add3A_39, %add3A_53 : i32
        %dma_start3A_55 = arith.constant 0 : i32
        %dma_start3A_56 = tpu.memref_slice %arg10[%add3A_54, %dma_start3A_55] : memref<40x128xi32, #tpu.memory_space<vmem>> -> memref<1x128xi32, #tpu.memory_space<vmem>>
        %dma_start3A_57 = tpu.memref_squeeze %dma_start3A_56 : memref<1x128xi32, #tpu.memory_space<vmem>> -> memref<128xi32, #tpu.memory_space<vmem>>
        %dma_start3A_58 = arith.constant 0 : i32
        %dma_start3A_59 = arith.constant 0 : i32
        %dma_start3A_60 = tpu.memref_slice %arg2[%dma_start3A_58, %dma_start3A_59] : memref<10240x128xf32, #tpu.memory_space<hbm>> -> memref<10240x128xf32, #tpu.memory_space<hbm>>
        tpu.enqueue_indirect_dma source(%dma_start3A_60 : memref<10240x128xf32, #tpu.memory_space<hbm>>) target(%arg9 : memref<128x128xf32, #tpu.memory_space<vmem>>) offsets(%dma_start3A_57 : memref<128xi32, #tpu.memory_space<vmem>>) semaphore(%arg13 : memref<!tpu.dma_semaphore, #tpu.memory_space<semaphore_mem>>)
      } else {
      }
    }
    %scan3A_20 = arith.constant 20 : i32
    %barrier3A_21 = arith.constant 0 : index
    tpu.barrier barrier_id(%barrier3A_21)
    "tpu.region"() ({
      %run_scoped3A = tpu.sem_alloc : memref<!tpu.dma_semaphore, #tpu.memory_space<semaphore_mem>>
      %dma_start3A_22 = arith.constant 0 : i32
      %dma_start3A_23 = arith.constant 0 : i32
      %dma_start3A_24 = tpu.memref_slice %arg6[%arg0, %dma_start3A_22, %dma_start3A_23] : memref<2x10240x128xf32, #tpu.memory_space<hbm>> -> memref<1x10240x128xf32, #tpu.memory_space<hbm>>
      %dma_start3A_25 = tpu.memref_squeeze %dma_start3A_24 : memref<1x10240x128xf32, #tpu.memory_space<hbm>> -> memref<10240x128xf32, #tpu.memory_space<hbm>>
      %dma_start3A_26 = arith.constant 0 : i32
      %dma_start3A_27 = tpu.memref_slice %dma_start3A_25[%mul3A_2, %dma_start3A_26] : memref<10240x128xf32, #tpu.memory_space<hbm>> -> memref<640x128xf32, #tpu.memory_space<hbm>>
      %dma_start3A_28 = arith.constant 0 : i32
      %dma_start3A_29 = tpu.memref_slice %arg7[%mul3A_2, %dma_start3A_28] : memref<10240x128xf32, #tpu.memory_space<vmem_shared>> -> memref<640x128xf32, #tpu.memory_space<vmem_shared>>
      tpu.enqueue_dma source(%dma_start3A_29 : memref<640x128xf32, #tpu.memory_space<vmem_shared>>) target(%dma_start3A_27 : memref<640x128xf32, #tpu.memory_space<hbm>>) target_semaphore(%run_scoped3A : memref<!tpu.dma_semaphore, #tpu.memory_space<semaphore_mem>>)
      %dma_wait3A = arith.constant 0 : i32
      %dma_wait3A_30 = arith.constant 0 : i32
      %dma_wait3A_31 = tpu.memref_slice %arg6[%arg0, %dma_wait3A, %dma_wait3A_30] : memref<2x10240x128xf32, #tpu.memory_space<hbm>> -> memref<1x10240x128xf32, #tpu.memory_space<hbm>>
      %dma_wait3A_32 = tpu.memref_squeeze %dma_wait3A_31 : memref<1x10240x128xf32, #tpu.memory_space<hbm>> -> memref<10240x128xf32, #tpu.memory_space<hbm>>
      %dma_wait3A_33 = arith.constant 0 : i32
      %dma_wait3A_34 = tpu.memref_slice %dma_wait3A_32[%mul3A_2, %dma_wait3A_33] : memref<10240x128xf32, #tpu.memory_space<hbm>> -> memref<640x128xf32, #tpu.memory_space<hbm>>
      %dma_wait3A_35 = arith.constant 0 : i32
      %dma_wait3A_36 = tpu.memref_slice %arg7[%mul3A_2, %dma_wait3A_35] : memref<10240x128xf32, #tpu.memory_space<vmem_shared>> -> memref<640x128xf32, #tpu.memory_space<vmem_shared>>
      tpu.wait_dma2 semaphore(%run_scoped3A : memref<!tpu.dma_semaphore, #tpu.memory_space<semaphore_mem>>) src(%dma_wait3A_36 : memref<640x128xf32, #tpu.memory_space<vmem_shared>>) dst(%dma_wait3A_34 : memref<640x128xf32, #tpu.memory_space<hbm>>)
      tpu.yield
    }) : () -> ()
    return
  }
}

#map = affine_map<(d0, d1) -> (0, 0)>
#map1 = affine_map<(d0, d1) -> (0, 0, 0)>
module attributes {stable_mosaic.version = 14 : i64} {
  func.func @_step_kernel(%arg0: i32, %arg1: i32, %arg2: memref<10240x128xf32, #tpu.memory_space<hbm>>, %arg3: memref<32x40x128xi32, #tpu.memory_space<hbm>>, %arg4: memref<32x40x128xi32, #tpu.memory_space<hbm>>, %arg5: memref<10240x128xf32, #tpu.memory_space<hbm>>, %arg6: memref<2x10240x128xf32, #tpu.memory_space<hbm>>, %arg7: memref<10240x128xf32, #tpu.memory_space<vmem_shared>>, %arg8: memref<128x128xf32, #tpu.memory_space<vmem>>, %arg9: memref<128x128xf32, #tpu.memory_space<vmem>>, %arg10: memref<40x128xi32, #tpu.memory_space<vmem>>, %arg11: memref<40x128xi32, #tpu.memory_space<vmem>>, %arg12: memref<!tpu.dma_semaphore, #tpu.memory_space<semaphore_mem>>, %arg13: memref<!tpu.dma_semaphore, #tpu.memory_space<semaphore_mem>>) attributes {dimension_semantics = [#tpu.dimension_semantics<core_parallel>, #tpu.dimension_semantics<subcore_parallel>], iteration_bounds = array<i64: 2, 16>, scalar_prefetch = 0 : i64, scratch_operands = 7 : i64, tpu.core_type = #tpu.core_type<sc_vector_subcore>, window_params = [{transform_indices = #map}, {transform_indices = #map1}, {transform_indices = #map1}, {transform_indices = #map}, {transform_indices = #map1}]} {
    %mul3A = arith.constant 16 : i32
    %mul3A_0 = arith.muli %arg0, %mul3A : i32
    %add3A = arith.addi %mul3A_0, %arg1 : i32
    %mul3A_1 = arith.constant 640 : i32
    %mul3A_2 = arith.muli %arg1, %mul3A_1 : i32
    "tpu.region"() ({
      %run_scoped3A = tpu.sem_alloc : memref<!tpu.dma_semaphore, #tpu.memory_space<semaphore_mem>>
      %dma_start3A_22 = arith.constant 0 : i32
      %dma_start3A_23 = tpu.memref_slice %arg7[%mul3A_2, %dma_start3A_22] : memref<10240x128xf32, #tpu.memory_space<vmem_shared>> -> memref<640x128xf32, #tpu.memory_space<vmem_shared>>
      %dma_start3A_24 = arith.constant 0 : i32
      %dma_start3A_25 = tpu.memref_slice %arg5[%mul3A_2, %dma_start3A_24] : memref<10240x128xf32, #tpu.memory_space<hbm>> -> memref<640x128xf32, #tpu.memory_space<hbm>>
      tpu.enqueue_dma source(%dma_start3A_25 : memref<640x128xf32, #tpu.memory_space<hbm>>) target(%dma_start3A_23 : memref<640x128xf32, #tpu.memory_space<vmem_shared>>) target_semaphore(%run_scoped3A : memref<!tpu.dma_semaphore, #tpu.memory_space<semaphore_mem>>)
      %dma_wait3A = arith.constant 0 : i32
      %dma_wait3A_26 = tpu.memref_slice %arg7[%mul3A_2, %dma_wait3A] : memref<10240x128xf32, #tpu.memory_space<vmem_shared>> -> memref<640x128xf32, #tpu.memory_space<vmem_shared>>
      %dma_wait3A_27 = arith.constant 0 : i32
      %dma_wait3A_28 = tpu.memref_slice %arg5[%mul3A_2, %dma_wait3A_27] : memref<10240x128xf32, #tpu.memory_space<hbm>> -> memref<640x128xf32, #tpu.memory_space<hbm>>
      tpu.wait_dma2 semaphore(%run_scoped3A : memref<!tpu.dma_semaphore, #tpu.memory_space<semaphore_mem>>) src(%dma_wait3A_28 : memref<640x128xf32, #tpu.memory_space<hbm>>) dst(%dma_wait3A_26 : memref<640x128xf32, #tpu.memory_space<vmem_shared>>)
      tpu.yield
    }) : () -> ()
    "tpu.region"() ({
      %run_scoped3A = tpu.sem_alloc : memref<!tpu.dma_semaphore, #tpu.memory_space<semaphore_mem>>
      %dma_start3A_22 = arith.constant 0 : i32
      %dma_start3A_23 = arith.constant 0 : i32
      %dma_start3A_24 = tpu.memref_slice %arg3[%add3A, %dma_start3A_22, %dma_start3A_23] : memref<32x40x128xi32, #tpu.memory_space<hbm>> -> memref<1x40x128xi32, #tpu.memory_space<hbm>>
      %dma_start3A_25 = tpu.memref_squeeze %dma_start3A_24 : memref<1x40x128xi32, #tpu.memory_space<hbm>> -> memref<40x128xi32, #tpu.memory_space<hbm>>
      %dma_start3A_26 = arith.constant 0 : i32
      %dma_start3A_27 = arith.constant 0 : i32
      %dma_start3A_28 = tpu.memref_slice %arg3[%add3A, %dma_start3A_26, %dma_start3A_27] : memref<32x40x128xi32, #tpu.memory_space<hbm>> -> memref<1x40x128xi32, #tpu.memory_space<hbm>>
      %dma_start3A_29 = tpu.memref_squeeze %dma_start3A_28 : memref<1x40x128xi32, #tpu.memory_space<hbm>> -> memref<40x128xi32, #tpu.memory_space<hbm>>
      tpu.enqueue_dma source(%dma_start3A_29 : memref<40x128xi32, #tpu.memory_space<hbm>>) target(%arg10 : memref<40x128xi32, #tpu.memory_space<vmem>>) target_semaphore(%run_scoped3A : memref<!tpu.dma_semaphore, #tpu.memory_space<semaphore_mem>>)
      %dma_wait3A = arith.constant 0 : i32
      %dma_wait3A_30 = arith.constant 0 : i32
      %dma_wait3A_31 = tpu.memref_slice %arg3[%add3A, %dma_wait3A, %dma_wait3A_30] : memref<32x40x128xi32, #tpu.memory_space<hbm>> -> memref<1x40x128xi32, #tpu.memory_space<hbm>>
      %dma_wait3A_32 = tpu.memref_squeeze %dma_wait3A_31 : memref<1x40x128xi32, #tpu.memory_space<hbm>> -> memref<40x128xi32, #tpu.memory_space<hbm>>
      %dma_wait3A_33 = arith.constant 0 : i32
      %dma_wait3A_34 = arith.constant 0 : i32
      %dma_wait3A_35 = tpu.memref_slice %arg3[%add3A, %dma_wait3A_33, %dma_wait3A_34] : memref<32x40x128xi32, #tpu.memory_space<hbm>> -> memref<1x40x128xi32, #tpu.memory_space<hbm>>
      %dma_wait3A_36 = tpu.memref_squeeze %dma_wait3A_35 : memref<1x40x128xi32, #tpu.memory_space<hbm>> -> memref<40x128xi32, #tpu.memory_space<hbm>>
      tpu.wait_dma2 semaphore(%run_scoped3A : memref<!tpu.dma_semaphore, #tpu.memory_space<semaphore_mem>>) src(%dma_wait3A_36 : memref<40x128xi32, #tpu.memory_space<hbm>>) dst(%arg10 : memref<40x128xi32, #tpu.memory_space<vmem>>)
      tpu.yield
    }) : () -> ()
    "tpu.region"() ({
      %run_scoped3A = tpu.sem_alloc : memref<!tpu.dma_semaphore, #tpu.memory_space<semaphore_mem>>
      %dma_start3A_22 = arith.constant 0 : i32
      %dma_start3A_23 = arith.constant 0 : i32
      %dma_start3A_24 = tpu.memref_slice %arg4[%add3A, %dma_start3A_22, %dma_start3A_23] : memref<32x40x128xi32, #tpu.memory_space<hbm>> -> memref<1x40x128xi32, #tpu.memory_space<hbm>>
      %dma_start3A_25 = tpu.memref_squeeze %dma_start3A_24 : memref<1x40x128xi32, #tpu.memory_space<hbm>> -> memref<40x128xi32, #tpu.memory_space<hbm>>
      %dma_start3A_26 = arith.constant 0 : i32
      %dma_start3A_27 = arith.constant 0 : i32
      %dma_start3A_28 = tpu.memref_slice %arg4[%add3A, %dma_start3A_26, %dma_start3A_27] : memref<32x40x128xi32, #tpu.memory_space<hbm>> -> memref<1x40x128xi32, #tpu.memory_space<hbm>>
      %dma_start3A_29 = tpu.memref_squeeze %dma_start3A_28 : memref<1x40x128xi32, #tpu.memory_space<hbm>> -> memref<40x128xi32, #tpu.memory_space<hbm>>
      tpu.enqueue_dma source(%dma_start3A_29 : memref<40x128xi32, #tpu.memory_space<hbm>>) target(%arg11 : memref<40x128xi32, #tpu.memory_space<vmem>>) target_semaphore(%run_scoped3A : memref<!tpu.dma_semaphore, #tpu.memory_space<semaphore_mem>>)
      %dma_wait3A = arith.constant 0 : i32
      %dma_wait3A_30 = arith.constant 0 : i32
      %dma_wait3A_31 = tpu.memref_slice %arg4[%add3A, %dma_wait3A, %dma_wait3A_30] : memref<32x40x128xi32, #tpu.memory_space<hbm>> -> memref<1x40x128xi32, #tpu.memory_space<hbm>>
      %dma_wait3A_32 = tpu.memref_squeeze %dma_wait3A_31 : memref<1x40x128xi32, #tpu.memory_space<hbm>> -> memref<40x128xi32, #tpu.memory_space<hbm>>
      %dma_wait3A_33 = arith.constant 0 : i32
      %dma_wait3A_34 = arith.constant 0 : i32
      %dma_wait3A_35 = tpu.memref_slice %arg4[%add3A, %dma_wait3A_33, %dma_wait3A_34] : memref<32x40x128xi32, #tpu.memory_space<hbm>> -> memref<1x40x128xi32, #tpu.memory_space<hbm>>
      %dma_wait3A_36 = tpu.memref_squeeze %dma_wait3A_35 : memref<1x40x128xi32, #tpu.memory_space<hbm>> -> memref<40x128xi32, #tpu.memory_space<hbm>>
      tpu.wait_dma2 semaphore(%run_scoped3A : memref<!tpu.dma_semaphore, #tpu.memory_space<semaphore_mem>>) src(%dma_wait3A_36 : memref<40x128xi32, #tpu.memory_space<hbm>>) dst(%arg11 : memref<40x128xi32, #tpu.memory_space<vmem>>)
      tpu.yield
    }) : () -> ()
    %barrier3A = arith.constant 0 : index
    tpu.barrier barrier_id(%barrier3A)
    %dma_start3A = arith.constant 0 : i32
    %dma_start3A_3 = arith.constant 0 : i32
    %dma_start3A_4 = tpu.memref_slice %arg10[%dma_start3A, %dma_start3A_3] : memref<40x128xi32, #tpu.memory_space<vmem>> -> memref<1x128xi32, #tpu.memory_space<vmem>>
    %dma_start3A_5 = tpu.memref_squeeze %dma_start3A_4 : memref<1x128xi32, #tpu.memory_space<vmem>> -> memref<128xi32, #tpu.memory_space<vmem>>
    %dma_start3A_6 = arith.constant 0 : i32
    %dma_start3A_7 = arith.constant 0 : i32
    %dma_start3A_8 = tpu.memref_slice %arg2[%dma_start3A_6, %dma_start3A_7] : memref<10240x128xf32, #tpu.memory_space<hbm>> -> memref<10240x128xf32, #tpu.memory_space<hbm>>
    tpu.enqueue_indirect_dma source(%dma_start3A_8 : memref<10240x128xf32, #tpu.memory_space<hbm>>) target(%arg8 : memref<128x128xf32, #tpu.memory_space<vmem>>) offsets(%dma_start3A_5 : memref<128xi32, #tpu.memory_space<vmem>>) semaphore(%arg12 : memref<!tpu.dma_semaphore, #tpu.memory_space<semaphore_mem>>)
    %dma_start3A_9 = arith.constant 1 : i32
    %dma_start3A_10 = arith.constant 0 : i32
    %dma_start3A_11 = tpu.memref_slice %arg10[%dma_start3A_9, %dma_start3A_10] : memref<40x128xi32, #tpu.memory_space<vmem>> -> memref<1x128xi32, #tpu.memory_space<vmem>>
    %dma_start3A_12 = tpu.memref_squeeze %dma_start3A_11 : memref<1x128xi32, #tpu.memory_space<vmem>> -> memref<128xi32, #tpu.memory_space<vmem>>
    %dma_start3A_13 = arith.constant 0 : i32
    %dma_start3A_14 = arith.constant 0 : i32
    %dma_start3A_15 = tpu.memref_slice %arg2[%dma_start3A_13, %dma_start3A_14] : memref<10240x128xf32, #tpu.memory_space<hbm>> -> memref<10240x128xf32, #tpu.memory_space<hbm>>
    tpu.enqueue_indirect_dma source(%dma_start3A_15 : memref<10240x128xf32, #tpu.memory_space<hbm>>) target(%arg9 : memref<128x128xf32, #tpu.memory_space<vmem>>) offsets(%dma_start3A_12 : memref<128xi32, #tpu.memory_space<vmem>>) semaphore(%arg13 : memref<!tpu.dma_semaphore, #tpu.memory_space<semaphore_mem>>)
    %scan3A = arith.constant 0 : i32
    %scan3A_16 = arith.constant 0 : i32
    %scan3A_17 = arith.constant 20 : i32
    %scan3A_18 = arith.addi %scan3A_16, %scan3A_17 : i32
    %scan3A_19 = arith.constant 1 : i32
    scf.for %scan3A_22 = %scan3A_16 to %scan3A_18 step %scan3A_19  : i32 {
      %mul3A_23 = arith.constant 2 : i32
      %mul3A_24 = arith.muli %scan3A_22, %mul3A_23 : i32
      %add3A_25 = arith.constant 0 : i32
      %add3A_26 = arith.addi %mul3A_24, %add3A_25 : i32
      %dma_wait3A = arith.constant 0 : i32
      %dma_wait3A_27 = tpu.memref_slice %arg10[%add3A_26, %dma_wait3A] : memref<40x128xi32, #tpu.memory_space<vmem>> -> memref<1x128xi32, #tpu.memory_space<vmem>>
      %dma_wait3A_28 = tpu.memref_squeeze %dma_wait3A_27 : memref<1x128xi32, #tpu.memory_space<vmem>> -> memref<128xi32, #tpu.memory_space<vmem>>
      %dma_wait3A_29 = arith.constant 0 : i32
      %dma_wait3A_30 = arith.constant 0 : i32
      %dma_wait3A_31 = tpu.memref_slice %arg2[%dma_wait3A_29, %dma_wait3A_30] : memref<10240x128xf32, #tpu.memory_space<hbm>> -> memref<10240x128xf32, #tpu.memory_space<hbm>>
      tpu.wait_indirect_dma semaphore(%arg12 : memref<!tpu.dma_semaphore, #tpu.memory_space<semaphore_mem>>) src(%dma_wait3A_31 : memref<10240x128xf32, #tpu.memory_space<hbm>>) dst(%arg8 : memref<128x128xf32, #tpu.memory_space<vmem>>)
      "tpu.region"() ({
        %run_scoped3A = tpu.sem_alloc : memref<!tpu.dma_semaphore, #tpu.memory_space<semaphore_mem>>
        %dma_start3A_53 = arith.constant 0 : i32
        %dma_start3A_54 = tpu.memref_slice %arg11[%add3A_26, %dma_start3A_53] : memref<40x128xi32, #tpu.memory_space<vmem>> -> memref<1x128xi32, #tpu.memory_space<vmem>>
        %dma_start3A_55 = tpu.memref_squeeze %dma_start3A_54 : memref<1x128xi32, #tpu.memory_space<vmem>> -> memref<128xi32, #tpu.memory_space<vmem>>
        %dma_start3A_56 = arith.constant 0 : i32
        %dma_start3A_57 = arith.constant 0 : i32
        %dma_start3A_58 = tpu.memref_slice %arg7[%dma_start3A_56, %dma_start3A_57] : memref<10240x128xf32, #tpu.memory_space<vmem_shared>> -> memref<10240x128xf32, #tpu.memory_space<vmem_shared>>
        tpu.enqueue_indirect_dma source(%arg8 : memref<128x128xf32, #tpu.memory_space<vmem>>) target(%dma_start3A_58 : memref<10240x128xf32, #tpu.memory_space<vmem_shared>>) offsets(%dma_start3A_55 : memref<128xi32, #tpu.memory_space<vmem>>) semaphore(%run_scoped3A : memref<!tpu.dma_semaphore, #tpu.memory_space<semaphore_mem>>) {add = true}
        %dma_wait3A_59 = arith.constant 0 : i32
        %dma_wait3A_60 = tpu.memref_slice %arg11[%add3A_26, %dma_wait3A_59] : memref<40x128xi32, #tpu.memory_space<vmem>> -> memref<1x128xi32, #tpu.memory_space<vmem>>
        %dma_wait3A_61 = tpu.memref_squeeze %dma_wait3A_60 : memref<1x128xi32, #tpu.memory_space<vmem>> -> memref<128xi32, #tpu.memory_space<vmem>>
        %dma_wait3A_62 = arith.constant 0 : i32
        %dma_wait3A_63 = arith.constant 0 : i32
        %dma_wait3A_64 = tpu.memref_slice %arg7[%dma_wait3A_62, %dma_wait3A_63] : memref<10240x128xf32, #tpu.memory_space<vmem_shared>> -> memref<10240x128xf32, #tpu.memory_space<vmem_shared>>
        tpu.wait_indirect_dma semaphore(%run_scoped3A : memref<!tpu.dma_semaphore, #tpu.memory_space<semaphore_mem>>) src(%arg8 : memref<128x128xf32, #tpu.memory_space<vmem>>) dst(%dma_wait3A_64 : memref<10240x128xf32, #tpu.memory_space<vmem_shared>>)
        tpu.yield
      }) : () -> ()
      %add3A_32 = arith.constant 2 : i32
      %add3A_33 = arith.addi %add3A_26, %add3A_32 : i32
      %lt3A = arith.constant 40 : i32
      %lt3A_34 = arith.cmpi slt, %add3A_33, %lt3A : i32
      %convert_element_type3A = arith.extui %lt3A_34 : i1 to i32
      %cond3A = arith.constant 0 : i32
      %cond3A_35 = arith.cmpi ne, %convert_element_type3A, %cond3A : i32
      scf.if %cond3A_35 {
        %add3A_53 = arith.constant 2 : i32
        %add3A_54 = arith.addi %add3A_26, %add3A_53 : i32
        %dma_start3A_55 = arith.constant 0 : i32
        %dma_start3A_56 = tpu.memref_slice %arg10[%add3A_54, %dma_start3A_55] : memref<40x128xi32, #tpu.memory_space<vmem>> -> memref<1x128xi32, #tpu.memory_space<vmem>>
        %dma_start3A_57 = tpu.memref_squeeze %dma_start3A_56 : memref<1x128xi32, #tpu.memory_space<vmem>> -> memref<128xi32, #tpu.memory_space<vmem>>
        %dma_start3A_58 = arith.constant 0 : i32
        %dma_start3A_59 = arith.constant 0 : i32
        %dma_start3A_60 = tpu.memref_slice %arg2[%dma_start3A_58, %dma_start3A_59] : memref<10240x128xf32, #tpu.memory_space<hbm>> -> memref<10240x128xf32, #tpu.memory_space<hbm>>
        tpu.enqueue_indirect_dma source(%dma_start3A_60 : memref<10240x128xf32, #tpu.memory_space<hbm>>) target(%arg8 : memref<128x128xf32, #tpu.memory_space<vmem>>) offsets(%dma_start3A_57 : memref<128xi32, #tpu.memory_space<vmem>>) semaphore(%arg12 : memref<!tpu.dma_semaphore, #tpu.memory_space<semaphore_mem>>)
      } else {
      }
      %mul3A_36 = arith.constant 2 : i32
      %mul3A_37 = arith.muli %scan3A_22, %mul3A_36 : i32
      %add3A_38 = arith.constant 1 : i32
      %add3A_39 = arith.addi %mul3A_37, %add3A_38 : i32
      %dma_wait3A_40 = arith.constant 0 : i32
      %dma_wait3A_41 = tpu.memref_slice %arg10[%add3A_39, %dma_wait3A_40] : memref<40x128xi32, #tpu.memory_space<vmem>> -> memref<1x128xi32, #tpu.memory_space<vmem>>
      %dma_wait3A_42 = tpu.memref_squeeze %dma_wait3A_41 : memref<1x128xi32, #tpu.memory_space<vmem>> -> memref<128xi32, #tpu.memory_space<vmem>>
      %dma_wait3A_43 = arith.constant 0 : i32
      %dma_wait3A_44 = arith.constant 0 : i32
      %dma_wait3A_45 = tpu.memref_slice %arg2[%dma_wait3A_43, %dma_wait3A_44] : memref<10240x128xf32, #tpu.memory_space<hbm>> -> memref<10240x128xf32, #tpu.memory_space<hbm>>
      tpu.wait_indirect_dma semaphore(%arg13 : memref<!tpu.dma_semaphore, #tpu.memory_space<semaphore_mem>>) src(%dma_wait3A_45 : memref<10240x128xf32, #tpu.memory_space<hbm>>) dst(%arg9 : memref<128x128xf32, #tpu.memory_space<vmem>>)
      "tpu.region"() ({
        %run_scoped3A = tpu.sem_alloc : memref<!tpu.dma_semaphore, #tpu.memory_space<semaphore_mem>>
        %dma_start3A_53 = arith.constant 0 : i32
        %dma_start3A_54 = tpu.memref_slice %arg11[%add3A_39, %dma_start3A_53] : memref<40x128xi32, #tpu.memory_space<vmem>> -> memref<1x128xi32, #tpu.memory_space<vmem>>
        %dma_start3A_55 = tpu.memref_squeeze %dma_start3A_54 : memref<1x128xi32, #tpu.memory_space<vmem>> -> memref<128xi32, #tpu.memory_space<vmem>>
        %dma_start3A_56 = arith.constant 0 : i32
        %dma_start3A_57 = arith.constant 0 : i32
        %dma_start3A_58 = tpu.memref_slice %arg7[%dma_start3A_56, %dma_start3A_57] : memref<10240x128xf32, #tpu.memory_space<vmem_shared>> -> memref<10240x128xf32, #tpu.memory_space<vmem_shared>>
        tpu.enqueue_indirect_dma source(%arg9 : memref<128x128xf32, #tpu.memory_space<vmem>>) target(%dma_start3A_58 : memref<10240x128xf32, #tpu.memory_space<vmem_shared>>) offsets(%dma_start3A_55 : memref<128xi32, #tpu.memory_space<vmem>>) semaphore(%run_scoped3A : memref<!tpu.dma_semaphore, #tpu.memory_space<semaphore_mem>>) {add = true}
        %dma_wait3A_59 = arith.constant 0 : i32
        %dma_wait3A_60 = tpu.memref_slice %arg11[%add3A_39, %dma_wait3A_59] : memref<40x128xi32, #tpu.memory_space<vmem>> -> memref<1x128xi32, #tpu.memory_space<vmem>>
        %dma_wait3A_61 = tpu.memref_squeeze %dma_wait3A_60 : memref<1x128xi32, #tpu.memory_space<vmem>> -> memref<128xi32, #tpu.memory_space<vmem>>
        %dma_wait3A_62 = arith.constant 0 : i32
        %dma_wait3A_63 = arith.constant 0 : i32
        %dma_wait3A_64 = tpu.memref_slice %arg7[%dma_wait3A_62, %dma_wait3A_63] : memref<10240x128xf32, #tpu.memory_space<vmem_shared>> -> memref<10240x128xf32, #tpu.memory_space<vmem_shared>>
        tpu.wait_indirect_dma semaphore(%run_scoped3A : memref<!tpu.dma_semaphore, #tpu.memory_space<semaphore_mem>>) src(%arg9 : memref<128x128xf32, #tpu.memory_space<vmem>>) dst(%dma_wait3A_64 : memref<10240x128xf32, #tpu.memory_space<vmem_shared>>)
        tpu.yield
      }) : () -> ()
      %add3A_46 = arith.constant 2 : i32
      %add3A_47 = arith.addi %add3A_39, %add3A_46 : i32
      %lt3A_48 = arith.constant 40 : i32
      %lt3A_49 = arith.cmpi slt, %add3A_47, %lt3A_48 : i32
      %convert_element_type3A_50 = arith.extui %lt3A_49 : i1 to i32
      %cond3A_51 = arith.constant 0 : i32
      %cond3A_52 = arith.cmpi ne, %convert_element_type3A_50, %cond3A_51 : i32
      scf.if %cond3A_52 {
        %add3A_53 = arith.constant 2 : i32
        %add3A_54 = arith.addi %add3A_39, %add3A_53 : i32
        %dma_start3A_55 = arith.constant 0 : i32
        %dma_start3A_56 = tpu.memref_slice %arg10[%add3A_54, %dma_start3A_55] : memref<40x128xi32, #tpu.memory_space<vmem>> -> memref<1x128xi32, #tpu.memory_space<vmem>>
        %dma_start3A_57 = tpu.memref_squeeze %dma_start3A_56 : memref<1x128xi32, #tpu.memory_space<vmem>> -> memref<128xi32, #tpu.memory_space<vmem>>
        %dma_start3A_58 = arith.constant 0 : i32
        %dma_start3A_59 = arith.constant 0 : i32
        %dma_start3A_60 = tpu.memref_slice %arg2[%dma_start3A_58, %dma_start3A_59] : memref<10240x128xf32, #tpu.memory_space<hbm>> -> memref<10240x128xf32, #tpu.memory_space<hbm>>
        tpu.enqueue_indirect_dma source(%dma_start3A_60 : memref<10240x128xf32, #tpu.memory_space<hbm>>) target(%arg9 : memref<128x128xf32, #tpu.memory_space<vmem>>) offsets(%dma_start3A_57 : memref<128xi32, #tpu.memory_space<vmem>>) semaphore(%arg13 : memref<!tpu.dma_semaphore, #tpu.memory_space<semaphore_mem>>)
      } else {
      }
    }
    %scan3A_20 = arith.constant 20 : i32
    %barrier3A_21 = arith.constant 0 : index
    tpu.barrier barrier_id(%barrier3A_21)
    "tpu.region"() ({
      %run_scoped3A = tpu.sem_alloc : memref<!tpu.dma_semaphore, #tpu.memory_space<semaphore_mem>>
      %dma_start3A_22 = arith.constant 0 : i32
      %dma_start3A_23 = arith.constant 0 : i32
      %dma_start3A_24 = tpu.memref_slice %arg6[%arg0, %dma_start3A_22, %dma_start3A_23] : memref<2x10240x128xf32, #tpu.memory_space<hbm>> -> memref<1x10240x128xf32, #tpu.memory_space<hbm>>
      %dma_start3A_25 = tpu.memref_squeeze %dma_start3A_24 : memref<1x10240x128xf32, #tpu.memory_space<hbm>> -> memref<10240x128xf32, #tpu.memory_space<hbm>>
      %dma_start3A_26 = arith.constant 0 : i32
      %dma_start3A_27 = tpu.memref_slice %dma_start3A_25[%mul3A_2, %dma_start3A_26] : memref<10240x128xf32, #tpu.memory_space<hbm>> -> memref<640x128xf32, #tpu.memory_space<hbm>>
      %dma_start3A_28 = arith.constant 0 : i32
      %dma_start3A_29 = tpu.memref_slice %arg7[%mul3A_2, %dma_start3A_28] : memref<10240x128xf32, #tpu.memory_space<vmem_shared>> -> memref<640x128xf32, #tpu.memory_space<vmem_shared>>
      tpu.enqueue_dma source(%dma_start3A_29 : memref<640x128xf32, #tpu.memory_space<vmem_shared>>) target(%dma_start3A_27 : memref<640x128xf32, #tpu.memory_space<hbm>>) target_semaphore(%run_scoped3A : memref<!tpu.dma_semaphore, #tpu.memory_space<semaphore_mem>>)
      %dma_wait3A = arith.constant 0 : i32
      %dma_wait3A_30 = arith.constant 0 : i32
      %dma_wait3A_31 = tpu.memref_slice %arg6[%arg0, %dma_wait3A, %dma_wait3A_30] : memref<2x10240x128xf32, #tpu.memory_space<hbm>> -> memref<1x10240x128xf32, #tpu.memory_space<hbm>>
      %dma_wait3A_32 = tpu.memref_squeeze %dma_wait3A_31 : memref<1x10240x128xf32, #tpu.memory_space<hbm>> -> memref<10240x128xf32, #tpu.memory_space<hbm>>
      %dma_wait3A_33 = arith.constant 0 : i32
      %dma_wait3A_34 = tpu.memref_slice %dma_wait3A_32[%mul3A_2, %dma_wait3A_33] : memref<10240x128xf32, #tpu.memory_space<hbm>> -> memref<640x128xf32, #tpu.memory_space<hbm>>
      %dma_wait3A_35 = arith.constant 0 : i32
      %dma_wait3A_36 = tpu.memref_slice %arg7[%mul3A_2, %dma_wait3A_35] : memref<10240x128xf32, #tpu.memory_space<vmem_shared>> -> memref<640x128xf32, #tpu.memory_space<vmem_shared>>
      tpu.wait_dma2 semaphore(%run_scoped3A : memref<!tpu.dma_semaphore, #tpu.memory_space<semaphore_mem>>) src(%dma_wait3A_36 : memref<640x128xf32, #tpu.memory_space<vmem_shared>>) dst(%dma_wait3A_34 : memref<640x128xf32, #tpu.memory_space<hbm>>)
      tpu.yield
    }) : () -> ()
    return
  }
}

module attributes {stable_mosaic.version = 14 : i64} {
  func.func @_prep_body(%arg0: i32, %arg1: memref<1280x128xf32, #tpu.memory_space<vmem>>, %arg2: memref<2x2x1280x128xf32, #tpu.memory_space<vmem>>, %arg3: memref<1280x128xf32, #tpu.memory_space<vmem>>, %arg4: memref<1280x128xf32, #tpu.memory_space<vmem>>, %arg5: memref<1280x128xf32, #tpu.memory_space<vmem>>, %arg6: memref<1280x128xf32, #tpu.memory_space<vmem>>, %arg7: memref<1280x128xf32, #tpu.memory_space<vmem>>) attributes {dimension_semantics = [#tpu.dimension_semantics<arbitrary>], iteration_bounds = array<i64: 8>, scalar_prefetch = 0 : i64, scratch_operands = 0 : i64, tpu.core_type = #tpu.core_type<tc>, window_params = [{transform_indices = @transform_0, window_bounds = array<i64: 1280, 128>}, {transform_indices = @transform_1, window_bounds = array<i64: 2, 2, 1280, 128>}, {transform_indices = @transform_2, window_bounds = array<i64: 1280, 128>}, {transform_indices = @transform_3, window_bounds = array<i64: 1280, 128>}, {transform_indices = @transform_4, window_bounds = array<i64: 1280, 128>}, {transform_indices = @transform_5, window_bounds = array<i64: 1280, 128>}, {transform_indices = @transform_6, window_bounds = array<i64: 1280, 128>}]} {
    %get3A = arith.constant 0 : index
    %get3A_0 = arith.constant 0 : index
    %get3A_1 = vector.load %arg1[%get3A, %get3A_0] : memref<1280x128xf32, #tpu.memory_space<vmem>>, vector<1280x128xf32>
    %get3A_2 = arith.constant 0 : index
    %get3A_3 = arith.constant 0 : index
    %get3A_4 = arith.constant 0 : index
    %get3A_5 = arith.constant 0 : index
    %get3A_6 = vector.load %arg2[%get3A_2, %get3A_3, %get3A_4, %get3A_5] : memref<2x2x1280x128xf32, #tpu.memory_space<vmem>>, vector<1x1x1280x1xf32>
    %get3A_7 = vector.shape_cast %get3A_6 : vector<1x1x1280x1xf32> to vector<1280x1xf32>
    %get3A_8 = arith.constant 1 : index
    %get3A_9 = arith.constant 0 : index
    %get3A_10 = arith.constant 0 : index
    %get3A_11 = arith.constant 0 : index
    %get3A_12 = vector.load %arg2[%get3A_8, %get3A_9, %get3A_10, %get3A_11] : memref<2x2x1280x128xf32, #tpu.memory_space<vmem>>, vector<1x1x1280x1xf32>
    %get3A_13 = vector.shape_cast %get3A_12 : vector<1x1x1280x1xf32> to vector<1280x1xf32>
    %add3A = arith.addf %get3A_7, %get3A_13 : vector<1280x1xf32>
    %get3A_14 = arith.constant 0 : index
    %get3A_15 = arith.constant 1 : index
    %get3A_16 = arith.constant 0 : index
    %get3A_17 = arith.constant 0 : index
    %get3A_18 = vector.load %arg2[%get3A_14, %get3A_15, %get3A_16, %get3A_17] : memref<2x2x1280x128xf32, #tpu.memory_space<vmem>>, vector<1x1x1280x1xf32>
    %get3A_19 = vector.shape_cast %get3A_18 : vector<1x1x1280x1xf32> to vector<1280x1xf32>
    %get3A_20 = arith.constant 1 : index
    %get3A_21 = arith.constant 1 : index
    %get3A_22 = arith.constant 0 : index
    %get3A_23 = arith.constant 0 : index
    %get3A_24 = vector.load %arg2[%get3A_20, %get3A_21, %get3A_22, %get3A_23] : memref<2x2x1280x128xf32, #tpu.memory_space<vmem>>, vector<1x1x1280x1xf32>
    %get3A_25 = vector.shape_cast %get3A_24 : vector<1x1x1280x1xf32> to vector<1280x1xf32>
    %add3A_26 = arith.addf %get3A_19, %get3A_25 : vector<1280x1xf32>
    %max3A = arith.constant 1.000000e+00 : f32
    %max3A_27 = vector.broadcast %max3A : f32 to vector<1280x1xf32>
    %max3A_28 = arith.maximumf %add3A, %max3A_27 : vector<1280x1xf32>
    %rsqrt3A = math.rsqrt %max3A_28 : vector<1280x1xf32>
    %max3A_29 = arith.constant 1.000000e+00 : f32
    %max3A_30 = vector.broadcast %max3A_29 : f32 to vector<1280x1xf32>
    %max3A_31 = arith.maximumf %add3A_26, %max3A_30 : vector<1280x1xf32>
    %rsqrt3A_32 = math.rsqrt %max3A_31 : vector<1280x1xf32>
    %mul3A = vector.broadcast %rsqrt3A : vector<1280x1xf32> to vector<1280x128xf32>
    %mul3A_33 = arith.mulf %mul3A, %get3A_1 : vector<1280x128xf32>
    %swap3A = arith.constant 0 : index
    %swap3A_34 = arith.constant 0 : index
    %swap3A_35 = vector.load %arg3[%swap3A, %swap3A_34] : memref<1280x128xf32, #tpu.memory_space<vmem>>, vector<1280x128xf32>
    tpu.vector_store %arg3[%swap3A, %swap3A_34], %mul3A_33 {strides = array<i32>} : memref<1280x128xf32, #tpu.memory_space<vmem>>, vector<1280x128xf32>,
    %mul3A_36 = arith.constant 1.000000e-01 : f32
    %mul3A_37 = vector.broadcast %mul3A_36 : f32 to vector<1280x128xf32>
    %mul3A_38 = arith.mulf %mul3A_37, %get3A_1 : vector<1280x128xf32>
    %swap3A_39 = arith.constant 0 : index
    %swap3A_40 = arith.constant 0 : index
    %swap3A_41 = vector.load %arg7[%swap3A_39, %swap3A_40] : memref<1280x128xf32, #tpu.memory_space<vmem>>, vector<1280x128xf32>
    tpu.vector_store %arg7[%swap3A_39, %swap3A_40], %mul3A_38 {strides = array<i32>} : memref<1280x128xf32, #tpu.memory_space<vmem>>, vector<1280x128xf32>,
    %mul3A_42 = arith.constant 1.000000e-01 : f32
    %mul3A_43 = vector.broadcast %mul3A_42 : f32 to vector<1280x1xf32>
    %mul3A_44 = arith.mulf %mul3A_43, %rsqrt3A : vector<1280x1xf32>
    %mul3A_45 = vector.broadcast %mul3A_44 : vector<1280x1xf32> to vector<1280x128xf32>
    %mul3A_46 = arith.mulf %mul3A_45, %get3A_1 : vector<1280x128xf32>
    %swap3A_47 = arith.constant 0 : index
    %swap3A_48 = arith.constant 0 : index
    %swap3A_49 = vector.load %arg4[%swap3A_47, %swap3A_48] : memref<1280x128xf32, #tpu.memory_space<vmem>>, vector<1280x128xf32>
    tpu.vector_store %arg4[%swap3A_47, %swap3A_48], %mul3A_46 {strides = array<i32>} : memref<1280x128xf32, #tpu.memory_space<vmem>>, vector<1280x128xf32>,
    %mul3A_50 = arith.constant 0.899999976 : f32
    %mul3A_51 = vector.broadcast %mul3A_50 : f32 to vector<1280x1xf32>
    %mul3A_52 = arith.mulf %mul3A_51, %rsqrt3A : vector<1280x1xf32>
    %mul3A_53 = arith.mulf %mul3A_52, %rsqrt3A_32 : vector<1280x1xf32>
    %broadcast_in_dim3A = vector.shape_cast %mul3A_53 : vector<1280x1xf32> to vector<1280x1xf32>
    %broadcast_in_dim3A_54 = vector.broadcast %broadcast_in_dim3A : vector<1280x1xf32> to vector<1280x128xf32>
    %swap3A_55 = arith.constant 0 : index
    %swap3A_56 = arith.constant 0 : index
    %swap3A_57 = vector.load %arg5[%swap3A_55, %swap3A_56] : memref<1280x128xf32, #tpu.memory_space<vmem>>, vector<1280x128xf32>
    tpu.vector_store %arg5[%swap3A_55, %swap3A_56], %broadcast_in_dim3A_54 {strides = array<i32>} : memref<1280x128xf32, #tpu.memory_space<vmem>>, vector<1280x128xf32>,
    %mul3A_58 = arith.constant 0.899999976 : f32
    %mul3A_59 = vector.broadcast %mul3A_58 : f32 to vector<1280x1xf32>
    %mul3A_60 = arith.mulf %mul3A_59, %rsqrt3A_32 : vector<1280x1xf32>
    %broadcast_in_dim3A_61 = vector.shape_cast %mul3A_60 : vector<1280x1xf32> to vector<1280x1xf32>
    %broadcast_in_dim3A_62 = vector.broadcast %broadcast_in_dim3A_61 : vector<1280x1xf32> to vector<1280x128xf32>
    %swap3A_63 = arith.constant 0 : index
    %swap3A_64 = arith.constant 0 : index
    %swap3A_65 = vector.load %arg6[%swap3A_63, %swap3A_64] : memref<1280x128xf32, #tpu.memory_space<vmem>>, vector<1280x128xf32>
    tpu.vector_store %arg6[%swap3A_63, %swap3A_64], %broadcast_in_dim3A_62 {strides = array<i32>} : memref<1280x128xf32, #tpu.memory_space<vmem>>, vector<1280x128xf32>,
    return
  }
  func.func @transform_0(%arg0: i32) -> (i32, i32) {
    %c0_i32 = arith.constant 0 : i32
    %c0_i32_0 = arith.constant 0 : i32
    return %arg0, %c0_i32 : i32, i32
  }
  func.func @transform_1(%arg0: i32) -> (i32, i32, i32, i32) {
    %c0_i32 = arith.constant 0 : i32
    %c0_i32_0 = arith.constant 0 : i32
    %c0_i32_1 = arith.constant 0 : i32
    %c0_i32_2 = arith.constant 0 : i32
    return %c0_i32, %c0_i32_0, %arg0, %c0_i32_1 : i32, i32, i32, i32
  }
  func.func @transform_2(%arg0: i32) -> (i32, i32) {
    %c0_i32 = arith.constant 0 : i32
    %c0_i32_0 = arith.constant 0 : i32
    return %arg0, %c0_i32 : i32, i32
  }
  func.func @transform_3(%arg0: i32) -> (i32, i32) {
    %c0_i32 = arith.constant 0 : i32
    %c0_i32_0 = arith.constant 0 : i32
    return %arg0, %c0_i32 : i32, i32
  }
  func.func @transform_4(%arg0: i32) -> (i32, i32) {
    %c0_i32 = arith.constant 0 : i32
    %c0_i32_0 = arith.constant 0 : i32
    return %arg0, %c0_i32 : i32, i32
  }
  func.func @transform_5(%arg0: i32) -> (i32, i32) {
    %c0_i32 = arith.constant 0 : i32
    %c0_i32_0 = arith.constant 0 : i32
    return %arg0, %c0_i32 : i32, i32
  }
  func.func @transform_6(%arg0: i32) -> (i32, i32) {
    %c0_i32 = arith.constant 0 : i32
    %c0_i32_0 = arith.constant 0 : i32
    return %arg0, %c0_i32 : i32, i32
  }
}

module attributes {stable_mosaic.version = 14 : i64} {
  func.func @_mlp_body(%arg0: i32, %arg1: memref<1280x256xf32, #tpu.memory_space<vmem>>, %arg2: memref<256x256xf32, #tpu.memory_space<vmem>>, %arg3: memref<1x256xf32, #tpu.memory_space<vmem>>, %arg4: memref<256x256xf32, #tpu.memory_space<vmem>>, %arg5: memref<1x256xf32, #tpu.memory_space<vmem>>, %arg6: memref<256x128xf32, #tpu.memory_space<vmem>>, %arg7: memref<1x128xf32, #tpu.memory_space<vmem>>, %arg8: memref<1280x128xf32, #tpu.memory_space<vmem>>) attributes {dimension_semantics = [#tpu.dimension_semantics<arbitrary>], iteration_bounds = array<i64: 8>, scalar_prefetch = 0 : i64, scratch_operands = 0 : i64, tpu.core_type = #tpu.core_type<tc>, window_params = [{transform_indices = @transform_0, window_bounds = array<i64: 1280, 256>}, {pipeline_mode = #tpu.pipeline_mode<synchronous>, transform_indices = @transform_1, window_bounds = array<i64: 256, 256>}, {pipeline_mode = #tpu.pipeline_mode<synchronous>, transform_indices = @transform_2, window_bounds = array<i64: 1, 256>}, {pipeline_mode = #tpu.pipeline_mode<synchronous>, transform_indices = @transform_3, window_bounds = array<i64: 256, 256>}, {pipeline_mode = #tpu.pipeline_mode<synchronous>, transform_indices = @transform_4, window_bounds = array<i64: 1, 256>}, {pipeline_mode = #tpu.pipeline_mode<synchronous>, transform_indices = @transform_5, window_bounds = array<i64: 256, 128>}, {pipeline_mode = #tpu.pipeline_mode<synchronous>, transform_indices = @transform_6, window_bounds = array<i64: 1, 128>}, {transform_indices = @transform_7, window_bounds = array<i64: 1280, 128>}]} {
    %get3A = arith.constant 0 : index
    %get3A_0 = arith.constant 0 : index
    %get3A_1 = vector.load %arg1[%get3A, %get3A_0] : memref<1280x256xf32, #tpu.memory_space<vmem>>, vector<1280x256xf32>
    %get3A_2 = arith.constant 0 : index
    %get3A_3 = arith.constant 0 : index
    %get3A_4 = vector.load %arg2[%get3A_2, %get3A_3] : memref<256x256xf32, #tpu.memory_space<vmem>>, vector<256x256xf32>
    %dot_general3A = arith.constant dense<0.000000e+00> : vector<1280x256xf32>
    %dot_general3A_5 = tpu.matmul %get3A_1, %get3A_4, %dot_general3A {dimension_numbers = #tpu.dot_dimension_numbers<[1], [0], [0], [1], [0, 0, 1, 1], [], []>, transpose_lhs_hint = false} : vector<1280x256xf32>, vector<256x256xf32>, vector<1280x256xf32> -> vector<1280x256xf32>
    %get3A_6 = arith.constant 0 : index
    %get3A_7 = arith.constant 0 : index
    %get3A_8 = vector.load %arg3[%get3A_6, %get3A_7] : memref<1x256xf32, #tpu.memory_space<vmem>>, vector<1x256xf32>
    %add3A = vector.broadcast %get3A_8 : vector<1x256xf32> to vector<1280x256xf32>
    %add3A_9 = arith.addf %dot_general3A_5, %add3A : vector<1280x256xf32>
    %max3A = arith.constant 0.000000e+00 : f32
    %max3A_10 = vector.broadcast %max3A : f32 to vector<1280x256xf32>
    %max3A_11 = arith.maximumf %add3A_9, %max3A_10 : vector<1280x256xf32>
    %get3A_12 = arith.constant 0 : index
    %get3A_13 = arith.constant 0 : index
    %get3A_14 = vector.load %arg4[%get3A_12, %get3A_13] : memref<256x256xf32, #tpu.memory_space<vmem>>, vector<256x256xf32>
    %dot_general3A_15 = arith.constant dense<0.000000e+00> : vector<1280x256xf32>
    %dot_general3A_16 = tpu.matmul %max3A_11, %get3A_14, %dot_general3A_15 {dimension_numbers = #tpu.dot_dimension_numbers<[1], [0], [0], [1], [0, 0, 1, 1], [], []>, transpose_lhs_hint = false} : vector<1280x256xf32>, vector<256x256xf32>, vector<1280x256xf32> -> vector<1280x256xf32>
    %get3A_17 = arith.constant 0 : index
    %get3A_18 = arith.constant 0 : index
    %get3A_19 = vector.load %arg5[%get3A_17, %get3A_18] : memref<1x256xf32, #tpu.memory_space<vmem>>, vector<1x256xf32>
    %add3A_20 = vector.broadcast %get3A_19 : vector<1x256xf32> to vector<1280x256xf32>
    %add3A_21 = arith.addf %dot_general3A_16, %add3A_20 : vector<1280x256xf32>
    %max3A_22 = arith.constant 0.000000e+00 : f32
    %max3A_23 = vector.broadcast %max3A_22 : f32 to vector<1280x256xf32>
    %max3A_24 = arith.maximumf %add3A_21, %max3A_23 : vector<1280x256xf32>
    %get3A_25 = arith.constant 0 : index
    %get3A_26 = arith.constant 0 : index
    %get3A_27 = vector.load %arg6[%get3A_25, %get3A_26] : memref<256x128xf32, #tpu.memory_space<vmem>>, vector<256x128xf32>
    %dot_general3A_28 = arith.constant dense<0.000000e+00> : vector<1280x128xf32>
    %dot_general3A_29 = tpu.matmul %max3A_24, %get3A_27, %dot_general3A_28 {dimension_numbers = #tpu.dot_dimension_numbers<[1], [0], [0], [1], [0, 0, 1, 1], [], []>, transpose_lhs_hint = false} : vector<1280x256xf32>, vector<256x128xf32>, vector<1280x128xf32> -> vector<1280x128xf32>
    %get3A_30 = arith.constant 0 : index
    %get3A_31 = arith.constant 0 : index
    %get3A_32 = vector.load %arg7[%get3A_30, %get3A_31] : memref<1x128xf32, #tpu.memory_space<vmem>>, vector<1x128xf32>
    %add3A_33 = vector.broadcast %get3A_32 : vector<1x128xf32> to vector<1280x128xf32>
    %add3A_34 = arith.addf %dot_general3A_29, %add3A_33 : vector<1280x128xf32>
    %swap3A = arith.constant 0 : index
    %swap3A_35 = arith.constant 0 : index
    %swap3A_36 = vector.load %arg8[%swap3A, %swap3A_35] : memref<1280x128xf32, #tpu.memory_space<vmem>>, vector<1280x128xf32>
    tpu.vector_store %arg8[%swap3A, %swap3A_35], %add3A_34 {strides = array<i32>} : memref<1280x128xf32, #tpu.memory_space<vmem>>, vector<1280x128xf32>,
    return
  }
  func.func @transform_0(%arg0: i32) -> (i32, i32) {
    %c0_i32 = arith.constant 0 : i32
    %c0_i32_0 = arith.constant 0 : i32
    return %arg0, %c0_i32 : i32, i32
  }
  func.func @transform_1(%arg0: i32) -> (i32, i32) {
    %c0_i32 = arith.constant 0 : i32
    %c0_i32_0 = arith.constant 0 : i32
    %c0_i32_1 = arith.constant 0 : i32
    return %c0_i32, %c0_i32_0 : i32, i32
  }
  func.func @transform_2(%arg0: i32) -> (i32, i32) {
    %c0_i32 = arith.constant 0 : i32
    %c0_i32_0 = arith.constant 0 : i32
    %c0_i32_1 = arith.constant 0 : i32
    return %c0_i32, %c0_i32_0 : i32, i32
  }
  func.func @transform_3(%arg0: i32) -> (i32, i32) {
    %c0_i32 = arith.constant 0 : i32
    %c0_i32_0 = arith.constant 0 : i32
    %c0_i32_1 = arith.constant 0 : i32
    return %c0_i32, %c0_i32_0 : i32, i32
  }
  func.func @transform_4(%arg0: i32) -> (i32, i32) {
    %c0_i32 = arith.constant 0 : i32
    %c0_i32_0 = arith.constant 0 : i32
    %c0_i32_1 = arith.constant 0 : i32
    return %c0_i32, %c0_i32_0 : i32, i32
  }
  func.func @transform_5(%arg0: i32) -> (i32, i32) {
    %c0_i32 = arith.constant 0 : i32
    %c0_i32_0 = arith.constant 0 : i32
    %c0_i32_1 = arith.constant 0 : i32
    return %c0_i32, %c0_i32_0 : i32, i32
  }
  func.func @transform_6(%arg0: i32) -> (i32, i32) {
    %c0_i32 = arith.constant 0 : i32
    %c0_i32_0 = arith.constant 0 : i32
    %c0_i32_1 = arith.constant 0 : i32
    return %c0_i32, %c0_i32_0 : i32, i32
  }
  func.func @transform_7(%arg0: i32) -> (i32, i32) {
    %c0_i32 = arith.constant 0 : i32
    %c0_i32_0 = arith.constant 0 : i32
    return %arg0, %c0_i32 : i32, i32
  }
}

module attributes {stable_mosaic.version = 14 : i64} {
  func.func @_combine_body(%arg0: i32, %arg1: memref<2x1280x128xf32, #tpu.memory_space<vmem>>, %arg2: memref<1280x128xf32, #tpu.memory_space<vmem>>, %arg3: memref<1280x128xf32, #tpu.memory_space<vmem>>, %arg4: memref<1280x128xf32, #tpu.memory_space<vmem>>) attributes {dimension_semantics = [#tpu.dimension_semantics<arbitrary>], iteration_bounds = array<i64: 8>, scalar_prefetch = 0 : i64, scratch_operands = 0 : i64, tpu.core_type = #tpu.core_type<tc>, window_params = [{transform_indices = @transform_0, window_bounds = array<i64: 2, 1280, 128>}, {transform_indices = @transform_1, window_bounds = array<i64: 1280, 128>}, {transform_indices = @transform_2, window_bounds = array<i64: 1280, 128>}, {transform_indices = @transform_3, window_bounds = array<i64: 1280, 128>}]} {
    %get3A = arith.constant 0 : index
    %get3A_0 = arith.constant 0 : index
    %get3A_1 = vector.load %arg2[%get3A, %get3A_0] : memref<1280x128xf32, #tpu.memory_space<vmem>>, vector<1280x128xf32>
    %get3A_2 = arith.constant 0 : index
    %get3A_3 = arith.constant 0 : index
    %get3A_4 = arith.constant 0 : index
    %get3A_5 = vector.load %arg1[%get3A_2, %get3A_3, %get3A_4] : memref<2x1280x128xf32, #tpu.memory_space<vmem>>, vector<1x1280x128xf32>
    %get3A_6 = vector.shape_cast %get3A_5 : vector<1x1280x128xf32> to vector<1280x128xf32>
    %get3A_7 = arith.constant 1 : index
    %get3A_8 = arith.constant 0 : index
    %get3A_9 = arith.constant 0 : index
    %get3A_10 = vector.load %arg1[%get3A_7, %get3A_8, %get3A_9] : memref<2x1280x128xf32, #tpu.memory_space<vmem>>, vector<1x1280x128xf32>
    %get3A_11 = vector.shape_cast %get3A_10 : vector<1x1280x128xf32> to vector<1280x128xf32>
    %add3A = arith.addf %get3A_6, %get3A_11 : vector<1280x128xf32>
    %mul3A = arith.mulf %get3A_1, %add3A : vector<1280x128xf32>
    %get3A_12 = arith.constant 0 : index
    %get3A_13 = arith.constant 0 : index
    %get3A_14 = vector.load %arg3[%get3A_12, %get3A_13] : memref<1280x128xf32, #tpu.memory_space<vmem>>, vector<1280x128xf32>
    %add3A_15 = arith.addf %mul3A, %get3A_14 : vector<1280x128xf32>
    %swap3A = arith.constant 0 : index
    %swap3A_16 = arith.constant 0 : index
    %swap3A_17 = vector.load %arg4[%swap3A, %swap3A_16] : memref<1280x128xf32, #tpu.memory_space<vmem>>, vector<1280x128xf32>
    tpu.vector_store %arg4[%swap3A, %swap3A_16], %add3A_15 {strides = array<i32>} : memref<1280x128xf32, #tpu.memory_space<vmem>>, vector<1280x128xf32>,
    return
  }
  func.func @transform_0(%arg0: i32) -> (i32, i32, i32) {
    %c0_i32 = arith.constant 0 : i32
    %c0_i32_0 = arith.constant 0 : i32
    %c0_i32_1 = arith.constant 0 : i32
    return %c0_i32, %arg0, %c0_i32_0 : i32, i32, i32
  }
  func.func @transform_1(%arg0: i32) -> (i32, i32) {
    %c0_i32 = arith.constant 0 : i32
    %c0_i32_0 = arith.constant 0 : i32
    return %arg0, %c0_i32 : i32, i32
  }
  func.func @transform_2(%arg0: i32) -> (i32, i32) {
    %c0_i32 = arith.constant 0 : i32
    %c0_i32_0 = arith.constant 0 : i32
    return %arg0, %c0_i32 : i32, i32
  }
  func.func @transform_3(%arg0: i32) -> (i32, i32) {
    %c0_i32 = arith.constant 0 : i32
    %c0_i32_0 = arith.constant 0 : i32
    return %arg0, %c0_i32 : i32, i32
  }
}

module attributes {stable_mosaic.version = 14 : i64} {
  func.func @_final_body(%arg0: i32, %arg1: memref<2x1000x128xf32, #tpu.memory_space<vmem>>, %arg2: memref<1000x128xf32, #tpu.memory_space<vmem>>, %arg3: memref<1000x128xf32, #tpu.memory_space<vmem>>, %arg4: memref<1000x128xf32, #tpu.memory_space<vmem>>) attributes {dimension_semantics = [#tpu.dimension_semantics<arbitrary>], iteration_bounds = array<i64: 10>, scalar_prefetch = 0 : i64, scratch_operands = 0 : i64, tpu.core_type = #tpu.core_type<tc>, window_params = [{transform_indices = @transform_0, window_bounds = array<i64: 2, 1000, 128>}, {transform_indices = @transform_1, window_bounds = array<i64: 1000, 128>}, {transform_indices = @transform_2, window_bounds = array<i64: 1000, 128>}, {transform_indices = @transform_3, window_bounds = array<i64: 1000, 128>}]} {
    %get3A = arith.constant 0 : index
    %get3A_0 = arith.constant 0 : index
    %get3A_1 = vector.load %arg2[%get3A, %get3A_0] : memref<1000x128xf32, #tpu.memory_space<vmem>>, vector<1000x128xf32>
    %get3A_2 = arith.constant 0 : index
    %get3A_3 = arith.constant 0 : index
    %get3A_4 = arith.constant 0 : index
    %get3A_5 = vector.load %arg1[%get3A_2, %get3A_3, %get3A_4] : memref<2x1000x128xf32, #tpu.memory_space<vmem>>, vector<1x1000x128xf32>
    %get3A_6 = vector.shape_cast %get3A_5 : vector<1x1000x128xf32> to vector<1000x128xf32>
    %get3A_7 = arith.constant 1 : index
    %get3A_8 = arith.constant 0 : index
    %get3A_9 = arith.constant 0 : index
    %get3A_10 = vector.load %arg1[%get3A_7, %get3A_8, %get3A_9] : memref<2x1000x128xf32, #tpu.memory_space<vmem>>, vector<1x1000x128xf32>
    %get3A_11 = vector.shape_cast %get3A_10 : vector<1x1000x128xf32> to vector<1000x128xf32>
    %add3A = arith.addf %get3A_6, %get3A_11 : vector<1000x128xf32>
    %mul3A = arith.mulf %get3A_1, %add3A : vector<1000x128xf32>
    %get3A_12 = arith.constant 0 : index
    %get3A_13 = arith.constant 0 : index
    %get3A_14 = vector.load %arg3[%get3A_12, %get3A_13] : memref<1000x128xf32, #tpu.memory_space<vmem>>, vector<1000x128xf32>
    %add3A_15 = arith.addf %mul3A, %get3A_14 : vector<1000x128xf32>
    %reduce_max3A = arith.constant dense<0xFF800000> : vector<1000xf32>
    %reduce_max3A_16 = vector.multi_reduction <maximumf>, %add3A_15, %reduce_max3A [1] : vector<1000x128xf32> to vector<1000xf32>
    %broadcast_in_dim3A = vector.shape_cast %reduce_max3A_16 : vector<1000xf32> to vector<1000x1xf32>
    %sub3A = vector.broadcast %broadcast_in_dim3A : vector<1000x1xf32> to vector<1000x128xf32>
    %sub3A_17 = arith.subf %add3A_15, %sub3A : vector<1000x128xf32>
    %exp3A = math.exp %sub3A_17 : vector<1000x128xf32>
    %reduce_sum3A = arith.constant dense<0.000000e+00> : vector<1000xf32>
    %reduce_sum3A_18 = vector.multi_reduction <add>, %exp3A, %reduce_sum3A [1] : vector<1000x128xf32> to vector<1000xf32>
    %broadcast_in_dim3A_19 = vector.shape_cast %reduce_sum3A_18 : vector<1000xf32> to vector<1000x1xf32>
    %log3A = math.log %broadcast_in_dim3A_19 : vector<1000x1xf32>
    %add3A_20 = arith.addf %log3A, %broadcast_in_dim3A : vector<1000x1xf32>
    %sub3A_21 = vector.broadcast %add3A_20 : vector<1000x1xf32> to vector<1000x128xf32>
    %sub3A_22 = arith.subf %add3A_15, %sub3A_21 : vector<1000x128xf32>
    %swap3A = arith.constant 0 : index
    %swap3A_23 = arith.constant 0 : index
    %swap3A_24 = vector.load %arg4[%swap3A, %swap3A_23] : memref<1000x128xf32, #tpu.memory_space<vmem>>, vector<1000x128xf32>
    tpu.vector_store %arg4[%swap3A, %swap3A_23], %sub3A_22 {strides = array<i32>} : memref<1000x128xf32, #tpu.memory_space<vmem>>, vector<1000x128xf32>,
    return
  }
  func.func @transform_0(%arg0: i32) -> (i32, i32, i32) {
    %c0_i32 = arith.constant 0 : i32
    %c0_i32_0 = arith.constant 0 : i32
    %c0_i32_1 = arith.constant 0 : i32
    return %c0_i32, %arg0, %c0_i32_0 : i32, i32, i32
  }
  func.func @transform_1(%arg0: i32) -> (i32, i32) {
    %c0_i32 = arith.constant 0 : i32
    %c0_i32_0 = arith.constant 0 : i32
    return %arg0, %c0_i32 : i32, i32
  }
  func.func @transform_2(%arg0: i32) -> (i32, i32) {
    %c0_i32 = arith.constant 0 : i32
    %c0_i32_0 = arith.constant 0 : i32
    return %arg0, %c0_i32 : i32, i32
  }
  func.func @transform_3(%arg0: i32) -> (i32, i32) {
    %c0_i32 = arith.constant 0 : i32
    %c0_i32_0 = arith.constant 0 : i32
    return %arg0, %c0_i32 : i32, i32
  }
}

</mosaic_0001>

<sc_bundles>
// kernel: kernel.25.cloned.1.call-start
scs
__scs_entry_jumppad:
0x0: {  	(pc) =	sbr.rel $0x88, $3  }
0x1: {  	(tag) =	ssettag $0x0;
	lr =	simm.s32 $0x1  }
0x2: {  	[smem:$0x3F99] =	sst lr;
	_ =	strace $0xD0000000  }
0x3: {  	_ = 	snop  }
0x4: {  	_ = 	snop  }
0x5: {  	_ = 	snop  }
0x6: {  	_ = 	snop  }
0x7: {  	_ = 	snop  }
__scs_overlays_trampoline_lowered:
0x8: {  	[smem:$0x3FA8] =	sst s0  }
0x9: {  	[smem:$0x3FA9] =	sst s1  }
0xa: {  	[smem:$0x3FAA] =	sst s2  }
0xb: {  	[smem:$0x3FAB] =	sst s3  }
0xc: {  	[smem:$0x3FAC] =	sst s4  }
0xd: {  	[smem:$0x3FAD] =	sst s5  }
0xe: {  	[smem:$0x3FAE] =	sst s6  }
0xf: {  	[smem:$0x3FAF] =	sst s7  }
0x10: {  	[smem:$0x3FB0] =	sst s8  }
0x11: {  	[smem:$0x3FB1] =	sst s9;
	s0 =	simm.s32 @!p0 $0x0  }
0x12: {  	s1 =	sld [smem:$0x3F97];
	s0 =	simm.s32 @p0 $0x1  }
0x13: {  	[smem:$0x3FB2] =	sst s0;
	s0 =	simm.s32 @!p1 $0x0  }
0x14: {  	s2 =	sld [smem:$0x3F96];
	s0 =	simm.s32 @p1 $0x1  }
0x15: {  	[smem:$0x3FB3] =	sst s0;
	s0 =	simm.s32 @!p2 $0x0  }
0x16: {  	s3 =	sld [smem:$0x3FDB];
	s0 =	simm.s32 @p2 $0x1  }
0x17: {  	s4 =	simm.s32 $0x1BF5;
	[smem:$0x3FB5] =	sst s0  }
0x18: {  	s0 =	sld [smem:$0x3F98];
	_ =	swait.ge [sflag:s4], $0x0  }
0x19: {  	s7 =	sld [smem:$0x3F99]  }
0x1a: {  	s8 =	sadd.s32 $0xFFFFE003, lr  }
0x1b: {  	s9 =	sadd.s32 $0xFFFFFEF7, lr;
	s5 =	simm.s32 $0xFFFFFFFF;
	p2 =	slt.u32 s8, $0xFFFFF086  }
0x1c: {  	p1 =	slt.u32 s9, $0xF7A;
	s5 =	simm.s32 @!p2 $0x0  }
0x1d: {  	s5 =	simm.s32 @p1 $0x1;
	p0 =	seq.s32 s7, s2  }
0x1e: {  	s7 =	smul.u32 @!p0 $0xF7A, s2;
	p2 =	seq.s32 @!p0 s5, $0x0  }
0x1f: {  	s9 =	smul.u32 $0xF7A, s1;
	s8 =	simm.s32 @!p0 $0x1BF5;
	p2 =	por !p2, p0  }
0x20: {  	[sflag:s8] =	ssyncset.s32 @!p0 $0xFFFFF086;
	s6 =	sadd.s32 @!p0 s3, s7;
	s7 =	simm.s32 @!p0 $0x108  }
0x21: {  	s3 =	sadd.s32 s3, s9;
	s6 =	sadd.s32 @!p0 $0x88, s6;
	s7 =	simm.s32 @p2 $0x1082  }
0x22: {  	[simem:s7], [sflag:s8] =	dma.local @!p0 [hbm:s6], $0xF7A  }
0x23: {  	s9 =	sor.u32 $0xD0000000, s2;
	s6 =	simm.s32 $0x108;
	_ =	swait.ge @!p0 [sflag:s8], $0x0  }
0x24: {  	s3 =	sadd.s32 $0x88, s3;
	s6 =	simm.s32 @!p1 $0x1082;
	[sflag:s4] =	ssyncset.s32 $0xFFFFF086  }
0x25: {  	[simem:s6], [sflag:s4] =	dma.local [hbm:s3], $0xF7A  }
0x26: {  	[smem:$0x3F99] =	sst s1;
	(tag) =	ssettag s2;
	_ =	strace s9  }
0x27: {  	s1 =	sld [smem:$0x3FA9]  }
0x28: {  	s2 =	sld [smem:$0x3FAA]  }
0x29: {  	s4 =	sld [smem:$0x3FAC]  }
0x2a: {  	p0 =	seq.s32 s5, $0x0;
	s5 =	sld [smem:$0x3FAD]  }
0x2b: {  	s6 =	sld [smem:$0x3FAE]  }
0x2c: {  	s7 =	sld [smem:$0x3FAF]  }
0x2d: {  	s3 =	simm.s32 $0x108;
	s8 =	sld [smem:$0x3FB0]  }
0x2e: {  	s3 =	simm.s32 @!p0 $0x1082;
	s9 =	sld [smem:$0x3FB1]  }
0x2f: {  	lr =	sadd.s32 s0, s3;
	s0 =	sld [smem:$0x3FA8]  }
0x30: {  	s3 =	sld [smem:$0x3FAB]  }
0x31: {  	[smem:$0x3FB4] =	sst s10  }
0x32: {  	s10 =	sld [smem:$0x3FB2];
	_ =	sdelay $0x3  }
0x33: {  	p0 =	seq.s32 s10, $0x1;
	s10 =	sld [smem:$0x3FB4];
	_ =	sdelay $0x3  }
0x34: {  	[smem:$0x3FB4] =	sst s10  }
0x35: {  	s10 =	sld [smem:$0x3FB3];
	_ =	sdelay $0x3  }
0x36: {  	p1 =	seq.s32 s10, $0x1;
	s10 =	sld [smem:$0x3FB4];
	_ =	sdelay $0x3  }
0x37: {  	[smem:$0x3FB4] =	sst s10  }
0x38: {  	s10 =	sld [smem:$0x3FB5]  }
0x39: {  	_ = 	snop;
	(pc) =	sbr.ind lr, $3  }
0x3a: {  	_ = 	snop  }
0x3b: {  	_ = 	snop  }
0x3c: {  	p2 =	seq.s32 s10, $0x1;
	s10 =	sld [smem:$0x3FB4]  }
0x3d: {  	_ =	shalt  }
0x3e: {  	_ =	shalt  }
0x3f: {  	_ =	shalt  }
0x40: {  	_ =	shalt  }
0x41: {  	_ =	shalt  }
0x42: {  	_ =	shalt  }
0x43: {  	_ =	shalt  }
0x44: {  	_ =	shalt  }
0x45: {  	_ =	shalt  }
0x46: {  	_ =	shalt  }
0x47: {  	_ =	shalt  }
0x48: {  	_ =	shalt  }
0x49: {  	_ =	shalt  }
0x4a: {  	_ =	shalt  }
0x4b: {  	_ =	shalt  }
0x4c: {  	_ =	shalt  }
0x4d: {  	_ =	shalt  }
0x4e: {  	_ =	shalt  }
0x4f: {  	_ =	shalt  }
0x50: {  	_ =	shalt  }
0x51: {  	_ =	shalt  }
0x52: {  	_ =	shalt  }
0x53: {  	_ =	shalt  }
0x54: {  	_ =	shalt  }
0x55: {  	_ =	shalt  }
0x56: {  	_ =	shalt  }
0x57: {  	_ =	shalt  }
0x58: {  	_ =	shalt  }
0x59: {  	_ =	shalt  }
0x5a: {  	_ =	shalt  }
0x5b: {  	_ =	shalt  }
0x5c: {  	_ =	shalt  }
0x5d: {  	_ =	shalt  }
0x5e: {  	_ =	shalt  }
0x5f: {  	_ =	shalt  }
0x60: {  	_ =	shalt  }
0x61: {  	_ =	shalt  }
0x62: {  	_ =	shalt  }
0x63: {  	_ =	shalt  }
0x64: {  	_ =	shalt  }
0x65: {  	_ =	shalt  }
0x66: {  	_ =	shalt  }
0x67: {  	_ =	shalt  }
0x68: {  	_ =	shalt  }
0x69: {  	_ =	shalt  }
0x6a: {  	_ =	shalt  }
0x6b: {  	_ =	shalt  }
0x6c: {  	_ =	shalt  }
0x6d: {  	_ =	shalt  }
0x6e: {  	_ =	shalt  }
0x6f: {  	_ =	shalt  }
0x70: {  	_ =	shalt  }
0x71: {  	_ =	shalt  }
0x72: {  	_ =	shalt  }
0x73: {  	_ =	shalt  }
0x74: {  	_ =	shalt  }
0x75: {  	_ =	shalt  }
0x76: {  	_ =	shalt  }
0x77: {  	_ =	shalt  }
0x78: {  	_ =	shalt  }
0x79: {  	_ =	shalt  }
0x7a: {  	_ =	shalt  }
0x7b: {  	_ =	shalt  }
0x7c: {  	_ =	shalt  }
0x7d: {  	_ =	shalt  }
0x7e: {  	_ =	shalt  }
0x7f: {  	_ =	shalt  }
0x80: {  	_ =	shalt  }
0x81: {  	_ =	shalt  }
0x82: {  	_ =	shalt  }
0x83: {  	_ =	shalt  }
0x84: {  	_ =	shalt  }
0x85: {  	_ =	shalt  }
0x86: {  	_ =	shalt  }
0x87: {  	_ =	shalt  }
.Lfunc_end0:
.L_simem_size_0:
called_computation_lowered:
.L_overlay_start_0:
0x88: {  	s2 =	sld [smem:$0x3FD9]  }
0x89: {  	s3 =	sld [smem:$0x3FFE];
	_ =	sdelay $0x1  }
0x8a: {  	s1 =	srdreg.scid  }
0x8b: {  	s0 =	sand.u32 $0x1, s1  }
0x8c: {  	s17 =	sshll.u32 s0, $0xA;
	s2 =	sadd.s32 s3, s2  }
0x8d: {  	s2 =	sadd.s32 s2, s17  }
0x8e: {  	[smem:$0x3FC0] =	sst s2  }
0x8f: {  	_ = 	snop  }
0x90: {  	s2 =	sld [smem:$0x3FD0];
	(tm) =	ssettm $0x1  }
0x91: {  	s18 =	sld [smem:$0x3FFB];
	_ =	sdelay $0x3  }
0x92: {  	_ =	strace s18  }
0x93: {  	s3 =	sld [smem:$0x3FFC];
	_ =	sdelay $0x3  }
0x94: {  	_ =	strace s3  }
0x95: {  	s3 =	sld [smem:$0x3FFD];
	_ =	sdelay $0x3  }
0x96: {  	_ =	strace s3  }
0x97: {  	_ =	strace $0x8FFFFFFF  }
0x98: {  	s19 =	sld [smem:$0x3FDB];
	_ =	sdelay $0x1  }
0x99: {  	s4 =	simm.s32 $_scs_section_size  }
0x9a: {  	s5 =	simm.s32 $_size__tile_overlayer_lowered;
	s6 =	simm.s32 $_tile_overlayer_lowered  }
0x9b: {  	s22 =	simm.s32 $0x1BFF;
	s21 =	sshll.u32 s6, $0x1;
	s3 =	sadd.s32 s4, s19  }
0x9c: {  	s7 =	simm.s32 $0x0;
	s20 =	sshll.u32 s5, $0x1;
	s5 =	sadd.s32 s21, s3  }
0x9d: {  	[timem:s7], [sflag:s22] =	dma.local [hbm:s5], s20  }
0x9e: {  	_ =	swait.ge [sflag:s22], s20  }
0x9f: {  	s4 =	ssub.s32 $0x0, s20;
	[sflag:s22] =	ssyncset.done $0x0  }
0xa0: {  	[sflag:s22] =	ssyncadd.s32 s4;
	_ =	sdelay $0x1  }
0xa1: {  	s23 =	simm.s32 $0x1B8B  }
0xa2: {  	_ =	swait.ge [sflag:s23], $0x1  }
0xa3: {  	[sflag:s23] =	ssyncset.done $0x0  }
0xa4: {  	s25 =	simm.s32 $0x1B8E;
	s24 =	sld [smem:$0x3FFE];
	[sflag:s23] =	ssyncadd.s32 $0xFFFFFFFF  }
0xa5: {  	s26 =	simm.s32 $execute0_lowered;
	[smem:$0x3FD2] =	sst s25  }
0xa6: {  	s5 =	sshll.u32 s26, $0x1;
	_ =	strace $0x80000046;
	[dreg:$0x1] =	wrdreg $0xFFFFFFFF  }
0xa7: {  	s28 =	simm.s32 $_size_execute0_lowered;
	s3 =	sadd.s32 s3, s5;
	[dreg:$0x0] =	wrdreg $0x0  }
0xa8: {  	s5 =	sshll.u32 s28, $0x1;
	[dreg:$0x2] =	wrdreg s3  }
0xa9: {  	[dreg:$0x3] =	wrdreg s5  }
0xaa: {  	[dreg:$0x4] =	wrdreg $0xC0  }
0xab: {  	_ =	task [dreg:s7], $0x5FFFF  }
0xac: {  	[dreg:$0x1] =	wrdreg $0xFFFFFFFF  }
0xad: {  	[dreg:$0x0] =	wrdreg $0x60  }
0xae: {  	[dreg:$0x2] =	wrdreg s2  }
0xaf: {  	[dreg:$0x3] =	wrdreg s24  }
0xb0: {  	[dreg:$0x4] =	wrdreg $0x0  }
0xb1: {  	[dreg:$0x5] =	wrdreg $0x9  }
0xb2: {  	_ =	task.clear_ibuf [dreg:s7], $0x6FFFF;
	_ =	strace $0x90000046  }
0xb3: {  	s29 =	simm.s32 $0x9;
	_ =	strace $0x80000048  }
0xb4: {  	_ =	swait.ge [sflag:s29], $0x1  }
0xb5: {  	[sflag:s29] =	ssyncadd.s32 $0xFFFFFFFF  }
0xb6: {  	_ =	strace $0x90000048  }
0xb7: {  	_ =	sfence  }
0xb8: {  	s30 =	sld [smem:$0x0];
	_ =	sdelay $0x2  }
0xb9: {  	s31 =	sshll.u32 s1, $0xD;
	s1 =	sshrl.u32 s1, $0x2  }
0xba: {  	s3 =	sand.u32 $0x4000, s31;
	s1 =	sadd.s32 s1, s30  }
0xbb: {  	s0 =	sor.u32 s3, s0;
	s1 =	sshll.u32 s1, $0x11  }
0xbc: {  	s0 =	sor.u32 s1, s0  }
0xbd: {  	s0 =	sadd.s32 $0x8F2B, s0  }
0xbe: {  	[sflag:s0] =	ssyncadd.remote.s32 $0x1  }
0xbf: {  	_ =	sfence.sel $0xFFFF  }
0xc0: {  	[dreg:$0x0] =	wrdreg $0xFFFFFFFF;
	(pc) =	sbr.abs _section_cstart, $3  }
0xc1: {  	[dreg:$0x1] =	wrdreg $0xFFFFFFFF  }
0xc2: {  	_ =	task.clear_ibuf [dreg:s7], $0x2FFFF;
	_ =	strace $0x9FFFFFFF  }
0xc3: {  	(tm) =	ssettm $0x7FFFFFFF  }
tec
execute0_lowered:
.L_overlay_start_1:
0x0: {  	(tag) =	ssettag $0x1  }
0x1: {  	s0 =	srdreg.scid;
	s1 =	rddreg [dreg:$0x0]  }
0x2: {  	s10 =	stileid.u32;
	s3 =	rddreg [dreg:$0x1]  }
0x3: {  	s5 =	simm.s32 $0x0;
	s12 =	simm.s32 $0x2;
	s13 =	simm.s32 $0x18000  }
0x4: {  	s14 =	simm.s32 $0x80;
	s15 =	simm.s32 $0x14000;
	s16 =	simm.s32 $0x18C00  }
0x5: {  	s17 =	simm.s32 $0x18C80;
	s18 =	simm.s32 $0x18D00;
	s19 =	simm.s32 $0x18D80  }
0x6: {  	s20 =	simm.s32 $0x18E00;
	s28 =	simm.s32 $0x19180;
	s29 =	simm.s32 $0x19200  }
0x7: {  	s30 =	simm.s32 $0x19280;
	s31 =	simm.s32 $0x19300;
	s8 =	smul.u32 $0x2800, s10  }
0x8: {  	s0 =	sand.u32 $0x1, s0;
	[smem:$0x7FF] =	sst s5;
	s6 =	smul.u32 $0x50000, s10  }
0x9: {  	s24 =	sshll.u32 s10, $0x6;
	s2 =	sshll.u32 s0, $0x4;
	s21 =	smul.u32 $0x50000, s0  }
0xa: {  	s0 =	ssub.s32 $0x2, s0;
	s4 =	sor.u32 s10, s2;
	s2 =	rddreg [dreg:$0x2]  }
0xb: {  	_ =	strace $0x80000047;
	[dreg:$0x4] =	wrdreg s8;
	s8 =	sadd.s32 s8, s3  }
0xc: {  	s9 =	sshrl.u32 s0, $0x1;
	s22 =	sshrl.u32 s6, $0x2;
	s6 =	sor.u32 $0x1C02, s24  }
0xd: {  	s10 =	simm.s32 $0x18B80;
	s24 =	simm.s32 $0x19000;
	s4 =	smul.u32 $0x280, s4  }
0xe: {  	s0 =	ssub.s32 s0, s9;
	s23 =	sadd.s32 s22, s2;
	s5 =	sadd.s32 $0xB800, s8  }
0xf: {  	s8 =	simm.s32 $0x18080;
	s9 =	simm.s32 $0x18B00;
	s22 =	simm.s32 $0x18F00  }
0x10: {  	s0 =	smax.u32 s0, $0x1;
	s11 =	sshrl.u32 s23, $0x3;
	s23 =	simm.s32 $0x18F80  }
0x11: {  	s7 =	sadd.s32 s4, s3;
	s3 =	sadd.s32 s21, s3;
	s1 =	sadd.s32 s1, s4  }
0x12: {  	[dreg:$0x8] =	wrdreg s0;
	s21 =	simm.s32 $0x18E80;
	s0 =	simm.s32 $0x1  }
0x13: {  	[dreg:$0x5] =	wrdreg s1;
	s25 =	sadd.s32 $0x33800, s3;
	s26 =	sadd.s32 $0x6800, s7  }
0x14: {  	s1 =	simm.s32 $0x19380;
	s3 =	simm.s32 $0x0;
	[dreg:$0x6] =	wrdreg s25  }
0x15: {  	v0 =	vimm.f32 $1.000000000e+00;
	[dreg:$0x7] =	wrdreg s26;
	s25 =	simm.s32 $0x19080;
	s26 =	simm.s32 $0x19100  }
.LBB2_1:
0x16: {  	s4 =	simm.s32 $0x0;
	s7 =	simm.s32 $0x200  }
.LBB2_2:
0x17: {  	p0 =	sne.s32 s7, $0xFE00;
	[tilespmem:s4+$0x14070] =	vst v0  }
0x18: {  	[tilespmem:s4+$0x14000] =	vst v0  }
0x19: {  	[tilespmem:s4+$0x14010] =	vst v0  }
.Ltmp0:
0x1a: {  	[tilespmem:s4+$0x14020] =	vst v0;
	(pc) =	sbr.rel @p0 .LBB2_2-.Ltmp0, $4  }
0x1b: {  	[tilespmem:s4+$0x14030] =	vst v0  }
0x1c: {  	[tilespmem:s4+$0x14040] =	vst v0  }
0x1d: {  	[tilespmem:s4+$0x14050] =	vst v0  }
0x1e: {  	[tilespmem:s4+$0x14060] =	vst v0;
	s4 =	sshra.s32 s7, $0x2;
	s7 =	sadd.s32 $0x200, s7  }
0x1f: {  	[tilespmem:s4+$0x14070] =	vst v0  }
0x20: {  	[tilespmem:s4+$0x14000] =	vst v0  }
0x21: {  	[tilespmem:s4+$0x14010] =	vst v0  }
0x22: {  	[tilespmem:s4+$0x14020] =	vst v0  }
0x23: {  	[tilespmem:s4+$0x14030] =	vst v0  }
0x24: {  	[tilespmem:s4+$0x14040] =	vst v0  }
0x25: {  	[tilespmem:s4+$0x14050] =	vst v0  }
0x26: {  	[tilespmem:s4+$0x14060] =	vst v0  }
0x27: {  	[spmem:s11], [sflag:s6] =	dma.local [hbm:s5], $0x2800  }
0x28: {  	_ =	swait.ge [sflag:s12], $0x2800  }
0x29: {  	[sflag:s12] =	ssyncset.done $0x0  }
0x2a: {  	[sflag:s12] =	ssyncadd.s32 $0xFFFFD800  }
0x2b: {  	[bflag:$0x0] =	sbarrier.arrive $0xFFFF  }
0x2c: {  	s4 =	simm.s32 $0x0;
	s7 =	rddreg [dreg:$0x5]  }
0x2d: {  	[tilespmem:s13], [sflag:$0x2] =	stream.linear.gather [hbm4b:s7+s4], $0x1400, $0x38;
	[tilespmem:$0x19400] =	vst v63  }
0x2e: {  	_ =	swait.ge [sflag:s12], $0x1400  }
0x2f: {  	[sflag:s12] =	ssyncset.done $0x0  }
0x30: {  	[sflag:s12] =	ssyncadd.s32 $0xFFFFEC00  }
0x31: {  	[spmem:s2] =	stream.indirect.scatter.add.f32 [tilespmem:s15], [sflag:$0x1], $0x80, s13, s14, $0xb8;
	[tilespmem:$0x19400] =	vst v63  }
0x32: {  	_ = 	snop  }
0x33: {  	[spmem:s2] =	stream.indirect.scatter.add.f32 [tilespmem:s15], [sflag:$0x1], $0x80, s8, s14, $0xb8;
	[tilespmem:$0x19400] =	vst v63  }
0x34: {  	s7 =	simm.s32 $0x18100  }
0x35: {  	[spmem:s2] =	stream.indirect.scatter.add.f32 [tilespmem:s15], [sflag:$0x1], $0x80, s7, s14, $0xb8;
	[tilespmem:$0x19400] =	vst v63  }
0x36: {  	s8 =	simm.s32 $0x18180  }
0x37: {  	[spmem:s2] =	stream.indirect.scatter.add.f32 [tilespmem:s15], [sflag:$0x1], $0x80, s8, s14, $0xb8;
	[tilespmem:$0x19400] =	vst v63  }
0x38: {  	s7 =	simm.s32 $0x18200  }
0x39: {  	[spmem:s2] =	stream.indirect.scatter.add.f32 [tilespmem:s15], [sflag:$0x1], $0x80, s7, s14, $0xb8;
	[tilespmem:$0x19400] =	vst v63  }
0x3a: {  	s8 =	simm.s32 $0x18280  }
0x3b: {  	[spmem:s2] =	stream.indirect.scatter.add.f32 [tilespmem:s15], [sflag:$0x1], $0x80, s8, s14, $0xb8;
	[tilespmem:$0x19400] =	vst v63  }
0x3c: {  	s7 =	simm.s32 $0x18300  }
0x3d: {  	[spmem:s2] =	stream.indirect.scatter.add.f32 [tilespmem:s15], [sflag:$0x1], $0x80, s7, s14, $0xb8;
	[tilespmem:$0x19400] =	vst v63  }
0x3e: {  	s8 =	simm.s32 $0x18380  }
0x3f: {  	[spmem:s2] =	stream.indirect.scatter.add.f32 [tilespmem:s15], [sflag:$0x1], $0x80, s8, s14, $0xb8;
	[tilespmem:$0x19400] =	vst v63  }
0x40: {  	s7 =	simm.s32 $0x18400  }
0x41: {  	[spmem:s2] =	stream.indirect.scatter.add.f32 [tilespmem:s15], [sflag:$0x1], $0x80, s7, s14, $0xb8;
	[tilespmem:$0x19400] =	vst v63  }
0x42: {  	s8 =	simm.s32 $0x18480  }
0x43: {  	[spmem:s2] =	stream.indirect.scatter.add.f32 [tilespmem:s15], [sflag:$0x1], $0x80, s8, s14, $0xb8;
	[tilespmem:$0x19400] =	vst v63  }
0x44: {  	s7 =	simm.s32 $0x18500  }
0x45: {  	[spmem:s2] =	stream.indirect.scatter.add.f32 [tilespmem:s15], [sflag:$0x1], $0x80, s7, s14, $0xb8;
	[tilespmem:$0x19400] =	vst v63  }
0x46: {  	s8 =	simm.s32 $0x18580  }
0x47: {  	[spmem:s2] =	stream.indirect.scatter.add.f32 [tilespmem:s15], [sflag:$0x1], $0x80, s8, s14, $0xb8;
	[tilespmem:$0x19400] =	vst v63  }
0x48: {  	s7 =	simm.s32 $0x18600  }
0x49: {  	[spmem:s2] =	stream.indirect.scatter.add.f32 [tilespmem:s15], [sflag:$0x1], $0x80, s7, s14, $0xb8;
	[tilespmem:$0x19400] =	vst v63  }
0x4a: {  	s8 =	simm.s32 $0x18680  }
0x4b: {  	[spmem:s2] =	stream.indirect.scatter.add.f32 [tilespmem:s15], [sflag:$0x1], $0x80, s8, s14, $0xb8;
	[tilespmem:$0x19400] =	vst v63  }
0x4c: {  	s7 =	simm.s32 $0x18700  }
0x4d: {  	[spmem:s2] =	stream.indirect.scatter.add.f32 [tilespmem:s15], [sflag:$0x1], $0x80, s7, s14, $0xb8;
	[tilespmem:$0x19400] =	vst v63  }
0x4e: {  	s8 =	simm.s32 $0x18780  }
0x4f: {  	[spmem:s2] =	stream.indirect.scatter.add.f32 [tilespmem:s15], [sflag:$0x1], $0x80, s8, s14, $0xb8;
	[tilespmem:$0x19400] =	vst v63  }
0x50: {  	s7 =	simm.s32 $0x18800  }
0x51: {  	[spmem:s2] =	stream.indirect.scatter.add.f32 [tilespmem:s15], [sflag:$0x1], $0x80, s7, s14, $0xb8;
	[tilespmem:$0x19400] =	vst v63  }
0x52: {  	s8 =	simm.s32 $0x18880  }
0x53: {  	[spmem:s2] =	stream.indirect.scatter.add.f32 [tilespmem:s15], [sflag:$0x1], $0x80, s8, s14, $0xb8;
	[tilespmem:$0x19400] =	vst v63  }
0x54: {  	s7 =	simm.s32 $0x18900  }
0x55: {  	[spmem:s2] =	stream.indirect.scatter.add.f32 [tilespmem:s15], [sflag:$0x1], $0x80, s7, s14, $0xb8;
	[tilespmem:$0x19400] =	vst v63  }
0x56: {  	s8 =	simm.s32 $0x18980  }
0x57: {  	[spmem:s2] =	stream.indirect.scatter.add.f32 [tilespmem:s15], [sflag:$0x1], $0x80, s8, s14, $0xb8;
	[tilespmem:$0x19400] =	vst v63  }
0x58: {  	s7 =	simm.s32 $0x18A00  }
0x59: {  	[spmem:s2] =	stream.indirect.scatter.add.f32 [tilespmem:s15], [sflag:$0x1], $0x80, s7, s14, $0xb8;
	[tilespmem:$0x19400] =	vst v63  }
0x5a: {  	s8 =	simm.s32 $0x18A80  }
0x5b: {  	[spmem:s2] =	stream.indirect.scatter.add.f32 [tilespmem:s15], [sflag:$0x1], $0x80, s8, s14, $0xb8;
	[tilespmem:$0x19400] =	vst v63  }
0x5c: {  	_ = 	snop  }
0x5d: {  	[spmem:s2] =	stream.indirect.scatter.add.f32 [tilespmem:s15], [sflag:$0x1], $0x80, s9, s14, $0xb8;
	[tilespmem:$0x19400] =	vst v63  }
0x5e: {  	_ = 	snop  }
0x5f: {  	[spmem:s2] =	stream.indirect.scatter.add.f32 [tilespmem:s15], [sflag:$0x1], $0x80, s10, s14, $0xb8;
	[tilespmem:$0x19400] =	vst v63  }
0x60: {  	_ = 	snop  }
0x61: {  	[spmem:s2] =	stream.indirect.scatter.add.f32 [tilespmem:s15], [sflag:$0x1], $0x80, s16, s14, $0xb8;
	[tilespmem:$0x19400] =	vst v63  }
0x62: {  	_ = 	snop  }
0x63: {  	[spmem:s2] =	stream.indirect.scatter.add.f32 [tilespmem:s15], [sflag:$0x1], $0x80, s17, s14, $0xb8;
	[tilespmem:$0x19400] =	vst v63  }
0x64: {  	_ = 	snop  }
0x65: {  	[spmem:s2] =	stream.indirect.scatter.add.f32 [tilespmem:s15], [sflag:$0x1], $0x80, s18, s14, $0xb8;
	[tilespmem:$0x19400] =	vst v63  }
0x66: {  	_ = 	snop  }
0x67: {  	[spmem:s2] =	stream.indirect.scatter.add.f32 [tilespmem:s15], [sflag:$0x1], $0x80, s19, s14, $0xb8;
	[tilespmem:$0x19400] =	vst v63  }
0x68: {  	_ = 	snop  }
0x69: {  	[spmem:s2] =	stream.indirect.scatter.add.f32 [tilespmem:s15], [sflag:$0x1], $0x80, s20, s14, $0xb8;
	[tilespmem:$0x19400] =	vst v63  }
0x6a: {  	_ = 	snop  }
0x6b: {  	[spmem:s2] =	stream.indirect.scatter.add.f32 [tilespmem:s15], [sflag:$0x1], $0x80, s21, s14, $0xb8;
	[tilespmem:$0x19400] =	vst v63  }
0x6c: {  	_ = 	snop  }
0x6d: {  	[spmem:s2] =	stream.indirect.scatter.add.f32 [tilespmem:s15], [sflag:$0x1], $0x80, s22, s14, $0xb8;
	[tilespmem:$0x19400] =	vst v63  }
0x6e: {  	_ = 	snop  }
0x6f: {  	[spmem:s2] =	stream.indirect.scatter.add.f32 [tilespmem:s15], [sflag:$0x1], $0x80, s23, s14, $0xb8;
	[tilespmem:$0x19400] =	vst v63  }
0x70: {  	_ = 	snop  }
0x71: {  	[spmem:s2] =	stream.indirect.scatter.add.f32 [tilespmem:s15], [sflag:$0x1], $0x80, s24, s14, $0xb8;
	[tilespmem:$0x19400] =	vst v63  }
0x72: {  	_ = 	snop  }
0x73: {  	[spmem:s2] =	stream.indirect.scatter.add.f32 [tilespmem:s15], [sflag:$0x1], $0x80, s25, s14, $0xb8;
	[tilespmem:$0x19400] =	vst v63  }
0x74: {  	_ = 	snop  }
0x75: {  	[spmem:s2] =	stream.indirect.scatter.add.f32 [tilespmem:s15], [sflag:$0x1], $0x80, s26, s14, $0xb8;
	[tilespmem:$0x19400] =	vst v63  }
0x76: {  	_ = 	snop  }
0x77: {  	[spmem:s2] =	stream.indirect.scatter.add.f32 [tilespmem:s15], [sflag:$0x1], $0x80, s28, s14, $0xb8;
	[tilespmem:$0x19400] =	vst v63  }
0x78: {  	_ = 	snop  }
0x79: {  	[spmem:s2] =	stream.indirect.scatter.add.f32 [tilespmem:s15], [sflag:$0x1], $0x80, s29, s14, $0xb8;
	[tilespmem:$0x19400] =	vst v63  }
0x7a: {  	_ = 	snop  }
0x7b: {  	[spmem:s2] =	stream.indirect.scatter.add.f32 [tilespmem:s15], [sflag:$0x1], $0x80, s30, s14, $0xb8;
	[tilespmem:$0x19400] =	vst v63  }
0x7c: {  	_ = 	snop  }
0x7d: {  	[spmem:s2] =	stream.indirect.scatter.add.f32 [tilespmem:s15], [sflag:$0x1], $0x80, s31, s14, $0xb8;
	[tilespmem:$0x19400] =	vst v63  }
0x7e: {  	_ = 	snop  }
0x7f: {  	[spmem:s2] =	stream.indirect.scatter.add.f32 [tilespmem:s15], [sflag:$0x1], $0x80, s1, s14, $0xb8;
	[tilespmem:$0x19400] =	vst v63  }
0x80: {  	_ =	swait.ge [sflag:s0], $0x4000  }
0x81: {  	s4 =	simm.s32 $0x27;
	[sflag:s0] =	ssyncset.done $0x0  }
.LBB2_4:
0x82: {  	p0 =	sne.s32 s4, $0x1;
	s4 =	sadd.s32 $0xFFFFFFFF, s4;
	[sflag:s0] =	ssyncadd.s32 $0xFFFFC000  }
.Ltmp1:
0x83: {  	(pc) =	sbr.rel @p0 .LBB2_4-.Ltmp1, $3  }
0x84: {  	_ =	sdelay $0x1  }
0x85: {  	_ =	swait.ge [sflag:s0], $0x4000  }
0x86: {  	[sflag:s0] =	ssyncset.done $0x0  }
0x87: {  	[sflag:s0] =	ssyncadd.s32 $0xFFFFC000  }
0x88: {  	[bflag:$0x0] =	sbarrier.arrive $0xFFFF  }
0x89: {  	s4 =	rddreg [dreg:$0x4]  }
0x8a: {  	s7 =	rddreg [dreg:$0x6]  }
0x8b: {  	s4 =	sadd.s32 s4, s7  }
0x8c: {  	[hbm:s4], [sflag:s6] =	dma.local [spmem:s11], $0x2800  }
0x8d: {  	_ =	swait.ge [sflag:s12], $0x2800  }
0x8e: {  	[sflag:s12] =	ssyncset.done $0x0  }
0x8f: {  	[sflag:s12] =	ssyncadd.s32 $0xFFFFD800  }
0x90: {  	[bflag:$0x0] =	sbarrier.arrive $0xFFFF  }
0x91: {  	[spmem:s11], [sflag:s6] =	dma.local [hbm:s5], $0x2800  }
0x92: {  	_ =	swait.ge [sflag:s12], $0x2800  }
0x93: {  	[sflag:s12] =	ssyncset.done $0x0  }
0x94: {  	[sflag:s12] =	ssyncadd.s32 $0xFFFFD800  }
0x95: {  	[bflag:$0x0] =	sbarrier.arrive $0xFFFF  }
0x96: {  	s7 =	simm.s32 $0x0;
	s8 =	rddreg [dreg:$0x7]  }
0x97: {  	[tilespmem:s13], [sflag:$0x2] =	stream.linear.gather [hbm4b:s8+s7], $0x1400, $0x38;
	[tilespmem:$0x19400] =	vst v63  }
0x98: {  	_ =	swait.ge [sflag:s12], $0x1400  }
0x99: {  	[sflag:s12] =	ssyncset.done $0x0  }
0x9a: {  	[sflag:s12] =	ssyncadd.s32 $0xFFFFEC00  }
0x9b: {  	[spmem:s2] =	stream.indirect.scatter.add.f32 [tilespmem:s15], [sflag:$0x1], $0x80, s13, s14, $0xb8;
	[tilespmem:$0x19400] =	vst v63  }
0x9c: {  	s8 =	simm.s32 $0x18080  }
0x9d: {  	[spmem:s2] =	stream.indirect.scatter.add.f32 [tilespmem:s15], [sflag:$0x1], $0x80, s8, s14, $0xb8;
	[tilespmem:$0x19400] =	vst v63  }
0x9e: {  	s7 =	simm.s32 $0x18100  }
0x9f: {  	[spmem:s2] =	stream.indirect.scatter.add.f32 [tilespmem:s15], [sflag:$0x1], $0x80, s7, s14, $0xb8;
	[tilespmem:$0x19400] =	vst v63  }
0xa0: {  	s7 =	simm.s32 $0x18180  }
0xa1: {  	[spmem:s2] =	stream.indirect.scatter.add.f32 [tilespmem:s15], [sflag:$0x1], $0x80, s7, s14, $0xb8;
	[tilespmem:$0x19400] =	vst v63  }
0xa2: {  	s7 =	simm.s32 $0x18200  }
0xa3: {  	[spmem:s2] =	stream.indirect.scatter.add.f32 [tilespmem:s15], [sflag:$0x1], $0x80, s7, s14, $0xb8;
	[tilespmem:$0x19400] =	vst v63  }
0xa4: {  	s7 =	simm.s32 $0x18280  }
0xa5: {  	[spmem:s2] =	stream.indirect.scatter.add.f32 [tilespmem:s15], [sflag:$0x1], $0x80, s7, s14, $0xb8;
	[tilespmem:$0x19400] =	vst v63  }
0xa6: {  	s7 =	simm.s32 $0x18300  }
0xa7: {  	[spmem:s2] =	stream.indirect.scatter.add.f32 [tilespmem:s15], [sflag:$0x1], $0x80, s7, s14, $0xb8;
	[tilespmem:$0x19400] =	vst v63  }
0xa8: {  	s7 =	simm.s32 $0x18380  }
0xa9: {  	[spmem:s2] =	stream.indirect.scatter.add.f32 [tilespmem:s15], [sflag:$0x1], $0x80, s7, s14, $0xb8;
	[tilespmem:$0x19400] =	vst v63  }
0xaa: {  	s7 =	simm.s32 $0x18400  }
0xab: {  	[spmem:s2] =	stream.indirect.scatter.add.f32 [tilespmem:s15], [sflag:$0x1], $0x80, s7, s14, $0xb8;
	[tilespmem:$0x19400] =	vst v63  }
0xac: {  	s7 =	simm.s32 $0x18480  }
0xad: {  	[spmem:s2] =	stream.indirect.scatter.add.f32 [tilespmem:s15], [sflag:$0x1], $0x80, s7, s14, $0xb8;
	[tilespmem:$0x19400] =	vst v63  }
0xae: {  	s7 =	simm.s32 $0x18500  }
0xaf: {  	[spmem:s2] =	stream.indirect.scatter.add.f32 [tilespmem:s15], [sflag:$0x1], $0x80, s7, s14, $0xb8;
	[tilespmem:$0x19400] =	vst v63  }
0xb0: {  	s7 =	simm.s32 $0x18580  }
0xb1: {  	[spmem:s2] =	stream.indirect.scatter.add.f32 [tilespmem:s15], [sflag:$0x1], $0x80, s7, s14, $0xb8;
	[tilespmem:$0x19400] =	vst v63  }
0xb2: {  	s7 =	simm.s32 $0x18600  }
0xb3: {  	[spmem:s2] =	stream.indirect.scatter.add.f32 [tilespmem:s15], [sflag:$0x1], $0x80, s7, s14, $0xb8;
	[tilespmem:$0x19400] =	vst v63  }
0xb4: {  	s7 =	simm.s32 $0x18680  }
0xb5: {  	[spmem:s2] =	stream.indirect.scatter.add.f32 [tilespmem:s15], [sflag:$0x1], $0x80, s7, s14, $0xb8;
	[tilespmem:$0x19400] =	vst v63  }
0xb6: {  	s7 =	simm.s32 $0x18700  }
0xb7: {  	[spmem:s2] =	stream.indirect.scatter.add.f32 [tilespmem:s15], [sflag:$0x1], $0x80, s7, s14, $0xb8;
	[tilespmem:$0x19400] =	vst v63  }
0xb8: {  	s7 =	simm.s32 $0x18780  }
0xb9: {  	[spmem:s2] =	stream.indirect.scatter.add.f32 [tilespmem:s15], [sflag:$0x1], $0x80, s7, s14, $0xb8;
	[tilespmem:$0x19400] =	vst v63  }
0xba: {  	s7 =	simm.s32 $0x18800  }
0xbb: {  	[spmem:s2] =	stream.indirect.scatter.add.f32 [tilespmem:s15], [sflag:$0x1], $0x80, s7, s14, $0xb8;
	[tilespmem:$0x19400] =	vst v63  }
0xbc: {  	s7 =	simm.s32 $0x18880  }
0xbd: {  	[spmem:s2] =	stream.indirect.scatter.add.f32 [tilespmem:s15], [sflag:$0x1], $0x80, s7, s14, $0xb8;
	[tilespmem:$0x19400] =	vst v63  }
0xbe: {  	s7 =	simm.s32 $0x18900  }
0xbf: {  	[spmem:s2] =	stream.indirect.scatter.add.f32 [tilespmem:s15], [sflag:$0x1], $0x80, s7, s14, $0xb8;
	[tilespmem:$0x19400] =	vst v63  }
0xc0: {  	s7 =	simm.s32 $0x18980  }
0xc1: {  	[spmem:s2] =	stream.indirect.scatter.add.f32 [tilespmem:s15], [sflag:$0x1], $0x80, s7, s14, $0xb8;
	[tilespmem:$0x19400] =	vst v63  }
0xc2: {  	s7 =	simm.s32 $0x18A00  }
0xc3: {  	[spmem:s2] =	stream.indirect.scatter.add.f32 [tilespmem:s15], [sflag:$0x1], $0x80, s7, s14, $0xb8;
	[tilespmem:$0x19400] =	vst v63  }
0xc4: {  	s7 =	simm.s32 $0x18A80  }
0xc5: {  	[spmem:s2] =	stream.indirect.scatter.add.f32 [tilespmem:s15], [sflag:$0x1], $0x80, s7, s14, $0xb8;
	[tilespmem:$0x19400] =	vst v63  }
0xc6: {  	_ = 	snop  }
0xc7: {  	[spmem:s2] =	stream.indirect.scatter.add.f32 [tilespmem:s15], [sflag:$0x1], $0x80, s9, s14, $0xb8;
	[tilespmem:$0x19400] =	vst v63  }
0xc8: {  	_ = 	snop  }
0xc9: {  	[spmem:s2] =	stream.indirect.scatter.add.f32 [tilespmem:s15], [sflag:$0x1], $0x80, s10, s14, $0xb8;
	[tilespmem:$0x19400] =	vst v63  }
0xca: {  	_ = 	snop  }
0xcb: {  	[spmem:s2] =	stream.indirect.scatter.add.f32 [tilespmem:s15], [sflag:$0x1], $0x80, s16, s14, $0xb8;
	[tilespmem:$0x19400] =	vst v63  }
0xcc: {  	_ = 	snop  }
0xcd: {  	[spmem:s2] =	stream.indirect.scatter.add.f32 [tilespmem:s15], [sflag:$0x1], $0x80, s17, s14, $0xb8;
	[tilespmem:$0x19400] =	vst v63  }
0xce: {  	_ = 	snop  }
0xcf: {  	[spmem:s2] =	stream.indirect.scatter.add.f32 [tilespmem:s15], [sflag:$0x1], $0x80, s18, s14, $0xb8;
	[tilespmem:$0x19400] =	vst v63  }
0xd0: {  	_ = 	snop  }
0xd1: {  	[spmem:s2] =	stream.indirect.scatter.add.f32 [tilespmem:s15], [sflag:$0x1], $0x80, s19, s14, $0xb8;
	[tilespmem:$0x19400] =	vst v63  }
0xd2: {  	_ = 	snop  }
0xd3: {  	[spmem:s2] =	stream.indirect.scatter.add.f32 [tilespmem:s15], [sflag:$0x1], $0x80, s20, s14, $0xb8;
	[tilespmem:$0x19400] =	vst v63  }
0xd4: {  	_ = 	snop  }
0xd5: {  	[spmem:s2] =	stream.indirect.scatter.add.f32 [tilespmem:s15], [sflag:$0x1], $0x80, s21, s14, $0xb8;
	[tilespmem:$0x19400] =	vst v63  }
0xd6: {  	_ = 	snop  }
0xd7: {  	[spmem:s2] =	stream.indirect.scatter.add.f32 [tilespmem:s15], [sflag:$0x1], $0x80, s22, s14, $0xb8;
	[tilespmem:$0x19400] =	vst v63  }
0xd8: {  	_ = 	snop  }
0xd9: {  	[spmem:s2] =	stream.indirect.scatter.add.f32 [tilespmem:s15], [sflag:$0x1], $0x80, s23, s14, $0xb8;
	[tilespmem:$0x19400] =	vst v63  }
0xda: {  	_ = 	snop  }
0xdb: {  	[spmem:s2] =	stream.indirect.scatter.add.f32 [tilespmem:s15], [sflag:$0x1], $0x80, s24, s14, $0xb8;
	[tilespmem:$0x19400] =	vst v63  }
0xdc: {  	_ = 	snop  }
0xdd: {  	[spmem:s2] =	stream.indirect.scatter.add.f32 [tilespmem:s15], [sflag:$0x1], $0x80, s25, s14, $0xb8;
	[tilespmem:$0x19400] =	vst v63  }
0xde: {  	_ = 	snop  }
0xdf: {  	[spmem:s2] =	stream.indirect.scatter.add.f32 [tilespmem:s15], [sflag:$0x1], $0x80, s26, s14, $0xb8;
	[tilespmem:$0x19400] =	vst v63  }
0xe0: {  	_ = 	snop  }
0xe1: {  	[spmem:s2] =	stream.indirect.scatter.add.f32 [tilespmem:s15], [sflag:$0x1], $0x80, s28, s14, $0xb8;
	[tilespmem:$0x19400] =	vst v63  }
0xe2: {  	_ = 	snop  }
0xe3: {  	[spmem:s2] =	stream.indirect.scatter.add.f32 [tilespmem:s15], [sflag:$0x1], $0x80, s29, s14, $0xb8;
	[tilespmem:$0x19400] =	vst v63  }
0xe4: {  	_ = 	snop  }
0xe5: {  	[spmem:s2] =	stream.indirect.scatter.add.f32 [tilespmem:s15], [sflag:$0x1], $0x80, s30, s14, $0xb8;
	[tilespmem:$0x19400] =	vst v63  }
0xe6: {  	_ = 	snop  }
0xe7: {  	[spmem:s2] =	stream.indirect.scatter.add.f32 [tilespmem:s15], [sflag:$0x1], $0x80, s31, s14, $0xb8;
	[tilespmem:$0x19400] =	vst v63  }
0xe8: {  	_ = 	snop  }
0xe9: {  	[spmem:s2] =	stream.indirect.scatter.add.f32 [tilespmem:s15], [sflag:$0x1], $0x80, s1, s14, $0xb8;
	[tilespmem:$0x19400] =	vst v63  }
0xea: {  	_ =	swait.ge [sflag:s0], $0x4000  }
0xeb: {  	s7 =	simm.s32 $0x27;
	[sflag:s0] =	ssyncset.done $0x0  }
.LBB2_6:
0xec: {  	p0 =	sne.s32 s7, $0x1;
	s7 =	sadd.s32 $0xFFFFFFFF, s7;
	[sflag:s0] =	ssyncadd.s32 $0xFFFFC000  }
.Ltmp2:
0xed: {  	(pc) =	sbr.rel @p0 .LBB2_6-.Ltmp2, $3  }
0xee: {  	_ =	sdelay $0x1  }
0xef: {  	_ =	swait.ge [sflag:s0], $0x4000  }
0xf0: {  	[sflag:s0] =	ssyncset.done $0x0  }
0xf1: {  	[sflag:s0] =	ssyncadd.s32 $0xFFFFC000  }
0xf2: {  	s4 =	sadd.s32 $0x28000, s4;
	[bflag:$0x0] =	sbarrier.arrive $0xFFFF  }
0xf3: {  	[hbm:s4], [sflag:s6] =	dma.local [spmem:s11], $0x2800  }
0xf4: {  	_ =	swait.ge [sflag:s12], $0x2800  }
0xf5: {  	s3 =	sadd.s32 $0x1, s3;
	s7 =	rddreg [dreg:$0x8]  }
0xf6: {  	p0 =	sne.s32 s3, s7  }
.Ltmp3:
0xf7: {  	_ = 	snop;
	(pc) =	sbr.rel @p0 .LBB2_1-.Ltmp3, $3  }
0xf8: {  	[sflag:s12] =	ssyncset.done $0x0  }
0xf9: {  	[sflag:s12] =	ssyncadd.s32 $0xFFFFD800  }
0xfa: {  	[bflag:$0x0] =	sbarrier.arrive $0xFFFF;
	_ =	sdelay $0x1  }
0xfb: {  	_ =	sfence.sel $0x180000  }
0xfc: {  	[bflag:$0x0] =	sbarrier.arrive $0xFFFF  }
0xfd: {  	_ =	strace $0x90000047  }
0xfe: {  	s0 =	stileid.u32;
	[bflag:$0x2] =	sbarrier.arrive $0xFFFF  }
0xff: {  	p0 =	sne.s32 s0, $0x0;
	s0 =	rddreg [dreg:$0x3]  }
0x100: {  	s0 =	sadd.s32 @!p0 $0x100000, s0  }
0x101: {  	[sflag:s0] =	ssyncadd.tile.s32 @!p0 $0x1;
	_ =	shalt  }
.Lfunc_end2:
_tile_overlayer_lowered:
.L_overlay_start_2:
0x102: {  	(tag) =	ssettag $0x2  }
0x103: {  	s0 =	rddreg [dreg:$0x0];
	s2 =	stileid.u32  }
0x104: {  	s1 =	rddreg [dreg:$0x1];
	p0 =	sne.s32 s2, $0x0  }
0x105: {  	s3 =	rddreg [dreg:$0x2];
	[bflag:$0x3] =	sbarrier.arrive $0xFFFF;
	s2 =	simm.s32 @!p0 $0x1C02  }
0x106: {  	[timem:s3], [sflag:s2] =	dma.local @!p0 [hbm:s0], s1  }
0x107: {  	s0 =	simm.s32 @!p0 $0x2  }
0x108: {  	_ =	swait.ge @!p0 [sflag:s0], s1  }
0x109: {  	s1 =	ssub.s32 @!p0 $0x0, s1;
	[sflag:s0] =	ssyncset.done @!p0 $0x0  }
0x10a: {  	[sflag:s0] =	ssyncadd.s32 @!p0 s1  }
0x10b: {  	[bflag:$0x3] =	sbarrier.arrive $0xFFFF  }
0x10c: {  	_ =	shalt  }

// kernel: kernel.28.cloned.1.call-start
scs
__scs_entry_jumppad:
0x0: {  	(pc) =	sbr.rel $0x88, $3  }
0x1: {  	(tag) =	ssettag $0x0;
	lr =	simm.s32 $0x1  }
0x2: {  	[smem:$0x3F99] =	sst lr;
	_ =	strace $0xD0000000  }
0x3: {  	_ = 	snop  }
0x4: {  	_ = 	snop  }
0x5: {  	_ = 	snop  }
0x6: {  	_ = 	snop  }
0x7: {  	_ = 	snop  }
__scs_overlays_trampoline_lowered:
0x8: {  	[smem:$0x3FA8] =	sst s0  }
0x9: {  	[smem:$0x3FA9] =	sst s1  }
0xa: {  	[smem:$0x3FAA] =	sst s2  }
0xb: {  	[smem:$0x3FAB] =	sst s3  }
0xc: {  	[smem:$0x3FAC] =	sst s4  }
0xd: {  	[smem:$0x3FAD] =	sst s5  }
0xe: {  	[smem:$0x3FAE] =	sst s6  }
0xf: {  	[smem:$0x3FAF] =	sst s7  }
0x10: {  	[smem:$0x3FB0] =	sst s8  }
0x11: {  	[smem:$0x3FB1] =	sst s9;
	s0 =	simm.s32 @!p0 $0x0  }
0x12: {  	s1 =	sld [smem:$0x3F97];
	s0 =	simm.s32 @p0 $0x1  }
0x13: {  	[smem:$0x3FB2] =	sst s0;
	s0 =	simm.s32 @!p1 $0x0  }
0x14: {  	s2 =	sld [smem:$0x3F96];
	s0 =	simm.s32 @p1 $0x1  }
0x15: {  	[smem:$0x3FB3] =	sst s0;
	s0 =	simm.s32 @!p2 $0x0  }
0x16: {  	s3 =	sld [smem:$0x3FDB];
	s0 =	simm.s32 @p2 $0x1  }
0x17: {  	s4 =	simm.s32 $0x1BF5;
	[smem:$0x3FB5] =	sst s0  }
0x18: {  	s0 =	sld [smem:$0x3F98];
	_ =	swait.ge [sflag:s4], $0x0  }
0x19: {  	s7 =	sld [smem:$0x3F99]  }
0x1a: {  	s8 =	sadd.s32 $0xFFFFE003, lr  }
0x1b: {  	s9 =	sadd.s32 $0xFFFFFEF7, lr;
	s5 =	simm.s32 $0xFFFFFFFF;
	p2 =	slt.u32 s8, $0xFFFFF086  }
0x1c: {  	p1 =	slt.u32 s9, $0xF7A;
	s5 =	simm.s32 @!p2 $0x0  }
0x1d: {  	s5 =	simm.s32 @p1 $0x1;
	p0 =	seq.s32 s7, s2  }
0x1e: {  	s7 =	smul.u32 @!p0 $0xF7A, s2;
	p2 =	seq.s32 @!p0 s5, $0x0  }
0x1f: {  	s9 =	smul.u32 $0xF7A, s1;
	s8 =	simm.s32 @!p0 $0x1BF5;
	p2 =	por !p2, p0  }
0x20: {  	[sflag:s8] =	ssyncset.s32 @!p0 $0xFFFFF086;
	s6 =	sadd.s32 @!p0 s3, s7;
	s7 =	simm.s32 @!p0 $0x108  }
0x21: {  	s3 =	sadd.s32 s3, s9;
	s6 =	sadd.s32 @!p0 $0x88, s6;
	s7 =	simm.s32 @p2 $0x1082  }
0x22: {  	[simem:s7], [sflag:s8] =	dma.local @!p0 [hbm:s6], $0xF7A  }
0x23: {  	s9 =	sor.u32 $0xD0000000, s2;
	s6 =	simm.s32 $0x108;
	_ =	swait.ge @!p0 [sflag:s8], $0x0  }
0x24: {  	s3 =	sadd.s32 $0x88, s3;
	s6 =	simm.s32 @!p1 $0x1082;
	[sflag:s4] =	ssyncset.s32 $0xFFFFF086  }
0x25: {  	[simem:s6], [sflag:s4] =	dma.local [hbm:s3], $0xF7A  }
0x26: {  	[smem:$0x3F99] =	sst s1;
	(tag) =	ssettag s2;
	_ =	strace s9  }
0x27: {  	s1 =	sld [smem:$0x3FA9]  }
0x28: {  	s2 =	sld [smem:$0x3FAA]  }
0x29: {  	s4 =	sld [smem:$0x3FAC]  }
0x2a: {  	p0 =	seq.s32 s5, $0x0;
	s5 =	sld [smem:$0x3FAD]  }
0x2b: {  	s6 =	sld [smem:$0x3FAE]  }
0x2c: {  	s7 =	sld [smem:$0x3FAF]  }
0x2d: {  	s3 =	simm.s32 $0x108;
	s8 =	sld [smem:$0x3FB0]  }
0x2e: {  	s3 =	simm.s32 @!p0 $0x1082;
	s9 =	sld [smem:$0x3FB1]  }
0x2f: {  	lr =	sadd.s32 s0, s3;
	s0 =	sld [smem:$0x3FA8]  }
0x30: {  	s3 =	sld [smem:$0x3FAB]  }
0x31: {  	[smem:$0x3FB4] =	sst s10  }
0x32: {  	s10 =	sld [smem:$0x3FB2];
	_ =	sdelay $0x3  }
0x33: {  	p0 =	seq.s32 s10, $0x1;
	s10 =	sld [smem:$0x3FB4];
	_ =	sdelay $0x3  }
0x34: {  	[smem:$0x3FB4] =	sst s10  }
0x35: {  	s10 =	sld [smem:$0x3FB3];
	_ =	sdelay $0x3  }
0x36: {  	p1 =	seq.s32 s10, $0x1;
	s10 =	sld [smem:$0x3FB4];
	_ =	sdelay $0x3  }
0x37: {  	[smem:$0x3FB4] =	sst s10  }
0x38: {  	s10 =	sld [smem:$0x3FB5]  }
0x39: {  	_ = 	snop;
	(pc) =	sbr.ind lr, $3  }
0x3a: {  	_ = 	snop  }
0x3b: {  	_ = 	snop  }
0x3c: {  	p2 =	seq.s32 s10, $0x1;
	s10 =	sld [smem:$0x3FB4]  }
0x3d: {  	_ =	shalt  }
0x3e: {  	_ =	shalt  }
0x3f: {  	_ =	shalt  }
0x40: {  	_ =	shalt  }
0x41: {  	_ =	shalt  }
0x42: {  	_ =	shalt  }
0x43: {  	_ =	shalt  }
0x44: {  	_ =	shalt  }
0x45: {  	_ =	shalt  }
0x46: {  	_ =	shalt  }
0x47: {  	_ =	shalt  }
0x48: {  	_ =	shalt  }
0x49: {  	_ =	shalt  }
0x4a: {  	_ =	shalt  }
0x4b: {  	_ =	shalt  }
0x4c: {  	_ =	shalt  }
0x4d: {  	_ =	shalt  }
0x4e: {  	_ =	shalt  }
0x4f: {  	_ =	shalt  }
0x50: {  	_ =	shalt  }
0x51: {  	_ =	shalt  }
0x52: {  	_ =	shalt  }
0x53: {  	_ =	shalt  }
0x54: {  	_ =	shalt  }
0x55: {  	_ =	shalt  }
0x56: {  	_ =	shalt  }
0x57: {  	_ =	shalt  }
0x58: {  	_ =	shalt  }
0x59: {  	_ =	shalt  }
0x5a: {  	_ =	shalt  }
0x5b: {  	_ =	shalt  }
0x5c: {  	_ =	shalt  }
0x5d: {  	_ =	shalt  }
0x5e: {  	_ =	shalt  }
0x5f: {  	_ =	shalt  }
0x60: {  	_ =	shalt  }
0x61: {  	_ =	shalt  }
0x62: {  	_ =	shalt  }
0x63: {  	_ =	shalt  }
0x64: {  	_ =	shalt  }
0x65: {  	_ =	shalt  }
0x66: {  	_ =	shalt  }
0x67: {  	_ =	shalt  }
0x68: {  	_ =	shalt  }
0x69: {  	_ =	shalt  }
0x6a: {  	_ =	shalt  }
0x6b: {  	_ =	shalt  }
0x6c: {  	_ =	shalt  }
0x6d: {  	_ =	shalt  }
0x6e: {  	_ =	shalt  }
0x6f: {  	_ =	shalt  }
0x70: {  	_ =	shalt  }
0x71: {  	_ =	shalt  }
0x72: {  	_ =	shalt  }
0x73: {  	_ =	shalt  }
0x74: {  	_ =	shalt  }
0x75: {  	_ =	shalt  }
0x76: {  	_ =	shalt  }
0x77: {  	_ =	shalt  }
0x78: {  	_ =	shalt  }
0x79: {  	_ =	shalt  }
0x7a: {  	_ =	shalt  }
0x7b: {  	_ =	shalt  }
0x7c: {  	_ =	shalt  }
0x7d: {  	_ =	shalt  }
0x7e: {  	_ =	shalt  }
0x7f: {  	_ =	shalt  }
0x80: {  	_ =	shalt  }
0x81: {  	_ =	shalt  }
0x82: {  	_ =	shalt  }
0x83: {  	_ =	shalt  }
0x84: {  	_ =	shalt  }
0x85: {  	_ =	shalt  }
0x86: {  	_ =	shalt  }
0x87: {  	_ =	shalt  }
.Lfunc_end0:
.L_simem_size_0:
called_computation.1_lowered:
.L_overlay_start_0:
0x88: {  	s2 =	sld [smem:$0x3FD9]  }
0x89: {  	s3 =	sld [smem:$0x3FFE];
	_ =	sdelay $0x1  }
0x8a: {  	s1 =	srdreg.scid  }
0x8b: {  	s0 =	sand.u32 $0x1, s1  }
0x8c: {  	s17 =	sshll.u32 s0, $0xA;
	s2 =	sadd.s32 s3, s2  }
0x8d: {  	s2 =	sadd.s32 s2, s17  }
0x8e: {  	[smem:$0x3FC0] =	sst s2  }
0x8f: {  	_ = 	snop  }
0x90: {  	s2 =	sld [smem:$0x3FD0];
	(tm) =	ssettm $0x1  }
0x91: {  	s18 =	sld [smem:$0x3FFB];
	_ =	sdelay $0x3  }
0x92: {  	_ =	strace s18  }
0x93: {  	s3 =	sld [smem:$0x3FFC];
	_ =	sdelay $0x3  }
0x94: {  	_ =	strace s3  }
0x95: {  	s3 =	sld [smem:$0x3FFD];
	_ =	sdelay $0x3  }
0x96: {  	_ =	strace s3  }
0x97: {  	_ =	strace $0x8FFFFFFF  }
0x98: {  	s19 =	sld [smem:$0x3FDB];
	_ =	sdelay $0x1  }
0x99: {  	s4 =	simm.s32 $_scs_section_size  }
0x9a: {  	s5 =	simm.s32 $_size__tile_overlayer_lowered;
	s6 =	simm.s32 $_tile_overlayer_lowered  }
0x9b: {  	s22 =	simm.s32 $0x1BFF;
	s21 =	sshll.u32 s6, $0x1;
	s3 =	sadd.s32 s4, s19  }
0x9c: {  	s7 =	simm.s32 $0x0;
	s20 =	sshll.u32 s5, $0x1;
	s5 =	sadd.s32 s21, s3  }
0x9d: {  	[timem:s7], [sflag:s22] =	dma.local [hbm:s5], s20  }
0x9e: {  	_ =	swait.ge [sflag:s22], s20  }
0x9f: {  	s4 =	ssub.s32 $0x0, s20;
	[sflag:s22] =	ssyncset.done $0x0  }
0xa0: {  	[sflag:s22] =	ssyncadd.s32 s4;
	_ =	sdelay $0x1  }
0xa1: {  	s23 =	simm.s32 $0x1B8B  }
0xa2: {  	_ =	swait.ge [sflag:s23], $0x1  }
0xa3: {  	[sflag:s23] =	ssyncset.done $0x0  }
0xa4: {  	s25 =	simm.s32 $0x1B8E;
	s24 =	sld [smem:$0x3FFE];
	[sflag:s23] =	ssyncadd.s32 $0xFFFFFFFF  }
0xa5: {  	s26 =	simm.s32 $execute0_lowered;
	[smem:$0x3FD2] =	sst s25  }
0xa6: {  	s5 =	sshll.u32 s26, $0x1;
	_ =	strace $0x80000049;
	[dreg:$0x1] =	wrdreg $0xFFFFFFFF  }
0xa7: {  	s28 =	simm.s32 $_size_execute0_lowered;
	s3 =	sadd.s32 s3, s5;
	[dreg:$0x0] =	wrdreg $0x0  }
0xa8: {  	s5 =	sshll.u32 s28, $0x1;
	[dreg:$0x2] =	wrdreg s3  }
0xa9: {  	[dreg:$0x3] =	wrdreg s5  }
0xaa: {  	[dreg:$0x4] =	wrdreg $0xC0  }
0xab: {  	_ =	task [dreg:s7], $0x5FFFF  }
0xac: {  	[dreg:$0x1] =	wrdreg $0xFFFFFFFF  }
0xad: {  	[dreg:$0x0] =	wrdreg $0x60  }
0xae: {  	[dreg:$0x2] =	wrdreg s24  }
0xaf: {  	[dreg:$0x3] =	wrdreg s2  }
0xb0: {  	[dreg:$0x4] =	wrdreg $0x0  }
0xb1: {  	[dreg:$0x5] =	wrdreg $0x9  }
0xb2: {  	_ =	task.clear_ibuf [dreg:s7], $0x6FFFF;
	_ =	strace $0x90000049  }
0xb3: {  	s29 =	simm.s32 $0x9;
	_ =	strace $0x8000004B  }
0xb4: {  	_ =	swait.ge [sflag:s29], $0x1  }
0xb5: {  	[sflag:s29] =	ssyncadd.s32 $0xFFFFFFFF  }
0xb6: {  	_ =	strace $0x9000004B  }
0xb7: {  	_ =	sfence  }
0xb8: {  	s30 =	sld [smem:$0x0];
	_ =	sdelay $0x2  }
0xb9: {  	s31 =	sshll.u32 s1, $0xD;
	s1 =	sshrl.u32 s1, $0x2  }
0xba: {  	s3 =	sand.u32 $0x4000, s31;
	s1 =	sadd.s32 s1, s30  }
0xbb: {  	s0 =	sor.u32 s3, s0;
	s1 =	sshll.u32 s1, $0x11  }
0xbc: {  	s0 =	sor.u32 s1, s0  }
0xbd: {  	s0 =	sadd.s32 $0x8F2B, s0  }
0xbe: {  	[sflag:s0] =	ssyncadd.remote.s32 $0x1  }
0xbf: {  	_ =	sfence.sel $0xFFFF  }
0xc0: {  	[dreg:$0x0] =	wrdreg $0xFFFFFFFF;
	(pc) =	sbr.abs _section_cstart, $3  }
0xc1: {  	[dreg:$0x1] =	wrdreg $0xFFFFFFFF  }
0xc2: {  	_ =	task.clear_ibuf [dreg:s7], $0x2FFFF;
	_ =	strace $0x9FFFFFFF  }
0xc3: {  	(tm) =	ssettm $0x7FFFFFFF  }
tec
execute0_lowered:
.L_overlay_start_1:
0x0: {  	(tag) =	ssettag $0x1  }
0x1: {  	s5 =	rddreg [dreg:$0x0]  }
0x2: {  	s7 =	rddreg [dreg:$0x1]  }
0x3: {  	s0 =	srdreg.scid;
	s2 =	rddreg [dreg:$0x2]  }
0x4: {  	s3 =	simm.s32 $0x0;
	s14 =	simm.s32 $0x80;
	s15 =	simm.s32 $0x14000  }
0x5: {  	s16 =	simm.s32 $0x1C080;
	s17 =	simm.s32 $0x18000;
	s18 =	simm.s32 $0x1  }
0x6: {  	s19 =	simm.s32 $0x2;
	s6 =	sand.u32 $0x1, s0;
	s0 =	stileid.u32  }
0x7: {  	s20 =	simm.s32 $0x1E700;
	s21 =	simm.s32 $0x1E780;
	s22 =	smul.u32 $0x2800, s0  }
0x8: {  	[smem:$0x7FF] =	sst s3;
	s1 =	sshll.u32 s6, $0x4;
	s9 =	smul.u32 $0x28000, s6  }
0x9: {  	s6 =	ssub.s32 $0x2, s6;
	s11 =	smul.u32 $0x50000, s0;
	s31 =	sshll.u32 s0, $0x6  }
0xa: {  	s4 =	sor.u32 s0, s1;
	s1 =	rddreg [dreg:$0x3];
	_ =	strace $0x8000004A  }
0xb: {  	s29 =	sshrl.u32 s6, $0x1;
	s8 =	smul.u32 $0x280, s4;
	s4 =	sadd.s32 $0x33800, s5  }
0xc: {  	s12 =	sadd.s32 s22, s5;
	s9 =	sadd.s32 s9, s5;
	s30 =	sshrl.u32 s11, $0x2  }
0xd: {  	s13 =	ssub.s32 s6, s29;
	s6 =	sor.u32 $0x1C03, s31;
	s11 =	sadd.s32 s30, s2  }
0xe: {  	s23 =	sadd.s32 $0x83800, s9;
	s9 =	smax.u32 s13, $0x1;
	s13 =	simm.s32 $0x1D400  }
0xf: {  	s10 =	sadd.s32 s8, s5;
	s5 =	sadd.s32 $0xB800, s12;
	s7 =	sadd.s32 s7, s8  }
0x10: {  	s12 =	simm.s32 $0x1C000;
	s22 =	sadd.s32 s22, s23;
	s23 =	simm.s32 $0x0  }
0x11: {  	s8 =	sadd.s32 $0x6800, s10;
	s10 =	sshrl.u32 s11, $0x3;
	s11 =	simm.s32 $0x3  }
.LBB2_1:
0x12: {  	[spmem:s10], [sflag:s6] =	dma.local [hbm:s5], $0x2800  }
0x13: {  	_ =	swait.ge [sflag:s11], $0x2800  }
0x14: {  	[sflag:s11] =	ssyncset.done $0x0  }
0x15: {  	[sflag:s11] =	ssyncadd.s32 $0xFFFFD800  }
0x16: {  	[tilespmem:s12], [sflag:$0x3] =	stream.linear.gather [hbm4b:s7+s3], $0x1400, $0x38;
	[tilespmem:$0x1E800] =	vst v63  }
0x17: {  	_ =	swait.ge [sflag:s11], $0x1400  }
0x18: {  	[sflag:s11] =	ssyncset.done $0x0  }
0x19: {  	[sflag:s11] =	ssyncadd.s32 $0xFFFFEC00  }
0x1a: {  	[tilespmem:s13], [sflag:$0x3] =	stream.linear.gather [hbm4b:s8+s3], $0x1400, $0x38;
	[tilespmem:$0x1E800] =	vst v63  }
0x1b: {  	_ =	swait.ge [sflag:s11], $0x1400  }
0x1c: {  	[sflag:s11] =	ssyncset.done $0x0  }
0x1d: {  	[sflag:s11] =	ssyncadd.s32 $0xFFFFEC00  }
0x1e: {  	[bflag:$0x0] =	sbarrier.arrive $0xFFFF  }
0x1f: {  	[tilespmem:s15], [sflag:$0x1] =	stream.indirect.gather [hbm4b:s4+s14], $0x80, s12, s14, $0xb8;
	[tilespmem:$0x1E800] =	vst v63  }
0x20: {  	_ = 	snop  }
0x21: {  	[tilespmem:s17], [sflag:$0x2] =	stream.indirect.gather [hbm4b:s4+s14], $0x80, s16, s14, $0xb8;
	[tilespmem:$0x1E800] =	vst v63  }
0x22: {  	_ =	swait.ge [sflag:s18], $0x4000  }
0x23: {  	[sflag:s18] =	ssyncset.done $0x0  }
0x24: {  	s24 =	simm.s32 $0x1D400;
	[sflag:s18] =	ssyncadd.s32 $0xFFFFC000  }
0x25: {  	[spmem:s2] =	stream.indirect.scatter.add.f32 [tilespmem:s15], [sflag:$0x3], $0x80, s24, s14, $0xb8;
	[tilespmem:$0x1E800] =	vst v63  }
0x26: {  	_ =	swait.ge [sflag:s11], $0x4000  }
0x27: {  	[sflag:s11] =	ssyncset.done $0x0  }
0x28: {  	s30 =	simm.s32 $0x1C100;
	[sflag:s11] =	ssyncadd.s32 $0xFFFFC000  }
0x29: {  	[tilespmem:s15], [sflag:$0x1] =	stream.indirect.gather [hbm4b:s4+s14], $0x80, s30, s14, $0xb8;
	[tilespmem:$0x1E800] =	vst v63  }
0x2a: {  	_ =	swait.ge [sflag:s19], $0x4000  }
0x2b: {  	[sflag:s19] =	ssyncset.done $0x0  }
0x2c: {  	s31 =	simm.s32 $0x1D480;
	[sflag:s19] =	ssyncadd.s32 $0xFFFFC000  }
0x2d: {  	[spmem:s2] =	stream.indirect.scatter.add.f32 [tilespmem:s17], [sflag:$0x3], $0x80, s31, s14, $0xb8;
	[tilespmem:$0x1E800] =	vst v63  }
0x2e: {  	_ =	swait.ge [sflag:s11], $0x4000  }
0x2f: {  	[sflag:s11] =	ssyncset.done $0x0  }
0x30: {  	s25 =	simm.s32 $0x1C180;
	s24 =	simm.s32 $0x400;
	[sflag:s11] =	ssyncadd.s32 $0xFFFFC000  }
.LBB2_2:
0x31: {  	[tilespmem:s17], [sflag:$0x2] =	stream.indirect.gather [hbm4b:s4+s14], $0x80, s25, s14, $0xb8;
	[tilespmem:$0x1E800] =	vst v63  }
0x32: {  	s25 =	smov.u32 s24  }
0x33: {  	p0 =	sne.s32 s24, $0x4800;
	s24 =	sadd.s32 $0x400, s24;
	_ =	swait.ge [sflag:s18], $0x4000  }
0x34: {  	s25 =	sshra.s32 s25, $0x2;
	[sflag:s18] =	ssyncset.done $0x0  }
0x35: {  	s26 =	sadd.s32 $0x1D400, s25;
	[sflag:s18] =	ssyncadd.s32 $0xFFFFC000  }
0x36: {  	[spmem:s2] =	stream.indirect.scatter.add.f32 [tilespmem:s15], [sflag:$0x3], $0x80, s26, s14, $0xb8;
	[tilespmem:$0x1E800] =	vst v63  }
0x37: {  	_ =	swait.ge [sflag:s11], $0x4000  }
0x38: {  	[sflag:s11] =	ssyncset.done $0x0  }
0x39: {  	s26 =	sadd.s32 $0x1C100, s25;
	[sflag:s11] =	ssyncadd.s32 $0xFFFFC000  }
0x3a: {  	[tilespmem:s15], [sflag:$0x1] =	stream.indirect.gather [hbm4b:s4+s14], $0x80, s26, s14, $0xb8;
	[tilespmem:$0x1E800] =	vst v63  }
0x3b: {  	_ =	swait.ge [sflag:s19], $0x4000  }
0x3c: {  	[sflag:s19] =	ssyncset.done $0x0  }
.Ltmp0:
0x3d: {  	s26 =	sadd.s32 $0x1D480, s25;
	[sflag:s19] =	ssyncadd.s32 $0xFFFFC000;
	(pc) =	sbr.rel @p0 .LBB2_2-.Ltmp0, $4  }
0x3e: {  	[spmem:s2] =	stream.indirect.scatter.add.f32 [tilespmem:s17], [sflag:$0x3], $0x80, s26, s14, $0xb8;
	[tilespmem:$0x1E800] =	vst v63  }
0x3f: {  	_ =	swait.ge [sflag:s11], $0x4000  }
0x40: {  	[sflag:s11] =	ssyncset.done $0x0  }
0x41: {  	s25 =	sadd.s32 $0x1C180, s25;
	[sflag:s11] =	ssyncadd.s32 $0xFFFFC000  }
0x42: {  	[tilespmem:s17], [sflag:$0x2] =	stream.indirect.gather [hbm4b:s4+s14], $0x80, s25, s14, $0xb8;
	[tilespmem:$0x1E800] =	vst v63  }
0x43: {  	_ =	swait.ge [sflag:s18], $0x4000  }
0x44: {  	[sflag:s18] =	ssyncset.done $0x0  }
0x45: {  	[sflag:s18] =	ssyncadd.s32 $0xFFFFC000  }
0x46: {  	[spmem:s2] =	stream.indirect.scatter.add.f32 [tilespmem:s15], [sflag:$0x3], $0x80, s20, s14, $0xb8;
	[tilespmem:$0x1E800] =	vst v63  }
0x47: {  	_ =	swait.ge [sflag:s11], $0x4000  }
0x48: {  	[sflag:s11] =	ssyncset.done $0x0  }
0x49: {  	[sflag:s11] =	ssyncadd.s32 $0xFFFFC000  }
0x4a: {  	_ =	swait.ge [sflag:s19], $0x4000  }
0x4b: {  	[sflag:s19] =	ssyncset.done $0x0  }
0x4c: {  	[sflag:s19] =	ssyncadd.s32 $0xFFFFC000  }
0x4d: {  	[spmem:s2] =	stream.indirect.scatter.add.f32 [tilespmem:s17], [sflag:$0x3], $0x80, s21, s14, $0xb8;
	[tilespmem:$0x1E800] =	vst v63  }
0x4e: {  	_ =	swait.ge [sflag:s11], $0x4000  }
0x4f: {  	s23 =	sadd.s32 $0x1, s23;
	[sflag:s11] =	ssyncset.done $0x0  }
0x50: {  	p0 =	sne.s32 s23, s9;
	[sflag:s11] =	ssyncadd.s32 $0xFFFFC000  }
.Ltmp1:
0x51: {  	[bflag:$0x0] =	sbarrier.arrive $0xFFFF;
	(pc) =	sbr.rel @p0 .LBB2_1-.Ltmp1, $4  }
0x52: {  	[hbm:s22], [sflag:s6] =	dma.local [spmem:s10], $0x2800  }
0x53: {  	_ =	swait.ge [sflag:s11], $0x2800  }
0x54: {  	[sflag:s11] =	ssyncset.done $0x0  }
0x55: {  	[sflag:s11] =	ssyncadd.s32 $0xFFFFD800  }
0x56: {  	_ =	sfence.sel $0x180000  }
0x57: {  	[bflag:$0x0] =	sbarrier.arrive $0xFFFF  }
0x58: {  	p0 =	sne.s32 s0, $0x0;
	_ =	strace $0x9000004A  }
0x59: {  	s0 =	sadd.s32 @!p0 $0x100000, s1;
	[bflag:$0x2] =	sbarrier.arrive $0xFFFF  }
0x5a: {  	[sflag:s0] =	ssyncadd.tile.s32 @!p0 $0x1;
	_ =	shalt  }
.Lfunc_end2:
_tile_overlayer_lowered:
.L_overlay_start_2:
0x5b: {  	(tag) =	ssettag $0x2  }
0x5c: {  	s0 =	rddreg [dreg:$0x0];
	s2 =	stileid.u32  }
0x5d: {  	s1 =	rddreg [dreg:$0x1];
	p0 =	sne.s32 s2, $0x0  }
0x5e: {  	s3 =	rddreg [dreg:$0x2];
	[bflag:$0x3] =	sbarrier.arrive $0xFFFF;
	s2 =	simm.s32 @!p0 $0x1C03  }
0x5f: {  	[timem:s3], [sflag:s2] =	dma.local @!p0 [hbm:s0], s1  }
0x60: {  	s0 =	simm.s32 @!p0 $0x3  }
0x61: {  	_ =	swait.ge @!p0 [sflag:s0], s1  }
0x62: {  	s1 =	ssub.s32 @!p0 $0x0, s1;
	[sflag:s0] =	ssyncset.done @!p0 $0x0  }
0x63: {  	[sflag:s0] =	ssyncadd.s32 @!p0 s1  }
0x64: {  	[bflag:$0x3] =	sbarrier.arrive $0xFFFF  }
0x65: {  	_ =	shalt  }

// kernel: kernel.31.cloned.1.call-start
scs
__scs_entry_jumppad:
0x0: {  	(pc) =	sbr.rel $0x88, $3  }
0x1: {  	(tag) =	ssettag $0x0;
	lr =	simm.s32 $0x1  }
0x2: {  	[smem:$0x3F99] =	sst lr;
	_ =	strace $0xD0000000  }
0x3: {  	_ = 	snop  }
0x4: {  	_ = 	snop  }
0x5: {  	_ = 	snop  }
0x6: {  	_ = 	snop  }
0x7: {  	_ = 	snop  }
__scs_overlays_trampoline_lowered:
0x8: {  	[smem:$0x3FA8] =	sst s0  }
0x9: {  	[smem:$0x3FA9] =	sst s1  }
0xa: {  	[smem:$0x3FAA] =	sst s2  }
0xb: {  	[smem:$0x3FAB] =	sst s3  }
0xc: {  	[smem:$0x3FAC] =	sst s4  }
0xd: {  	[smem:$0x3FAD] =	sst s5  }
0xe: {  	[smem:$0x3FAE] =	sst s6  }
0xf: {  	[smem:$0x3FAF] =	sst s7  }
0x10: {  	[smem:$0x3FB0] =	sst s8  }
0x11: {  	[smem:$0x3FB1] =	sst s9;
	s0 =	simm.s32 @!p0 $0x0  }
0x12: {  	s1 =	sld [smem:$0x3F97];
	s0 =	simm.s32 @p0 $0x1  }
0x13: {  	[smem:$0x3FB2] =	sst s0;
	s0 =	simm.s32 @!p1 $0x0  }
0x14: {  	s2 =	sld [smem:$0x3F96];
	s0 =	simm.s32 @p1 $0x1  }
0x15: {  	[smem:$0x3FB3] =	sst s0;
	s0 =	simm.s32 @!p2 $0x0  }
0x16: {  	s3 =	sld [smem:$0x3FDB];
	s0 =	simm.s32 @p2 $0x1  }
0x17: {  	s4 =	simm.s32 $0x1BF5;
	[smem:$0x3FB5] =	sst s0  }
0x18: {  	s0 =	sld [smem:$0x3F98];
	_ =	swait.ge [sflag:s4], $0x0  }
0x19: {  	s7 =	sld [smem:$0x3F99]  }
0x1a: {  	s8 =	sadd.s32 $0xFFFFE003, lr  }
0x1b: {  	s9 =	sadd.s32 $0xFFFFFEF7, lr;
	s5 =	simm.s32 $0xFFFFFFFF;
	p2 =	slt.u32 s8, $0xFFFFF086  }
0x1c: {  	p1 =	slt.u32 s9, $0xF7A;
	s5 =	simm.s32 @!p2 $0x0  }
0x1d: {  	s5 =	simm.s32 @p1 $0x1;
	p0 =	seq.s32 s7, s2  }
0x1e: {  	s7 =	smul.u32 @!p0 $0xF7A, s2;
	p2 =	seq.s32 @!p0 s5, $0x0  }
0x1f: {  	s9 =	smul.u32 $0xF7A, s1;
	s8 =	simm.s32 @!p0 $0x1BF5;
	p2 =	por !p2, p0  }
0x20: {  	[sflag:s8] =	ssyncset.s32 @!p0 $0xFFFFF086;
	s6 =	sadd.s32 @!p0 s3, s7;
	s7 =	simm.s32 @!p0 $0x108  }
0x21: {  	s3 =	sadd.s32 s3, s9;
	s6 =	sadd.s32 @!p0 $0x88, s6;
	s7 =	simm.s32 @p2 $0x1082  }
0x22: {  	[simem:s7], [sflag:s8] =	dma.local @!p0 [hbm:s6], $0xF7A  }
0x23: {  	s9 =	sor.u32 $0xD0000000, s2;
	s6 =	simm.s32 $0x108;
	_ =	swait.ge @!p0 [sflag:s8], $0x0  }
0x24: {  	s3 =	sadd.s32 $0x88, s3;
	s6 =	simm.s32 @!p1 $0x1082;
	[sflag:s4] =	ssyncset.s32 $0xFFFFF086  }
0x25: {  	[simem:s6], [sflag:s4] =	dma.local [hbm:s3], $0xF7A  }
0x26: {  	[smem:$0x3F99] =	sst s1;
	(tag) =	ssettag s2;
	_ =	strace s9  }
0x27: {  	s1 =	sld [smem:$0x3FA9]  }
0x28: {  	s2 =	sld [smem:$0x3FAA]  }
0x29: {  	s4 =	sld [smem:$0x3FAC]  }
0x2a: {  	p0 =	seq.s32 s5, $0x0;
	s5 =	sld [smem:$0x3FAD]  }
0x2b: {  	s6 =	sld [smem:$0x3FAE]  }
0x2c: {  	s7 =	sld [smem:$0x3FAF]  }
0x2d: {  	s3 =	simm.s32 $0x108;
	s8 =	sld [smem:$0x3FB0]  }
0x2e: {  	s3 =	simm.s32 @!p0 $0x1082;
	s9 =	sld [smem:$0x3FB1]  }
0x2f: {  	lr =	sadd.s32 s0, s3;
	s0 =	sld [smem:$0x3FA8]  }
0x30: {  	s3 =	sld [smem:$0x3FAB]  }
0x31: {  	[smem:$0x3FB4] =	sst s10  }
0x32: {  	s10 =	sld [smem:$0x3FB2];
	_ =	sdelay $0x3  }
0x33: {  	p0 =	seq.s32 s10, $0x1;
	s10 =	sld [smem:$0x3FB4];
	_ =	sdelay $0x3  }
0x34: {  	[smem:$0x3FB4] =	sst s10  }
0x35: {  	s10 =	sld [smem:$0x3FB3];
	_ =	sdelay $0x3  }
0x36: {  	p1 =	seq.s32 s10, $0x1;
	s10 =	sld [smem:$0x3FB4];
	_ =	sdelay $0x3  }
0x37: {  	[smem:$0x3FB4] =	sst s10  }
0x38: {  	s10 =	sld [smem:$0x3FB5]  }
0x39: {  	_ = 	snop;
	(pc) =	sbr.ind lr, $3  }
0x3a: {  	_ = 	snop  }
0x3b: {  	_ = 	snop  }
0x3c: {  	p2 =	seq.s32 s10, $0x1;
	s10 =	sld [smem:$0x3FB4]  }
0x3d: {  	_ =	shalt  }
0x3e: {  	_ =	shalt  }
0x3f: {  	_ =	shalt  }
0x40: {  	_ =	shalt  }
0x41: {  	_ =	shalt  }
0x42: {  	_ =	shalt  }
0x43: {  	_ =	shalt  }
0x44: {  	_ =	shalt  }
0x45: {  	_ =	shalt  }
0x46: {  	_ =	shalt  }
0x47: {  	_ =	shalt  }
0x48: {  	_ =	shalt  }
0x49: {  	_ =	shalt  }
0x4a: {  	_ =	shalt  }
0x4b: {  	_ =	shalt  }
0x4c: {  	_ =	shalt  }
0x4d: {  	_ =	shalt  }
0x4e: {  	_ =	shalt  }
0x4f: {  	_ =	shalt  }
0x50: {  	_ =	shalt  }
0x51: {  	_ =	shalt  }
0x52: {  	_ =	shalt  }
0x53: {  	_ =	shalt  }
0x54: {  	_ =	shalt  }
0x55: {  	_ =	shalt  }
0x56: {  	_ =	shalt  }
0x57: {  	_ =	shalt  }
0x58: {  	_ =	shalt  }
0x59: {  	_ =	shalt  }
0x5a: {  	_ =	shalt  }
0x5b: {  	_ =	shalt  }
0x5c: {  	_ =	shalt  }
0x5d: {  	_ =	shalt  }
0x5e: {  	_ =	shalt  }
0x5f: {  	_ =	shalt  }
0x60: {  	_ =	shalt  }
0x61: {  	_ =	shalt  }
0x62: {  	_ =	shalt  }
0x63: {  	_ =	shalt  }
0x64: {  	_ =	shalt  }
0x65: {  	_ =	shalt  }
0x66: {  	_ =	shalt  }
0x67: {  	_ =	shalt  }
0x68: {  	_ =	shalt  }
0x69: {  	_ =	shalt  }
0x6a: {  	_ =	shalt  }
0x6b: {  	_ =	shalt  }
0x6c: {  	_ =	shalt  }
0x6d: {  	_ =	shalt  }
0x6e: {  	_ =	shalt  }
0x6f: {  	_ =	shalt  }
0x70: {  	_ =	shalt  }
0x71: {  	_ =	shalt  }
0x72: {  	_ =	shalt  }
0x73: {  	_ =	shalt  }
0x74: {  	_ =	shalt  }
0x75: {  	_ =	shalt  }
0x76: {  	_ =	shalt  }
0x77: {  	_ =	shalt  }
0x78: {  	_ =	shalt  }
0x79: {  	_ =	shalt  }
0x7a: {  	_ =	shalt  }
0x7b: {  	_ =	shalt  }
0x7c: {  	_ =	shalt  }
0x7d: {  	_ =	shalt  }
0x7e: {  	_ =	shalt  }
0x7f: {  	_ =	shalt  }
0x80: {  	_ =	shalt  }
0x81: {  	_ =	shalt  }
0x82: {  	_ =	shalt  }
0x83: {  	_ =	shalt  }
0x84: {  	_ =	shalt  }
0x85: {  	_ =	shalt  }
0x86: {  	_ =	shalt  }
0x87: {  	_ =	shalt  }
.Lfunc_end0:
.L_simem_size_0:
called_computation.2_lowered:
.L_overlay_start_0:
0x88: {  	s2 =	sld [smem:$0x3FD9]  }
0x89: {  	s3 =	sld [smem:$0x3FFE];
	_ =	sdelay $0x1  }
0x8a: {  	s1 =	srdreg.scid  }
0x8b: {  	s0 =	sand.u32 $0x1, s1  }
0x8c: {  	s17 =	sshll.u32 s0, $0xA;
	s2 =	sadd.s32 s3, s2  }
0x8d: {  	s2 =	sadd.s32 s2, s17  }
0x8e: {  	[smem:$0x3FC0] =	sst s2  }
0x8f: {  	_ = 	snop  }
0x90: {  	s2 =	sld [smem:$0x3FD0];
	(tm) =	ssettm $0x1  }
0x91: {  	s18 =	sld [smem:$0x3FFB];
	_ =	sdelay $0x3  }
0x92: {  	_ =	strace s18  }
0x93: {  	s3 =	sld [smem:$0x3FFC];
	_ =	sdelay $0x3  }
0x94: {  	_ =	strace s3  }
0x95: {  	s3 =	sld [smem:$0x3FFD];
	_ =	sdelay $0x3  }
0x96: {  	_ =	strace s3  }
0x97: {  	_ =	strace $0x8FFFFFFF  }
0x98: {  	s19 =	sld [smem:$0x3FDB];
	_ =	sdelay $0x1  }
0x99: {  	s4 =	simm.s32 $_scs_section_size  }
0x9a: {  	s5 =	simm.s32 $_size__tile_overlayer_lowered;
	s6 =	simm.s32 $_tile_overlayer_lowered  }
0x9b: {  	s22 =	simm.s32 $0x1BFF;
	s21 =	sshll.u32 s6, $0x1;
	s3 =	sadd.s32 s4, s19  }
0x9c: {  	s7 =	simm.s32 $0x0;
	s20 =	sshll.u32 s5, $0x1;
	s5 =	sadd.s32 s21, s3  }
0x9d: {  	[timem:s7], [sflag:s22] =	dma.local [hbm:s5], s20  }
0x9e: {  	_ =	swait.ge [sflag:s22], s20  }
0x9f: {  	s4 =	ssub.s32 $0x0, s20;
	[sflag:s22] =	ssyncset.done $0x0  }
0xa0: {  	[sflag:s22] =	ssyncadd.s32 s4;
	_ =	sdelay $0x1  }
0xa1: {  	s23 =	simm.s32 $0x1B8B  }
0xa2: {  	_ =	swait.ge [sflag:s23], $0x1  }
0xa3: {  	[sflag:s23] =	ssyncset.done $0x0  }
0xa4: {  	s25 =	simm.s32 $0x1B8E;
	s24 =	sld [smem:$0x3FFE];
	[sflag:s23] =	ssyncadd.s32 $0xFFFFFFFF  }
0xa5: {  	s26 =	simm.s32 $execute0_lowered;
	[smem:$0x3FD2] =	sst s25  }
0xa6: {  	s5 =	sshll.u32 s26, $0x1;
	_ =	strace $0x8000004C;
	[dreg:$0x1] =	wrdreg $0xFFFFFFFF  }
0xa7: {  	s28 =	simm.s32 $_size_execute0_lowered;
	s3 =	sadd.s32 s3, s5;
	[dreg:$0x0] =	wrdreg $0x0  }
0xa8: {  	s5 =	sshll.u32 s28, $0x1;
	[dreg:$0x2] =	wrdreg s3  }
0xa9: {  	[dreg:$0x3] =	wrdreg s5  }
0xaa: {  	[dreg:$0x4] =	wrdreg $0xC0  }
0xab: {  	_ =	task [dreg:s7], $0x5FFFF  }
0xac: {  	[dreg:$0x1] =	wrdreg $0xFFFFFFFF  }
0xad: {  	[dreg:$0x0] =	wrdreg $0x60  }
0xae: {  	[dreg:$0x2] =	wrdreg s24  }
0xaf: {  	[dreg:$0x3] =	wrdreg s2  }
0xb0: {  	[dreg:$0x4] =	wrdreg $0x0  }
0xb1: {  	[dreg:$0x5] =	wrdreg $0x9  }
0xb2: {  	_ =	task.clear_ibuf [dreg:s7], $0x6FFFF;
	_ =	strace $0x9000004C  }
0xb3: {  	s29 =	simm.s32 $0x9;
	_ =	strace $0x8000004E  }
0xb4: {  	_ =	swait.ge [sflag:s29], $0x1  }
0xb5: {  	[sflag:s29] =	ssyncadd.s32 $0xFFFFFFFF  }
0xb6: {  	_ =	strace $0x9000004E  }
0xb7: {  	_ =	sfence  }
0xb8: {  	s30 =	sld [smem:$0x0];
	_ =	sdelay $0x2  }
0xb9: {  	s31 =	sshll.u32 s1, $0xD;
	s1 =	sshrl.u32 s1, $0x2  }
0xba: {  	s3 =	sand.u32 $0x4000, s31;
	s1 =	sadd.s32 s1, s30  }
0xbb: {  	s0 =	sor.u32 s3, s0;
	s1 =	sshll.u32 s1, $0x11  }
0xbc: {  	s0 =	sor.u32 s1, s0  }
0xbd: {  	s0 =	sadd.s32 $0x8F2B, s0  }
0xbe: {  	[sflag:s0] =	ssyncadd.remote.s32 $0x1  }
0xbf: {  	_ =	sfence.sel $0xFFFF  }
0xc0: {  	[dreg:$0x0] =	wrdreg $0xFFFFFFFF;
	(pc) =	sbr.abs _section_cstart, $3  }
0xc1: {  	[dreg:$0x1] =	wrdreg $0xFFFFFFFF  }
0xc2: {  	_ =	task.clear_ibuf [dreg:s7], $0x2FFFF;
	_ =	strace $0x9FFFFFFF  }
0xc3: {  	(tm) =	ssettm $0x7FFFFFFF  }
tec
execute0_lowered:
.L_overlay_start_1:
0x0: {  	(tag) =	ssettag $0x1  }
0x1: {  	s5 =	rddreg [dreg:$0x0]  }
0x2: {  	s7 =	rddreg [dreg:$0x1]  }
0x3: {  	s0 =	srdreg.scid;
	s2 =	rddreg [dreg:$0x2]  }
0x4: {  	s3 =	simm.s32 $0x0;
	s14 =	simm.s32 $0x80;
	s15 =	simm.s32 $0x14000  }
0x5: {  	s16 =	simm.s32 $0x1C080;
	s17 =	simm.s32 $0x18000;
	s18 =	simm.s32 $0x1  }
0x6: {  	s19 =	simm.s32 $0x2;
	s6 =	sand.u32 $0x1, s0;
	s0 =	stileid.u32  }
0x7: {  	s20 =	simm.s32 $0x1E700;
	s21 =	simm.s32 $0x1E780;
	s22 =	smul.u32 $0x2800, s0  }
0x8: {  	[smem:$0x7FF] =	sst s3;
	s1 =	sshll.u32 s6, $0x4;
	s9 =	smul.u32 $0x28000, s6  }
0x9: {  	s6 =	ssub.s32 $0x2, s6;
	s11 =	smul.u32 $0x50000, s0;
	s31 =	sshll.u32 s0, $0x6  }
0xa: {  	s4 =	sor.u32 s0, s1;
	s1 =	rddreg [dreg:$0x3];
	_ =	strace $0x8000004D  }
0xb: {  	s29 =	sshrl.u32 s6, $0x1;
	s8 =	smul.u32 $0x280, s4;
	s4 =	sadd.s32 $0x33800, s5  }
0xc: {  	s12 =	sadd.s32 s22, s5;
	s9 =	sadd.s32 s9, s5;
	s30 =	sshrl.u32 s11, $0x2  }
0xd: {  	s13 =	ssub.s32 s6, s29;
	s6 =	sor.u32 $0x1C03, s31;
	s11 =	sadd.s32 s30, s2  }
0xe: {  	s23 =	sadd.s32 $0x83800, s9;
	s9 =	smax.u32 s13, $0x1;
	s13 =	simm.s32 $0x1D400  }
0xf: {  	s10 =	sadd.s32 s8, s5;
	s5 =	sadd.s32 $0xB800, s12;
	s7 =	sadd.s32 s7, s8  }
0x10: {  	s12 =	simm.s32 $0x1C000;
	s22 =	sadd.s32 s22, s23;
	s23 =	simm.s32 $0x0  }
0x11: {  	s8 =	sadd.s32 $0x6800, s10;
	s10 =	sshrl.u32 s11, $0x3;
	s11 =	simm.s32 $0x3  }
.LBB2_1:
0x12: {  	[spmem:s10], [sflag:s6] =	dma.local [hbm:s5], $0x2800  }
0x13: {  	_ =	swait.ge [sflag:s11], $0x2800  }
0x14: {  	[sflag:s11] =	ssyncset.done $0x0  }
0x15: {  	[sflag:s11] =	ssyncadd.s32 $0xFFFFD800  }
0x16: {  	[tilespmem:s12], [sflag:$0x3] =	stream.linear.gather [hbm4b:s7+s3], $0x1400, $0x38;
	[tilespmem:$0x1E800] =	vst v63  }
0x17: {  	_ =	swait.ge [sflag:s11], $0x1400  }
0x18: {  	[sflag:s11] =	ssyncset.done $0x0  }
0x19: {  	[sflag:s11] =	ssyncadd.s32 $0xFFFFEC00  }
0x1a: {  	[tilespmem:s13], [sflag:$0x3] =	stream.linear.gather [hbm4b:s8+s3], $0x1400, $0x38;
	[tilespmem:$0x1E800] =	vst v63  }
0x1b: {  	_ =	swait.ge [sflag:s11], $0x1400  }
0x1c: {  	[sflag:s11] =	ssyncset.done $0x0  }
0x1d: {  	[sflag:s11] =	ssyncadd.s32 $0xFFFFEC00  }
0x1e: {  	[bflag:$0x0] =	sbarrier.arrive $0xFFFF  }
0x1f: {  	[tilespmem:s15], [sflag:$0x1] =	stream.indirect.gather [hbm4b:s4+s14], $0x80, s12, s14, $0xb8;
	[tilespmem:$0x1E800] =	vst v63  }
0x20: {  	_ = 	snop  }
0x21: {  	[tilespmem:s17], [sflag:$0x2] =	stream.indirect.gather [hbm4b:s4+s14], $0x80, s16, s14, $0xb8;
	[tilespmem:$0x1E800] =	vst v63  }
0x22: {  	_ =	swait.ge [sflag:s18], $0x4000  }
0x23: {  	[sflag:s18] =	ssyncset.done $0x0  }
0x24: {  	s24 =	simm.s32 $0x1D400;
	[sflag:s18] =	ssyncadd.s32 $0xFFFFC000  }
0x25: {  	[spmem:s2] =	stream.indirect.scatter.add.f32 [tilespmem:s15], [sflag:$0x3], $0x80, s24, s14, $0xb8;
	[tilespmem:$0x1E800] =	vst v63  }
0x26: {  	_ =	swait.ge [sflag:s11], $0x4000  }
0x27: {  	[sflag:s11] =	ssyncset.done $0x0  }
0x28: {  	s30 =	simm.s32 $0x1C100;
	[sflag:s11] =	ssyncadd.s32 $0xFFFFC000  }
0x29: {  	[tilespmem:s15], [sflag:$0x1] =	stream.indirect.gather [hbm4b:s4+s14], $0x80, s30, s14, $0xb8;
	[tilespmem:$0x1E800] =	vst v63  }
0x2a: {  	_ =	swait.ge [sflag:s19], $0x4000  }
0x2b: {  	[sflag:s19] =	ssyncset.done $0x0  }
0x2c: {  	s31 =	simm.s32 $0x1D480;
	[sflag:s19] =	ssyncadd.s32 $0xFFFFC000  }
0x2d: {  	[spmem:s2] =	stream.indirect.scatter.add.f32 [tilespmem:s17], [sflag:$0x3], $0x80, s31, s14, $0xb8;
	[tilespmem:$0x1E800] =	vst v63  }
0x2e: {  	_ =	swait.ge [sflag:s11], $0x4000  }
0x2f: {  	[sflag:s11] =	ssyncset.done $0x0  }
0x30: {  	s25 =	simm.s32 $0x1C180;
	s24 =	simm.s32 $0x400;
	[sflag:s11] =	ssyncadd.s32 $0xFFFFC000  }
.LBB2_2:
0x31: {  	[tilespmem:s17], [sflag:$0x2] =	stream.indirect.gather [hbm4b:s4+s14], $0x80, s25, s14, $0xb8;
	[tilespmem:$0x1E800] =	vst v63  }
0x32: {  	s25 =	smov.u32 s24  }
0x33: {  	p0 =	sne.s32 s24, $0x4800;
	s24 =	sadd.s32 $0x400, s24;
	_ =	swait.ge [sflag:s18], $0x4000  }
0x34: {  	s25 =	sshra.s32 s25, $0x2;
	[sflag:s18] =	ssyncset.done $0x0  }
0x35: {  	s26 =	sadd.s32 $0x1D400, s25;
	[sflag:s18] =	ssyncadd.s32 $0xFFFFC000  }
0x36: {  	[spmem:s2] =	stream.indirect.scatter.add.f32 [tilespmem:s15], [sflag:$0x3], $0x80, s26, s14, $0xb8;
	[tilespmem:$0x1E800] =	vst v63  }
0x37: {  	_ =	swait.ge [sflag:s11], $0x4000  }
0x38: {  	[sflag:s11] =	ssyncset.done $0x0  }
0x39: {  	s26 =	sadd.s32 $0x1C100, s25;
	[sflag:s11] =	ssyncadd.s32 $0xFFFFC000  }
0x3a: {  	[tilespmem:s15], [sflag:$0x1] =	stream.indirect.gather [hbm4b:s4+s14], $0x80, s26, s14, $0xb8;
	[tilespmem:$0x1E800] =	vst v63  }
0x3b: {  	_ =	swait.ge [sflag:s19], $0x4000  }
0x3c: {  	[sflag:s19] =	ssyncset.done $0x0  }
.Ltmp0:
0x3d: {  	s26 =	sadd.s32 $0x1D480, s25;
	[sflag:s19] =	ssyncadd.s32 $0xFFFFC000;
	(pc) =	sbr.rel @p0 .LBB2_2-.Ltmp0, $4  }
0x3e: {  	[spmem:s2] =	stream.indirect.scatter.add.f32 [tilespmem:s17], [sflag:$0x3], $0x80, s26, s14, $0xb8;
	[tilespmem:$0x1E800] =	vst v63  }
0x3f: {  	_ =	swait.ge [sflag:s11], $0x4000  }
0x40: {  	[sflag:s11] =	ssyncset.done $0x0  }
0x41: {  	s25 =	sadd.s32 $0x1C180, s25;
	[sflag:s11] =	ssyncadd.s32 $0xFFFFC000  }
0x42: {  	[tilespmem:s17], [sflag:$0x2] =	stream.indirect.gather [hbm4b:s4+s14], $0x80, s25, s14, $0xb8;
	[tilespmem:$0x1E800] =	vst v63  }
0x43: {  	_ =	swait.ge [sflag:s18], $0x4000  }
0x44: {  	[sflag:s18] =	ssyncset.done $0x0  }
0x45: {  	[sflag:s18] =	ssyncadd.s32 $0xFFFFC000  }
0x46: {  	[spmem:s2] =	stream.indirect.scatter.add.f32 [tilespmem:s15], [sflag:$0x3], $0x80, s20, s14, $0xb8;
	[tilespmem:$0x1E800] =	vst v63  }
0x47: {  	_ =	swait.ge [sflag:s11], $0x4000  }
0x48: {  	[sflag:s11] =	ssyncset.done $0x0  }
0x49: {  	[sflag:s11] =	ssyncadd.s32 $0xFFFFC000  }
0x4a: {  	_ =	swait.ge [sflag:s19], $0x4000  }
0x4b: {  	[sflag:s19] =	ssyncset.done $0x0  }
0x4c: {  	[sflag:s19] =	ssyncadd.s32 $0xFFFFC000  }
0x4d: {  	[spmem:s2] =	stream.indirect.scatter.add.f32 [tilespmem:s17], [sflag:$0x3], $0x80, s21, s14, $0xb8;
	[tilespmem:$0x1E800] =	vst v63  }
0x4e: {  	_ =	swait.ge [sflag:s11], $0x4000  }
0x4f: {  	s23 =	sadd.s32 $0x1, s23;
	[sflag:s11] =	ssyncset.done $0x0  }
0x50: {  	p0 =	sne.s32 s23, s9;
	[sflag:s11] =	ssyncadd.s32 $0xFFFFC000  }
.Ltmp1:
0x51: {  	[bflag:$0x0] =	sbarrier.arrive $0xFFFF;
	(pc) =	sbr.rel @p0 .LBB2_1-.Ltmp1, $4  }
0x52: {  	[hbm:s22], [sflag:s6] =	dma.local [spmem:s10], $0x2800  }
0x53: {  	_ =	swait.ge [sflag:s11], $0x2800  }
0x54: {  	[sflag:s11] =	ssyncset.done $0x0  }
0x55: {  	[sflag:s11] =	ssyncadd.s32 $0xFFFFD800  }
0x56: {  	_ =	sfence.sel $0x180000  }
0x57: {  	[bflag:$0x0] =	sbarrier.arrive $0xFFFF  }
0x58: {  	p0 =	sne.s32 s0, $0x0;
	_ =	strace $0x9000004D  }
0x59: {  	s0 =	sadd.s32 @!p0 $0x100000, s1;
	[bflag:$0x2] =	sbarrier.arrive $0xFFFF  }
0x5a: {  	[sflag:s0] =	ssyncadd.tile.s32 @!p0 $0x1;
	_ =	shalt  }
.Lfunc_end2:
_tile_overlayer_lowered:
.L_overlay_start_2:
0x5b: {  	(tag) =	ssettag $0x2  }
0x5c: {  	s0 =	rddreg [dreg:$0x0];
	s2 =	stileid.u32  }
0x5d: {  	s1 =	rddreg [dreg:$0x1];
	p0 =	sne.s32 s2, $0x0  }
0x5e: {  	s3 =	rddreg [dreg:$0x2];
	[bflag:$0x3] =	sbarrier.arrive $0xFFFF;
	s2 =	simm.s32 @!p0 $0x1C03  }
0x5f: {  	[timem:s3], [sflag:s2] =	dma.local @!p0 [hbm:s0], s1  }
0x60: {  	s0 =	simm.s32 @!p0 $0x3  }
0x61: {  	_ =	swait.ge @!p0 [sflag:s0], s1  }
0x62: {  	s1 =	ssub.s32 @!p0 $0x0, s1;
	[sflag:s0] =	ssyncset.done @!p0 $0x0  }
0x63: {  	[sflag:s0] =	ssyncadd.s32 @!p0 s1  }
0x64: {  	[bflag:$0x3] =	sbarrier.arrive $0xFFFF  }
0x65: {  	_ =	shalt  }

// kernel: kernel.34.cloned.1.call-start
scs
__scs_entry_jumppad:
0x0: {  	(pc) =	sbr.rel $0x88, $3  }
0x1: {  	(tag) =	ssettag $0x0;
	lr =	simm.s32 $0x1  }
0x2: {  	[smem:$0x3F99] =	sst lr;
	_ =	strace $0xD0000000  }
0x3: {  	_ = 	snop  }
0x4: {  	_ = 	snop  }
0x5: {  	_ = 	snop  }
0x6: {  	_ = 	snop  }
0x7: {  	_ = 	snop  }
__scs_overlays_trampoline_lowered:
0x8: {  	[smem:$0x3FA8] =	sst s0  }
0x9: {  	[smem:$0x3FA9] =	sst s1  }
0xa: {  	[smem:$0x3FAA] =	sst s2  }
0xb: {  	[smem:$0x3FAB] =	sst s3  }
0xc: {  	[smem:$0x3FAC] =	sst s4  }
0xd: {  	[smem:$0x3FAD] =	sst s5  }
0xe: {  	[smem:$0x3FAE] =	sst s6  }
0xf: {  	[smem:$0x3FAF] =	sst s7  }
0x10: {  	[smem:$0x3FB0] =	sst s8  }
0x11: {  	[smem:$0x3FB1] =	sst s9;
	s0 =	simm.s32 @!p0 $0x0  }
0x12: {  	s1 =	sld [smem:$0x3F97];
	s0 =	simm.s32 @p0 $0x1  }
0x13: {  	[smem:$0x3FB2] =	sst s0;
	s0 =	simm.s32 @!p1 $0x0  }
0x14: {  	s2 =	sld [smem:$0x3F96];
	s0 =	simm.s32 @p1 $0x1  }
0x15: {  	[smem:$0x3FB3] =	sst s0;
	s0 =	simm.s32 @!p2 $0x0  }
0x16: {  	s3 =	sld [smem:$0x3FDB];
	s0 =	simm.s32 @p2 $0x1  }
0x17: {  	s4 =	simm.s32 $0x1BF5;
	[smem:$0x3FB5] =	sst s0  }
0x18: {  	s0 =	sld [smem:$0x3F98];
	_ =	swait.ge [sflag:s4], $0x0  }
0x19: {  	s7 =	sld [smem:$0x3F99]  }
0x1a: {  	s8 =	sadd.s32 $0xFFFFE003, lr  }
0x1b: {  	s9 =	sadd.s32 $0xFFFFFEF7, lr;
	s5 =	simm.s32 $0xFFFFFFFF;
	p2 =	slt.u32 s8, $0xFFFFF086  }
0x1c: {  	p1 =	slt.u32 s9, $0xF7A;
	s5 =	simm.s32 @!p2 $0x0  }
0x1d: {  	s5 =	simm.s32 @p1 $0x1;
	p0 =	seq.s32 s7, s2  }
0x1e: {  	s7 =	smul.u32 @!p0 $0xF7A, s2;
	p2 =	seq.s32 @!p0 s5, $0x0  }
0x1f: {  	s9 =	smul.u32 $0xF7A, s1;
	s8 =	simm.s32 @!p0 $0x1BF5;
	p2 =	por !p2, p0  }
0x20: {  	[sflag:s8] =	ssyncset.s32 @!p0 $0xFFFFF086;
	s6 =	sadd.s32 @!p0 s3, s7;
	s7 =	simm.s32 @!p0 $0x108  }
0x21: {  	s3 =	sadd.s32 s3, s9;
	s6 =	sadd.s32 @!p0 $0x88, s6;
	s7 =	simm.s32 @p2 $0x1082  }
0x22: {  	[simem:s7], [sflag:s8] =	dma.local @!p0 [hbm:s6], $0xF7A  }
0x23: {  	s9 =	sor.u32 $0xD0000000, s2;
	s6 =	simm.s32 $0x108;
	_ =	swait.ge @!p0 [sflag:s8], $0x0  }
0x24: {  	s3 =	sadd.s32 $0x88, s3;
	s6 =	simm.s32 @!p1 $0x1082;
	[sflag:s4] =	ssyncset.s32 $0xFFFFF086  }
0x25: {  	[simem:s6], [sflag:s4] =	dma.local [hbm:s3], $0xF7A  }
0x26: {  	[smem:$0x3F99] =	sst s1;
	(tag) =	ssettag s2;
	_ =	strace s9  }
0x27: {  	s1 =	sld [smem:$0x3FA9]  }
0x28: {  	s2 =	sld [smem:$0x3FAA]  }
0x29: {  	s4 =	sld [smem:$0x3FAC]  }
0x2a: {  	p0 =	seq.s32 s5, $0x0;
	s5 =	sld [smem:$0x3FAD]  }
0x2b: {  	s6 =	sld [smem:$0x3FAE]  }
0x2c: {  	s7 =	sld [smem:$0x3FAF]  }
0x2d: {  	s3 =	simm.s32 $0x108;
	s8 =	sld [smem:$0x3FB0]  }
0x2e: {  	s3 =	simm.s32 @!p0 $0x1082;
	s9 =	sld [smem:$0x3FB1]  }
0x2f: {  	lr =	sadd.s32 s0, s3;
	s0 =	sld [smem:$0x3FA8]  }
0x30: {  	s3 =	sld [smem:$0x3FAB]  }
0x31: {  	[smem:$0x3FB4] =	sst s10  }
0x32: {  	s10 =	sld [smem:$0x3FB2];
	_ =	sdelay $0x3  }
0x33: {  	p0 =	seq.s32 s10, $0x1;
	s10 =	sld [smem:$0x3FB4];
	_ =	sdelay $0x3  }
0x34: {  	[smem:$0x3FB4] =	sst s10  }
0x35: {  	s10 =	sld [smem:$0x3FB3];
	_ =	sdelay $0x3  }
0x36: {  	p1 =	seq.s32 s10, $0x1;
	s10 =	sld [smem:$0x3FB4];
	_ =	sdelay $0x3  }
0x37: {  	[smem:$0x3FB4] =	sst s10  }
0x38: {  	s10 =	sld [smem:$0x3FB5]  }
0x39: {  	_ = 	snop;
	(pc) =	sbr.ind lr, $3  }
0x3a: {  	_ = 	snop  }
0x3b: {  	_ = 	snop  }
0x3c: {  	p2 =	seq.s32 s10, $0x1;
	s10 =	sld [smem:$0x3FB4]  }
0x3d: {  	_ =	shalt  }
0x3e: {  	_ =	shalt  }
0x3f: {  	_ =	shalt  }
0x40: {  	_ =	shalt  }
0x41: {  	_ =	shalt  }
0x42: {  	_ =	shalt  }
0x43: {  	_ =	shalt  }
0x44: {  	_ =	shalt  }
0x45: {  	_ =	shalt  }
0x46: {  	_ =	shalt  }
0x47: {  	_ =	shalt  }
0x48: {  	_ =	shalt  }
0x49: {  	_ =	shalt  }
0x4a: {  	_ =	shalt  }
0x4b: {  	_ =	shalt  }
0x4c: {  	_ =	shalt  }
0x4d: {  	_ =	shalt  }
0x4e: {  	_ =	shalt  }
0x4f: {  	_ =	shalt  }
0x50: {  	_ =	shalt  }
0x51: {  	_ =	shalt  }
0x52: {  	_ =	shalt  }
0x53: {  	_ =	shalt  }
0x54: {  	_ =	shalt  }
0x55: {  	_ =	shalt  }
0x56: {  	_ =	shalt  }
0x57: {  	_ =	shalt  }
0x58: {  	_ =	shalt  }
0x59: {  	_ =	shalt  }
0x5a: {  	_ =	shalt  }
0x5b: {  	_ =	shalt  }
0x5c: {  	_ =	shalt  }
0x5d: {  	_ =	shalt  }
0x5e: {  	_ =	shalt  }
0x5f: {  	_ =	shalt  }
0x60: {  	_ =	shalt  }
0x61: {  	_ =	shalt  }
0x62: {  	_ =	shalt  }
0x63: {  	_ =	shalt  }
0x64: {  	_ =	shalt  }
0x65: {  	_ =	shalt  }
0x66: {  	_ =	shalt  }
0x67: {  	_ =	shalt  }
0x68: {  	_ =	shalt  }
0x69: {  	_ =	shalt  }
0x6a: {  	_ =	shalt  }
0x6b: {  	_ =	shalt  }
0x6c: {  	_ =	shalt  }
0x6d: {  	_ =	shalt  }
0x6e: {  	_ =	shalt  }
0x6f: {  	_ =	shalt  }
0x70: {  	_ =	shalt  }
0x71: {  	_ =	shalt  }
0x72: {  	_ =	shalt  }
0x73: {  	_ =	shalt  }
0x74: {  	_ =	shalt  }
0x75: {  	_ =	shalt  }
0x76: {  	_ =	shalt  }
0x77: {  	_ =	shalt  }
0x78: {  	_ =	shalt  }
0x79: {  	_ =	shalt  }
0x7a: {  	_ =	shalt  }
0x7b: {  	_ =	shalt  }
0x7c: {  	_ =	shalt  }
0x7d: {  	_ =	shalt  }
0x7e: {  	_ =	shalt  }
0x7f: {  	_ =	shalt  }
0x80: {  	_ =	shalt  }
0x81: {  	_ =	shalt  }
0x82: {  	_ =	shalt  }
0x83: {  	_ =	shalt  }
0x84: {  	_ =	shalt  }
0x85: {  	_ =	shalt  }
0x86: {  	_ =	shalt  }
0x87: {  	_ =	shalt  }
.Lfunc_end0:
.L_simem_size_0:
called_computation.3_lowered:
.L_overlay_start_0:
0x88: {  	s2 =	sld [smem:$0x3FD9]  }
0x89: {  	s3 =	sld [smem:$0x3FFE];
	_ =	sdelay $0x1  }
0x8a: {  	s1 =	srdreg.scid  }
0x8b: {  	s0 =	sand.u32 $0x1, s1  }
0x8c: {  	s17 =	sshll.u32 s0, $0xA;
	s2 =	sadd.s32 s3, s2  }
0x8d: {  	s2 =	sadd.s32 s2, s17  }
0x8e: {  	[smem:$0x3FC0] =	sst s2  }
0x8f: {  	_ = 	snop  }
0x90: {  	s2 =	sld [smem:$0x3FD0];
	(tm) =	ssettm $0x1  }
0x91: {  	s18 =	sld [smem:$0x3FFB];
	_ =	sdelay $0x3  }
0x92: {  	_ =	strace s18  }
0x93: {  	s3 =	sld [smem:$0x3FFC];
	_ =	sdelay $0x3  }
0x94: {  	_ =	strace s3  }
0x95: {  	s3 =	sld [smem:$0x3FFD];
	_ =	sdelay $0x3  }
0x96: {  	_ =	strace s3  }
0x97: {  	_ =	strace $0x8FFFFFFF  }
0x98: {  	s19 =	sld [smem:$0x3FDB];
	_ =	sdelay $0x1  }
0x99: {  	s4 =	simm.s32 $_scs_section_size  }
0x9a: {  	s5 =	simm.s32 $_size__tile_overlayer_lowered;
	s6 =	simm.s32 $_tile_overlayer_lowered  }
0x9b: {  	s22 =	simm.s32 $0x1BFF;
	s21 =	sshll.u32 s6, $0x1;
	s3 =	sadd.s32 s4, s19  }
0x9c: {  	s7 =	simm.s32 $0x0;
	s20 =	sshll.u32 s5, $0x1;
	s5 =	sadd.s32 s21, s3  }
0x9d: {  	[timem:s7], [sflag:s22] =	dma.local [hbm:s5], s20  }
0x9e: {  	_ =	swait.ge [sflag:s22], s20  }
0x9f: {  	s4 =	ssub.s32 $0x0, s20;
	[sflag:s22] =	ssyncset.done $0x0  }
0xa0: {  	[sflag:s22] =	ssyncadd.s32 s4;
	_ =	sdelay $0x1  }
0xa1: {  	s23 =	simm.s32 $0x1B8B  }
0xa2: {  	_ =	swait.ge [sflag:s23], $0x1  }
0xa3: {  	[sflag:s23] =	ssyncset.done $0x0  }
0xa4: {  	s25 =	simm.s32 $0x1B8E;
	s24 =	sld [smem:$0x3FFE];
	[sflag:s23] =	ssyncadd.s32 $0xFFFFFFFF  }
0xa5: {  	s26 =	simm.s32 $execute0_lowered;
	[smem:$0x3FD2] =	sst s25  }
0xa6: {  	s5 =	sshll.u32 s26, $0x1;
	_ =	strace $0x8000004F;
	[dreg:$0x1] =	wrdreg $0xFFFFFFFF  }
0xa7: {  	s28 =	simm.s32 $_size_execute0_lowered;
	s3 =	sadd.s32 s3, s5;
	[dreg:$0x0] =	wrdreg $0x0  }
0xa8: {  	s5 =	sshll.u32 s28, $0x1;
	[dreg:$0x2] =	wrdreg s3  }
0xa9: {  	[dreg:$0x3] =	wrdreg s5  }
0xaa: {  	[dreg:$0x4] =	wrdreg $0xC0  }
0xab: {  	_ =	task [dreg:s7], $0x5FFFF  }
0xac: {  	[dreg:$0x1] =	wrdreg $0xFFFFFFFF  }
0xad: {  	[dreg:$0x0] =	wrdreg $0x60  }
0xae: {  	[dreg:$0x2] =	wrdreg s24  }
0xaf: {  	[dreg:$0x3] =	wrdreg s2  }
0xb0: {  	[dreg:$0x4] =	wrdreg $0x0  }
0xb1: {  	[dreg:$0x5] =	wrdreg $0x9  }
0xb2: {  	_ =	task.clear_ibuf [dreg:s7], $0x6FFFF;
	_ =	strace $0x9000004F  }
0xb3: {  	s29 =	simm.s32 $0x9;
	_ =	strace $0x80000051  }
0xb4: {  	_ =	swait.ge [sflag:s29], $0x1  }
0xb5: {  	[sflag:s29] =	ssyncadd.s32 $0xFFFFFFFF  }
0xb6: {  	_ =	strace $0x90000051  }
0xb7: {  	_ =	sfence  }
0xb8: {  	s30 =	sld [smem:$0x0];
	_ =	sdelay $0x2  }
0xb9: {  	s31 =	sshll.u32 s1, $0xD;
	s1 =	sshrl.u32 s1, $0x2  }
0xba: {  	s3 =	sand.u32 $0x4000, s31;
	s1 =	sadd.s32 s1, s30  }
0xbb: {  	s0 =	sor.u32 s3, s0;
	s1 =	sshll.u32 s1, $0x11  }
0xbc: {  	s0 =	sor.u32 s1, s0  }
0xbd: {  	s0 =	sadd.s32 $0x8F2B, s0  }
0xbe: {  	[sflag:s0] =	ssyncadd.remote.s32 $0x1  }
0xbf: {  	_ =	sfence.sel $0xFFFF  }
0xc0: {  	[dreg:$0x0] =	wrdreg $0xFFFFFFFF;
	(pc) =	sbr.abs _section_cstart, $3  }
0xc1: {  	[dreg:$0x1] =	wrdreg $0xFFFFFFFF  }
0xc2: {  	_ =	task.clear_ibuf [dreg:s7], $0x2FFFF;
	_ =	strace $0x9FFFFFFF  }
0xc3: {  	(tm) =	ssettm $0x7FFFFFFF  }
tec
execute0_lowered:
.L_overlay_start_1:
0x0: {  	(tag) =	ssettag $0x1  }
0x1: {  	s5 =	rddreg [dreg:$0x0]  }
0x2: {  	s7 =	rddreg [dreg:$0x1]  }
0x3: {  	s0 =	srdreg.scid;
	s2 =	rddreg [dreg:$0x2]  }
0x4: {  	s3 =	simm.s32 $0x0;
	s14 =	simm.s32 $0x80;
	s15 =	simm.s32 $0x14000  }
0x5: {  	s16 =	simm.s32 $0x1C080;
	s17 =	simm.s32 $0x18000;
	s18 =	simm.s32 $0x1  }
0x6: {  	s19 =	simm.s32 $0x2;
	s6 =	sand.u32 $0x1, s0;
	s0 =	stileid.u32  }
0x7: {  	s20 =	simm.s32 $0x1E700;
	s21 =	simm.s32 $0x1E780;
	s22 =	smul.u32 $0x2800, s0  }
0x8: {  	[smem:$0x7FF] =	sst s3;
	s1 =	sshll.u32 s6, $0x4;
	s9 =	smul.u32 $0x28000, s6  }
0x9: {  	s6 =	ssub.s32 $0x2, s6;
	s11 =	smul.u32 $0x50000, s0;
	s31 =	sshll.u32 s0, $0x6  }
0xa: {  	s4 =	sor.u32 s0, s1;
	s1 =	rddreg [dreg:$0x3];
	_ =	strace $0x80000050  }
0xb: {  	s29 =	sshrl.u32 s6, $0x1;
	s8 =	smul.u32 $0x280, s4;
	s4 =	sadd.s32 $0x33800, s5  }
0xc: {  	s12 =	sadd.s32 s22, s5;
	s9 =	sadd.s32 s9, s5;
	s30 =	sshrl.u32 s11, $0x2  }
0xd: {  	s13 =	ssub.s32 s6, s29;
	s6 =	sor.u32 $0x1C03, s31;
	s11 =	sadd.s32 s30, s2  }
0xe: {  	s23 =	sadd.s32 $0x83800, s9;
	s9 =	smax.u32 s13, $0x1;
	s13 =	simm.s32 $0x1D400  }
0xf: {  	s10 =	sadd.s32 s8, s5;
	s5 =	sadd.s32 $0xB800, s12;
	s7 =	sadd.s32 s7, s8  }
0x10: {  	s12 =	simm.s32 $0x1C000;
	s22 =	sadd.s32 s22, s23;
	s23 =	simm.s32 $0x0  }
0x11: {  	s8 =	sadd.s32 $0x6800, s10;
	s10 =	sshrl.u32 s11, $0x3;
	s11 =	simm.s32 $0x3  }
.LBB2_1:
0x12: {  	[spmem:s10], [sflag:s6] =	dma.local [hbm:s5], $0x2800  }
0x13: {  	_ =	swait.ge [sflag:s11], $0x2800  }
0x14: {  	[sflag:s11] =	ssyncset.done $0x0  }
0x15: {  	[sflag:s11] =	ssyncadd.s32 $0xFFFFD800  }
0x16: {  	[tilespmem:s12], [sflag:$0x3] =	stream.linear.gather [hbm4b:s7+s3], $0x1400, $0x38;
	[tilespmem:$0x1E800] =	vst v63  }
0x17: {  	_ =	swait.ge [sflag:s11], $0x1400  }
0x18: {  	[sflag:s11] =	ssyncset.done $0x0  }
0x19: {  	[sflag:s11] =	ssyncadd.s32 $0xFFFFEC00  }
0x1a: {  	[tilespmem:s13], [sflag:$0x3] =	stream.linear.gather [hbm4b:s8+s3], $0x1400, $0x38;
	[tilespmem:$0x1E800] =	vst v63  }
0x1b: {  	_ =	swait.ge [sflag:s11], $0x1400  }
0x1c: {  	[sflag:s11] =	ssyncset.done $0x0  }
0x1d: {  	[sflag:s11] =	ssyncadd.s32 $0xFFFFEC00  }
0x1e: {  	[bflag:$0x0] =	sbarrier.arrive $0xFFFF  }
0x1f: {  	[tilespmem:s15], [sflag:$0x1] =	stream.indirect.gather [hbm4b:s4+s14], $0x80, s12, s14, $0xb8;
	[tilespmem:$0x1E800] =	vst v63  }
0x20: {  	_ = 	snop  }
0x21: {  	[tilespmem:s17], [sflag:$0x2] =	stream.indirect.gather [hbm4b:s4+s14], $0x80, s16, s14, $0xb8;
	[tilespmem:$0x1E800] =	vst v63  }
0x22: {  	_ =	swait.ge [sflag:s18], $0x4000  }
0x23: {  	[sflag:s18] =	ssyncset.done $0x0  }
0x24: {  	s24 =	simm.s32 $0x1D400;
	[sflag:s18] =	ssyncadd.s32 $0xFFFFC000  }
0x25: {  	[spmem:s2] =	stream.indirect.scatter.add.f32 [tilespmem:s15], [sflag:$0x3], $0x80, s24, s14, $0xb8;
	[tilespmem:$0x1E800] =	vst v63  }
0x26: {  	_ =	swait.ge [sflag:s11], $0x4000  }
0x27: {  	[sflag:s11] =	ssyncset.done $0x0  }
0x28: {  	s30 =	simm.s32 $0x1C100;
	[sflag:s11] =	ssyncadd.s32 $0xFFFFC000  }
0x29: {  	[tilespmem:s15], [sflag:$0x1] =	stream.indirect.gather [hbm4b:s4+s14], $0x80, s30, s14, $0xb8;
	[tilespmem:$0x1E800] =	vst v63  }
0x2a: {  	_ =	swait.ge [sflag:s19], $0x4000  }
0x2b: {  	[sflag:s19] =	ssyncset.done $0x0  }
0x2c: {  	s31 =	simm.s32 $0x1D480;
	[sflag:s19] =	ssyncadd.s32 $0xFFFFC000  }
0x2d: {  	[spmem:s2] =	stream.indirect.scatter.add.f32 [tilespmem:s17], [sflag:$0x3], $0x80, s31, s14, $0xb8;
	[tilespmem:$0x1E800] =	vst v63  }
0x2e: {  	_ =	swait.ge [sflag:s11], $0x4000  }
0x2f: {  	[sflag:s11] =	ssyncset.done $0x0  }
0x30: {  	s25 =	simm.s32 $0x1C180;
	s24 =	simm.s32 $0x400;
	[sflag:s11] =	ssyncadd.s32 $0xFFFFC000  }
.LBB2_2:
0x31: {  	[tilespmem:s17], [sflag:$0x2] =	stream.indirect.gather [hbm4b:s4+s14], $0x80, s25, s14, $0xb8;
	[tilespmem:$0x1E800] =	vst v63  }
0x32: {  	s25 =	smov.u32 s24  }
0x33: {  	p0 =	sne.s32 s24, $0x4800;
	s24 =	sadd.s32 $0x400, s24;
	_ =	swait.ge [sflag:s18], $0x4000  }
0x34: {  	s25 =	sshra.s32 s25, $0x2;
	[sflag:s18] =	ssyncset.done $0x0  }
0x35: {  	s26 =	sadd.s32 $0x1D400, s25;
	[sflag:s18] =	ssyncadd.s32 $0xFFFFC000  }
0x36: {  	[spmem:s2] =	stream.indirect.scatter.add.f32 [tilespmem:s15], [sflag:$0x3], $0x80, s26, s14, $0xb8;
	[tilespmem:$0x1E800] =	vst v63  }
0x37: {  	_ =	swait.ge [sflag:s11], $0x4000  }
0x38: {  	[sflag:s11] =	ssyncset.done $0x0  }
0x39: {  	s26 =	sadd.s32 $0x1C100, s25;
	[sflag:s11] =	ssyncadd.s32 $0xFFFFC000  }
0x3a: {  	[tilespmem:s15], [sflag:$0x1] =	stream.indirect.gather [hbm4b:s4+s14], $0x80, s26, s14, $0xb8;
	[tilespmem:$0x1E800] =	vst v63  }
0x3b: {  	_ =	swait.ge [sflag:s19], $0x4000  }
0x3c: {  	[sflag:s19] =	ssyncset.done $0x0  }
.Ltmp0:
0x3d: {  	s26 =	sadd.s32 $0x1D480, s25;
	[sflag:s19] =	ssyncadd.s32 $0xFFFFC000;
	(pc) =	sbr.rel @p0 .LBB2_2-.Ltmp0, $4  }
0x3e: {  	[spmem:s2] =	stream.indirect.scatter.add.f32 [tilespmem:s17], [sflag:$0x3], $0x80, s26, s14, $0xb8;
	[tilespmem:$0x1E800] =	vst v63  }
0x3f: {  	_ =	swait.ge [sflag:s11], $0x4000  }
0x40: {  	[sflag:s11] =	ssyncset.done $0x0  }
0x41: {  	s25 =	sadd.s32 $0x1C180, s25;
	[sflag:s11] =	ssyncadd.s32 $0xFFFFC000  }
0x42: {  	[tilespmem:s17], [sflag:$0x2] =	stream.indirect.gather [hbm4b:s4+s14], $0x80, s25, s14, $0xb8;
	[tilespmem:$0x1E800] =	vst v63  }
0x43: {  	_ =	swait.ge [sflag:s18], $0x4000  }
0x44: {  	[sflag:s18] =	ssyncset.done $0x0  }
0x45: {  	[sflag:s18] =	ssyncadd.s32 $0xFFFFC000  }
0x46: {  	[spmem:s2] =	stream.indirect.scatter.add.f32 [tilespmem:s15], [sflag:$0x3], $0x80, s20, s14, $0xb8;
	[tilespmem:$0x1E800] =	vst v63  }
0x47: {  	_ =	swait.ge [sflag:s11], $0x4000  }
0x48: {  	[sflag:s11] =	ssyncset.done $0x0  }
0x49: {  	[sflag:s11] =	ssyncadd.s32 $0xFFFFC000  }
0x4a: {  	_ =	swait.ge [sflag:s19], $0x4000  }
0x4b: {  	[sflag:s19] =	ssyncset.done $0x0  }
0x4c: {  	[sflag:s19] =	ssyncadd.s32 $0xFFFFC000  }
0x4d: {  	[spmem:s2] =	stream.indirect.scatter.add.f32 [tilespmem:s17], [sflag:$0x3], $0x80, s21, s14, $0xb8;
	[tilespmem:$0x1E800] =	vst v63  }
0x4e: {  	_ =	swait.ge [sflag:s11], $0x4000  }
0x4f: {  	s23 =	sadd.s32 $0x1, s23;
	[sflag:s11] =	ssyncset.done $0x0  }
0x50: {  	p0 =	sne.s32 s23, s9;
	[sflag:s11] =	ssyncadd.s32 $0xFFFFC000  }
.Ltmp1:
0x51: {  	[bflag:$0x0] =	sbarrier.arrive $0xFFFF;
	(pc) =	sbr.rel @p0 .LBB2_1-.Ltmp1, $4  }
0x52: {  	[hbm:s22], [sflag:s6] =	dma.local [spmem:s10], $0x2800  }
0x53: {  	_ =	swait.ge [sflag:s11], $0x2800  }
0x54: {  	[sflag:s11] =	ssyncset.done $0x0  }
0x55: {  	[sflag:s11] =	ssyncadd.s32 $0xFFFFD800  }
0x56: {  	_ =	sfence.sel $0x180000  }
0x57: {  	[bflag:$0x0] =	sbarrier.arrive $0xFFFF  }
0x58: {  	p0 =	sne.s32 s0, $0x0;
	_ =	strace $0x90000050  }
0x59: {  	s0 =	sadd.s32 @!p0 $0x100000, s1;
	[bflag:$0x2] =	sbarrier.arrive $0xFFFF  }
0x5a: {  	[sflag:s0] =	ssyncadd.tile.s32 @!p0 $0x1;
	_ =	shalt  }
.Lfunc_end2:
_tile_overlayer_lowered:
.L_overlay_start_2:
0x5b: {  	(tag) =	ssettag $0x2  }
0x5c: {  	s0 =	rddreg [dreg:$0x0];
	s2 =	stileid.u32  }
0x5d: {  	s1 =	rddreg [dreg:$0x1];
	p0 =	sne.s32 s2, $0x0  }
0x5e: {  	s3 =	rddreg [dreg:$0x2];
	[bflag:$0x3] =	sbarrier.arrive $0xFFFF;
	s2 =	simm.s32 @!p0 $0x1C03  }
0x5f: {  	[timem:s3], [sflag:s2] =	dma.local @!p0 [hbm:s0], s1  }
0x60: {  	s0 =	simm.s32 @!p0 $0x3  }
0x61: {  	_ =	swait.ge @!p0 [sflag:s0], s1  }
0x62: {  	s1 =	ssub.s32 @!p0 $0x0, s1;
	[sflag:s0] =	ssyncset.done @!p0 $0x0  }
0x63: {  	[sflag:s0] =	ssyncadd.s32 @!p0 s1  }
0x64: {  	[bflag:$0x3] =	sbarrier.arrive $0xFFFF  }
0x65: {  	_ =	shalt  }

// kernel: kernel.37.cloned.1.call-start
scs
__scs_entry_jumppad:
0x0: {  	(pc) =	sbr.rel $0x88, $3  }
0x1: {  	(tag) =	ssettag $0x0;
	lr =	simm.s32 $0x1  }
0x2: {  	[smem:$0x3F99] =	sst lr;
	_ =	strace $0xD0000000  }
0x3: {  	_ = 	snop  }
0x4: {  	_ = 	snop  }
0x5: {  	_ = 	snop  }
0x6: {  	_ = 	snop  }
0x7: {  	_ = 	snop  }
__scs_overlays_trampoline_lowered:
0x8: {  	[smem:$0x3FA8] =	sst s0  }
0x9: {  	[smem:$0x3FA9] =	sst s1  }
0xa: {  	[smem:$0x3FAA] =	sst s2  }
0xb: {  	[smem:$0x3FAB] =	sst s3  }
0xc: {  	[smem:$0x3FAC] =	sst s4  }
0xd: {  	[smem:$0x3FAD] =	sst s5  }
0xe: {  	[smem:$0x3FAE] =	sst s6  }
0xf: {  	[smem:$0x3FAF] =	sst s7  }
0x10: {  	[smem:$0x3FB0] =	sst s8  }
0x11: {  	[smem:$0x3FB1] =	sst s9;
	s0 =	simm.s32 @!p0 $0x0  }
0x12: {  	s1 =	sld [smem:$0x3F97];
	s0 =	simm.s32 @p0 $0x1  }
0x13: {  	[smem:$0x3FB2] =	sst s0;
	s0 =	simm.s32 @!p1 $0x0  }
0x14: {  	s2 =	sld [smem:$0x3F96];
	s0 =	simm.s32 @p1 $0x1  }
0x15: {  	[smem:$0x3FB3] =	sst s0;
	s0 =	simm.s32 @!p2 $0x0  }
0x16: {  	s3 =	sld [smem:$0x3FDB];
	s0 =	simm.s32 @p2 $0x1  }
0x17: {  	s4 =	simm.s32 $0x1BF5;
	[smem:$0x3FB5] =	sst s0  }
0x18: {  	s0 =	sld [smem:$0x3F98];
	_ =	swait.ge [sflag:s4], $0x0  }
0x19: {  	s7 =	sld [smem:$0x3F99]  }
0x1a: {  	s8 =	sadd.s32 $0xFFFFE003, lr  }
0x1b: {  	s9 =	sadd.s32 $0xFFFFFEF7, lr;
	s5 =	simm.s32 $0xFFFFFFFF;
	p2 =	slt.u32 s8, $0xFFFFF086  }
0x1c: {  	p1 =	slt.u32 s9, $0xF7A;
	s5 =	simm.s32 @!p2 $0x0  }
0x1d: {  	s5 =	simm.s32 @p1 $0x1;
	p0 =	seq.s32 s7, s2  }
0x1e: {  	s7 =	smul.u32 @!p0 $0xF7A, s2;
	p2 =	seq.s32 @!p0 s5, $0x0  }
0x1f: {  	s9 =	smul.u32 $0xF7A, s1;
	s8 =	simm.s32 @!p0 $0x1BF5;
	p2 =	por !p2, p0  }
0x20: {  	[sflag:s8] =	ssyncset.s32 @!p0 $0xFFFFF086;
	s6 =	sadd.s32 @!p0 s3, s7;
	s7 =	simm.s32 @!p0 $0x108  }
0x21: {  	s3 =	sadd.s32 s3, s9;
	s6 =	sadd.s32 @!p0 $0x88, s6;
	s7 =	simm.s32 @p2 $0x1082  }
0x22: {  	[simem:s7], [sflag:s8] =	dma.local @!p0 [hbm:s6], $0xF7A  }
0x23: {  	s9 =	sor.u32 $0xD0000000, s2;
	s6 =	simm.s32 $0x108;
	_ =	swait.ge @!p0 [sflag:s8], $0x0  }
0x24: {  	s3 =	sadd.s32 $0x88, s3;
	s6 =	simm.s32 @!p1 $0x1082;
	[sflag:s4] =	ssyncset.s32 $0xFFFFF086  }
0x25: {  	[simem:s6], [sflag:s4] =	dma.local [hbm:s3], $0xF7A  }
0x26: {  	[smem:$0x3F99] =	sst s1;
	(tag) =	ssettag s2;
	_ =	strace s9  }
0x27: {  	s1 =	sld [smem:$0x3FA9]  }
0x28: {  	s2 =	sld [smem:$0x3FAA]  }
0x29: {  	s4 =	sld [smem:$0x3FAC]  }
0x2a: {  	p0 =	seq.s32 s5, $0x0;
	s5 =	sld [smem:$0x3FAD]  }
0x2b: {  	s6 =	sld [smem:$0x3FAE]  }
0x2c: {  	s7 =	sld [smem:$0x3FAF]  }
0x2d: {  	s3 =	simm.s32 $0x108;
	s8 =	sld [smem:$0x3FB0]  }
0x2e: {  	s3 =	simm.s32 @!p0 $0x1082;
	s9 =	sld [smem:$0x3FB1]  }
0x2f: {  	lr =	sadd.s32 s0, s3;
	s0 =	sld [smem:$0x3FA8]  }
0x30: {  	s3 =	sld [smem:$0x3FAB]  }
0x31: {  	[smem:$0x3FB4] =	sst s10  }
0x32: {  	s10 =	sld [smem:$0x3FB2];
	_ =	sdelay $0x3  }
0x33: {  	p0 =	seq.s32 s10, $0x1;
	s10 =	sld [smem:$0x3FB4];
	_ =	sdelay $0x3  }
0x34: {  	[smem:$0x3FB4] =	sst s10  }
0x35: {  	s10 =	sld [smem:$0x3FB3];
	_ =	sdelay $0x3  }
0x36: {  	p1 =	seq.s32 s10, $0x1;
	s10 =	sld [smem:$0x3FB4];
	_ =	sdelay $0x3  }
0x37: {  	[smem:$0x3FB4] =	sst s10  }
0x38: {  	s10 =	sld [smem:$0x3FB5]  }
0x39: {  	_ = 	snop;
	(pc) =	sbr.ind lr, $3  }
0x3a: {  	_ = 	snop  }
0x3b: {  	_ = 	snop  }
0x3c: {  	p2 =	seq.s32 s10, $0x1;
	s10 =	sld [smem:$0x3FB4]  }
0x3d: {  	_ =	shalt  }
0x3e: {  	_ =	shalt  }
0x3f: {  	_ =	shalt  }
0x40: {  	_ =	shalt  }
0x41: {  	_ =	shalt  }
0x42: {  	_ =	shalt  }
0x43: {  	_ =	shalt  }
0x44: {  	_ =	shalt  }
0x45: {  	_ =	shalt  }
0x46: {  	_ =	shalt  }
0x47: {  	_ =	shalt  }
0x48: {  	_ =	shalt  }
0x49: {  	_ =	shalt  }
0x4a: {  	_ =	shalt  }
0x4b: {  	_ =	shalt  }
0x4c: {  	_ =	shalt  }
0x4d: {  	_ =	shalt  }
0x4e: {  	_ =	shalt  }
0x4f: {  	_ =	shalt  }
0x50: {  	_ =	shalt  }
0x51: {  	_ =	shalt  }
0x52: {  	_ =	shalt  }
0x53: {  	_ =	shalt  }
0x54: {  	_ =	shalt  }
0x55: {  	_ =	shalt  }
0x56: {  	_ =	shalt  }
0x57: {  	_ =	shalt  }
0x58: {  	_ =	shalt  }
0x59: {  	_ =	shalt  }
0x5a: {  	_ =	shalt  }
0x5b: {  	_ =	shalt  }
0x5c: {  	_ =	shalt  }
0x5d: {  	_ =	shalt  }
0x5e: {  	_ =	shalt  }
0x5f: {  	_ =	shalt  }
0x60: {  	_ =	shalt  }
0x61: {  	_ =	shalt  }
0x62: {  	_ =	shalt  }
0x63: {  	_ =	shalt  }
0x64: {  	_ =	shalt  }
0x65: {  	_ =	shalt  }
0x66: {  	_ =	shalt  }
0x67: {  	_ =	shalt  }
0x68: {  	_ =	shalt  }
0x69: {  	_ =	shalt  }
0x6a: {  	_ =	shalt  }
0x6b: {  	_ =	shalt  }
0x6c: {  	_ =	shalt  }
0x6d: {  	_ =	shalt  }
0x6e: {  	_ =	shalt  }
0x6f: {  	_ =	shalt  }
0x70: {  	_ =	shalt  }
0x71: {  	_ =	shalt  }
0x72: {  	_ =	shalt  }
0x73: {  	_ =	shalt  }
0x74: {  	_ =	shalt  }
0x75: {  	_ =	shalt  }
0x76: {  	_ =	shalt  }
0x77: {  	_ =	shalt  }
0x78: {  	_ =	shalt  }
0x79: {  	_ =	shalt  }
0x7a: {  	_ =	shalt  }
0x7b: {  	_ =	shalt  }
0x7c: {  	_ =	shalt  }
0x7d: {  	_ =	shalt  }
0x7e: {  	_ =	shalt  }
0x7f: {  	_ =	shalt  }
0x80: {  	_ =	shalt  }
0x81: {  	_ =	shalt  }
0x82: {  	_ =	shalt  }
0x83: {  	_ =	shalt  }
0x84: {  	_ =	shalt  }
0x85: {  	_ =	shalt  }
0x86: {  	_ =	shalt  }
0x87: {  	_ =	shalt  }
.Lfunc_end0:
.L_simem_size_0:
called_computation.4_lowered:
.L_overlay_start_0:
0x88: {  	s2 =	sld [smem:$0x3FD9]  }
0x89: {  	s3 =	sld [smem:$0x3FFE];
	_ =	sdelay $0x1  }
0x8a: {  	s1 =	srdreg.scid  }
0x8b: {  	s0 =	sand.u32 $0x1, s1  }
0x8c: {  	s17 =	sshll.u32 s0, $0xA;
	s2 =	sadd.s32 s3, s2  }
0x8d: {  	s2 =	sadd.s32 s2, s17  }
0x8e: {  	[smem:$0x3FC0] =	sst s2  }
0x8f: {  	_ = 	snop  }
0x90: {  	s2 =	sld [smem:$0x3FD0];
	(tm) =	ssettm $0x1  }
0x91: {  	s18 =	sld [smem:$0x3FFB];
	_ =	sdelay $0x3  }
0x92: {  	_ =	strace s18  }
0x93: {  	s3 =	sld [smem:$0x3FFC];
	_ =	sdelay $0x3  }
0x94: {  	_ =	strace s3  }
0x95: {  	s3 =	sld [smem:$0x3FFD];
	_ =	sdelay $0x3  }
0x96: {  	_ =	strace s3  }
0x97: {  	_ =	strace $0x8FFFFFFF  }
0x98: {  	s19 =	sld [smem:$0x3FDB];
	_ =	sdelay $0x1  }
0x99: {  	s4 =	simm.s32 $_scs_section_size  }
0x9a: {  	s5 =	simm.s32 $_size__tile_overlayer_lowered;
	s6 =	simm.s32 $_tile_overlayer_lowered  }
0x9b: {  	s22 =	simm.s32 $0x1BFF;
	s21 =	sshll.u32 s6, $0x1;
	s3 =	sadd.s32 s4, s19  }
0x9c: {  	s7 =	simm.s32 $0x0;
	s20 =	sshll.u32 s5, $0x1;
	s5 =	sadd.s32 s21, s3  }
0x9d: {  	[timem:s7], [sflag:s22] =	dma.local [hbm:s5], s20  }
0x9e: {  	_ =	swait.ge [sflag:s22], s20  }
0x9f: {  	s4 =	ssub.s32 $0x0, s20;
	[sflag:s22] =	ssyncset.done $0x0  }
0xa0: {  	[sflag:s22] =	ssyncadd.s32 s4;
	_ =	sdelay $0x1  }
0xa1: {  	s23 =	simm.s32 $0x1B8B  }
0xa2: {  	_ =	swait.ge [sflag:s23], $0x1  }
0xa3: {  	[sflag:s23] =	ssyncset.done $0x0  }
0xa4: {  	s25 =	simm.s32 $0x1B8E;
	s24 =	sld [smem:$0x3FFE];
	[sflag:s23] =	ssyncadd.s32 $0xFFFFFFFF  }
0xa5: {  	s26 =	simm.s32 $execute0_lowered;
	[smem:$0x3FD2] =	sst s25  }
0xa6: {  	s5 =	sshll.u32 s26, $0x1;
	_ =	strace $0x80000052;
	[dreg:$0x1] =	wrdreg $0xFFFFFFFF  }
0xa7: {  	s28 =	simm.s32 $_size_execute0_lowered;
	s3 =	sadd.s32 s3, s5;
	[dreg:$0x0] =	wrdreg $0x0  }
0xa8: {  	s5 =	sshll.u32 s28, $0x1;
	[dreg:$0x2] =	wrdreg s3  }
0xa9: {  	[dreg:$0x3] =	wrdreg s5  }
0xaa: {  	[dreg:$0x4] =	wrdreg $0xC0  }
0xab: {  	_ =	task [dreg:s7], $0x5FFFF  }
0xac: {  	[dreg:$0x1] =	wrdreg $0xFFFFFFFF  }
0xad: {  	[dreg:$0x0] =	wrdreg $0x60  }
0xae: {  	[dreg:$0x2] =	wrdreg s24  }
0xaf: {  	[dreg:$0x3] =	wrdreg s2  }
0xb0: {  	[dreg:$0x4] =	wrdreg $0x0  }
0xb1: {  	[dreg:$0x5] =	wrdreg $0x9  }
0xb2: {  	_ =	task.clear_ibuf [dreg:s7], $0x6FFFF;
	_ =	strace $0x90000052  }
0xb3: {  	s29 =	simm.s32 $0x9;
	_ =	strace $0x80000054  }
0xb4: {  	_ =	swait.ge [sflag:s29], $0x1  }
0xb5: {  	[sflag:s29] =	ssyncadd.s32 $0xFFFFFFFF  }
0xb6: {  	_ =	strace $0x90000054  }
0xb7: {  	_ =	sfence  }
0xb8: {  	s30 =	sld [smem:$0x0];
	_ =	sdelay $0x2  }
0xb9: {  	s31 =	sshll.u32 s1, $0xD;
	s1 =	sshrl.u32 s1, $0x2  }
0xba: {  	s3 =	sand.u32 $0x4000, s31;
	s1 =	sadd.s32 s1, s30  }
0xbb: {  	s0 =	sor.u32 s3, s0;
	s1 =	sshll.u32 s1, $0x11  }
0xbc: {  	s0 =	sor.u32 s1, s0  }
0xbd: {  	s0 =	sadd.s32 $0x8F2B, s0  }
0xbe: {  	[sflag:s0] =	ssyncadd.remote.s32 $0x1  }
0xbf: {  	_ =	sfence.sel $0xFFFF  }
0xc0: {  	[dreg:$0x0] =	wrdreg $0xFFFFFFFF;
	(pc) =	sbr.abs _section_cstart, $3  }
0xc1: {  	[dreg:$0x1] =	wrdreg $0xFFFFFFFF  }
0xc2: {  	_ =	task.clear_ibuf [dreg:s7], $0x2FFFF;
	_ =	strace $0x9FFFFFFF  }
0xc3: {  	(tm) =	ssettm $0x7FFFFFFF  }
tec
execute0_lowered:
.L_overlay_start_1:
0x0: {  	(tag) =	ssettag $0x1  }
0x1: {  	s5 =	rddreg [dreg:$0x0]  }
0x2: {  	s7 =	rddreg [dreg:$0x1]  }
0x3: {  	s0 =	srdreg.scid;
	s2 =	rddreg [dreg:$0x2]  }
0x4: {  	s3 =	simm.s32 $0x0;
	s14 =	simm.s32 $0x80;
	s15 =	simm.s32 $0x14000  }
0x5: {  	s16 =	simm.s32 $0x1C080;
	s17 =	simm.s32 $0x18000;
	s18 =	simm.s32 $0x1  }
0x6: {  	s19 =	simm.s32 $0x2;
	s6 =	sand.u32 $0x1, s0;
	s0 =	stileid.u32  }
0x7: {  	s20 =	simm.s32 $0x1E700;
	s21 =	simm.s32 $0x1E780;
	s22 =	smul.u32 $0x2800, s0  }
0x8: {  	[smem:$0x7FF] =	sst s3;
	s1 =	sshll.u32 s6, $0x4;
	s9 =	smul.u32 $0x28000, s6  }
0x9: {  	s6 =	ssub.s32 $0x2, s6;
	s11 =	smul.u32 $0x50000, s0;
	s31 =	sshll.u32 s0, $0x6  }
0xa: {  	s4 =	sor.u32 s0, s1;
	s1 =	rddreg [dreg:$0x3];
	_ =	strace $0x80000053  }
0xb: {  	s29 =	sshrl.u32 s6, $0x1;
	s8 =	smul.u32 $0x280, s4;
	s4 =	sadd.s32 $0x33800, s5  }
0xc: {  	s12 =	sadd.s32 s22, s5;
	s9 =	sadd.s32 s9, s5;
	s30 =	sshrl.u32 s11, $0x2  }
0xd: {  	s13 =	ssub.s32 s6, s29;
	s6 =	sor.u32 $0x1C03, s31;
	s11 =	sadd.s32 s30, s2  }
0xe: {  	s23 =	sadd.s32 $0x83800, s9;
	s9 =	smax.u32 s13, $0x1;
	s13 =	simm.s32 $0x1D400  }
0xf: {  	s10 =	sadd.s32 s8, s5;
	s5 =	sadd.s32 $0xB800, s12;
	s7 =	sadd.s32 s7, s8  }
0x10: {  	s12 =	simm.s32 $0x1C000;
	s22 =	sadd.s32 s22, s23;
	s23 =	simm.s32 $0x0  }
0x11: {  	s8 =	sadd.s32 $0x6800, s10;
	s10 =	sshrl.u32 s11, $0x3;
	s11 =	simm.s32 $0x3  }
.LBB2_1:
0x12: {  	[spmem:s10], [sflag:s6] =	dma.local [hbm:s5], $0x2800  }
0x13: {  	_ =	swait.ge [sflag:s11], $0x2800  }
0x14: {  	[sflag:s11] =	ssyncset.done $0x0  }
0x15: {  	[sflag:s11] =	ssyncadd.s32 $0xFFFFD800  }
0x16: {  	[tilespmem:s12], [sflag:$0x3] =	stream.linear.gather [hbm4b:s7+s3], $0x1400, $0x38;
	[tilespmem:$0x1E800] =	vst v63  }
0x17: {  	_ =	swait.ge [sflag:s11], $0x1400  }
0x18: {  	[sflag:s11] =	ssyncset.done $0x0  }
0x19: {  	[sflag:s11] =	ssyncadd.s32 $0xFFFFEC00  }
0x1a: {  	[tilespmem:s13], [sflag:$0x3] =	stream.linear.gather [hbm4b:s8+s3], $0x1400, $0x38;
	[tilespmem:$0x1E800] =	vst v63  }
0x1b: {  	_ =	swait.ge [sflag:s11], $0x1400  }
0x1c: {  	[sflag:s11] =	ssyncset.done $0x0  }
0x1d: {  	[sflag:s11] =	ssyncadd.s32 $0xFFFFEC00  }
0x1e: {  	[bflag:$0x0] =	sbarrier.arrive $0xFFFF  }
0x1f: {  	[tilespmem:s15], [sflag:$0x1] =	stream.indirect.gather [hbm4b:s4+s14], $0x80, s12, s14, $0xb8;
	[tilespmem:$0x1E800] =	vst v63  }
0x20: {  	_ = 	snop  }
0x21: {  	[tilespmem:s17], [sflag:$0x2] =	stream.indirect.gather [hbm4b:s4+s14], $0x80, s16, s14, $0xb8;
	[tilespmem:$0x1E800] =	vst v63  }
0x22: {  	_ =	swait.ge [sflag:s18], $0x4000  }
0x23: {  	[sflag:s18] =	ssyncset.done $0x0  }
0x24: {  	s24 =	simm.s32 $0x1D400;
	[sflag:s18] =	ssyncadd.s32 $0xFFFFC000  }
0x25: {  	[spmem:s2] =	stream.indirect.scatter.add.f32 [tilespmem:s15], [sflag:$0x3], $0x80, s24, s14, $0xb8;
	[tilespmem:$0x1E800] =	vst v63  }
0x26: {  	_ =	swait.ge [sflag:s11], $0x4000  }
0x27: {  	[sflag:s11] =	ssyncset.done $0x0  }
0x28: {  	s30 =	simm.s32 $0x1C100;
	[sflag:s11] =	ssyncadd.s32 $0xFFFFC000  }
0x29: {  	[tilespmem:s15], [sflag:$0x1] =	stream.indirect.gather [hbm4b:s4+s14], $0x80, s30, s14, $0xb8;
	[tilespmem:$0x1E800] =	vst v63  }
0x2a: {  	_ =	swait.ge [sflag:s19], $0x4000  }
0x2b: {  	[sflag:s19] =	ssyncset.done $0x0  }
0x2c: {  	s31 =	simm.s32 $0x1D480;
	[sflag:s19] =	ssyncadd.s32 $0xFFFFC000  }
0x2d: {  	[spmem:s2] =	stream.indirect.scatter.add.f32 [tilespmem:s17], [sflag:$0x3], $0x80, s31, s14, $0xb8;
	[tilespmem:$0x1E800] =	vst v63  }
0x2e: {  	_ =	swait.ge [sflag:s11], $0x4000  }
0x2f: {  	[sflag:s11] =	ssyncset.done $0x0  }
0x30: {  	s25 =	simm.s32 $0x1C180;
	s24 =	simm.s32 $0x400;
	[sflag:s11] =	ssyncadd.s32 $0xFFFFC000  }
.LBB2_2:
0x31: {  	[tilespmem:s17], [sflag:$0x2] =	stream.indirect.gather [hbm4b:s4+s14], $0x80, s25, s14, $0xb8;
	[tilespmem:$0x1E800] =	vst v63  }
0x32: {  	s25 =	smov.u32 s24  }
0x33: {  	p0 =	sne.s32 s24, $0x4800;
	s24 =	sadd.s32 $0x400, s24;
	_ =	swait.ge [sflag:s18], $0x4000  }
0x34: {  	s25 =	sshra.s32 s25, $0x2;
	[sflag:s18] =	ssyncset.done $0x0  }
0x35: {  	s26 =	sadd.s32 $0x1D400, s25;
	[sflag:s18] =	ssyncadd.s32 $0xFFFFC000  }
0x36: {  	[spmem:s2] =	stream.indirect.scatter.add.f32 [tilespmem:s15], [sflag:$0x3], $0x80, s26, s14, $0xb8;
	[tilespmem:$0x1E800] =	vst v63  }
0x37: {  	_ =	swait.ge [sflag:s11], $0x4000  }
0x38: {  	[sflag:s11] =	ssyncset.done $0x0  }
0x39: {  	s26 =	sadd.s32 $0x1C100, s25;
	[sflag:s11] =	ssyncadd.s32 $0xFFFFC000  }
0x3a: {  	[tilespmem:s15], [sflag:$0x1] =	stream.indirect.gather [hbm4b:s4+s14], $0x80, s26, s14, $0xb8;
	[tilespmem:$0x1E800] =	vst v63  }
0x3b: {  	_ =	swait.ge [sflag:s19], $0x4000  }
0x3c: {  	[sflag:s19] =	ssyncset.done $0x0  }
.Ltmp0:
0x3d: {  	s26 =	sadd.s32 $0x1D480, s25;
	[sflag:s19] =	ssyncadd.s32 $0xFFFFC000;
	(pc) =	sbr.rel @p0 .LBB2_2-.Ltmp0, $4  }
0x3e: {  	[spmem:s2] =	stream.indirect.scatter.add.f32 [tilespmem:s17], [sflag:$0x3], $0x80, s26, s14, $0xb8;
	[tilespmem:$0x1E800] =	vst v63  }
0x3f: {  	_ =	swait.ge [sflag:s11], $0x4000  }
0x40: {  	[sflag:s11] =	ssyncset.done $0x0  }
0x41: {  	s25 =	sadd.s32 $0x1C180, s25;
	[sflag:s11] =	ssyncadd.s32 $0xFFFFC000  }
0x42: {  	[tilespmem:s17], [sflag:$0x2] =	stream.indirect.gather [hbm4b:s4+s14], $0x80, s25, s14, $0xb8;
	[tilespmem:$0x1E800] =	vst v63  }
0x43: {  	_ =	swait.ge [sflag:s18], $0x4000  }
0x44: {  	[sflag:s18] =	ssyncset.done $0x0  }
0x45: {  	[sflag:s18] =	ssyncadd.s32 $0xFFFFC000  }
0x46: {  	[spmem:s2] =	stream.indirect.scatter.add.f32 [tilespmem:s15], [sflag:$0x3], $0x80, s20, s14, $0xb8;
	[tilespmem:$0x1E800] =	vst v63  }
0x47: {  	_ =	swait.ge [sflag:s11], $0x4000  }
0x48: {  	[sflag:s11] =	ssyncset.done $0x0  }
0x49: {  	[sflag:s11] =	ssyncadd.s32 $0xFFFFC000  }
0x4a: {  	_ =	swait.ge [sflag:s19], $0x4000  }
0x4b: {  	[sflag:s19] =	ssyncset.done $0x0  }
0x4c: {  	[sflag:s19] =	ssyncadd.s32 $0xFFFFC000  }
0x4d: {  	[spmem:s2] =	stream.indirect.scatter.add.f32 [tilespmem:s17], [sflag:$0x3], $0x80, s21, s14, $0xb8;
	[tilespmem:$0x1E800] =	vst v63  }
0x4e: {  	_ =	swait.ge [sflag:s11], $0x4000  }
0x4f: {  	s23 =	sadd.s32 $0x1, s23;
	[sflag:s11] =	ssyncset.done $0x0  }
0x50: {  	p0 =	sne.s32 s23, s9;
	[sflag:s11] =	ssyncadd.s32 $0xFFFFC000  }
.Ltmp1:
0x51: {  	[bflag:$0x0] =	sbarrier.arrive $0xFFFF;
	(pc) =	sbr.rel @p0 .LBB2_1-.Ltmp1, $4  }
0x52: {  	[hbm:s22], [sflag:s6] =	dma.local [spmem:s10], $0x2800  }
0x53: {  	_ =	swait.ge [sflag:s11], $0x2800  }
0x54: {  	[sflag:s11] =	ssyncset.done $0x0  }
0x55: {  	[sflag:s11] =	ssyncadd.s32 $0xFFFFD800  }
0x56: {  	_ =	sfence.sel $0x180000  }
0x57: {  	[bflag:$0x0] =	sbarrier.arrive $0xFFFF  }
0x58: {  	p0 =	sne.s32 s0, $0x0;
	_ =	strace $0x90000053  }
0x59: {  	s0 =	sadd.s32 @!p0 $0x100000, s1;
	[bflag:$0x2] =	sbarrier.arrive $0xFFFF  }
0x5a: {  	[sflag:s0] =	ssyncadd.tile.s32 @!p0 $0x1;
	_ =	shalt  }
.Lfunc_end2:
_tile_overlayer_lowered:
.L_overlay_start_2:
0x5b: {  	(tag) =	ssettag $0x2  }
0x5c: {  	s0 =	rddreg [dreg:$0x0];
	s2 =	stileid.u32  }
0x5d: {  	s1 =	rddreg [dreg:$0x1];
	p0 =	sne.s32 s2, $0x0  }
0x5e: {  	s3 =	rddreg [dreg:$0x2];
	[bflag:$0x3] =	sbarrier.arrive $0xFFFF;
	s2 =	simm.s32 @!p0 $0x1C03  }
0x5f: {  	[timem:s3], [sflag:s2] =	dma.local @!p0 [hbm:s0], s1  }
0x60: {  	s0 =	simm.s32 @!p0 $0x3  }
0x61: {  	_ =	swait.ge @!p0 [sflag:s0], s1  }
0x62: {  	s1 =	ssub.s32 @!p0 $0x0, s1;
	[sflag:s0] =	ssyncset.done @!p0 $0x0  }
0x63: {  	[sflag:s0] =	ssyncadd.s32 @!p0 s1  }
0x64: {  	[bflag:$0x3] =	sbarrier.arrive $0xFFFF  }
0x65: {  	_ =	shalt  }

// kernel: kernel.40.cloned.1.call-start
scs
__scs_entry_jumppad:
0x0: {  	(pc) =	sbr.rel $0x88, $3  }
0x1: {  	(tag) =	ssettag $0x0;
	lr =	simm.s32 $0x1  }
0x2: {  	[smem:$0x3F99] =	sst lr;
	_ =	strace $0xD0000000  }
0x3: {  	_ = 	snop  }
0x4: {  	_ = 	snop  }
0x5: {  	_ = 	snop  }
0x6: {  	_ = 	snop  }
0x7: {  	_ = 	snop  }
__scs_overlays_trampoline_lowered:
0x8: {  	[smem:$0x3FA8] =	sst s0  }
0x9: {  	[smem:$0x3FA9] =	sst s1  }
0xa: {  	[smem:$0x3FAA] =	sst s2  }
0xb: {  	[smem:$0x3FAB] =	sst s3  }
0xc: {  	[smem:$0x3FAC] =	sst s4  }
0xd: {  	[smem:$0x3FAD] =	sst s5  }
0xe: {  	[smem:$0x3FAE] =	sst s6  }
0xf: {  	[smem:$0x3FAF] =	sst s7  }
0x10: {  	[smem:$0x3FB0] =	sst s8  }
0x11: {  	[smem:$0x3FB1] =	sst s9;
	s0 =	simm.s32 @!p0 $0x0  }
0x12: {  	s1 =	sld [smem:$0x3F97];
	s0 =	simm.s32 @p0 $0x1  }
0x13: {  	[smem:$0x3FB2] =	sst s0;
	s0 =	simm.s32 @!p1 $0x0  }
0x14: {  	s2 =	sld [smem:$0x3F96];
	s0 =	simm.s32 @p1 $0x1  }
0x15: {  	[smem:$0x3FB3] =	sst s0;
	s0 =	simm.s32 @!p2 $0x0  }
0x16: {  	s3 =	sld [smem:$0x3FDB];
	s0 =	simm.s32 @p2 $0x1  }
0x17: {  	s4 =	simm.s32 $0x1BF5;
	[smem:$0x3FB5] =	sst s0  }
0x18: {  	s0 =	sld [smem:$0x3F98];
	_ =	swait.ge [sflag:s4], $0x0  }
0x19: {  	s7 =	sld [smem:$0x3F99]  }
0x1a: {  	s8 =	sadd.s32 $0xFFFFE003, lr  }
0x1b: {  	s9 =	sadd.s32 $0xFFFFFEF7, lr;
	s5 =	simm.s32 $0xFFFFFFFF;
	p2 =	slt.u32 s8, $0xFFFFF086  }
0x1c: {  	p1 =	slt.u32 s9, $0xF7A;
	s5 =	simm.s32 @!p2 $0x0  }
0x1d: {  	s5 =	simm.s32 @p1 $0x1;
	p0 =	seq.s32 s7, s2  }
0x1e: {  	s7 =	smul.u32 @!p0 $0xF7A, s2;
	p2 =	seq.s32 @!p0 s5, $0x0  }
0x1f: {  	s9 =	smul.u32 $0xF7A, s1;
	s8 =	simm.s32 @!p0 $0x1BF5;
	p2 =	por !p2, p0  }
0x20: {  	[sflag:s8] =	ssyncset.s32 @!p0 $0xFFFFF086;
	s6 =	sadd.s32 @!p0 s3, s7;
	s7 =	simm.s32 @!p0 $0x108  }
0x21: {  	s3 =	sadd.s32 s3, s9;
	s6 =	sadd.s32 @!p0 $0x88, s6;
	s7 =	simm.s32 @p2 $0x1082  }
0x22: {  	[simem:s7], [sflag:s8] =	dma.local @!p0 [hbm:s6], $0xF7A  }
0x23: {  	s9 =	sor.u32 $0xD0000000, s2;
	s6 =	simm.s32 $0x108;
	_ =	swait.ge @!p0 [sflag:s8], $0x0  }
0x24: {  	s3 =	sadd.s32 $0x88, s3;
	s6 =	simm.s32 @!p1 $0x1082;
	[sflag:s4] =	ssyncset.s32 $0xFFFFF086  }
0x25: {  	[simem:s6], [sflag:s4] =	dma.local [hbm:s3], $0xF7A  }
0x26: {  	[smem:$0x3F99] =	sst s1;
	(tag) =	ssettag s2;
	_ =	strace s9  }
0x27: {  	s1 =	sld [smem:$0x3FA9]  }
0x28: {  	s2 =	sld [smem:$0x3FAA]  }
0x29: {  	s4 =	sld [smem:$0x3FAC]  }
0x2a: {  	p0 =	seq.s32 s5, $0x0;
	s5 =	sld [smem:$0x3FAD]  }
0x2b: {  	s6 =	sld [smem:$0x3FAE]  }
0x2c: {  	s7 =	sld [smem:$0x3FAF]  }
0x2d: {  	s3 =	simm.s32 $0x108;
	s8 =	sld [smem:$0x3FB0]  }
0x2e: {  	s3 =	simm.s32 @!p0 $0x1082;
	s9 =	sld [smem:$0x3FB1]  }
0x2f: {  	lr =	sadd.s32 s0, s3;
	s0 =	sld [smem:$0x3FA8]  }
0x30: {  	s3 =	sld [smem:$0x3FAB]  }
0x31: {  	[smem:$0x3FB4] =	sst s10  }
0x32: {  	s10 =	sld [smem:$0x3FB2];
	_ =	sdelay $0x3  }
0x33: {  	p0 =	seq.s32 s10, $0x1;
	s10 =	sld [smem:$0x3FB4];
	_ =	sdelay $0x3  }
0x34: {  	[smem:$0x3FB4] =	sst s10  }
0x35: {  	s10 =	sld [smem:$0x3FB3];
	_ =	sdelay $0x3  }
0x36: {  	p1 =	seq.s32 s10, $0x1;
	s10 =	sld [smem:$0x3FB4];
	_ =	sdelay $0x3  }
0x37: {  	[smem:$0x3FB4] =	sst s10  }
0x38: {  	s10 =	sld [smem:$0x3FB5]  }
0x39: {  	_ = 	snop;
	(pc) =	sbr.ind lr, $3  }
0x3a: {  	_ = 	snop  }
0x3b: {  	_ = 	snop  }
0x3c: {  	p2 =	seq.s32 s10, $0x1;
	s10 =	sld [smem:$0x3FB4]  }
0x3d: {  	_ =	shalt  }
0x3e: {  	_ =	shalt  }
0x3f: {  	_ =	shalt  }
0x40: {  	_ =	shalt  }
0x41: {  	_ =	shalt  }
0x42: {  	_ =	shalt  }
0x43: {  	_ =	shalt  }
0x44: {  	_ =	shalt  }
0x45: {  	_ =	shalt  }
0x46: {  	_ =	shalt  }
0x47: {  	_ =	shalt  }
0x48: {  	_ =	shalt  }
0x49: {  	_ =	shalt  }
0x4a: {  	_ =	shalt  }
0x4b: {  	_ =	shalt  }
0x4c: {  	_ =	shalt  }
0x4d: {  	_ =	shalt  }
0x4e: {  	_ =	shalt  }
0x4f: {  	_ =	shalt  }
0x50: {  	_ =	shalt  }
0x51: {  	_ =	shalt  }
0x52: {  	_ =	shalt  }
0x53: {  	_ =	shalt  }
0x54: {  	_ =	shalt  }
0x55: {  	_ =	shalt  }
0x56: {  	_ =	shalt  }
0x57: {  	_ =	shalt  }
0x58: {  	_ =	shalt  }
0x59: {  	_ =	shalt  }
0x5a: {  	_ =	shalt  }
0x5b: {  	_ =	shalt  }
0x5c: {  	_ =	shalt  }
0x5d: {  	_ =	shalt  }
0x5e: {  	_ =	shalt  }
0x5f: {  	_ =	shalt  }
0x60: {  	_ =	shalt  }
0x61: {  	_ =	shalt  }
0x62: {  	_ =	shalt  }
0x63: {  	_ =	shalt  }
0x64: {  	_ =	shalt  }
0x65: {  	_ =	shalt  }
0x66: {  	_ =	shalt  }
0x67: {  	_ =	shalt  }
0x68: {  	_ =	shalt  }
0x69: {  	_ =	shalt  }
0x6a: {  	_ =	shalt  }
0x6b: {  	_ =	shalt  }
0x6c: {  	_ =	shalt  }
0x6d: {  	_ =	shalt  }
0x6e: {  	_ =	shalt  }
0x6f: {  	_ =	shalt  }
0x70: {  	_ =	shalt  }
0x71: {  	_ =	shalt  }
0x72: {  	_ =	shalt  }
0x73: {  	_ =	shalt  }
0x74: {  	_ =	shalt  }
0x75: {  	_ =	shalt  }
0x76: {  	_ =	shalt  }
0x77: {  	_ =	shalt  }
0x78: {  	_ =	shalt  }
0x79: {  	_ =	shalt  }
0x7a: {  	_ =	shalt  }
0x7b: {  	_ =	shalt  }
0x7c: {  	_ =	shalt  }
0x7d: {  	_ =	shalt  }
0x7e: {  	_ =	shalt  }
0x7f: {  	_ =	shalt  }
0x80: {  	_ =	shalt  }
0x81: {  	_ =	shalt  }
0x82: {  	_ =	shalt  }
0x83: {  	_ =	shalt  }
0x84: {  	_ =	shalt  }
0x85: {  	_ =	shalt  }
0x86: {  	_ =	shalt  }
0x87: {  	_ =	shalt  }
.Lfunc_end0:
.L_simem_size_0:
called_computation.5_lowered:
.L_overlay_start_0:
0x88: {  	s2 =	sld [smem:$0x3FD9]  }
0x89: {  	s3 =	sld [smem:$0x3FFE];
	_ =	sdelay $0x1  }
0x8a: {  	s1 =	srdreg.scid  }
0x8b: {  	s0 =	sand.u32 $0x1, s1  }
0x8c: {  	s17 =	sshll.u32 s0, $0xA;
	s2 =	sadd.s32 s3, s2  }
0x8d: {  	s2 =	sadd.s32 s2, s17  }
0x8e: {  	[smem:$0x3FC0] =	sst s2  }
0x8f: {  	_ = 	snop  }
0x90: {  	s2 =	sld [smem:$0x3FD0];
	(tm) =	ssettm $0x1  }
0x91: {  	s18 =	sld [smem:$0x3FFB];
	_ =	sdelay $0x3  }
0x92: {  	_ =	strace s18  }
0x93: {  	s3 =	sld [smem:$0x3FFC];
	_ =	sdelay $0x3  }
0x94: {  	_ =	strace s3  }
0x95: {  	s3 =	sld [smem:$0x3FFD];
	_ =	sdelay $0x3  }
0x96: {  	_ =	strace s3  }
0x97: {  	_ =	strace $0x8FFFFFFF  }
0x98: {  	s19 =	sld [smem:$0x3FDB];
	_ =	sdelay $0x1  }
0x99: {  	s4 =	simm.s32 $_scs_section_size  }
0x9a: {  	s5 =	simm.s32 $_size__tile_overlayer_lowered;
	s6 =	simm.s32 $_tile_overlayer_lowered  }
0x9b: {  	s22 =	simm.s32 $0x1BFF;
	s21 =	sshll.u32 s6, $0x1;
	s3 =	sadd.s32 s4, s19  }
0x9c: {  	s7 =	simm.s32 $0x0;
	s20 =	sshll.u32 s5, $0x1;
	s5 =	sadd.s32 s21, s3  }
0x9d: {  	[timem:s7], [sflag:s22] =	dma.local [hbm:s5], s20  }
0x9e: {  	_ =	swait.ge [sflag:s22], s20  }
0x9f: {  	s4 =	ssub.s32 $0x0, s20;
	[sflag:s22] =	ssyncset.done $0x0  }
0xa0: {  	[sflag:s22] =	ssyncadd.s32 s4;
	_ =	sdelay $0x1  }
0xa1: {  	s23 =	simm.s32 $0x1B8B  }
0xa2: {  	_ =	swait.ge [sflag:s23], $0x1  }
0xa3: {  	[sflag:s23] =	ssyncset.done $0x0  }
0xa4: {  	s25 =	simm.s32 $0x1B8E;
	s24 =	sld [smem:$0x3FFE];
	[sflag:s23] =	ssyncadd.s32 $0xFFFFFFFF  }
0xa5: {  	s26 =	simm.s32 $execute0_lowered;
	[smem:$0x3FD2] =	sst s25  }
0xa6: {  	s5 =	sshll.u32 s26, $0x1;
	_ =	strace $0x80000055;
	[dreg:$0x1] =	wrdreg $0xFFFFFFFF  }
0xa7: {  	s28 =	simm.s32 $_size_execute0_lowered;
	s3 =	sadd.s32 s3, s5;
	[dreg:$0x0] =	wrdreg $0x0  }
0xa8: {  	s5 =	sshll.u32 s28, $0x1;
	[dreg:$0x2] =	wrdreg s3  }
0xa9: {  	[dreg:$0x3] =	wrdreg s5  }
0xaa: {  	[dreg:$0x4] =	wrdreg $0xC0  }
0xab: {  	_ =	task [dreg:s7], $0x5FFFF  }
0xac: {  	[dreg:$0x1] =	wrdreg $0xFFFFFFFF  }
0xad: {  	[dreg:$0x0] =	wrdreg $0x60  }
0xae: {  	[dreg:$0x2] =	wrdreg s24  }
0xaf: {  	[dreg:$0x3] =	wrdreg s2  }
0xb0: {  	[dreg:$0x4] =	wrdreg $0x0  }
0xb1: {  	[dreg:$0x5] =	wrdreg $0x9  }
0xb2: {  	_ =	task.clear_ibuf [dreg:s7], $0x6FFFF;
	_ =	strace $0x90000055  }
0xb3: {  	s29 =	simm.s32 $0x9;
	_ =	strace $0x80000057  }
0xb4: {  	_ =	swait.ge [sflag:s29], $0x1  }
0xb5: {  	[sflag:s29] =	ssyncadd.s32 $0xFFFFFFFF  }
0xb6: {  	_ =	strace $0x90000057  }
0xb7: {  	_ =	sfence  }
0xb8: {  	s30 =	sld [smem:$0x0];
	_ =	sdelay $0x2  }
0xb9: {  	s31 =	sshll.u32 s1, $0xD;
	s1 =	sshrl.u32 s1, $0x2  }
0xba: {  	s3 =	sand.u32 $0x4000, s31;
	s1 =	sadd.s32 s1, s30  }
0xbb: {  	s0 =	sor.u32 s3, s0;
	s1 =	sshll.u32 s1, $0x11  }
0xbc: {  	s0 =	sor.u32 s1, s0  }
0xbd: {  	s0 =	sadd.s32 $0x8F2B, s0  }
0xbe: {  	[sflag:s0] =	ssyncadd.remote.s32 $0x1  }
0xbf: {  	_ =	sfence.sel $0xFFFF  }
0xc0: {  	[dreg:$0x0] =	wrdreg $0xFFFFFFFF;
	(pc) =	sbr.abs _section_cstart, $3  }
0xc1: {  	[dreg:$0x1] =	wrdreg $0xFFFFFFFF  }
0xc2: {  	_ =	task.clear_ibuf [dreg:s7], $0x2FFFF;
	_ =	strace $0x9FFFFFFF  }
0xc3: {  	(tm) =	ssettm $0x7FFFFFFF  }
tec
execute0_lowered:
.L_overlay_start_1:
0x0: {  	(tag) =	ssettag $0x1  }
0x1: {  	s5 =	rddreg [dreg:$0x0]  }
0x2: {  	s7 =	rddreg [dreg:$0x1]  }
0x3: {  	s0 =	srdreg.scid;
	s2 =	rddreg [dreg:$0x2]  }
0x4: {  	s3 =	simm.s32 $0x0;
	s14 =	simm.s32 $0x80;
	s15 =	simm.s32 $0x14000  }
0x5: {  	s16 =	simm.s32 $0x1C080;
	s17 =	simm.s32 $0x18000;
	s18 =	simm.s32 $0x1  }
0x6: {  	s19 =	simm.s32 $0x2;
	s6 =	sand.u32 $0x1, s0;
	s0 =	stileid.u32  }
0x7: {  	s20 =	simm.s32 $0x1E700;
	s21 =	simm.s32 $0x1E780;
	s22 =	smul.u32 $0x2800, s0  }
0x8: {  	[smem:$0x7FF] =	sst s3;
	s1 =	sshll.u32 s6, $0x4;
	s9 =	smul.u32 $0x28000, s6  }
0x9: {  	s6 =	ssub.s32 $0x2, s6;
	s11 =	smul.u32 $0x50000, s0;
	s31 =	sshll.u32 s0, $0x6  }
0xa: {  	s4 =	sor.u32 s0, s1;
	s1 =	rddreg [dreg:$0x3];
	_ =	strace $0x80000056  }
0xb: {  	s29 =	sshrl.u32 s6, $0x1;
	s8 =	smul.u32 $0x280, s4;
	s4 =	sadd.s32 $0x33800, s5  }
0xc: {  	s12 =	sadd.s32 s22, s5;
	s9 =	sadd.s32 s9, s5;
	s30 =	sshrl.u32 s11, $0x2  }
0xd: {  	s13 =	ssub.s32 s6, s29;
	s6 =	sor.u32 $0x1C03, s31;
	s11 =	sadd.s32 s30, s2  }
0xe: {  	s23 =	sadd.s32 $0x83800, s9;
	s9 =	smax.u32 s13, $0x1;
	s13 =	simm.s32 $0x1D400  }
0xf: {  	s10 =	sadd.s32 s8, s5;
	s5 =	sadd.s32 $0xB800, s12;
	s7 =	sadd.s32 s7, s8  }
0x10: {  	s12 =	simm.s32 $0x1C000;
	s22 =	sadd.s32 s22, s23;
	s23 =	simm.s32 $0x0  }
0x11: {  	s8 =	sadd.s32 $0x6800, s10;
	s10 =	sshrl.u32 s11, $0x3;
	s11 =	simm.s32 $0x3  }
.LBB2_1:
0x12: {  	[spmem:s10], [sflag:s6] =	dma.local [hbm:s5], $0x2800  }
0x13: {  	_ =	swait.ge [sflag:s11], $0x2800  }
0x14: {  	[sflag:s11] =	ssyncset.done $0x0  }
0x15: {  	[sflag:s11] =	ssyncadd.s32 $0xFFFFD800  }
0x16: {  	[tilespmem:s12], [sflag:$0x3] =	stream.linear.gather [hbm4b:s7+s3], $0x1400, $0x38;
	[tilespmem:$0x1E800] =	vst v63  }
0x17: {  	_ =	swait.ge [sflag:s11], $0x1400  }
0x18: {  	[sflag:s11] =	ssyncset.done $0x0  }
0x19: {  	[sflag:s11] =	ssyncadd.s32 $0xFFFFEC00  }
0x1a: {  	[tilespmem:s13], [sflag:$0x3] =	stream.linear.gather [hbm4b:s8+s3], $0x1400, $0x38;
	[tilespmem:$0x1E800] =	vst v63  }
0x1b: {  	_ =	swait.ge [sflag:s11], $0x1400  }
0x1c: {  	[sflag:s11] =	ssyncset.done $0x0  }
0x1d: {  	[sflag:s11] =	ssyncadd.s32 $0xFFFFEC00  }
0x1e: {  	[bflag:$0x0] =	sbarrier.arrive $0xFFFF  }
0x1f: {  	[tilespmem:s15], [sflag:$0x1] =	stream.indirect.gather [hbm4b:s4+s14], $0x80, s12, s14, $0xb8;
	[tilespmem:$0x1E800] =	vst v63  }
0x20: {  	_ = 	snop  }
0x21: {  	[tilespmem:s17], [sflag:$0x2] =	stream.indirect.gather [hbm4b:s4+s14], $0x80, s16, s14, $0xb8;
	[tilespmem:$0x1E800] =	vst v63  }
0x22: {  	_ =	swait.ge [sflag:s18], $0x4000  }
0x23: {  	[sflag:s18] =	ssyncset.done $0x0  }
0x24: {  	s24 =	simm.s32 $0x1D400;
	[sflag:s18] =	ssyncadd.s32 $0xFFFFC000  }
0x25: {  	[spmem:s2] =	stream.indirect.scatter.add.f32 [tilespmem:s15], [sflag:$0x3], $0x80, s24, s14, $0xb8;
	[tilespmem:$0x1E800] =	vst v63  }
0x26: {  	_ =	swait.ge [sflag:s11], $0x4000  }
0x27: {  	[sflag:s11] =	ssyncset.done $0x0  }
0x28: {  	s30 =	simm.s32 $0x1C100;
	[sflag:s11] =	ssyncadd.s32 $0xFFFFC000  }
0x29: {  	[tilespmem:s15], [sflag:$0x1] =	stream.indirect.gather [hbm4b:s4+s14], $0x80, s30, s14, $0xb8;
	[tilespmem:$0x1E800] =	vst v63  }
0x2a: {  	_ =	swait.ge [sflag:s19], $0x4000  }
0x2b: {  	[sflag:s19] =	ssyncset.done $0x0  }
0x2c: {  	s31 =	simm.s32 $0x1D480;
	[sflag:s19] =	ssyncadd.s32 $0xFFFFC000  }
0x2d: {  	[spmem:s2] =	stream.indirect.scatter.add.f32 [tilespmem:s17], [sflag:$0x3], $0x80, s31, s14, $0xb8;
	[tilespmem:$0x1E800] =	vst v63  }
0x2e: {  	_ =	swait.ge [sflag:s11], $0x4000  }
0x2f: {  	[sflag:s11] =	ssyncset.done $0x0  }
0x30: {  	s25 =	simm.s32 $0x1C180;
	s24 =	simm.s32 $0x400;
	[sflag:s11] =	ssyncadd.s32 $0xFFFFC000  }
.LBB2_2:
0x31: {  	[tilespmem:s17], [sflag:$0x2] =	stream.indirect.gather [hbm4b:s4+s14], $0x80, s25, s14, $0xb8;
	[tilespmem:$0x1E800] =	vst v63  }
0x32: {  	s25 =	smov.u32 s24  }
0x33: {  	p0 =	sne.s32 s24, $0x4800;
	s24 =	sadd.s32 $0x400, s24;
	_ =	swait.ge [sflag:s18], $0x4000  }
0x34: {  	s25 =	sshra.s32 s25, $0x2;
	[sflag:s18] =	ssyncset.done $0x0  }
0x35: {  	s26 =	sadd.s32 $0x1D400, s25;
	[sflag:s18] =	ssyncadd.s32 $0xFFFFC000  }
0x36: {  	[spmem:s2] =	stream.indirect.scatter.add.f32 [tilespmem:s15], [sflag:$0x3], $0x80, s26, s14, $0xb8;
	[tilespmem:$0x1E800] =	vst v63  }
0x37: {  	_ =	swait.ge [sflag:s11], $0x4000  }
0x38: {  	[sflag:s11] =	ssyncset.done $0x0  }
0x39: {  	s26 =	sadd.s32 $0x1C100, s25;
	[sflag:s11] =	ssyncadd.s32 $0xFFFFC000  }
0x3a: {  	[tilespmem:s15], [sflag:$0x1] =	stream.indirect.gather [hbm4b:s4+s14], $0x80, s26, s14, $0xb8;
	[tilespmem:$0x1E800] =	vst v63  }
0x3b: {  	_ =	swait.ge [sflag:s19], $0x4000  }
0x3c: {  	[sflag:s19] =	ssyncset.done $0x0  }
.Ltmp0:
0x3d: {  	s26 =	sadd.s32 $0x1D480, s25;
	[sflag:s19] =	ssyncadd.s32 $0xFFFFC000;
	(pc) =	sbr.rel @p0 .LBB2_2-.Ltmp0, $4  }
0x3e: {  	[spmem:s2] =	stream.indirect.scatter.add.f32 [tilespmem:s17], [sflag:$0x3], $0x80, s26, s14, $0xb8;
	[tilespmem:$0x1E800] =	vst v63  }
0x3f: {  	_ =	swait.ge [sflag:s11], $0x4000  }
0x40: {  	[sflag:s11] =	ssyncset.done $0x0  }
0x41: {  	s25 =	sadd.s32 $0x1C180, s25;
	[sflag:s11] =	ssyncadd.s32 $0xFFFFC000  }
0x42: {  	[tilespmem:s17], [sflag:$0x2] =	stream.indirect.gather [hbm4b:s4+s14], $0x80, s25, s14, $0xb8;
	[tilespmem:$0x1E800] =	vst v63  }
0x43: {  	_ =	swait.ge [sflag:s18], $0x4000  }
0x44: {  	[sflag:s18] =	ssyncset.done $0x0  }
0x45: {  	[sflag:s18] =	ssyncadd.s32 $0xFFFFC000  }
0x46: {  	[spmem:s2] =	stream.indirect.scatter.add.f32 [tilespmem:s15], [sflag:$0x3], $0x80, s20, s14, $0xb8;
	[tilespmem:$0x1E800] =	vst v63  }
0x47: {  	_ =	swait.ge [sflag:s11], $0x4000  }
0x48: {  	[sflag:s11] =	ssyncset.done $0x0  }
0x49: {  	[sflag:s11] =	ssyncadd.s32 $0xFFFFC000  }
0x4a: {  	_ =	swait.ge [sflag:s19], $0x4000  }
0x4b: {  	[sflag:s19] =	ssyncset.done $0x0  }
0x4c: {  	[sflag:s19] =	ssyncadd.s32 $0xFFFFC000  }
0x4d: {  	[spmem:s2] =	stream.indirect.scatter.add.f32 [tilespmem:s17], [sflag:$0x3], $0x80, s21, s14, $0xb8;
	[tilespmem:$0x1E800] =	vst v63  }
0x4e: {  	_ =	swait.ge [sflag:s11], $0x4000  }
0x4f: {  	s23 =	sadd.s32 $0x1, s23;
	[sflag:s11] =	ssyncset.done $0x0  }
0x50: {  	p0 =	sne.s32 s23, s9;
	[sflag:s11] =	ssyncadd.s32 $0xFFFFC000  }
.Ltmp1:
0x51: {  	[bflag:$0x0] =	sbarrier.arrive $0xFFFF;
	(pc) =	sbr.rel @p0 .LBB2_1-.Ltmp1, $4  }
0x52: {  	[hbm:s22], [sflag:s6] =	dma.local [spmem:s10], $0x2800  }
0x53: {  	_ =	swait.ge [sflag:s11], $0x2800  }
0x54: {  	[sflag:s11] =	ssyncset.done $0x0  }
0x55: {  	[sflag:s11] =	ssyncadd.s32 $0xFFFFD800  }
0x56: {  	_ =	sfence.sel $0x180000  }
0x57: {  	[bflag:$0x0] =	sbarrier.arrive $0xFFFF  }
0x58: {  	p0 =	sne.s32 s0, $0x0;
	_ =	strace $0x90000056  }
0x59: {  	s0 =	sadd.s32 @!p0 $0x100000, s1;
	[bflag:$0x2] =	sbarrier.arrive $0xFFFF  }
0x5a: {  	[sflag:s0] =	ssyncadd.tile.s32 @!p0 $0x1;
	_ =	shalt  }
.Lfunc_end2:
_tile_overlayer_lowered:
.L_overlay_start_2:
0x5b: {  	(tag) =	ssettag $0x2  }
0x5c: {  	s0 =	rddreg [dreg:$0x0];
	s2 =	stileid.u32  }
0x5d: {  	s1 =	rddreg [dreg:$0x1];
	p0 =	sne.s32 s2, $0x0  }
0x5e: {  	s3 =	rddreg [dreg:$0x2];
	[bflag:$0x3] =	sbarrier.arrive $0xFFFF;
	s2 =	simm.s32 @!p0 $0x1C03  }
0x5f: {  	[timem:s3], [sflag:s2] =	dma.local @!p0 [hbm:s0], s1  }
0x60: {  	s0 =	simm.s32 @!p0 $0x3  }
0x61: {  	_ =	swait.ge @!p0 [sflag:s0], s1  }
0x62: {  	s1 =	ssub.s32 @!p0 $0x0, s1;
	[sflag:s0] =	ssyncset.done @!p0 $0x0  }
0x63: {  	[sflag:s0] =	ssyncadd.s32 @!p0 s1  }
0x64: {  	[bflag:$0x3] =	sbarrier.arrive $0xFFFF  }
0x65: {  	_ =	shalt  }

// kernel: kernel.43.cloned.1.call-start
scs
__scs_entry_jumppad:
0x0: {  	(pc) =	sbr.rel $0x88, $3  }
0x1: {  	(tag) =	ssettag $0x0;
	lr =	simm.s32 $0x1  }
0x2: {  	[smem:$0x3F99] =	sst lr;
	_ =	strace $0xD0000000  }
0x3: {  	_ = 	snop  }
0x4: {  	_ = 	snop  }
0x5: {  	_ = 	snop  }
0x6: {  	_ = 	snop  }
0x7: {  	_ = 	snop  }
__scs_overlays_trampoline_lowered:
0x8: {  	[smem:$0x3FA8] =	sst s0  }
0x9: {  	[smem:$0x3FA9] =	sst s1  }
0xa: {  	[smem:$0x3FAA] =	sst s2  }
0xb: {  	[smem:$0x3FAB] =	sst s3  }
0xc: {  	[smem:$0x3FAC] =	sst s4  }
0xd: {  	[smem:$0x3FAD] =	sst s5  }
0xe: {  	[smem:$0x3FAE] =	sst s6  }
0xf: {  	[smem:$0x3FAF] =	sst s7  }
0x10: {  	[smem:$0x3FB0] =	sst s8  }
0x11: {  	[smem:$0x3FB1] =	sst s9;
	s0 =	simm.s32 @!p0 $0x0  }
0x12: {  	s1 =	sld [smem:$0x3F97];
	s0 =	simm.s32 @p0 $0x1  }
0x13: {  	[smem:$0x3FB2] =	sst s0;
	s0 =	simm.s32 @!p1 $0x0  }
0x14: {  	s2 =	sld [smem:$0x3F96];
	s0 =	simm.s32 @p1 $0x1  }
0x15: {  	[smem:$0x3FB3] =	sst s0;
	s0 =	simm.s32 @!p2 $0x0  }
0x16: {  	s3 =	sld [smem:$0x3FDB];
	s0 =	simm.s32 @p2 $0x1  }
0x17: {  	s4 =	simm.s32 $0x1BF5;
	[smem:$0x3FB5] =	sst s0  }
0x18: {  	s0 =	sld [smem:$0x3F98];
	_ =	swait.ge [sflag:s4], $0x0  }
0x19: {  	s7 =	sld [smem:$0x3F99]  }
0x1a: {  	s8 =	sadd.s32 $0xFFFFE003, lr  }
0x1b: {  	s9 =	sadd.s32 $0xFFFFFEF7, lr;
	s5 =	simm.s32 $0xFFFFFFFF;
	p2 =	slt.u32 s8, $0xFFFFF086  }
0x1c: {  	p1 =	slt.u32 s9, $0xF7A;
	s5 =	simm.s32 @!p2 $0x0  }
0x1d: {  	s5 =	simm.s32 @p1 $0x1;
	p0 =	seq.s32 s7, s2  }
0x1e: {  	s7 =	smul.u32 @!p0 $0xF7A, s2;
	p2 =	seq.s32 @!p0 s5, $0x0  }
0x1f: {  	s9 =	smul.u32 $0xF7A, s1;
	s8 =	simm.s32 @!p0 $0x1BF5;
	p2 =	por !p2, p0  }
0x20: {  	[sflag:s8] =	ssyncset.s32 @!p0 $0xFFFFF086;
	s6 =	sadd.s32 @!p0 s3, s7;
	s7 =	simm.s32 @!p0 $0x108  }
0x21: {  	s3 =	sadd.s32 s3, s9;
	s6 =	sadd.s32 @!p0 $0x88, s6;
	s7 =	simm.s32 @p2 $0x1082  }
0x22: {  	[simem:s7], [sflag:s8] =	dma.local @!p0 [hbm:s6], $0xF7A  }
0x23: {  	s9 =	sor.u32 $0xD0000000, s2;
	s6 =	simm.s32 $0x108;
	_ =	swait.ge @!p0 [sflag:s8], $0x0  }
0x24: {  	s3 =	sadd.s32 $0x88, s3;
	s6 =	simm.s32 @!p1 $0x1082;
	[sflag:s4] =	ssyncset.s32 $0xFFFFF086  }
0x25: {  	[simem:s6], [sflag:s4] =	dma.local [hbm:s3], $0xF7A  }
0x26: {  	[smem:$0x3F99] =	sst s1;
	(tag) =	ssettag s2;
	_ =	strace s9  }
0x27: {  	s1 =	sld [smem:$0x3FA9]  }
0x28: {  	s2 =	sld [smem:$0x3FAA]  }
0x29: {  	s4 =	sld [smem:$0x3FAC]  }
0x2a: {  	p0 =	seq.s32 s5, $0x0;
	s5 =	sld [smem:$0x3FAD]  }
0x2b: {  	s6 =	sld [smem:$0x3FAE]  }
0x2c: {  	s7 =	sld [smem:$0x3FAF]  }
0x2d: {  	s3 =	simm.s32 $0x108;
	s8 =	sld [smem:$0x3FB0]  }
0x2e: {  	s3 =	simm.s32 @!p0 $0x1082;
	s9 =	sld [smem:$0x3FB1]  }
0x2f: {  	lr =	sadd.s32 s0, s3;
	s0 =	sld [smem:$0x3FA8]  }
0x30: {  	s3 =	sld [smem:$0x3FAB]  }
0x31: {  	[smem:$0x3FB4] =	sst s10  }
0x32: {  	s10 =	sld [smem:$0x3FB2];
	_ =	sdelay $0x3  }
0x33: {  	p0 =	seq.s32 s10, $0x1;
	s10 =	sld [smem:$0x3FB4];
	_ =	sdelay $0x3  }
0x34: {  	[smem:$0x3FB4] =	sst s10  }
0x35: {  	s10 =	sld [smem:$0x3FB3];
	_ =	sdelay $0x3  }
0x36: {  	p1 =	seq.s32 s10, $0x1;
	s10 =	sld [smem:$0x3FB4];
	_ =	sdelay $0x3  }
0x37: {  	[smem:$0x3FB4] =	sst s10  }
0x38: {  	s10 =	sld [smem:$0x3FB5]  }
0x39: {  	_ = 	snop;
	(pc) =	sbr.ind lr, $3  }
0x3a: {  	_ = 	snop  }
0x3b: {  	_ = 	snop  }
0x3c: {  	p2 =	seq.s32 s10, $0x1;
	s10 =	sld [smem:$0x3FB4]  }
0x3d: {  	_ =	shalt  }
0x3e: {  	_ =	shalt  }
0x3f: {  	_ =	shalt  }
0x40: {  	_ =	shalt  }
0x41: {  	_ =	shalt  }
0x42: {  	_ =	shalt  }
0x43: {  	_ =	shalt  }
0x44: {  	_ =	shalt  }
0x45: {  	_ =	shalt  }
0x46: {  	_ =	shalt  }
0x47: {  	_ =	shalt  }
0x48: {  	_ =	shalt  }
0x49: {  	_ =	shalt  }
0x4a: {  	_ =	shalt  }
0x4b: {  	_ =	shalt  }
0x4c: {  	_ =	shalt  }
0x4d: {  	_ =	shalt  }
0x4e: {  	_ =	shalt  }
0x4f: {  	_ =	shalt  }
0x50: {  	_ =	shalt  }
0x51: {  	_ =	shalt  }
0x52: {  	_ =	shalt  }
0x53: {  	_ =	shalt  }
0x54: {  	_ =	shalt  }
0x55: {  	_ =	shalt  }
0x56: {  	_ =	shalt  }
0x57: {  	_ =	shalt  }
0x58: {  	_ =	shalt  }
0x59: {  	_ =	shalt  }
0x5a: {  	_ =	shalt  }
0x5b: {  	_ =	shalt  }
0x5c: {  	_ =	shalt  }
0x5d: {  	_ =	shalt  }
0x5e: {  	_ =	shalt  }
0x5f: {  	_ =	shalt  }
0x60: {  	_ =	shalt  }
0x61: {  	_ =	shalt  }
0x62: {  	_ =	shalt  }
0x63: {  	_ =	shalt  }
0x64: {  	_ =	shalt  }
0x65: {  	_ =	shalt  }
0x66: {  	_ =	shalt  }
0x67: {  	_ =	shalt  }
0x68: {  	_ =	shalt  }
0x69: {  	_ =	shalt  }
0x6a: {  	_ =	shalt  }
0x6b: {  	_ =	shalt  }
0x6c: {  	_ =	shalt  }
0x6d: {  	_ =	shalt  }
0x6e: {  	_ =	shalt  }
0x6f: {  	_ =	shalt  }
0x70: {  	_ =	shalt  }
0x71: {  	_ =	shalt  }
0x72: {  	_ =	shalt  }
0x73: {  	_ =	shalt  }
0x74: {  	_ =	shalt  }
0x75: {  	_ =	shalt  }
0x76: {  	_ =	shalt  }
0x77: {  	_ =	shalt  }
0x78: {  	_ =	shalt  }
0x79: {  	_ =	shalt  }
0x7a: {  	_ =	shalt  }
0x7b: {  	_ =	shalt  }
0x7c: {  	_ =	shalt  }
0x7d: {  	_ =	shalt  }
0x7e: {  	_ =	shalt  }
0x7f: {  	_ =	shalt  }
0x80: {  	_ =	shalt  }
0x81: {  	_ =	shalt  }
0x82: {  	_ =	shalt  }
0x83: {  	_ =	shalt  }
0x84: {  	_ =	shalt  }
0x85: {  	_ =	shalt  }
0x86: {  	_ =	shalt  }
0x87: {  	_ =	shalt  }
.Lfunc_end0:
.L_simem_size_0:
called_computation.6_lowered:
.L_overlay_start_0:
0x88: {  	s2 =	sld [smem:$0x3FD9]  }
0x89: {  	s3 =	sld [smem:$0x3FFE];
	_ =	sdelay $0x1  }
0x8a: {  	s1 =	srdreg.scid  }
0x8b: {  	s0 =	sand.u32 $0x1, s1  }
0x8c: {  	s17 =	sshll.u32 s0, $0xA;
	s2 =	sadd.s32 s3, s2  }
0x8d: {  	s2 =	sadd.s32 s2, s17  }
0x8e: {  	[smem:$0x3FC0] =	sst s2  }
0x8f: {  	_ = 	snop  }
0x90: {  	s2 =	sld [smem:$0x3FD0];
	(tm) =	ssettm $0x1  }
0x91: {  	s18 =	sld [smem:$0x3FFB];
	_ =	sdelay $0x3  }
0x92: {  	_ =	strace s18  }
0x93: {  	s3 =	sld [smem:$0x3FFC];
	_ =	sdelay $0x3  }
0x94: {  	_ =	strace s3  }
0x95: {  	s3 =	sld [smem:$0x3FFD];
	_ =	sdelay $0x3  }
0x96: {  	_ =	strace s3  }
0x97: {  	_ =	strace $0x8FFFFFFF  }
0x98: {  	s19 =	sld [smem:$0x3FDB];
	_ =	sdelay $0x1  }
0x99: {  	s4 =	simm.s32 $_scs_section_size  }
0x9a: {  	s5 =	simm.s32 $_size__tile_overlayer_lowered;
	s6 =	simm.s32 $_tile_overlayer_lowered  }
0x9b: {  	s22 =	simm.s32 $0x1BFF;
	s21 =	sshll.u32 s6, $0x1;
	s3 =	sadd.s32 s4, s19  }
0x9c: {  	s7 =	simm.s32 $0x0;
	s20 =	sshll.u32 s5, $0x1;
	s5 =	sadd.s32 s21, s3  }
0x9d: {  	[timem:s7], [sflag:s22] =	dma.local [hbm:s5], s20  }
0x9e: {  	_ =	swait.ge [sflag:s22], s20  }
0x9f: {  	s4 =	ssub.s32 $0x0, s20;
	[sflag:s22] =	ssyncset.done $0x0  }
0xa0: {  	[sflag:s22] =	ssyncadd.s32 s4;
	_ =	sdelay $0x1  }
0xa1: {  	s23 =	simm.s32 $0x1B8B  }
0xa2: {  	_ =	swait.ge [sflag:s23], $0x1  }
0xa3: {  	[sflag:s23] =	ssyncset.done $0x0  }
0xa4: {  	s25 =	simm.s32 $0x1B8E;
	s24 =	sld [smem:$0x3FFE];
	[sflag:s23] =	ssyncadd.s32 $0xFFFFFFFF  }
0xa5: {  	s26 =	simm.s32 $execute0_lowered;
	[smem:$0x3FD2] =	sst s25  }
0xa6: {  	s5 =	sshll.u32 s26, $0x1;
	_ =	strace $0x80000058;
	[dreg:$0x1] =	wrdreg $0xFFFFFFFF  }
0xa7: {  	s28 =	simm.s32 $_size_execute0_lowered;
	s3 =	sadd.s32 s3, s5;
	[dreg:$0x0] =	wrdreg $0x0  }
0xa8: {  	s5 =	sshll.u32 s28, $0x1;
	[dreg:$0x2] =	wrdreg s3  }
0xa9: {  	[dreg:$0x3] =	wrdreg s5  }
0xaa: {  	[dreg:$0x4] =	wrdreg $0xC0  }
0xab: {  	_ =	task [dreg:s7], $0x5FFFF  }
0xac: {  	[dreg:$0x1] =	wrdreg $0xFFFFFFFF  }
0xad: {  	[dreg:$0x0] =	wrdreg $0x60  }
0xae: {  	[dreg:$0x2] =	wrdreg s24  }
0xaf: {  	[dreg:$0x3] =	wrdreg s2  }
0xb0: {  	[dreg:$0x4] =	wrdreg $0x0  }
0xb1: {  	[dreg:$0x5] =	wrdreg $0x9  }
0xb2: {  	_ =	task.clear_ibuf [dreg:s7], $0x6FFFF;
	_ =	strace $0x90000058  }
0xb3: {  	s29 =	simm.s32 $0x9;
	_ =	strace $0x8000005A  }
0xb4: {  	_ =	swait.ge [sflag:s29], $0x1  }
0xb5: {  	[sflag:s29] =	ssyncadd.s32 $0xFFFFFFFF  }
0xb6: {  	_ =	strace $0x9000005A  }
0xb7: {  	_ =	sfence  }
0xb8: {  	s30 =	sld [smem:$0x0];
	_ =	sdelay $0x2  }
0xb9: {  	s31 =	sshll.u32 s1, $0xD;
	s1 =	sshrl.u32 s1, $0x2  }
0xba: {  	s3 =	sand.u32 $0x4000, s31;
	s1 =	sadd.s32 s1, s30  }
0xbb: {  	s0 =	sor.u32 s3, s0;
	s1 =	sshll.u32 s1, $0x11  }
0xbc: {  	s0 =	sor.u32 s1, s0  }
0xbd: {  	s0 =	sadd.s32 $0x8F2B, s0  }
0xbe: {  	[sflag:s0] =	ssyncadd.remote.s32 $0x1  }
0xbf: {  	_ =	sfence.sel $0xFFFF  }
0xc0: {  	[dreg:$0x0] =	wrdreg $0xFFFFFFFF;
	(pc) =	sbr.abs _section_cstart, $3  }
0xc1: {  	[dreg:$0x1] =	wrdreg $0xFFFFFFFF  }
0xc2: {  	_ =	task.clear_ibuf [dreg:s7], $0x2FFFF;
	_ =	strace $0x9FFFFFFF  }
0xc3: {  	(tm) =	ssettm $0x7FFFFFFF  }
tec
execute0_lowered:
.L_overlay_start_1:
0x0: {  	(tag) =	ssettag $0x1  }
0x1: {  	s5 =	rddreg [dreg:$0x0]  }
0x2: {  	s7 =	rddreg [dreg:$0x1]  }
0x3: {  	s0 =	srdreg.scid;
	s2 =	rddreg [dreg:$0x2]  }
0x4: {  	s3 =	simm.s32 $0x0;
	s14 =	simm.s32 $0x80;
	s15 =	simm.s32 $0x14000  }
0x5: {  	s16 =	simm.s32 $0x1C080;
	s17 =	simm.s32 $0x18000;
	s18 =	simm.s32 $0x1  }
0x6: {  	s19 =	simm.s32 $0x2;
	s6 =	sand.u32 $0x1, s0;
	s0 =	stileid.u32  }
0x7: {  	s20 =	simm.s32 $0x1E700;
	s21 =	simm.s32 $0x1E780;
	s22 =	smul.u32 $0x2800, s0  }
0x8: {  	[smem:$0x7FF] =	sst s3;
	s1 =	sshll.u32 s6, $0x4;
	s9 =	smul.u32 $0x28000, s6  }
0x9: {  	s6 =	ssub.s32 $0x2, s6;
	s11 =	smul.u32 $0x50000, s0;
	s31 =	sshll.u32 s0, $0x6  }
0xa: {  	s4 =	sor.u32 s0, s1;
	s1 =	rddreg [dreg:$0x3];
	_ =	strace $0x80000059  }
0xb: {  	s29 =	sshrl.u32 s6, $0x1;
	s8 =	smul.u32 $0x280, s4;
	s4 =	sadd.s32 $0x33800, s5  }
0xc: {  	s12 =	sadd.s32 s22, s5;
	s9 =	sadd.s32 s9, s5;
	s30 =	sshrl.u32 s11, $0x2  }
0xd: {  	s13 =	ssub.s32 s6, s29;
	s6 =	sor.u32 $0x1C03, s31;
	s11 =	sadd.s32 s30, s2  }
0xe: {  	s23 =	sadd.s32 $0x83800, s9;
	s9 =	smax.u32 s13, $0x1;
	s13 =	simm.s32 $0x1D400  }
0xf: {  	s10 =	sadd.s32 s8, s5;
	s5 =	sadd.s32 $0xB800, s12;
	s7 =	sadd.s32 s7, s8  }
0x10: {  	s12 =	simm.s32 $0x1C000;
	s22 =	sadd.s32 s22, s23;
	s23 =	simm.s32 $0x0  }
0x11: {  	s8 =	sadd.s32 $0x6800, s10;
	s10 =	sshrl.u32 s11, $0x3;
	s11 =	simm.s32 $0x3  }
.LBB2_1:
0x12: {  	[spmem:s10], [sflag:s6] =	dma.local [hbm:s5], $0x2800  }
0x13: {  	_ =	swait.ge [sflag:s11], $0x2800  }
0x14: {  	[sflag:s11] =	ssyncset.done $0x0  }
0x15: {  	[sflag:s11] =	ssyncadd.s32 $0xFFFFD800  }
0x16: {  	[tilespmem:s12], [sflag:$0x3] =	stream.linear.gather [hbm4b:s7+s3], $0x1400, $0x38;
	[tilespmem:$0x1E800] =	vst v63  }
0x17: {  	_ =	swait.ge [sflag:s11], $0x1400  }
0x18: {  	[sflag:s11] =	ssyncset.done $0x0  }
0x19: {  	[sflag:s11] =	ssyncadd.s32 $0xFFFFEC00  }
0x1a: {  	[tilespmem:s13], [sflag:$0x3] =	stream.linear.gather [hbm4b:s8+s3], $0x1400, $0x38;
	[tilespmem:$0x1E800] =	vst v63  }
0x1b: {  	_ =	swait.ge [sflag:s11], $0x1400  }
0x1c: {  	[sflag:s11] =	ssyncset.done $0x0  }
0x1d: {  	[sflag:s11] =	ssyncadd.s32 $0xFFFFEC00  }
0x1e: {  	[bflag:$0x0] =	sbarrier.arrive $0xFFFF  }
0x1f: {  	[tilespmem:s15], [sflag:$0x1] =	stream.indirect.gather [hbm4b:s4+s14], $0x80, s12, s14, $0xb8;
	[tilespmem:$0x1E800] =	vst v63  }
0x20: {  	_ = 	snop  }
0x21: {  	[tilespmem:s17], [sflag:$0x2] =	stream.indirect.gather [hbm4b:s4+s14], $0x80, s16, s14, $0xb8;
	[tilespmem:$0x1E800] =	vst v63  }
0x22: {  	_ =	swait.ge [sflag:s18], $0x4000  }
0x23: {  	[sflag:s18] =	ssyncset.done $0x0  }
0x24: {  	s24 =	simm.s32 $0x1D400;
	[sflag:s18] =	ssyncadd.s32 $0xFFFFC000  }
0x25: {  	[spmem:s2] =	stream.indirect.scatter.add.f32 [tilespmem:s15], [sflag:$0x3], $0x80, s24, s14, $0xb8;
	[tilespmem:$0x1E800] =	vst v63  }
0x26: {  	_ =	swait.ge [sflag:s11], $0x4000  }
0x27: {  	[sflag:s11] =	ssyncset.done $0x0  }
0x28: {  	s30 =	simm.s32 $0x1C100;
	[sflag:s11] =	ssyncadd.s32 $0xFFFFC000  }
0x29: {  	[tilespmem:s15], [sflag:$0x1] =	stream.indirect.gather [hbm4b:s4+s14], $0x80, s30, s14, $0xb8;
	[tilespmem:$0x1E800] =	vst v63  }
0x2a: {  	_ =	swait.ge [sflag:s19], $0x4000  }
0x2b: {  	[sflag:s19] =	ssyncset.done $0x0  }
0x2c: {  	s31 =	simm.s32 $0x1D480;
	[sflag:s19] =	ssyncadd.s32 $0xFFFFC000  }
0x2d: {  	[spmem:s2] =	stream.indirect.scatter.add.f32 [tilespmem:s17], [sflag:$0x3], $0x80, s31, s14, $0xb8;
	[tilespmem:$0x1E800] =	vst v63  }
0x2e: {  	_ =	swait.ge [sflag:s11], $0x4000  }
0x2f: {  	[sflag:s11] =	ssyncset.done $0x0  }
0x30: {  	s25 =	simm.s32 $0x1C180;
	s24 =	simm.s32 $0x400;
	[sflag:s11] =	ssyncadd.s32 $0xFFFFC000  }
.LBB2_2:
0x31: {  	[tilespmem:s17], [sflag:$0x2] =	stream.indirect.gather [hbm4b:s4+s14], $0x80, s25, s14, $0xb8;
	[tilespmem:$0x1E800] =	vst v63  }
0x32: {  	s25 =	smov.u32 s24  }
0x33: {  	p0 =	sne.s32 s24, $0x4800;
	s24 =	sadd.s32 $0x400, s24;
	_ =	swait.ge [sflag:s18], $0x4000  }
0x34: {  	s25 =	sshra.s32 s25, $0x2;
	[sflag:s18] =	ssyncset.done $0x0  }
0x35: {  	s26 =	sadd.s32 $0x1D400, s25;
	[sflag:s18] =	ssyncadd.s32 $0xFFFFC000  }
0x36: {  	[spmem:s2] =	stream.indirect.scatter.add.f32 [tilespmem:s15], [sflag:$0x3], $0x80, s26, s14, $0xb8;
	[tilespmem:$0x1E800] =	vst v63  }
0x37: {  	_ =	swait.ge [sflag:s11], $0x4000  }
0x38: {  	[sflag:s11] =	ssyncset.done $0x0  }
0x39: {  	s26 =	sadd.s32 $0x1C100, s25;
	[sflag:s11] =	ssyncadd.s32 $0xFFFFC000  }
0x3a: {  	[tilespmem:s15], [sflag:$0x1] =	stream.indirect.gather [hbm4b:s4+s14], $0x80, s26, s14, $0xb8;
	[tilespmem:$0x1E800] =	vst v63  }
0x3b: {  	_ =	swait.ge [sflag:s19], $0x4000  }
0x3c: {  	[sflag:s19] =	ssyncset.done $0x0  }
.Ltmp0:
0x3d: {  	s26 =	sadd.s32 $0x1D480, s25;
	[sflag:s19] =	ssyncadd.s32 $0xFFFFC000;
	(pc) =	sbr.rel @p0 .LBB2_2-.Ltmp0, $4  }
0x3e: {  	[spmem:s2] =	stream.indirect.scatter.add.f32 [tilespmem:s17], [sflag:$0x3], $0x80, s26, s14, $0xb8;
	[tilespmem:$0x1E800] =	vst v63  }
0x3f: {  	_ =	swait.ge [sflag:s11], $0x4000  }
0x40: {  	[sflag:s11] =	ssyncset.done $0x0  }
0x41: {  	s25 =	sadd.s32 $0x1C180, s25;
	[sflag:s11] =	ssyncadd.s32 $0xFFFFC000  }
0x42: {  	[tilespmem:s17], [sflag:$0x2] =	stream.indirect.gather [hbm4b:s4+s14], $0x80, s25, s14, $0xb8;
	[tilespmem:$0x1E800] =	vst v63  }
0x43: {  	_ =	swait.ge [sflag:s18], $0x4000  }
0x44: {  	[sflag:s18] =	ssyncset.done $0x0  }
0x45: {  	[sflag:s18] =	ssyncadd.s32 $0xFFFFC000  }
0x46: {  	[spmem:s2] =	stream.indirect.scatter.add.f32 [tilespmem:s15], [sflag:$0x3], $0x80, s20, s14, $0xb8;
	[tilespmem:$0x1E800] =	vst v63  }
0x47: {  	_ =	swait.ge [sflag:s11], $0x4000  }
0x48: {  	[sflag:s11] =	ssyncset.done $0x0  }
0x49: {  	[sflag:s11] =	ssyncadd.s32 $0xFFFFC000  }
0x4a: {  	_ =	swait.ge [sflag:s19], $0x4000  }
0x4b: {  	[sflag:s19] =	ssyncset.done $0x0  }
0x4c: {  	[sflag:s19] =	ssyncadd.s32 $0xFFFFC000  }
0x4d: {  	[spmem:s2] =	stream.indirect.scatter.add.f32 [tilespmem:s17], [sflag:$0x3], $0x80, s21, s14, $0xb8;
	[tilespmem:$0x1E800] =	vst v63  }
0x4e: {  	_ =	swait.ge [sflag:s11], $0x4000  }
0x4f: {  	s23 =	sadd.s32 $0x1, s23;
	[sflag:s11] =	ssyncset.done $0x0  }
0x50: {  	p0 =	sne.s32 s23, s9;
	[sflag:s11] =	ssyncadd.s32 $0xFFFFC000  }
.Ltmp1:
0x51: {  	[bflag:$0x0] =	sbarrier.arrive $0xFFFF;
	(pc) =	sbr.rel @p0 .LBB2_1-.Ltmp1, $4  }
0x52: {  	[hbm:s22], [sflag:s6] =	dma.local [spmem:s10], $0x2800  }
0x53: {  	_ =	swait.ge [sflag:s11], $0x2800  }
0x54: {  	[sflag:s11] =	ssyncset.done $0x0  }
0x55: {  	[sflag:s11] =	ssyncadd.s32 $0xFFFFD800  }
0x56: {  	_ =	sfence.sel $0x180000  }
0x57: {  	[bflag:$0x0] =	sbarrier.arrive $0xFFFF  }
0x58: {  	p0 =	sne.s32 s0, $0x0;
	_ =	strace $0x90000059  }
0x59: {  	s0 =	sadd.s32 @!p0 $0x100000, s1;
	[bflag:$0x2] =	sbarrier.arrive $0xFFFF  }
0x5a: {  	[sflag:s0] =	ssyncadd.tile.s32 @!p0 $0x1;
	_ =	shalt  }
.Lfunc_end2:
_tile_overlayer_lowered:
.L_overlay_start_2:
0x5b: {  	(tag) =	ssettag $0x2  }
0x5c: {  	s0 =	rddreg [dreg:$0x0];
	s2 =	stileid.u32  }
0x5d: {  	s1 =	rddreg [dreg:$0x1];
	p0 =	sne.s32 s2, $0x0  }
0x5e: {  	s3 =	rddreg [dreg:$0x2];
	[bflag:$0x3] =	sbarrier.arrive $0xFFFF;
	s2 =	simm.s32 @!p0 $0x1C03  }
0x5f: {  	[timem:s3], [sflag:s2] =	dma.local @!p0 [hbm:s0], s1  }
0x60: {  	s0 =	simm.s32 @!p0 $0x3  }
0x61: {  	_ =	swait.ge @!p0 [sflag:s0], s1  }
0x62: {  	s1 =	ssub.s32 @!p0 $0x0, s1;
	[sflag:s0] =	ssyncset.done @!p0 $0x0  }
0x63: {  	[sflag:s0] =	ssyncadd.s32 @!p0 s1  }
0x64: {  	[bflag:$0x3] =	sbarrier.arrive $0xFFFF  }
0x65: {  	_ =	shalt  }

// kernel: kernel.46.cloned.1.call-start
scs
__scs_entry_jumppad:
0x0: {  	(pc) =	sbr.rel $0x88, $3  }
0x1: {  	(tag) =	ssettag $0x0;
	lr =	simm.s32 $0x1  }
0x2: {  	[smem:$0x3F99] =	sst lr;
	_ =	strace $0xD0000000  }
0x3: {  	_ = 	snop  }
0x4: {  	_ = 	snop  }
0x5: {  	_ = 	snop  }
0x6: {  	_ = 	snop  }
0x7: {  	_ = 	snop  }
__scs_overlays_trampoline_lowered:
0x8: {  	[smem:$0x3FA8] =	sst s0  }
0x9: {  	[smem:$0x3FA9] =	sst s1  }
0xa: {  	[smem:$0x3FAA] =	sst s2  }
0xb: {  	[smem:$0x3FAB] =	sst s3  }
0xc: {  	[smem:$0x3FAC] =	sst s4  }
0xd: {  	[smem:$0x3FAD] =	sst s5  }
0xe: {  	[smem:$0x3FAE] =	sst s6  }
0xf: {  	[smem:$0x3FAF] =	sst s7  }
0x10: {  	[smem:$0x3FB0] =	sst s8  }
0x11: {  	[smem:$0x3FB1] =	sst s9;
	s0 =	simm.s32 @!p0 $0x0  }
0x12: {  	s1 =	sld [smem:$0x3F97];
	s0 =	simm.s32 @p0 $0x1  }
0x13: {  	[smem:$0x3FB2] =	sst s0;
	s0 =	simm.s32 @!p1 $0x0  }
0x14: {  	s2 =	sld [smem:$0x3F96];
	s0 =	simm.s32 @p1 $0x1  }
0x15: {  	[smem:$0x3FB3] =	sst s0;
	s0 =	simm.s32 @!p2 $0x0  }
0x16: {  	s3 =	sld [smem:$0x3FDB];
	s0 =	simm.s32 @p2 $0x1  }
0x17: {  	s4 =	simm.s32 $0x1BF5;
	[smem:$0x3FB5] =	sst s0  }
0x18: {  	s0 =	sld [smem:$0x3F98];
	_ =	swait.ge [sflag:s4], $0x0  }
0x19: {  	s7 =	sld [smem:$0x3F99]  }
0x1a: {  	s8 =	sadd.s32 $0xFFFFE003, lr  }
0x1b: {  	s9 =	sadd.s32 $0xFFFFFEF7, lr;
	s5 =	simm.s32 $0xFFFFFFFF;
	p2 =	slt.u32 s8, $0xFFFFF086  }
0x1c: {  	p1 =	slt.u32 s9, $0xF7A;
	s5 =	simm.s32 @!p2 $0x0  }
0x1d: {  	s5 =	simm.s32 @p1 $0x1;
	p0 =	seq.s32 s7, s2  }
0x1e: {  	s7 =	smul.u32 @!p0 $0xF7A, s2;
	p2 =	seq.s32 @!p0 s5, $0x0  }
0x1f: {  	s9 =	smul.u32 $0xF7A, s1;
	s8 =	simm.s32 @!p0 $0x1BF5;
	p2 =	por !p2, p0  }
0x20: {  	[sflag:s8] =	ssyncset.s32 @!p0 $0xFFFFF086;
	s6 =	sadd.s32 @!p0 s3, s7;
	s7 =	simm.s32 @!p0 $0x108  }
0x21: {  	s3 =	sadd.s32 s3, s9;
	s6 =	sadd.s32 @!p0 $0x88, s6;
	s7 =	simm.s32 @p2 $0x1082  }
0x22: {  	[simem:s7], [sflag:s8] =	dma.local @!p0 [hbm:s6], $0xF7A  }
0x23: {  	s9 =	sor.u32 $0xD0000000, s2;
	s6 =	simm.s32 $0x108;
	_ =	swait.ge @!p0 [sflag:s8], $0x0  }
0x24: {  	s3 =	sadd.s32 $0x88, s3;
	s6 =	simm.s32 @!p1 $0x1082;
	[sflag:s4] =	ssyncset.s32 $0xFFFFF086  }
0x25: {  	[simem:s6], [sflag:s4] =	dma.local [hbm:s3], $0xF7A  }
0x26: {  	[smem:$0x3F99] =	sst s1;
	(tag) =	ssettag s2;
	_ =	strace s9  }
0x27: {  	s1 =	sld [smem:$0x3FA9]  }
0x28: {  	s2 =	sld [smem:$0x3FAA]  }
0x29: {  	s4 =	sld [smem:$0x3FAC]  }
0x2a: {  	p0 =	seq.s32 s5, $0x0;
	s5 =	sld [smem:$0x3FAD]  }
0x2b: {  	s6 =	sld [smem:$0x3FAE]  }
0x2c: {  	s7 =	sld [smem:$0x3FAF]  }
0x2d: {  	s3 =	simm.s32 $0x108;
	s8 =	sld [smem:$0x3FB0]  }
0x2e: {  	s3 =	simm.s32 @!p0 $0x1082;
	s9 =	sld [smem:$0x3FB1]  }
0x2f: {  	lr =	sadd.s32 s0, s3;
	s0 =	sld [smem:$0x3FA8]  }
0x30: {  	s3 =	sld [smem:$0x3FAB]  }
0x31: {  	[smem:$0x3FB4] =	sst s10  }
0x32: {  	s10 =	sld [smem:$0x3FB2];
	_ =	sdelay $0x3  }
0x33: {  	p0 =	seq.s32 s10, $0x1;
	s10 =	sld [smem:$0x3FB4];
	_ =	sdelay $0x3  }
0x34: {  	[smem:$0x3FB4] =	sst s10  }
0x35: {  	s10 =	sld [smem:$0x3FB3];
	_ =	sdelay $0x3  }
0x36: {  	p1 =	seq.s32 s10, $0x1;
	s10 =	sld [smem:$0x3FB4];
	_ =	sdelay $0x3  }
0x37: {  	[smem:$0x3FB4] =	sst s10  }
0x38: {  	s10 =	sld [smem:$0x3FB5]  }
0x39: {  	_ = 	snop;
	(pc) =	sbr.ind lr, $3  }
0x3a: {  	_ = 	snop  }
0x3b: {  	_ = 	snop  }
0x3c: {  	p2 =	seq.s32 s10, $0x1;
	s10 =	sld [smem:$0x3FB4]  }
0x3d: {  	_ =	shalt  }
0x3e: {  	_ =	shalt  }
0x3f: {  	_ =	shalt  }
0x40: {  	_ =	shalt  }
0x41: {  	_ =	shalt  }
0x42: {  	_ =	shalt  }
0x43: {  	_ =	shalt  }
0x44: {  	_ =	shalt  }
0x45: {  	_ =	shalt  }
0x46: {  	_ =	shalt  }
0x47: {  	_ =	shalt  }
0x48: {  	_ =	shalt  }
0x49: {  	_ =	shalt  }
0x4a: {  	_ =	shalt  }
0x4b: {  	_ =	shalt  }
0x4c: {  	_ =	shalt  }
0x4d: {  	_ =	shalt  }
0x4e: {  	_ =	shalt  }
0x4f: {  	_ =	shalt  }
0x50: {  	_ =	shalt  }
0x51: {  	_ =	shalt  }
0x52: {  	_ =	shalt  }
0x53: {  	_ =	shalt  }
0x54: {  	_ =	shalt  }
0x55: {  	_ =	shalt  }
0x56: {  	_ =	shalt  }
0x57: {  	_ =	shalt  }
0x58: {  	_ =	shalt  }
0x59: {  	_ =	shalt  }
0x5a: {  	_ =	shalt  }
0x5b: {  	_ =	shalt  }
0x5c: {  	_ =	shalt  }
0x5d: {  	_ =	shalt  }
0x5e: {  	_ =	shalt  }
0x5f: {  	_ =	shalt  }
0x60: {  	_ =	shalt  }
0x61: {  	_ =	shalt  }
0x62: {  	_ =	shalt  }
0x63: {  	_ =	shalt  }
0x64: {  	_ =	shalt  }
0x65: {  	_ =	shalt  }
0x66: {  	_ =	shalt  }
0x67: {  	_ =	shalt  }
0x68: {  	_ =	shalt  }
0x69: {  	_ =	shalt  }
0x6a: {  	_ =	shalt  }
0x6b: {  	_ =	shalt  }
0x6c: {  	_ =	shalt  }
0x6d: {  	_ =	shalt  }
0x6e: {  	_ =	shalt  }
0x6f: {  	_ =	shalt  }
0x70: {  	_ =	shalt  }
0x71: {  	_ =	shalt  }
0x72: {  	_ =	shalt  }
0x73: {  	_ =	shalt  }
0x74: {  	_ =	shalt  }
0x75: {  	_ =	shalt  }
0x76: {  	_ =	shalt  }
0x77: {  	_ =	shalt  }
0x78: {  	_ =	shalt  }
0x79: {  	_ =	shalt  }
0x7a: {  	_ =	shalt  }
0x7b: {  	_ =	shalt  }
0x7c: {  	_ =	shalt  }
0x7d: {  	_ =	shalt  }
0x7e: {  	_ =	shalt  }
0x7f: {  	_ =	shalt  }
0x80: {  	_ =	shalt  }
0x81: {  	_ =	shalt  }
0x82: {  	_ =	shalt  }
0x83: {  	_ =	shalt  }
0x84: {  	_ =	shalt  }
0x85: {  	_ =	shalt  }
0x86: {  	_ =	shalt  }
0x87: {  	_ =	shalt  }
.Lfunc_end0:
.L_simem_size_0:
called_computation.7_lowered:
.L_overlay_start_0:
0x88: {  	s2 =	sld [smem:$0x3FD9]  }
0x89: {  	s3 =	sld [smem:$0x3FFE];
	_ =	sdelay $0x1  }
0x8a: {  	s1 =	srdreg.scid  }
0x8b: {  	s0 =	sand.u32 $0x1, s1  }
0x8c: {  	s17 =	sshll.u32 s0, $0xA;
	s2 =	sadd.s32 s3, s2  }
0x8d: {  	s2 =	sadd.s32 s2, s17  }
0x8e: {  	[smem:$0x3FC0] =	sst s2  }
0x8f: {  	_ = 	snop  }
0x90: {  	s2 =	sld [smem:$0x3FD0];
	(tm) =	ssettm $0x1  }
0x91: {  	s18 =	sld [smem:$0x3FFB];
	_ =	sdelay $0x3  }
0x92: {  	_ =	strace s18  }
0x93: {  	s3 =	sld [smem:$0x3FFC];
	_ =	sdelay $0x3  }
0x94: {  	_ =	strace s3  }
0x95: {  	s3 =	sld [smem:$0x3FFD];
	_ =	sdelay $0x3  }
0x96: {  	_ =	strace s3  }
0x97: {  	_ =	strace $0x8FFFFFFF  }
0x98: {  	s19 =	sld [smem:$0x3FDB];
	_ =	sdelay $0x1  }
0x99: {  	s4 =	simm.s32 $_scs_section_size  }
0x9a: {  	s5 =	simm.s32 $_size__tile_overlayer_lowered;
	s6 =	simm.s32 $_tile_overlayer_lowered  }
0x9b: {  	s22 =	simm.s32 $0x1BFF;
	s21 =	sshll.u32 s6, $0x1;
	s3 =	sadd.s32 s4, s19  }
0x9c: {  	s7 =	simm.s32 $0x0;
	s20 =	sshll.u32 s5, $0x1;
	s5 =	sadd.s32 s21, s3  }
0x9d: {  	[timem:s7], [sflag:s22] =	dma.local [hbm:s5], s20  }
0x9e: {  	_ =	swait.ge [sflag:s22], s20  }
0x9f: {  	s4 =	ssub.s32 $0x0, s20;
	[sflag:s22] =	ssyncset.done $0x0  }
0xa0: {  	[sflag:s22] =	ssyncadd.s32 s4;
	_ =	sdelay $0x1  }
0xa1: {  	s23 =	simm.s32 $0x1B8B  }
0xa2: {  	_ =	swait.ge [sflag:s23], $0x1  }
0xa3: {  	[sflag:s23] =	ssyncset.done $0x0  }
0xa4: {  	s25 =	simm.s32 $0x1B8E;
	s24 =	sld [smem:$0x3FFE];
	[sflag:s23] =	ssyncadd.s32 $0xFFFFFFFF  }
0xa5: {  	s26 =	simm.s32 $execute0_lowered;
	[smem:$0x3FD2] =	sst s25  }
0xa6: {  	s5 =	sshll.u32 s26, $0x1;
	_ =	strace $0x8000005B;
	[dreg:$0x1] =	wrdreg $0xFFFFFFFF  }
0xa7: {  	s28 =	simm.s32 $_size_execute0_lowered;
	s3 =	sadd.s32 s3, s5;
	[dreg:$0x0] =	wrdreg $0x0  }
0xa8: {  	s5 =	sshll.u32 s28, $0x1;
	[dreg:$0x2] =	wrdreg s3  }
0xa9: {  	[dreg:$0x3] =	wrdreg s5  }
0xaa: {  	[dreg:$0x4] =	wrdreg $0xC0  }
0xab: {  	_ =	task [dreg:s7], $0x5FFFF  }
0xac: {  	[dreg:$0x1] =	wrdreg $0xFFFFFFFF  }
0xad: {  	[dreg:$0x0] =	wrdreg $0x60  }
0xae: {  	[dreg:$0x2] =	wrdreg s24  }
0xaf: {  	[dreg:$0x3] =	wrdreg s2  }
0xb0: {  	[dreg:$0x4] =	wrdreg $0x0  }
0xb1: {  	[dreg:$0x5] =	wrdreg $0x9  }
0xb2: {  	_ =	task.clear_ibuf [dreg:s7], $0x6FFFF;
	_ =	strace $0x9000005B  }
0xb3: {  	s29 =	simm.s32 $0x9;
	_ =	strace $0x8000005D  }
0xb4: {  	_ =	swait.ge [sflag:s29], $0x1  }
0xb5: {  	[sflag:s29] =	ssyncadd.s32 $0xFFFFFFFF  }
0xb6: {  	_ =	strace $0x9000005D  }
0xb7: {  	_ =	sfence  }
0xb8: {  	s30 =	sld [smem:$0x0];
	_ =	sdelay $0x2  }
0xb9: {  	s31 =	sshll.u32 s1, $0xD;
	s1 =	sshrl.u32 s1, $0x2  }
0xba: {  	s3 =	sand.u32 $0x4000, s31;
	s1 =	sadd.s32 s1, s30  }
0xbb: {  	s0 =	sor.u32 s3, s0;
	s1 =	sshll.u32 s1, $0x11  }
0xbc: {  	s0 =	sor.u32 s1, s0  }
0xbd: {  	s0 =	sadd.s32 $0x8F2B, s0  }
0xbe: {  	[sflag:s0] =	ssyncadd.remote.s32 $0x1  }
0xbf: {  	_ =	sfence.sel $0xFFFF  }
0xc0: {  	[dreg:$0x0] =	wrdreg $0xFFFFFFFF;
	(pc) =	sbr.abs _section_cstart, $3  }
0xc1: {  	[dreg:$0x1] =	wrdreg $0xFFFFFFFF  }
0xc2: {  	_ =	task.clear_ibuf [dreg:s7], $0x2FFFF;
	_ =	strace $0x9FFFFFFF  }
0xc3: {  	(tm) =	ssettm $0x7FFFFFFF  }
tec
execute0_lowered:
.L_overlay_start_1:
0x0: {  	(tag) =	ssettag $0x1  }
0x1: {  	s5 =	rddreg [dreg:$0x0]  }
0x2: {  	s7 =	rddreg [dreg:$0x1]  }
0x3: {  	s0 =	srdreg.scid;
	s2 =	rddreg [dreg:$0x2]  }
0x4: {  	s3 =	simm.s32 $0x0;
	s14 =	simm.s32 $0x80;
	s15 =	simm.s32 $0x14000  }
0x5: {  	s16 =	simm.s32 $0x1C080;
	s17 =	simm.s32 $0x18000;
	s18 =	simm.s32 $0x1  }
0x6: {  	s19 =	simm.s32 $0x2;
	s6 =	sand.u32 $0x1, s0;
	s0 =	stileid.u32  }
0x7: {  	s20 =	simm.s32 $0x1E700;
	s21 =	simm.s32 $0x1E780;
	s22 =	smul.u32 $0x2800, s0  }
0x8: {  	[smem:$0x7FF] =	sst s3;
	s1 =	sshll.u32 s6, $0x4;
	s9 =	smul.u32 $0x28000, s6  }
0x9: {  	s6 =	ssub.s32 $0x2, s6;
	s11 =	smul.u32 $0x50000, s0;
	s31 =	sshll.u32 s0, $0x6  }
0xa: {  	s4 =	sor.u32 s0, s1;
	s1 =	rddreg [dreg:$0x3];
	_ =	strace $0x8000005C  }
0xb: {  	s29 =	sshrl.u32 s6, $0x1;
	s8 =	smul.u32 $0x280, s4;
	s4 =	sadd.s32 $0x33800, s5  }
0xc: {  	s12 =	sadd.s32 s22, s5;
	s9 =	sadd.s32 s9, s5;
	s30 =	sshrl.u32 s11, $0x2  }
0xd: {  	s13 =	ssub.s32 s6, s29;
	s6 =	sor.u32 $0x1C03, s31;
	s11 =	sadd.s32 s30, s2  }
0xe: {  	s23 =	sadd.s32 $0x83800, s9;
	s9 =	smax.u32 s13, $0x1;
	s13 =	simm.s32 $0x1D400  }
0xf: {  	s10 =	sadd.s32 s8, s5;
	s5 =	sadd.s32 $0xB800, s12;
	s7 =	sadd.s32 s7, s8  }
0x10: {  	s12 =	simm.s32 $0x1C000;
	s22 =	sadd.s32 s22, s23;
	s23 =	simm.s32 $0x0  }
0x11: {  	s8 =	sadd.s32 $0x6800, s10;
	s10 =	sshrl.u32 s11, $0x3;
	s11 =	simm.s32 $0x3  }
.LBB2_1:
0x12: {  	[spmem:s10], [sflag:s6] =	dma.local [hbm:s5], $0x2800  }
0x13: {  	_ =	swait.ge [sflag:s11], $0x2800  }
0x14: {  	[sflag:s11] =	ssyncset.done $0x0  }
0x15: {  	[sflag:s11] =	ssyncadd.s32 $0xFFFFD800  }
0x16: {  	[tilespmem:s12], [sflag:$0x3] =	stream.linear.gather [hbm4b:s7+s3], $0x1400, $0x38;
	[tilespmem:$0x1E800] =	vst v63  }
0x17: {  	_ =	swait.ge [sflag:s11], $0x1400  }
0x18: {  	[sflag:s11] =	ssyncset.done $0x0  }
0x19: {  	[sflag:s11] =	ssyncadd.s32 $0xFFFFEC00  }
0x1a: {  	[tilespmem:s13], [sflag:$0x3] =	stream.linear.gather [hbm4b:s8+s3], $0x1400, $0x38;
	[tilespmem:$0x1E800] =	vst v63  }
0x1b: {  	_ =	swait.ge [sflag:s11], $0x1400  }
0x1c: {  	[sflag:s11] =	ssyncset.done $0x0  }
0x1d: {  	[sflag:s11] =	ssyncadd.s32 $0xFFFFEC00  }
0x1e: {  	[bflag:$0x0] =	sbarrier.arrive $0xFFFF  }
0x1f: {  	[tilespmem:s15], [sflag:$0x1] =	stream.indirect.gather [hbm4b:s4+s14], $0x80, s12, s14, $0xb8;
	[tilespmem:$0x1E800] =	vst v63  }
0x20: {  	_ = 	snop  }
0x21: {  	[tilespmem:s17], [sflag:$0x2] =	stream.indirect.gather [hbm4b:s4+s14], $0x80, s16, s14, $0xb8;
	[tilespmem:$0x1E800] =	vst v63  }
0x22: {  	_ =	swait.ge [sflag:s18], $0x4000  }
0x23: {  	[sflag:s18] =	ssyncset.done $0x0  }
0x24: {  	s24 =	simm.s32 $0x1D400;
	[sflag:s18] =	ssyncadd.s32 $0xFFFFC000  }
0x25: {  	[spmem:s2] =	stream.indirect.scatter.add.f32 [tilespmem:s15], [sflag:$0x3], $0x80, s24, s14, $0xb8;
	[tilespmem:$0x1E800] =	vst v63  }
0x26: {  	_ =	swait.ge [sflag:s11], $0x4000  }
0x27: {  	[sflag:s11] =	ssyncset.done $0x0  }
0x28: {  	s30 =	simm.s32 $0x1C100;
	[sflag:s11] =	ssyncadd.s32 $0xFFFFC000  }
0x29: {  	[tilespmem:s15], [sflag:$0x1] =	stream.indirect.gather [hbm4b:s4+s14], $0x80, s30, s14, $0xb8;
	[tilespmem:$0x1E800] =	vst v63  }
0x2a: {  	_ =	swait.ge [sflag:s19], $0x4000  }
0x2b: {  	[sflag:s19] =	ssyncset.done $0x0  }
0x2c: {  	s31 =	simm.s32 $0x1D480;
	[sflag:s19] =	ssyncadd.s32 $0xFFFFC000  }
0x2d: {  	[spmem:s2] =	stream.indirect.scatter.add.f32 [tilespmem:s17], [sflag:$0x3], $0x80, s31, s14, $0xb8;
	[tilespmem:$0x1E800] =	vst v63  }
0x2e: {  	_ =	swait.ge [sflag:s11], $0x4000  }
0x2f: {  	[sflag:s11] =	ssyncset.done $0x0  }
0x30: {  	s25 =	simm.s32 $0x1C180;
	s24 =	simm.s32 $0x400;
	[sflag:s11] =	ssyncadd.s32 $0xFFFFC000  }
.LBB2_2:
0x31: {  	[tilespmem:s17], [sflag:$0x2] =	stream.indirect.gather [hbm4b:s4+s14], $0x80, s25, s14, $0xb8;
	[tilespmem:$0x1E800] =	vst v63  }
0x32: {  	s25 =	smov.u32 s24  }
0x33: {  	p0 =	sne.s32 s24, $0x4800;
	s24 =	sadd.s32 $0x400, s24;
	_ =	swait.ge [sflag:s18], $0x4000  }
0x34: {  	s25 =	sshra.s32 s25, $0x2;
	[sflag:s18] =	ssyncset.done $0x0  }
0x35: {  	s26 =	sadd.s32 $0x1D400, s25;
	[sflag:s18] =	ssyncadd.s32 $0xFFFFC000  }
0x36: {  	[spmem:s2] =	stream.indirect.scatter.add.f32 [tilespmem:s15], [sflag:$0x3], $0x80, s26, s14, $0xb8;
	[tilespmem:$0x1E800] =	vst v63  }
0x37: {  	_ =	swait.ge [sflag:s11], $0x4000  }
0x38: {  	[sflag:s11] =	ssyncset.done $0x0  }
0x39: {  	s26 =	sadd.s32 $0x1C100, s25;
	[sflag:s11] =	ssyncadd.s32 $0xFFFFC000  }
0x3a: {  	[tilespmem:s15], [sflag:$0x1] =	stream.indirect.gather [hbm4b:s4+s14], $0x80, s26, s14, $0xb8;
	[tilespmem:$0x1E800] =	vst v63  }
0x3b: {  	_ =	swait.ge [sflag:s19], $0x4000  }
0x3c: {  	[sflag:s19] =	ssyncset.done $0x0  }
.Ltmp0:
0x3d: {  	s26 =	sadd.s32 $0x1D480, s25;
	[sflag:s19] =	ssyncadd.s32 $0xFFFFC000;
	(pc) =	sbr.rel @p0 .LBB2_2-.Ltmp0, $4  }
0x3e: {  	[spmem:s2] =	stream.indirect.scatter.add.f32 [tilespmem:s17], [sflag:$0x3], $0x80, s26, s14, $0xb8;
	[tilespmem:$0x1E800] =	vst v63  }
0x3f: {  	_ =	swait.ge [sflag:s11], $0x4000  }
0x40: {  	[sflag:s11] =	ssyncset.done $0x0  }
0x41: {  	s25 =	sadd.s32 $0x1C180, s25;
	[sflag:s11] =	ssyncadd.s32 $0xFFFFC000  }
0x42: {  	[tilespmem:s17], [sflag:$0x2] =	stream.indirect.gather [hbm4b:s4+s14], $0x80, s25, s14, $0xb8;
	[tilespmem:$0x1E800] =	vst v63  }
0x43: {  	_ =	swait.ge [sflag:s18], $0x4000  }
0x44: {  	[sflag:s18] =	ssyncset.done $0x0  }
0x45: {  	[sflag:s18] =	ssyncadd.s32 $0xFFFFC000  }
0x46: {  	[spmem:s2] =	stream.indirect.scatter.add.f32 [tilespmem:s15], [sflag:$0x3], $0x80, s20, s14, $0xb8;
	[tilespmem:$0x1E800] =	vst v63  }
0x47: {  	_ =	swait.ge [sflag:s11], $0x4000  }
0x48: {  	[sflag:s11] =	ssyncset.done $0x0  }
0x49: {  	[sflag:s11] =	ssyncadd.s32 $0xFFFFC000  }
0x4a: {  	_ =	swait.ge [sflag:s19], $0x4000  }
0x4b: {  	[sflag:s19] =	ssyncset.done $0x0  }
0x4c: {  	[sflag:s19] =	ssyncadd.s32 $0xFFFFC000  }
0x4d: {  	[spmem:s2] =	stream.indirect.scatter.add.f32 [tilespmem:s17], [sflag:$0x3], $0x80, s21, s14, $0xb8;
	[tilespmem:$0x1E800] =	vst v63  }
0x4e: {  	_ =	swait.ge [sflag:s11], $0x4000  }
0x4f: {  	s23 =	sadd.s32 $0x1, s23;
	[sflag:s11] =	ssyncset.done $0x0  }
0x50: {  	p0 =	sne.s32 s23, s9;
	[sflag:s11] =	ssyncadd.s32 $0xFFFFC000  }
.Ltmp1:
0x51: {  	[bflag:$0x0] =	sbarrier.arrive $0xFFFF;
	(pc) =	sbr.rel @p0 .LBB2_1-.Ltmp1, $4  }
0x52: {  	[hbm:s22], [sflag:s6] =	dma.local [spmem:s10], $0x2800  }
0x53: {  	_ =	swait.ge [sflag:s11], $0x2800  }
0x54: {  	[sflag:s11] =	ssyncset.done $0x0  }
0x55: {  	[sflag:s11] =	ssyncadd.s32 $0xFFFFD800  }
0x56: {  	_ =	sfence.sel $0x180000  }
0x57: {  	[bflag:$0x0] =	sbarrier.arrive $0xFFFF  }
0x58: {  	p0 =	sne.s32 s0, $0x0;
	_ =	strace $0x9000005C  }
0x59: {  	s0 =	sadd.s32 @!p0 $0x100000, s1;
	[bflag:$0x2] =	sbarrier.arrive $0xFFFF  }
0x5a: {  	[sflag:s0] =	ssyncadd.tile.s32 @!p0 $0x1;
	_ =	shalt  }
.Lfunc_end2:
_tile_overlayer_lowered:
.L_overlay_start_2:
0x5b: {  	(tag) =	ssettag $0x2  }
0x5c: {  	s0 =	rddreg [dreg:$0x0];
	s2 =	stileid.u32  }
0x5d: {  	s1 =	rddreg [dreg:$0x1];
	p0 =	sne.s32 s2, $0x0  }
0x5e: {  	s3 =	rddreg [dreg:$0x2];
	[bflag:$0x3] =	sbarrier.arrive $0xFFFF;
	s2 =	simm.s32 @!p0 $0x1C03  }
0x5f: {  	[timem:s3], [sflag:s2] =	dma.local @!p0 [hbm:s0], s1  }
0x60: {  	s0 =	simm.s32 @!p0 $0x3  }
0x61: {  	_ =	swait.ge @!p0 [sflag:s0], s1  }
0x62: {  	s1 =	ssub.s32 @!p0 $0x0, s1;
	[sflag:s0] =	ssyncset.done @!p0 $0x0  }
0x63: {  	[sflag:s0] =	ssyncadd.s32 @!p0 s1  }
0x64: {  	[bflag:$0x3] =	sbarrier.arrive $0xFFFF  }
0x65: {  	_ =	shalt  }

// kernel: kernel.49.cloned.1.call-start
scs
__scs_entry_jumppad:
0x0: {  	(pc) =	sbr.rel $0x88, $3  }
0x1: {  	(tag) =	ssettag $0x0;
	lr =	simm.s32 $0x1  }
0x2: {  	[smem:$0x3F99] =	sst lr;
	_ =	strace $0xD0000000  }
0x3: {  	_ = 	snop  }
0x4: {  	_ = 	snop  }
0x5: {  	_ = 	snop  }
0x6: {  	_ = 	snop  }
0x7: {  	_ = 	snop  }
__scs_overlays_trampoline_lowered:
0x8: {  	[smem:$0x3FA8] =	sst s0  }
0x9: {  	[smem:$0x3FA9] =	sst s1  }
0xa: {  	[smem:$0x3FAA] =	sst s2  }
0xb: {  	[smem:$0x3FAB] =	sst s3  }
0xc: {  	[smem:$0x3FAC] =	sst s4  }
0xd: {  	[smem:$0x3FAD] =	sst s5  }
0xe: {  	[smem:$0x3FAE] =	sst s6  }
0xf: {  	[smem:$0x3FAF] =	sst s7  }
0x10: {  	[smem:$0x3FB0] =	sst s8  }
0x11: {  	[smem:$0x3FB1] =	sst s9;
	s0 =	simm.s32 @!p0 $0x0  }
0x12: {  	s1 =	sld [smem:$0x3F97];
	s0 =	simm.s32 @p0 $0x1  }
0x13: {  	[smem:$0x3FB2] =	sst s0;
	s0 =	simm.s32 @!p1 $0x0  }
0x14: {  	s2 =	sld [smem:$0x3F96];
	s0 =	simm.s32 @p1 $0x1  }
0x15: {  	[smem:$0x3FB3] =	sst s0;
	s0 =	simm.s32 @!p2 $0x0  }
0x16: {  	s3 =	sld [smem:$0x3FDB];
	s0 =	simm.s32 @p2 $0x1  }
0x17: {  	s4 =	simm.s32 $0x1BF5;
	[smem:$0x3FB5] =	sst s0  }
0x18: {  	s0 =	sld [smem:$0x3F98];
	_ =	swait.ge [sflag:s4], $0x0  }
0x19: {  	s7 =	sld [smem:$0x3F99]  }
0x1a: {  	s8 =	sadd.s32 $0xFFFFE003, lr  }
0x1b: {  	s9 =	sadd.s32 $0xFFFFFEF7, lr;
	s5 =	simm.s32 $0xFFFFFFFF;
	p2 =	slt.u32 s8, $0xFFFFF086  }
0x1c: {  	p1 =	slt.u32 s9, $0xF7A;
	s5 =	simm.s32 @!p2 $0x0  }
0x1d: {  	s5 =	simm.s32 @p1 $0x1;
	p0 =	seq.s32 s7, s2  }
0x1e: {  	s7 =	smul.u32 @!p0 $0xF7A, s2;
	p2 =	seq.s32 @!p0 s5, $0x0  }
0x1f: {  	s9 =	smul.u32 $0xF7A, s1;
	s8 =	simm.s32 @!p0 $0x1BF5;
	p2 =	por !p2, p0  }
0x20: {  	[sflag:s8] =	ssyncset.s32 @!p0 $0xFFFFF086;
	s6 =	sadd.s32 @!p0 s3, s7;
	s7 =	simm.s32 @!p0 $0x108  }
0x21: {  	s3 =	sadd.s32 s3, s9;
	s6 =	sadd.s32 @!p0 $0x88, s6;
	s7 =	simm.s32 @p2 $0x1082  }
0x22: {  	[simem:s7], [sflag:s8] =	dma.local @!p0 [hbm:s6], $0xF7A  }
0x23: {  	s9 =	sor.u32 $0xD0000000, s2;
	s6 =	simm.s32 $0x108;
	_ =	swait.ge @!p0 [sflag:s8], $0x0  }
0x24: {  	s3 =	sadd.s32 $0x88, s3;
	s6 =	simm.s32 @!p1 $0x1082;
	[sflag:s4] =	ssyncset.s32 $0xFFFFF086  }
0x25: {  	[simem:s6], [sflag:s4] =	dma.local [hbm:s3], $0xF7A  }
0x26: {  	[smem:$0x3F99] =	sst s1;
	(tag) =	ssettag s2;
	_ =	strace s9  }
0x27: {  	s1 =	sld [smem:$0x3FA9]  }
0x28: {  	s2 =	sld [smem:$0x3FAA]  }
0x29: {  	s4 =	sld [smem:$0x3FAC]  }
0x2a: {  	p0 =	seq.s32 s5, $0x0;
	s5 =	sld [smem:$0x3FAD]  }
0x2b: {  	s6 =	sld [smem:$0x3FAE]  }
0x2c: {  	s7 =	sld [smem:$0x3FAF]  }
0x2d: {  	s3 =	simm.s32 $0x108;
	s8 =	sld [smem:$0x3FB0]  }
0x2e: {  	s3 =	simm.s32 @!p0 $0x1082;
	s9 =	sld [smem:$0x3FB1]  }
0x2f: {  	lr =	sadd.s32 s0, s3;
	s0 =	sld [smem:$0x3FA8]  }
0x30: {  	s3 =	sld [smem:$0x3FAB]  }
0x31: {  	[smem:$0x3FB4] =	sst s10  }
0x32: {  	s10 =	sld [smem:$0x3FB2];
	_ =	sdelay $0x3  }
0x33: {  	p0 =	seq.s32 s10, $0x1;
	s10 =	sld [smem:$0x3FB4];
	_ =	sdelay $0x3  }
0x34: {  	[smem:$0x3FB4] =	sst s10  }
0x35: {  	s10 =	sld [smem:$0x3FB3];
	_ =	sdelay $0x3  }
0x36: {  	p1 =	seq.s32 s10, $0x1;
	s10 =	sld [smem:$0x3FB4];
	_ =	sdelay $0x3  }
0x37: {  	[smem:$0x3FB4] =	sst s10  }
0x38: {  	s10 =	sld [smem:$0x3FB5]  }
0x39: {  	_ = 	snop;
	(pc) =	sbr.ind lr, $3  }
0x3a: {  	_ = 	snop  }
0x3b: {  	_ = 	snop  }
0x3c: {  	p2 =	seq.s32 s10, $0x1;
	s10 =	sld [smem:$0x3FB4]  }
0x3d: {  	_ =	shalt  }
0x3e: {  	_ =	shalt  }
0x3f: {  	_ =	shalt  }
0x40: {  	_ =	shalt  }
0x41: {  	_ =	shalt  }
0x42: {  	_ =	shalt  }
0x43: {  	_ =	shalt  }
0x44: {  	_ =	shalt  }
0x45: {  	_ =	shalt  }
0x46: {  	_ =	shalt  }
0x47: {  	_ =	shalt  }
0x48: {  	_ =	shalt  }
0x49: {  	_ =	shalt  }
0x4a: {  	_ =	shalt  }
0x4b: {  	_ =	shalt  }
0x4c: {  	_ =	shalt  }
0x4d: {  	_ =	shalt  }
0x4e: {  	_ =	shalt  }
0x4f: {  	_ =	shalt  }
0x50: {  	_ =	shalt  }
0x51: {  	_ =	shalt  }
0x52: {  	_ =	shalt  }
0x53: {  	_ =	shalt  }
0x54: {  	_ =	shalt  }
0x55: {  	_ =	shalt  }
0x56: {  	_ =	shalt  }
0x57: {  	_ =	shalt  }
0x58: {  	_ =	shalt  }
0x59: {  	_ =	shalt  }
0x5a: {  	_ =	shalt  }
0x5b: {  	_ =	shalt  }
0x5c: {  	_ =	shalt  }
0x5d: {  	_ =	shalt  }
0x5e: {  	_ =	shalt  }
0x5f: {  	_ =	shalt  }
0x60: {  	_ =	shalt  }
0x61: {  	_ =	shalt  }
0x62: {  	_ =	shalt  }
0x63: {  	_ =	shalt  }
0x64: {  	_ =	shalt  }
0x65: {  	_ =	shalt  }
0x66: {  	_ =	shalt  }
0x67: {  	_ =	shalt  }
0x68: {  	_ =	shalt  }
0x69: {  	_ =	shalt  }
0x6a: {  	_ =	shalt  }
0x6b: {  	_ =	shalt  }
0x6c: {  	_ =	shalt  }
0x6d: {  	_ =	shalt  }
0x6e: {  	_ =	shalt  }
0x6f: {  	_ =	shalt  }
0x70: {  	_ =	shalt  }
0x71: {  	_ =	shalt  }
0x72: {  	_ =	shalt  }
0x73: {  	_ =	shalt  }
0x74: {  	_ =	shalt  }
0x75: {  	_ =	shalt  }
0x76: {  	_ =	shalt  }
0x77: {  	_ =	shalt  }
0x78: {  	_ =	shalt  }
0x79: {  	_ =	shalt  }
0x7a: {  	_ =	shalt  }
0x7b: {  	_ =	shalt  }
0x7c: {  	_ =	shalt  }
0x7d: {  	_ =	shalt  }
0x7e: {  	_ =	shalt  }
0x7f: {  	_ =	shalt  }
0x80: {  	_ =	shalt  }
0x81: {  	_ =	shalt  }
0x82: {  	_ =	shalt  }
0x83: {  	_ =	shalt  }
0x84: {  	_ =	shalt  }
0x85: {  	_ =	shalt  }
0x86: {  	_ =	shalt  }
0x87: {  	_ =	shalt  }
.Lfunc_end0:
.L_simem_size_0:
called_computation.8_lowered:
.L_overlay_start_0:
0x88: {  	s2 =	sld [smem:$0x3FD9]  }
0x89: {  	s3 =	sld [smem:$0x3FFE];
	_ =	sdelay $0x1  }
0x8a: {  	s1 =	srdreg.scid  }
0x8b: {  	s0 =	sand.u32 $0x1, s1  }
0x8c: {  	s17 =	sshll.u32 s0, $0xA;
	s2 =	sadd.s32 s3, s2  }
0x8d: {  	s2 =	sadd.s32 s2, s17  }
0x8e: {  	[smem:$0x3FC0] =	sst s2  }
0x8f: {  	_ = 	snop  }
0x90: {  	s2 =	sld [smem:$0x3FD0];
	(tm) =	ssettm $0x1  }
0x91: {  	s18 =	sld [smem:$0x3FFB];
	_ =	sdelay $0x3  }
0x92: {  	_ =	strace s18  }
0x93: {  	s3 =	sld [smem:$0x3FFC];
	_ =	sdelay $0x3  }
0x94: {  	_ =	strace s3  }
0x95: {  	s3 =	sld [smem:$0x3FFD];
	_ =	sdelay $0x3  }
0x96: {  	_ =	strace s3  }
0x97: {  	_ =	strace $0x8FFFFFFF  }
0x98: {  	s19 =	sld [smem:$0x3FDB];
	_ =	sdelay $0x1  }
0x99: {  	s4 =	simm.s32 $_scs_section_size  }
0x9a: {  	s5 =	simm.s32 $_size__tile_overlayer_lowered;
	s6 =	simm.s32 $_tile_overlayer_lowered  }
0x9b: {  	s22 =	simm.s32 $0x1BFF;
	s21 =	sshll.u32 s6, $0x1;
	s3 =	sadd.s32 s4, s19  }
0x9c: {  	s7 =	simm.s32 $0x0;
	s20 =	sshll.u32 s5, $0x1;
	s5 =	sadd.s32 s21, s3  }
0x9d: {  	[timem:s7], [sflag:s22] =	dma.local [hbm:s5], s20  }
0x9e: {  	_ =	swait.ge [sflag:s22], s20  }
0x9f: {  	s4 =	ssub.s32 $0x0, s20;
	[sflag:s22] =	ssyncset.done $0x0  }
0xa0: {  	[sflag:s22] =	ssyncadd.s32 s4;
	_ =	sdelay $0x1  }
0xa1: {  	s23 =	simm.s32 $0x1B8B  }
0xa2: {  	_ =	swait.ge [sflag:s23], $0x1  }
0xa3: {  	[sflag:s23] =	ssyncset.done $0x0  }
0xa4: {  	s25 =	simm.s32 $0x1B8E;
	s24 =	sld [smem:$0x3FFE];
	[sflag:s23] =	ssyncadd.s32 $0xFFFFFFFF  }
0xa5: {  	s26 =	simm.s32 $execute0_lowered;
	[smem:$0x3FD2] =	sst s25  }
0xa6: {  	s5 =	sshll.u32 s26, $0x1;
	_ =	strace $0x8000005E;
	[dreg:$0x1] =	wrdreg $0xFFFFFFFF  }
0xa7: {  	s28 =	simm.s32 $_size_execute0_lowered;
	s3 =	sadd.s32 s3, s5;
	[dreg:$0x0] =	wrdreg $0x0  }
0xa8: {  	s5 =	sshll.u32 s28, $0x1;
	[dreg:$0x2] =	wrdreg s3  }
0xa9: {  	[dreg:$0x3] =	wrdreg s5  }
0xaa: {  	[dreg:$0x4] =	wrdreg $0xC0  }
0xab: {  	_ =	task [dreg:s7], $0x5FFFF  }
0xac: {  	[dreg:$0x1] =	wrdreg $0xFFFFFFFF  }
0xad: {  	[dreg:$0x0] =	wrdreg $0x60  }
0xae: {  	[dreg:$0x2] =	wrdreg s24  }
0xaf: {  	[dreg:$0x3] =	wrdreg s2  }
0xb0: {  	[dreg:$0x4] =	wrdreg $0x0  }
0xb1: {  	[dreg:$0x5] =	wrdreg $0x9  }
0xb2: {  	_ =	task.clear_ibuf [dreg:s7], $0x6FFFF;
	_ =	strace $0x9000005E  }
0xb3: {  	s29 =	simm.s32 $0x9;
	_ =	strace $0x80000060  }
0xb4: {  	_ =	swait.ge [sflag:s29], $0x1  }
0xb5: {  	[sflag:s29] =	ssyncadd.s32 $0xFFFFFFFF  }
0xb6: {  	_ =	strace $0x90000060  }
0xb7: {  	_ =	sfence  }
0xb8: {  	s30 =	sld [smem:$0x0];
	_ =	sdelay $0x2  }
0xb9: {  	s31 =	sshll.u32 s1, $0xD;
	s1 =	sshrl.u32 s1, $0x2  }
0xba: {  	s3 =	sand.u32 $0x4000, s31;
	s1 =	sadd.s32 s1, s30  }
0xbb: {  	s0 =	sor.u32 s3, s0;
	s1 =	sshll.u32 s1, $0x11  }
0xbc: {  	s0 =	sor.u32 s1, s0  }
0xbd: {  	s0 =	sadd.s32 $0x8F2B, s0  }
0xbe: {  	[sflag:s0] =	ssyncadd.remote.s32 $0x1  }
0xbf: {  	_ =	sfence.sel $0xFFFF  }
0xc0: {  	[dreg:$0x0] =	wrdreg $0xFFFFFFFF;
	(pc) =	sbr.abs _section_cstart, $3  }
0xc1: {  	[dreg:$0x1] =	wrdreg $0xFFFFFFFF  }
0xc2: {  	_ =	task.clear_ibuf [dreg:s7], $0x2FFFF;
	_ =	strace $0x9FFFFFFF  }
0xc3: {  	(tm) =	ssettm $0x7FFFFFFF  }
tec
execute0_lowered:
.L_overlay_start_1:
0x0: {  	(tag) =	ssettag $0x1  }
0x1: {  	s5 =	rddreg [dreg:$0x0]  }
0x2: {  	s7 =	rddreg [dreg:$0x1]  }
0x3: {  	s0 =	srdreg.scid;
	s2 =	rddreg [dreg:$0x2]  }
0x4: {  	s3 =	simm.s32 $0x0;
	s14 =	simm.s32 $0x80;
	s15 =	simm.s32 $0x14000  }
0x5: {  	s16 =	simm.s32 $0x1C080;
	s17 =	simm.s32 $0x18000;
	s18 =	simm.s32 $0x1  }
0x6: {  	s19 =	simm.s32 $0x2;
	s6 =	sand.u32 $0x1, s0;
	s0 =	stileid.u32  }
0x7: {  	s20 =	simm.s32 $0x1E700;
	s21 =	simm.s32 $0x1E780;
	s22 =	smul.u32 $0x2800, s0  }
0x8: {  	[smem:$0x7FF] =	sst s3;
	s1 =	sshll.u32 s6, $0x4;
	s9 =	smul.u32 $0x28000, s6  }
0x9: {  	s6 =	ssub.s32 $0x2, s6;
	s11 =	smul.u32 $0x50000, s0;
	s31 =	sshll.u32 s0, $0x6  }
0xa: {  	s4 =	sor.u32 s0, s1;
	s1 =	rddreg [dreg:$0x3];
	_ =	strace $0x8000005F  }
0xb: {  	s29 =	sshrl.u32 s6, $0x1;
	s8 =	smul.u32 $0x280, s4;
	s4 =	sadd.s32 $0x33800, s5  }
0xc: {  	s12 =	sadd.s32 s22, s5;
	s9 =	sadd.s32 s9, s5;
	s30 =	sshrl.u32 s11, $0x2  }
0xd: {  	s13 =	ssub.s32 s6, s29;
	s6 =	sor.u32 $0x1C03, s31;
	s11 =	sadd.s32 s30, s2  }
0xe: {  	s23 =	sadd.s32 $0x83800, s9;
	s9 =	smax.u32 s13, $0x1;
	s13 =	simm.s32 $0x1D400  }
0xf: {  	s10 =	sadd.s32 s8, s5;
	s5 =	sadd.s32 $0xB800, s12;
	s7 =	sadd.s32 s7, s8  }
0x10: {  	s12 =	simm.s32 $0x1C000;
	s22 =	sadd.s32 s22, s23;
	s23 =	simm.s32 $0x0  }
0x11: {  	s8 =	sadd.s32 $0x6800, s10;
	s10 =	sshrl.u32 s11, $0x3;
	s11 =	simm.s32 $0x3  }
.LBB2_1:
0x12: {  	[spmem:s10], [sflag:s6] =	dma.local [hbm:s5], $0x2800  }
0x13: {  	_ =	swait.ge [sflag:s11], $0x2800  }
0x14: {  	[sflag:s11] =	ssyncset.done $0x0  }
0x15: {  	[sflag:s11] =	ssyncadd.s32 $0xFFFFD800  }
0x16: {  	[tilespmem:s12], [sflag:$0x3] =	stream.linear.gather [hbm4b:s7+s3], $0x1400, $0x38;
	[tilespmem:$0x1E800] =	vst v63  }
0x17: {  	_ =	swait.ge [sflag:s11], $0x1400  }
0x18: {  	[sflag:s11] =	ssyncset.done $0x0  }
0x19: {  	[sflag:s11] =	ssyncadd.s32 $0xFFFFEC00  }
0x1a: {  	[tilespmem:s13], [sflag:$0x3] =	stream.linear.gather [hbm4b:s8+s3], $0x1400, $0x38;
	[tilespmem:$0x1E800] =	vst v63  }
0x1b: {  	_ =	swait.ge [sflag:s11], $0x1400  }
0x1c: {  	[sflag:s11] =	ssyncset.done $0x0  }
0x1d: {  	[sflag:s11] =	ssyncadd.s32 $0xFFFFEC00  }
0x1e: {  	[bflag:$0x0] =	sbarrier.arrive $0xFFFF  }
0x1f: {  	[tilespmem:s15], [sflag:$0x1] =	stream.indirect.gather [hbm4b:s4+s14], $0x80, s12, s14, $0xb8;
	[tilespmem:$0x1E800] =	vst v63  }
0x20: {  	_ = 	snop  }
0x21: {  	[tilespmem:s17], [sflag:$0x2] =	stream.indirect.gather [hbm4b:s4+s14], $0x80, s16, s14, $0xb8;
	[tilespmem:$0x1E800] =	vst v63  }
0x22: {  	_ =	swait.ge [sflag:s18], $0x4000  }
0x23: {  	[sflag:s18] =	ssyncset.done $0x0  }
0x24: {  	s24 =	simm.s32 $0x1D400;
	[sflag:s18] =	ssyncadd.s32 $0xFFFFC000  }
0x25: {  	[spmem:s2] =	stream.indirect.scatter.add.f32 [tilespmem:s15], [sflag:$0x3], $0x80, s24, s14, $0xb8;
	[tilespmem:$0x1E800] =	vst v63  }
0x26: {  	_ =	swait.ge [sflag:s11], $0x4000  }
0x27: {  	[sflag:s11] =	ssyncset.done $0x0  }
0x28: {  	s30 =	simm.s32 $0x1C100;
	[sflag:s11] =	ssyncadd.s32 $0xFFFFC000  }
0x29: {  	[tilespmem:s15], [sflag:$0x1] =	stream.indirect.gather [hbm4b:s4+s14], $0x80, s30, s14, $0xb8;
	[tilespmem:$0x1E800] =	vst v63  }
0x2a: {  	_ =	swait.ge [sflag:s19], $0x4000  }
0x2b: {  	[sflag:s19] =	ssyncset.done $0x0  }
0x2c: {  	s31 =	simm.s32 $0x1D480;
	[sflag:s19] =	ssyncadd.s32 $0xFFFFC000  }
0x2d: {  	[spmem:s2] =	stream.indirect.scatter.add.f32 [tilespmem:s17], [sflag:$0x3], $0x80, s31, s14, $0xb8;
	[tilespmem:$0x1E800] =	vst v63  }
0x2e: {  	_ =	swait.ge [sflag:s11], $0x4000  }
0x2f: {  	[sflag:s11] =	ssyncset.done $0x0  }
0x30: {  	s25 =	simm.s32 $0x1C180;
	s24 =	simm.s32 $0x400;
	[sflag:s11] =	ssyncadd.s32 $0xFFFFC000  }
.LBB2_2:
0x31: {  	[tilespmem:s17], [sflag:$0x2] =	stream.indirect.gather [hbm4b:s4+s14], $0x80, s25, s14, $0xb8;
	[tilespmem:$0x1E800] =	vst v63  }
0x32: {  	s25 =	smov.u32 s24  }
0x33: {  	p0 =	sne.s32 s24, $0x4800;
	s24 =	sadd.s32 $0x400, s24;
	_ =	swait.ge [sflag:s18], $0x4000  }
0x34: {  	s25 =	sshra.s32 s25, $0x2;
	[sflag:s18] =	ssyncset.done $0x0  }
0x35: {  	s26 =	sadd.s32 $0x1D400, s25;
	[sflag:s18] =	ssyncadd.s32 $0xFFFFC000  }
0x36: {  	[spmem:s2] =	stream.indirect.scatter.add.f32 [tilespmem:s15], [sflag:$0x3], $0x80, s26, s14, $0xb8;
	[tilespmem:$0x1E800] =	vst v63  }
0x37: {  	_ =	swait.ge [sflag:s11], $0x4000  }
0x38: {  	[sflag:s11] =	ssyncset.done $0x0  }
0x39: {  	s26 =	sadd.s32 $0x1C100, s25;
	[sflag:s11] =	ssyncadd.s32 $0xFFFFC000  }
0x3a: {  	[tilespmem:s15], [sflag:$0x1] =	stream.indirect.gather [hbm4b:s4+s14], $0x80, s26, s14, $0xb8;
	[tilespmem:$0x1E800] =	vst v63  }
0x3b: {  	_ =	swait.ge [sflag:s19], $0x4000  }
0x3c: {  	[sflag:s19] =	ssyncset.done $0x0  }
.Ltmp0:
0x3d: {  	s26 =	sadd.s32 $0x1D480, s25;
	[sflag:s19] =	ssyncadd.s32 $0xFFFFC000;
	(pc) =	sbr.rel @p0 .LBB2_2-.Ltmp0, $4  }
0x3e: {  	[spmem:s2] =	stream.indirect.scatter.add.f32 [tilespmem:s17], [sflag:$0x3], $0x80, s26, s14, $0xb8;
	[tilespmem:$0x1E800] =	vst v63  }
0x3f: {  	_ =	swait.ge [sflag:s11], $0x4000  }
0x40: {  	[sflag:s11] =	ssyncset.done $0x0  }
0x41: {  	s25 =	sadd.s32 $0x1C180, s25;
	[sflag:s11] =	ssyncadd.s32 $0xFFFFC000  }
0x42: {  	[tilespmem:s17], [sflag:$0x2] =	stream.indirect.gather [hbm4b:s4+s14], $0x80, s25, s14, $0xb8;
	[tilespmem:$0x1E800] =	vst v63  }
0x43: {  	_ =	swait.ge [sflag:s18], $0x4000  }
0x44: {  	[sflag:s18] =	ssyncset.done $0x0  }
0x45: {  	[sflag:s18] =	ssyncadd.s32 $0xFFFFC000  }
0x46: {  	[spmem:s2] =	stream.indirect.scatter.add.f32 [tilespmem:s15], [sflag:$0x3], $0x80, s20, s14, $0xb8;
	[tilespmem:$0x1E800] =	vst v63  }
0x47: {  	_ =	swait.ge [sflag:s11], $0x4000  }
0x48: {  	[sflag:s11] =	ssyncset.done $0x0  }
0x49: {  	[sflag:s11] =	ssyncadd.s32 $0xFFFFC000  }
0x4a: {  	_ =	swait.ge [sflag:s19], $0x4000  }
0x4b: {  	[sflag:s19] =	ssyncset.done $0x0  }
0x4c: {  	[sflag:s19] =	ssyncadd.s32 $0xFFFFC000  }
0x4d: {  	[spmem:s2] =	stream.indirect.scatter.add.f32 [tilespmem:s17], [sflag:$0x3], $0x80, s21, s14, $0xb8;
	[tilespmem:$0x1E800] =	vst v63  }
0x4e: {  	_ =	swait.ge [sflag:s11], $0x4000  }
0x4f: {  	s23 =	sadd.s32 $0x1, s23;
	[sflag:s11] =	ssyncset.done $0x0  }
0x50: {  	p0 =	sne.s32 s23, s9;
	[sflag:s11] =	ssyncadd.s32 $0xFFFFC000  }
.Ltmp1:
0x51: {  	[bflag:$0x0] =	sbarrier.arrive $0xFFFF;
	(pc) =	sbr.rel @p0 .LBB2_1-.Ltmp1, $4  }
0x52: {  	[hbm:s22], [sflag:s6] =	dma.local [spmem:s10], $0x2800  }
0x53: {  	_ =	swait.ge [sflag:s11], $0x2800  }
0x54: {  	[sflag:s11] =	ssyncset.done $0x0  }
0x55: {  	[sflag:s11] =	ssyncadd.s32 $0xFFFFD800  }
0x56: {  	_ =	sfence.sel $0x180000  }
0x57: {  	[bflag:$0x0] =	sbarrier.arrive $0xFFFF  }
0x58: {  	p0 =	sne.s32 s0, $0x0;
	_ =	strace $0x9000005F  }
0x59: {  	s0 =	sadd.s32 @!p0 $0x100000, s1;
	[bflag:$0x2] =	sbarrier.arrive $0xFFFF  }
0x5a: {  	[sflag:s0] =	ssyncadd.tile.s32 @!p0 $0x1;
	_ =	shalt  }
.Lfunc_end2:
_tile_overlayer_lowered:
.L_overlay_start_2:
0x5b: {  	(tag) =	ssettag $0x2  }
0x5c: {  	s0 =	rddreg [dreg:$0x0];
	s2 =	stileid.u32  }
0x5d: {  	s1 =	rddreg [dreg:$0x1];
	p0 =	sne.s32 s2, $0x0  }
0x5e: {  	s3 =	rddreg [dreg:$0x2];
	[bflag:$0x3] =	sbarrier.arrive $0xFFFF;
	s2 =	simm.s32 @!p0 $0x1C03  }
0x5f: {  	[timem:s3], [sflag:s2] =	dma.local @!p0 [hbm:s0], s1  }
0x60: {  	s0 =	simm.s32 @!p0 $0x3  }
0x61: {  	_ =	swait.ge @!p0 [sflag:s0], s1  }
0x62: {  	s1 =	ssub.s32 @!p0 $0x0, s1;
	[sflag:s0] =	ssyncset.done @!p0 $0x0  }
0x63: {  	[sflag:s0] =	ssyncadd.s32 @!p0 s1  }
0x64: {  	[bflag:$0x3] =	sbarrier.arrive $0xFFFF  }
0x65: {  	_ =	shalt  }

// kernel: kernel.52.cloned.1.call-start
scs
__scs_entry_jumppad:
0x0: {  	(pc) =	sbr.rel $0x88, $3  }
0x1: {  	(tag) =	ssettag $0x0;
	lr =	simm.s32 $0x1  }
0x2: {  	[smem:$0x3F99] =	sst lr;
	_ =	strace $0xD0000000  }
0x3: {  	_ = 	snop  }
0x4: {  	_ = 	snop  }
0x5: {  	_ = 	snop  }
0x6: {  	_ = 	snop  }
0x7: {  	_ = 	snop  }
__scs_overlays_trampoline_lowered:
0x8: {  	[smem:$0x3FA8] =	sst s0  }
0x9: {  	[smem:$0x3FA9] =	sst s1  }
0xa: {  	[smem:$0x3FAA] =	sst s2  }
0xb: {  	[smem:$0x3FAB] =	sst s3  }
0xc: {  	[smem:$0x3FAC] =	sst s4  }
0xd: {  	[smem:$0x3FAD] =	sst s5  }
0xe: {  	[smem:$0x3FAE] =	sst s6  }
0xf: {  	[smem:$0x3FAF] =	sst s7  }
0x10: {  	[smem:$0x3FB0] =	sst s8  }
0x11: {  	[smem:$0x3FB1] =	sst s9;
	s0 =	simm.s32 @!p0 $0x0  }
0x12: {  	s1 =	sld [smem:$0x3F97];
	s0 =	simm.s32 @p0 $0x1  }
0x13: {  	[smem:$0x3FB2] =	sst s0;
	s0 =	simm.s32 @!p1 $0x0  }
0x14: {  	s2 =	sld [smem:$0x3F96];
	s0 =	simm.s32 @p1 $0x1  }
0x15: {  	[smem:$0x3FB3] =	sst s0;
	s0 =	simm.s32 @!p2 $0x0  }
0x16: {  	s3 =	sld [smem:$0x3FDB];
	s0 =	simm.s32 @p2 $0x1  }
0x17: {  	s4 =	simm.s32 $0x1BF5;
	[smem:$0x3FB5] =	sst s0  }
0x18: {  	s0 =	sld [smem:$0x3F98];
	_ =	swait.ge [sflag:s4], $0x0  }
0x19: {  	s7 =	sld [smem:$0x3F99]  }
0x1a: {  	s8 =	sadd.s32 $0xFFFFE003, lr  }
0x1b: {  	s9 =	sadd.s32 $0xFFFFFEF7, lr;
	s5 =	simm.s32 $0xFFFFFFFF;
	p2 =	slt.u32 s8, $0xFFFFF086  }
0x1c: {  	p1 =	slt.u32 s9, $0xF7A;
	s5 =	simm.s32 @!p2 $0x0  }
0x1d: {  	s5 =	simm.s32 @p1 $0x1;
	p0 =	seq.s32 s7, s2  }
0x1e: {  	s7 =	smul.u32 @!p0 $0xF7A, s2;
	p2 =	seq.s32 @!p0 s5, $0x0  }
0x1f: {  	s9 =	smul.u32 $0xF7A, s1;
	s8 =	simm.s32 @!p0 $0x1BF5;
	p2 =	por !p2, p0  }
0x20: {  	[sflag:s8] =	ssyncset.s32 @!p0 $0xFFFFF086;
	s6 =	sadd.s32 @!p0 s3, s7;
	s7 =	simm.s32 @!p0 $0x108  }
0x21: {  	s3 =	sadd.s32 s3, s9;
	s6 =	sadd.s32 @!p0 $0x88, s6;
	s7 =	simm.s32 @p2 $0x1082  }
0x22: {  	[simem:s7], [sflag:s8] =	dma.local @!p0 [hbm:s6], $0xF7A  }
0x23: {  	s9 =	sor.u32 $0xD0000000, s2;
	s6 =	simm.s32 $0x108;
	_ =	swait.ge @!p0 [sflag:s8], $0x0  }
0x24: {  	s3 =	sadd.s32 $0x88, s3;
	s6 =	simm.s32 @!p1 $0x1082;
	[sflag:s4] =	ssyncset.s32 $0xFFFFF086  }
0x25: {  	[simem:s6], [sflag:s4] =	dma.local [hbm:s3], $0xF7A  }
0x26: {  	[smem:$0x3F99] =	sst s1;
	(tag) =	ssettag s2;
	_ =	strace s9  }
0x27: {  	s1 =	sld [smem:$0x3FA9]  }
0x28: {  	s2 =	sld [smem:$0x3FAA]  }
0x29: {  	s4 =	sld [smem:$0x3FAC]  }
0x2a: {  	p0 =	seq.s32 s5, $0x0;
	s5 =	sld [smem:$0x3FAD]  }
0x2b: {  	s6 =	sld [smem:$0x3FAE]  }
0x2c: {  	s7 =	sld [smem:$0x3FAF]  }
0x2d: {  	s3 =	simm.s32 $0x108;
	s8 =	sld [smem:$0x3FB0]  }
0x2e: {  	s3 =	simm.s32 @!p0 $0x1082;
	s9 =	sld [smem:$0x3FB1]  }
0x2f: {  	lr =	sadd.s32 s0, s3;
	s0 =	sld [smem:$0x3FA8]  }
0x30: {  	s3 =	sld [smem:$0x3FAB]  }
0x31: {  	[smem:$0x3FB4] =	sst s10  }
0x32: {  	s10 =	sld [smem:$0x3FB2];
	_ =	sdelay $0x3  }
0x33: {  	p0 =	seq.s32 s10, $0x1;
	s10 =	sld [smem:$0x3FB4];
	_ =	sdelay $0x3  }
0x34: {  	[smem:$0x3FB4] =	sst s10  }
0x35: {  	s10 =	sld [smem:$0x3FB3];
	_ =	sdelay $0x3  }
0x36: {  	p1 =	seq.s32 s10, $0x1;
	s10 =	sld [smem:$0x3FB4];
	_ =	sdelay $0x3  }
0x37: {  	[smem:$0x3FB4] =	sst s10  }
0x38: {  	s10 =	sld [smem:$0x3FB5]  }
0x39: {  	_ = 	snop;
	(pc) =	sbr.ind lr, $3  }
0x3a: {  	_ = 	snop  }
0x3b: {  	_ = 	snop  }
0x3c: {  	p2 =	seq.s32 s10, $0x1;
	s10 =	sld [smem:$0x3FB4]  }
0x3d: {  	_ =	shalt  }
0x3e: {  	_ =	shalt  }
0x3f: {  	_ =	shalt  }
0x40: {  	_ =	shalt  }
0x41: {  	_ =	shalt  }
0x42: {  	_ =	shalt  }
0x43: {  	_ =	shalt  }
0x44: {  	_ =	shalt  }
0x45: {  	_ =	shalt  }
0x46: {  	_ =	shalt  }
0x47: {  	_ =	shalt  }
0x48: {  	_ =	shalt  }
0x49: {  	_ =	shalt  }
0x4a: {  	_ =	shalt  }
0x4b: {  	_ =	shalt  }
0x4c: {  	_ =	shalt  }
0x4d: {  	_ =	shalt  }
0x4e: {  	_ =	shalt  }
0x4f: {  	_ =	shalt  }
0x50: {  	_ =	shalt  }
0x51: {  	_ =	shalt  }
0x52: {  	_ =	shalt  }
0x53: {  	_ =	shalt  }
0x54: {  	_ =	shalt  }
0x55: {  	_ =	shalt  }
0x56: {  	_ =	shalt  }
0x57: {  	_ =	shalt  }
0x58: {  	_ =	shalt  }
0x59: {  	_ =	shalt  }
0x5a: {  	_ =	shalt  }
0x5b: {  	_ =	shalt  }
0x5c: {  	_ =	shalt  }
0x5d: {  	_ =	shalt  }
0x5e: {  	_ =	shalt  }
0x5f: {  	_ =	shalt  }
0x60: {  	_ =	shalt  }
0x61: {  	_ =	shalt  }
0x62: {  	_ =	shalt  }
0x63: {  	_ =	shalt  }
0x64: {  	_ =	shalt  }
0x65: {  	_ =	shalt  }
0x66: {  	_ =	shalt  }
0x67: {  	_ =	shalt  }
0x68: {  	_ =	shalt  }
0x69: {  	_ =	shalt  }
0x6a: {  	_ =	shalt  }
0x6b: {  	_ =	shalt  }
0x6c: {  	_ =	shalt  }
0x6d: {  	_ =	shalt  }
0x6e: {  	_ =	shalt  }
0x6f: {  	_ =	shalt  }
0x70: {  	_ =	shalt  }
0x71: {  	_ =	shalt  }
0x72: {  	_ =	shalt  }
0x73: {  	_ =	shalt  }
0x74: {  	_ =	shalt  }
0x75: {  	_ =	shalt  }
0x76: {  	_ =	shalt  }
0x77: {  	_ =	shalt  }
0x78: {  	_ =	shalt  }
0x79: {  	_ =	shalt  }
0x7a: {  	_ =	shalt  }
0x7b: {  	_ =	shalt  }
0x7c: {  	_ =	shalt  }
0x7d: {  	_ =	shalt  }
0x7e: {  	_ =	shalt  }
0x7f: {  	_ =	shalt  }
0x80: {  	_ =	shalt  }
0x81: {  	_ =	shalt  }
0x82: {  	_ =	shalt  }
0x83: {  	_ =	shalt  }
0x84: {  	_ =	shalt  }
0x85: {  	_ =	shalt  }
0x86: {  	_ =	shalt  }
0x87: {  	_ =	shalt  }
.Lfunc_end0:
.L_simem_size_0:
called_computation.9_lowered:
.L_overlay_start_0:
0x88: {  	s2 =	sld [smem:$0x3FD9]  }
0x89: {  	s3 =	sld [smem:$0x3FFE];
	_ =	sdelay $0x1  }
0x8a: {  	s1 =	srdreg.scid  }
0x8b: {  	s0 =	sand.u32 $0x1, s1  }
0x8c: {  	s17 =	sshll.u32 s0, $0xA;
	s2 =	sadd.s32 s3, s2  }
0x8d: {  	s2 =	sadd.s32 s2, s17  }
0x8e: {  	[smem:$0x3FC0] =	sst s2  }
0x8f: {  	_ = 	snop  }
0x90: {  	s2 =	sld [smem:$0x3FD0];
	(tm) =	ssettm $0x1  }
0x91: {  	s18 =	sld [smem:$0x3FFB];
	_ =	sdelay $0x3  }
0x92: {  	_ =	strace s18  }
0x93: {  	s3 =	sld [smem:$0x3FFC];
	_ =	sdelay $0x3  }
0x94: {  	_ =	strace s3  }
0x95: {  	s3 =	sld [smem:$0x3FFD];
	_ =	sdelay $0x3  }
0x96: {  	_ =	strace s3  }
0x97: {  	_ =	strace $0x8FFFFFFF  }
0x98: {  	s19 =	sld [smem:$0x3FDB];
	_ =	sdelay $0x1  }
0x99: {  	s4 =	simm.s32 $_scs_section_size  }
0x9a: {  	s5 =	simm.s32 $_size__tile_overlayer_lowered;
	s6 =	simm.s32 $_tile_overlayer_lowered  }
0x9b: {  	s22 =	simm.s32 $0x1BFF;
	s21 =	sshll.u32 s6, $0x1;
	s3 =	sadd.s32 s4, s19  }
0x9c: {  	s7 =	simm.s32 $0x0;
	s20 =	sshll.u32 s5, $0x1;
	s5 =	sadd.s32 s21, s3  }
0x9d: {  	[timem:s7], [sflag:s22] =	dma.local [hbm:s5], s20  }
0x9e: {  	_ =	swait.ge [sflag:s22], s20  }
0x9f: {  	s4 =	ssub.s32 $0x0, s20;
	[sflag:s22] =	ssyncset.done $0x0  }
0xa0: {  	[sflag:s22] =	ssyncadd.s32 s4;
	_ =	sdelay $0x1  }
0xa1: {  	s23 =	simm.s32 $0x1B8B  }
0xa2: {  	_ =	swait.ge [sflag:s23], $0x1  }
0xa3: {  	[sflag:s23] =	ssyncset.done $0x0  }
0xa4: {  	s25 =	simm.s32 $0x1B8E;
	s24 =	sld [smem:$0x3FFE];
	[sflag:s23] =	ssyncadd.s32 $0xFFFFFFFF  }
0xa5: {  	s26 =	simm.s32 $execute0_lowered;
	[smem:$0x3FD2] =	sst s25  }
0xa6: {  	s5 =	sshll.u32 s26, $0x1;
	_ =	strace $0x80000061;
	[dreg:$0x1] =	wrdreg $0xFFFFFFFF  }
0xa7: {  	s28 =	simm.s32 $_size_execute0_lowered;
	s3 =	sadd.s32 s3, s5;
	[dreg:$0x0] =	wrdreg $0x0  }
0xa8: {  	s5 =	sshll.u32 s28, $0x1;
	[dreg:$0x2] =	wrdreg s3  }
0xa9: {  	[dreg:$0x3] =	wrdreg s5  }
0xaa: {  	[dreg:$0x4] =	wrdreg $0xC0  }
0xab: {  	_ =	task [dreg:s7], $0x5FFFF  }
0xac: {  	[dreg:$0x1] =	wrdreg $0xFFFFFFFF  }
0xad: {  	[dreg:$0x0] =	wrdreg $0x60  }
0xae: {  	[dreg:$0x2] =	wrdreg s24  }
0xaf: {  	[dreg:$0x3] =	wrdreg s2  }
0xb0: {  	[dreg:$0x4] =	wrdreg $0x0  }
0xb1: {  	[dreg:$0x5] =	wrdreg $0x9  }
0xb2: {  	_ =	task.clear_ibuf [dreg:s7], $0x6FFFF;
	_ =	strace $0x90000061  }
0xb3: {  	s29 =	simm.s32 $0x9;
	_ =	strace $0x80000063  }
0xb4: {  	_ =	swait.ge [sflag:s29], $0x1  }
0xb5: {  	[sflag:s29] =	ssyncadd.s32 $0xFFFFFFFF  }
0xb6: {  	_ =	strace $0x90000063  }
0xb7: {  	_ =	sfence  }
0xb8: {  	s30 =	sld [smem:$0x0];
	_ =	sdelay $0x2  }
0xb9: {  	s31 =	sshll.u32 s1, $0xD;
	s1 =	sshrl.u32 s1, $0x2  }
0xba: {  	s3 =	sand.u32 $0x4000, s31;
	s1 =	sadd.s32 s1, s30  }
0xbb: {  	s0 =	sor.u32 s3, s0;
	s1 =	sshll.u32 s1, $0x11  }
0xbc: {  	s0 =	sor.u32 s1, s0  }
0xbd: {  	s0 =	sadd.s32 $0x8F2B, s0  }
0xbe: {  	[sflag:s0] =	ssyncadd.remote.s32 $0x1  }
0xbf: {  	_ =	sfence.sel $0xFFFF  }
0xc0: {  	[dreg:$0x0] =	wrdreg $0xFFFFFFFF;
	(pc) =	sbr.abs _section_cstart, $3  }
0xc1: {  	[dreg:$0x1] =	wrdreg $0xFFFFFFFF  }
0xc2: {  	_ =	task.clear_ibuf [dreg:s7], $0x2FFFF;
	_ =	strace $0x9FFFFFFF  }
0xc3: {  	(tm) =	ssettm $0x7FFFFFFF  }
tec
execute0_lowered:
.L_overlay_start_1:
0x0: {  	(tag) =	ssettag $0x1  }
0x1: {  	s5 =	rddreg [dreg:$0x0]  }
0x2: {  	s7 =	rddreg [dreg:$0x1]  }
0x3: {  	s0 =	srdreg.scid;
	s2 =	rddreg [dreg:$0x2]  }
0x4: {  	s3 =	simm.s32 $0x0;
	s14 =	simm.s32 $0x80;
	s15 =	simm.s32 $0x14000  }
0x5: {  	s16 =	simm.s32 $0x1C080;
	s17 =	simm.s32 $0x18000;
	s18 =	simm.s32 $0x1  }
0x6: {  	s19 =	simm.s32 $0x2;
	s6 =	sand.u32 $0x1, s0;
	s0 =	stileid.u32  }
0x7: {  	s20 =	simm.s32 $0x1E700;
	s21 =	simm.s32 $0x1E780;
	s22 =	smul.u32 $0x2800, s0  }
0x8: {  	[smem:$0x7FF] =	sst s3;
	s1 =	sshll.u32 s6, $0x4;
	s9 =	smul.u32 $0x28000, s6  }
0x9: {  	s6 =	ssub.s32 $0x2, s6;
	s11 =	smul.u32 $0x50000, s0;
	s31 =	sshll.u32 s0, $0x6  }
0xa: {  	s4 =	sor.u32 s0, s1;
	s1 =	rddreg [dreg:$0x3];
	_ =	strace $0x80000062  }
0xb: {  	s29 =	sshrl.u32 s6, $0x1;
	s8 =	smul.u32 $0x280, s4;
	s4 =	sadd.s32 $0x33800, s5  }
0xc: {  	s12 =	sadd.s32 s22, s5;
	s9 =	sadd.s32 s9, s5;
	s30 =	sshrl.u32 s11, $0x2  }
0xd: {  	s13 =	ssub.s32 s6, s29;
	s6 =	sor.u32 $0x1C03, s31;
	s11 =	sadd.s32 s30, s2  }
0xe: {  	s23 =	sadd.s32 $0x83800, s9;
	s9 =	smax.u32 s13, $0x1;
	s13 =	simm.s32 $0x1D400  }
0xf: {  	s10 =	sadd.s32 s8, s5;
	s5 =	sadd.s32 $0xB800, s12;
	s7 =	sadd.s32 s7, s8  }
0x10: {  	s12 =	simm.s32 $0x1C000;
	s22 =	sadd.s32 s22, s23;
	s23 =	simm.s32 $0x0  }
0x11: {  	s8 =	sadd.s32 $0x6800, s10;
	s10 =	sshrl.u32 s11, $0x3;
	s11 =	simm.s32 $0x3  }
.LBB2_1:
0x12: {  	[spmem:s10], [sflag:s6] =	dma.local [hbm:s5], $0x2800  }
0x13: {  	_ =	swait.ge [sflag:s11], $0x2800  }
0x14: {  	[sflag:s11] =	ssyncset.done $0x0  }
0x15: {  	[sflag:s11] =	ssyncadd.s32 $0xFFFFD800  }
0x16: {  	[tilespmem:s12], [sflag:$0x3] =	stream.linear.gather [hbm4b:s7+s3], $0x1400, $0x38;
	[tilespmem:$0x1E800] =	vst v63  }
0x17: {  	_ =	swait.ge [sflag:s11], $0x1400  }
0x18: {  	[sflag:s11] =	ssyncset.done $0x0  }
0x19: {  	[sflag:s11] =	ssyncadd.s32 $0xFFFFEC00  }
0x1a: {  	[tilespmem:s13], [sflag:$0x3] =	stream.linear.gather [hbm4b:s8+s3], $0x1400, $0x38;
	[tilespmem:$0x1E800] =	vst v63  }
0x1b: {  	_ =	swait.ge [sflag:s11], $0x1400  }
0x1c: {  	[sflag:s11] =	ssyncset.done $0x0  }
0x1d: {  	[sflag:s11] =	ssyncadd.s32 $0xFFFFEC00  }
0x1e: {  	[bflag:$0x0] =	sbarrier.arrive $0xFFFF  }
0x1f: {  	[tilespmem:s15], [sflag:$0x1] =	stream.indirect.gather [hbm4b:s4+s14], $0x80, s12, s14, $0xb8;
	[tilespmem:$0x1E800] =	vst v63  }
0x20: {  	_ = 	snop  }
0x21: {  	[tilespmem:s17], [sflag:$0x2] =	stream.indirect.gather [hbm4b:s4+s14], $0x80, s16, s14, $0xb8;
	[tilespmem:$0x1E800] =	vst v63  }
0x22: {  	_ =	swait.ge [sflag:s18], $0x4000  }
0x23: {  	[sflag:s18] =	ssyncset.done $0x0  }
0x24: {  	s24 =	simm.s32 $0x1D400;
	[sflag:s18] =	ssyncadd.s32 $0xFFFFC000  }
0x25: {  	[spmem:s2] =	stream.indirect.scatter.add.f32 [tilespmem:s15], [sflag:$0x3], $0x80, s24, s14, $0xb8;
	[tilespmem:$0x1E800] =	vst v63  }
0x26: {  	_ =	swait.ge [sflag:s11], $0x4000  }
0x27: {  	[sflag:s11] =	ssyncset.done $0x0  }
0x28: {  	s30 =	simm.s32 $0x1C100;
	[sflag:s11] =	ssyncadd.s32 $0xFFFFC000  }
0x29: {  	[tilespmem:s15], [sflag:$0x1] =	stream.indirect.gather [hbm4b:s4+s14], $0x80, s30, s14, $0xb8;
	[tilespmem:$0x1E800] =	vst v63  }
0x2a: {  	_ =	swait.ge [sflag:s19], $0x4000  }
0x2b: {  	[sflag:s19] =	ssyncset.done $0x0  }
0x2c: {  	s31 =	simm.s32 $0x1D480;
	[sflag:s19] =	ssyncadd.s32 $0xFFFFC000  }
0x2d: {  	[spmem:s2] =	stream.indirect.scatter.add.f32 [tilespmem:s17], [sflag:$0x3], $0x80, s31, s14, $0xb8;
	[tilespmem:$0x1E800] =	vst v63  }
0x2e: {  	_ =	swait.ge [sflag:s11], $0x4000  }
0x2f: {  	[sflag:s11] =	ssyncset.done $0x0  }
0x30: {  	s25 =	simm.s32 $0x1C180;
	s24 =	simm.s32 $0x400;
	[sflag:s11] =	ssyncadd.s32 $0xFFFFC000  }
.LBB2_2:
0x31: {  	[tilespmem:s17], [sflag:$0x2] =	stream.indirect.gather [hbm4b:s4+s14], $0x80, s25, s14, $0xb8;
	[tilespmem:$0x1E800] =	vst v63  }
0x32: {  	s25 =	smov.u32 s24  }
0x33: {  	p0 =	sne.s32 s24, $0x4800;
	s24 =	sadd.s32 $0x400, s24;
	_ =	swait.ge [sflag:s18], $0x4000  }
0x34: {  	s25 =	sshra.s32 s25, $0x2;
	[sflag:s18] =	ssyncset.done $0x0  }
0x35: {  	s26 =	sadd.s32 $0x1D400, s25;
	[sflag:s18] =	ssyncadd.s32 $0xFFFFC000  }
0x36: {  	[spmem:s2] =	stream.indirect.scatter.add.f32 [tilespmem:s15], [sflag:$0x3], $0x80, s26, s14, $0xb8;
	[tilespmem:$0x1E800] =	vst v63  }
0x37: {  	_ =	swait.ge [sflag:s11], $0x4000  }
0x38: {  	[sflag:s11] =	ssyncset.done $0x0  }
0x39: {  	s26 =	sadd.s32 $0x1C100, s25;
	[sflag:s11] =	ssyncadd.s32 $0xFFFFC000  }
0x3a: {  	[tilespmem:s15], [sflag:$0x1] =	stream.indirect.gather [hbm4b:s4+s14], $0x80, s26, s14, $0xb8;
	[tilespmem:$0x1E800] =	vst v63  }
0x3b: {  	_ =	swait.ge [sflag:s19], $0x4000  }
0x3c: {  	[sflag:s19] =	ssyncset.done $0x0  }
.Ltmp0:
0x3d: {  	s26 =	sadd.s32 $0x1D480, s25;
	[sflag:s19] =	ssyncadd.s32 $0xFFFFC000;
	(pc) =	sbr.rel @p0 .LBB2_2-.Ltmp0, $4  }
0x3e: {  	[spmem:s2] =	stream.indirect.scatter.add.f32 [tilespmem:s17], [sflag:$0x3], $0x80, s26, s14, $0xb8;
	[tilespmem:$0x1E800] =	vst v63  }
0x3f: {  	_ =	swait.ge [sflag:s11], $0x4000  }
0x40: {  	[sflag:s11] =	ssyncset.done $0x0  }
0x41: {  	s25 =	sadd.s32 $0x1C180, s25;
	[sflag:s11] =	ssyncadd.s32 $0xFFFFC000  }
0x42: {  	[tilespmem:s17], [sflag:$0x2] =	stream.indirect.gather [hbm4b:s4+s14], $0x80, s25, s14, $0xb8;
	[tilespmem:$0x1E800] =	vst v63  }
0x43: {  	_ =	swait.ge [sflag:s18], $0x4000  }
0x44: {  	[sflag:s18] =	ssyncset.done $0x0  }
0x45: {  	[sflag:s18] =	ssyncadd.s32 $0xFFFFC000  }
0x46: {  	[spmem:s2] =	stream.indirect.scatter.add.f32 [tilespmem:s15], [sflag:$0x3], $0x80, s20, s14, $0xb8;
	[tilespmem:$0x1E800] =	vst v63  }
0x47: {  	_ =	swait.ge [sflag:s11], $0x4000  }
0x48: {  	[sflag:s11] =	ssyncset.done $0x0  }
0x49: {  	[sflag:s11] =	ssyncadd.s32 $0xFFFFC000  }
0x4a: {  	_ =	swait.ge [sflag:s19], $0x4000  }
0x4b: {  	[sflag:s19] =	ssyncset.done $0x0  }
0x4c: {  	[sflag:s19] =	ssyncadd.s32 $0xFFFFC000  }
0x4d: {  	[spmem:s2] =	stream.indirect.scatter.add.f32 [tilespmem:s17], [sflag:$0x3], $0x80, s21, s14, $0xb8;
	[tilespmem:$0x1E800] =	vst v63  }
0x4e: {  	_ =	swait.ge [sflag:s11], $0x4000  }
0x4f: {  	s23 =	sadd.s32 $0x1, s23;
	[sflag:s11] =	ssyncset.done $0x0  }
0x50: {  	p0 =	sne.s32 s23, s9;
	[sflag:s11] =	ssyncadd.s32 $0xFFFFC000  }
.Ltmp1:
0x51: {  	[bflag:$0x0] =	sbarrier.arrive $0xFFFF;
	(pc) =	sbr.rel @p0 .LBB2_1-.Ltmp1, $4  }
0x52: {  	[hbm:s22], [sflag:s6] =	dma.local [spmem:s10], $0x2800  }
0x53: {  	_ =	swait.ge [sflag:s11], $0x2800  }
0x54: {  	[sflag:s11] =	ssyncset.done $0x0  }
0x55: {  	[sflag:s11] =	ssyncadd.s32 $0xFFFFD800  }
0x56: {  	_ =	sfence.sel $0x180000  }
0x57: {  	[bflag:$0x0] =	sbarrier.arrive $0xFFFF  }
0x58: {  	p0 =	sne.s32 s0, $0x0;
	_ =	strace $0x90000062  }
0x59: {  	s0 =	sadd.s32 @!p0 $0x100000, s1;
	[bflag:$0x2] =	sbarrier.arrive $0xFFFF  }
0x5a: {  	[sflag:s0] =	ssyncadd.tile.s32 @!p0 $0x1;
	_ =	shalt  }
.Lfunc_end2:
_tile_overlayer_lowered:
.L_overlay_start_2:
0x5b: {  	(tag) =	ssettag $0x2  }
0x5c: {  	s0 =	rddreg [dreg:$0x0];
	s2 =	stileid.u32  }
0x5d: {  	s1 =	rddreg [dreg:$0x1];
	p0 =	sne.s32 s2, $0x0  }
0x5e: {  	s3 =	rddreg [dreg:$0x2];
	[bflag:$0x3] =	sbarrier.arrive $0xFFFF;
	s2 =	simm.s32 @!p0 $0x1C03  }
0x5f: {  	[timem:s3], [sflag:s2] =	dma.local @!p0 [hbm:s0], s1  }
0x60: {  	s0 =	simm.s32 @!p0 $0x3  }
0x61: {  	_ =	swait.ge @!p0 [sflag:s0], s1  }
0x62: {  	s1 =	ssub.s32 @!p0 $0x0, s1;
	[sflag:s0] =	ssyncset.done @!p0 $0x0  }
0x63: {  	[sflag:s0] =	ssyncadd.s32 @!p0 s1  }
0x64: {  	[bflag:$0x3] =	sbarrier.arrive $0xFFFF  }
0x65: {  	_ =	shalt  }

// kernel: kernel.55.cloned.1.call-start
scs
__scs_entry_jumppad:
0x0: {  	(pc) =	sbr.rel $0x88, $3  }
0x1: {  	(tag) =	ssettag $0x0;
	lr =	simm.s32 $0x1  }
0x2: {  	[smem:$0x3F99] =	sst lr;
	_ =	strace $0xD0000000  }
0x3: {  	_ = 	snop  }
0x4: {  	_ = 	snop  }
0x5: {  	_ = 	snop  }
0x6: {  	_ = 	snop  }
0x7: {  	_ = 	snop  }
__scs_overlays_trampoline_lowered:
0x8: {  	[smem:$0x3FA8] =	sst s0  }
0x9: {  	[smem:$0x3FA9] =	sst s1  }
0xa: {  	[smem:$0x3FAA] =	sst s2  }
0xb: {  	[smem:$0x3FAB] =	sst s3  }
0xc: {  	[smem:$0x3FAC] =	sst s4  }
0xd: {  	[smem:$0x3FAD] =	sst s5  }
0xe: {  	[smem:$0x3FAE] =	sst s6  }
0xf: {  	[smem:$0x3FAF] =	sst s7  }
0x10: {  	[smem:$0x3FB0] =	sst s8  }
0x11: {  	[smem:$0x3FB1] =	sst s9;
	s0 =	simm.s32 @!p0 $0x0  }
0x12: {  	s1 =	sld [smem:$0x3F97];
	s0 =	simm.s32 @p0 $0x1  }
0x13: {  	[smem:$0x3FB2] =	sst s0;
	s0 =	simm.s32 @!p1 $0x0  }
0x14: {  	s2 =	sld [smem:$0x3F96];
	s0 =	simm.s32 @p1 $0x1  }
0x15: {  	[smem:$0x3FB3] =	sst s0;
	s0 =	simm.s32 @!p2 $0x0  }
0x16: {  	s3 =	sld [smem:$0x3FDB];
	s0 =	simm.s32 @p2 $0x1  }
0x17: {  	s4 =	simm.s32 $0x1BF5;
	[smem:$0x3FB5] =	sst s0  }
0x18: {  	s0 =	sld [smem:$0x3F98];
	_ =	swait.ge [sflag:s4], $0x0  }
0x19: {  	s7 =	sld [smem:$0x3F99]  }
0x1a: {  	s8 =	sadd.s32 $0xFFFFE003, lr  }
0x1b: {  	s9 =	sadd.s32 $0xFFFFFEF7, lr;
	s5 =	simm.s32 $0xFFFFFFFF;
	p2 =	slt.u32 s8, $0xFFFFF086  }
0x1c: {  	p1 =	slt.u32 s9, $0xF7A;
	s5 =	simm.s32 @!p2 $0x0  }
0x1d: {  	s5 =	simm.s32 @p1 $0x1;
	p0 =	seq.s32 s7, s2  }
0x1e: {  	s7 =	smul.u32 @!p0 $0xF7A, s2;
	p2 =	seq.s32 @!p0 s5, $0x0  }
0x1f: {  	s9 =	smul.u32 $0xF7A, s1;
	s8 =	simm.s32 @!p0 $0x1BF5;
	p2 =	por !p2, p0  }
0x20: {  	[sflag:s8] =	ssyncset.s32 @!p0 $0xFFFFF086;
	s6 =	sadd.s32 @!p0 s3, s7;
	s7 =	simm.s32 @!p0 $0x108  }
0x21: {  	s3 =	sadd.s32 s3, s9;
	s6 =	sadd.s32 @!p0 $0x88, s6;
	s7 =	simm.s32 @p2 $0x1082  }
0x22: {  	[simem:s7], [sflag:s8] =	dma.local @!p0 [hbm:s6], $0xF7A  }
0x23: {  	s9 =	sor.u32 $0xD0000000, s2;
	s6 =	simm.s32 $0x108;
	_ =	swait.ge @!p0 [sflag:s8], $0x0  }
0x24: {  	s3 =	sadd.s32 $0x88, s3;
	s6 =	simm.s32 @!p1 $0x1082;
	[sflag:s4] =	ssyncset.s32 $0xFFFFF086  }
0x25: {  	[simem:s6], [sflag:s4] =	dma.local [hbm:s3], $0xF7A  }
0x26: {  	[smem:$0x3F99] =	sst s1;
	(tag) =	ssettag s2;
	_ =	strace s9  }
0x27: {  	s1 =	sld [smem:$0x3FA9]  }
0x28: {  	s2 =	sld [smem:$0x3FAA]  }
0x29: {  	s4 =	sld [smem:$0x3FAC]  }
0x2a: {  	p0 =	seq.s32 s5, $0x0;
	s5 =	sld [smem:$0x3FAD]  }
0x2b: {  	s6 =	sld [smem:$0x3FAE]  }
0x2c: {  	s7 =	sld [smem:$0x3FAF]  }
0x2d: {  	s3 =	simm.s32 $0x108;
	s8 =	sld [smem:$0x3FB0]  }
0x2e: {  	s3 =	simm.s32 @!p0 $0x1082;
	s9 =	sld [smem:$0x3FB1]  }
0x2f: {  	lr =	sadd.s32 s0, s3;
	s0 =	sld [smem:$0x3FA8]  }
0x30: {  	s3 =	sld [smem:$0x3FAB]  }
0x31: {  	[smem:$0x3FB4] =	sst s10  }
0x32: {  	s10 =	sld [smem:$0x3FB2];
	_ =	sdelay $0x3  }
0x33: {  	p0 =	seq.s32 s10, $0x1;
	s10 =	sld [smem:$0x3FB4];
	_ =	sdelay $0x3  }
0x34: {  	[smem:$0x3FB4] =	sst s10  }
0x35: {  	s10 =	sld [smem:$0x3FB3];
	_ =	sdelay $0x3  }
0x36: {  	p1 =	seq.s32 s10, $0x1;
	s10 =	sld [smem:$0x3FB4];
	_ =	sdelay $0x3  }
0x37: {  	[smem:$0x3FB4] =	sst s10  }
0x38: {  	s10 =	sld [smem:$0x3FB5]  }
0x39: {  	_ = 	snop;
	(pc) =	sbr.ind lr, $3  }
0x3a: {  	_ = 	snop  }
0x3b: {  	_ = 	snop  }
0x3c: {  	p2 =	seq.s32 s10, $0x1;
	s10 =	sld [smem:$0x3FB4]  }
0x3d: {  	_ =	shalt  }
0x3e: {  	_ =	shalt  }
0x3f: {  	_ =	shalt  }
0x40: {  	_ =	shalt  }
0x41: {  	_ =	shalt  }
0x42: {  	_ =	shalt  }
0x43: {  	_ =	shalt  }
0x44: {  	_ =	shalt  }
0x45: {  	_ =	shalt  }
0x46: {  	_ =	shalt  }
0x47: {  	_ =	shalt  }
0x48: {  	_ =	shalt  }
0x49: {  	_ =	shalt  }
0x4a: {  	_ =	shalt  }
0x4b: {  	_ =	shalt  }
0x4c: {  	_ =	shalt  }
0x4d: {  	_ =	shalt  }
0x4e: {  	_ =	shalt  }
0x4f: {  	_ =	shalt  }
0x50: {  	_ =	shalt  }
0x51: {  	_ =	shalt  }
0x52: {  	_ =	shalt  }
0x53: {  	_ =	shalt  }
0x54: {  	_ =	shalt  }
0x55: {  	_ =	shalt  }
0x56: {  	_ =	shalt  }
0x57: {  	_ =	shalt  }
0x58: {  	_ =	shalt  }
0x59: {  	_ =	shalt  }
0x5a: {  	_ =	shalt  }
0x5b: {  	_ =	shalt  }
0x5c: {  	_ =	shalt  }
0x5d: {  	_ =	shalt  }
0x5e: {  	_ =	shalt  }
0x5f: {  	_ =	shalt  }
0x60: {  	_ =	shalt  }
0x61: {  	_ =	shalt  }
0x62: {  	_ =	shalt  }
0x63: {  	_ =	shalt  }
0x64: {  	_ =	shalt  }
0x65: {  	_ =	shalt  }
0x66: {  	_ =	shalt  }
0x67: {  	_ =	shalt  }
0x68: {  	_ =	shalt  }
0x69: {  	_ =	shalt  }
0x6a: {  	_ =	shalt  }
0x6b: {  	_ =	shalt  }
0x6c: {  	_ =	shalt  }
0x6d: {  	_ =	shalt  }
0x6e: {  	_ =	shalt  }
0x6f: {  	_ =	shalt  }
0x70: {  	_ =	shalt  }
0x71: {  	_ =	shalt  }
0x72: {  	_ =	shalt  }
0x73: {  	_ =	shalt  }
0x74: {  	_ =	shalt  }
0x75: {  	_ =	shalt  }
0x76: {  	_ =	shalt  }
0x77: {  	_ =	shalt  }
0x78: {  	_ =	shalt  }
0x79: {  	_ =	shalt  }
0x7a: {  	_ =	shalt  }
0x7b: {  	_ =	shalt  }
0x7c: {  	_ =	shalt  }
0x7d: {  	_ =	shalt  }
0x7e: {  	_ =	shalt  }
0x7f: {  	_ =	shalt  }
0x80: {  	_ =	shalt  }
0x81: {  	_ =	shalt  }
0x82: {  	_ =	shalt  }
0x83: {  	_ =	shalt  }
0x84: {  	_ =	shalt  }
0x85: {  	_ =	shalt  }
0x86: {  	_ =	shalt  }
0x87: {  	_ =	shalt  }
.Lfunc_end0:
.L_simem_size_0:
called_computation.10_lowered:
.L_overlay_start_0:
0x88: {  	s2 =	sld [smem:$0x3FD9]  }
0x89: {  	s3 =	sld [smem:$0x3FFE];
	_ =	sdelay $0x1  }
0x8a: {  	s1 =	srdreg.scid  }
0x8b: {  	s0 =	sand.u32 $0x1, s1  }
0x8c: {  	s17 =	sshll.u32 s0, $0xA;
	s2 =	sadd.s32 s3, s2  }
0x8d: {  	s2 =	sadd.s32 s2, s17  }
0x8e: {  	[smem:$0x3FC0] =	sst s2  }
0x8f: {  	_ = 	snop  }
0x90: {  	s2 =	sld [smem:$0x3FD0];
	(tm) =	ssettm $0x1  }
0x91: {  	s18 =	sld [smem:$0x3FFB];
	_ =	sdelay $0x3  }
0x92: {  	_ =	strace s18  }
0x93: {  	s3 =	sld [smem:$0x3FFC];
	_ =	sdelay $0x3  }
0x94: {  	_ =	strace s3  }
0x95: {  	s3 =	sld [smem:$0x3FFD];
	_ =	sdelay $0x3  }
0x96: {  	_ =	strace s3  }
0x97: {  	_ =	strace $0x8FFFFFFF  }
0x98: {  	s19 =	sld [smem:$0x3FDB];
	_ =	sdelay $0x1  }
0x99: {  	s4 =	simm.s32 $_scs_section_size  }
0x9a: {  	s5 =	simm.s32 $_size__tile_overlayer_lowered;
	s6 =	simm.s32 $_tile_overlayer_lowered  }
0x9b: {  	s22 =	simm.s32 $0x1BFF;
	s21 =	sshll.u32 s6, $0x1;
	s3 =	sadd.s32 s4, s19  }
0x9c: {  	s7 =	simm.s32 $0x0;
	s20 =	sshll.u32 s5, $0x1;
	s5 =	sadd.s32 s21, s3  }
0x9d: {  	[timem:s7], [sflag:s22] =	dma.local [hbm:s5], s20  }
0x9e: {  	_ =	swait.ge [sflag:s22], s20  }
0x9f: {  	s4 =	ssub.s32 $0x0, s20;
	[sflag:s22] =	ssyncset.done $0x0  }
0xa0: {  	[sflag:s22] =	ssyncadd.s32 s4;
	_ =	sdelay $0x1  }
0xa1: {  	s23 =	simm.s32 $0x1B8B  }
0xa2: {  	_ =	swait.ge [sflag:s23], $0x1  }
0xa3: {  	[sflag:s23] =	ssyncset.done $0x0  }
0xa4: {  	s25 =	simm.s32 $0x1B8E;
	s24 =	sld [smem:$0x3FFE];
	[sflag:s23] =	ssyncadd.s32 $0xFFFFFFFF  }
0xa5: {  	s26 =	simm.s32 $execute0_lowered;
	[smem:$0x3FD2] =	sst s25  }
0xa6: {  	s5 =	sshll.u32 s26, $0x1;
	_ =	strace $0x80000064;
	[dreg:$0x1] =	wrdreg $0xFFFFFFFF  }
0xa7: {  	s28 =	simm.s32 $_size_execute0_lowered;
	s3 =	sadd.s32 s3, s5;
	[dreg:$0x0] =	wrdreg $0x0  }
0xa8: {  	s5 =	sshll.u32 s28, $0x1;
	[dreg:$0x2] =	wrdreg s3  }
0xa9: {  	[dreg:$0x3] =	wrdreg s5  }
0xaa: {  	[dreg:$0x4] =	wrdreg $0xC0  }
0xab: {  	_ =	task [dreg:s7], $0x5FFFF  }
0xac: {  	[dreg:$0x1] =	wrdreg $0xFFFFFFFF  }
0xad: {  	[dreg:$0x0] =	wrdreg $0x60  }
0xae: {  	[dreg:$0x2] =	wrdreg s24  }
0xaf: {  	[dreg:$0x3] =	wrdreg s2  }
0xb0: {  	[dreg:$0x4] =	wrdreg $0x0  }
0xb1: {  	[dreg:$0x5] =	wrdreg $0x9  }
0xb2: {  	_ =	task.clear_ibuf [dreg:s7], $0x6FFFF;
	_ =	strace $0x90000064  }
0xb3: {  	s29 =	simm.s32 $0x9;
	_ =	strace $0x80000066  }
0xb4: {  	_ =	swait.ge [sflag:s29], $0x1  }
0xb5: {  	[sflag:s29] =	ssyncadd.s32 $0xFFFFFFFF  }
0xb6: {  	_ =	strace $0x90000066  }
0xb7: {  	_ =	sfence  }
0xb8: {  	s30 =	sld [smem:$0x0];
	_ =	sdelay $0x2  }
0xb9: {  	s31 =	sshll.u32 s1, $0xD;
	s1 =	sshrl.u32 s1, $0x2  }
0xba: {  	s3 =	sand.u32 $0x4000, s31;
	s1 =	sadd.s32 s1, s30  }
0xbb: {  	s0 =	sor.u32 s3, s0;
	s1 =	sshll.u32 s1, $0x11  }
0xbc: {  	s0 =	sor.u32 s1, s0  }
0xbd: {  	s0 =	sadd.s32 $0x8F2B, s0  }
0xbe: {  	[sflag:s0] =	ssyncadd.remote.s32 $0x1  }
0xbf: {  	_ =	sfence.sel $0xFFFF  }
0xc0: {  	[dreg:$0x0] =	wrdreg $0xFFFFFFFF;
	(pc) =	sbr.abs _section_cstart, $3  }
0xc1: {  	[dreg:$0x1] =	wrdreg $0xFFFFFFFF  }
0xc2: {  	_ =	task.clear_ibuf [dreg:s7], $0x2FFFF;
	_ =	strace $0x9FFFFFFF  }
0xc3: {  	(tm) =	ssettm $0x7FFFFFFF  }
tec
execute0_lowered:
.L_overlay_start_1:
0x0: {  	(tag) =	ssettag $0x1  }
0x1: {  	s5 =	rddreg [dreg:$0x0]  }
0x2: {  	s7 =	rddreg [dreg:$0x1]  }
0x3: {  	s0 =	srdreg.scid;
	s2 =	rddreg [dreg:$0x2]  }
0x4: {  	s3 =	simm.s32 $0x0;
	s14 =	simm.s32 $0x80;
	s15 =	simm.s32 $0x14000  }
0x5: {  	s16 =	simm.s32 $0x1C080;
	s17 =	simm.s32 $0x18000;
	s18 =	simm.s32 $0x1  }
0x6: {  	s19 =	simm.s32 $0x2;
	s6 =	sand.u32 $0x1, s0;
	s0 =	stileid.u32  }
0x7: {  	s20 =	simm.s32 $0x1E700;
	s21 =	simm.s32 $0x1E780;
	s22 =	smul.u32 $0x2800, s0  }
0x8: {  	[smem:$0x7FF] =	sst s3;
	s1 =	sshll.u32 s6, $0x4;
	s9 =	smul.u32 $0x28000, s6  }
0x9: {  	s6 =	ssub.s32 $0x2, s6;
	s11 =	smul.u32 $0x50000, s0;
	s31 =	sshll.u32 s0, $0x6  }
0xa: {  	s4 =	sor.u32 s0, s1;
	s1 =	rddreg [dreg:$0x3];
	_ =	strace $0x80000065  }
0xb: {  	s29 =	sshrl.u32 s6, $0x1;
	s8 =	smul.u32 $0x280, s4;
	s4 =	sadd.s32 $0x33800, s5  }
0xc: {  	s12 =	sadd.s32 s22, s5;
	s9 =	sadd.s32 s9, s5;
	s30 =	sshrl.u32 s11, $0x2  }
0xd: {  	s13 =	ssub.s32 s6, s29;
	s6 =	sor.u32 $0x1C03, s31;
	s11 =	sadd.s32 s30, s2  }
0xe: {  	s23 =	sadd.s32 $0x83800, s9;
	s9 =	smax.u32 s13, $0x1;
	s13 =	simm.s32 $0x1D400  }
0xf: {  	s10 =	sadd.s32 s8, s5;
	s5 =	sadd.s32 $0xB800, s12;
	s7 =	sadd.s32 s7, s8  }
0x10: {  	s12 =	simm.s32 $0x1C000;
	s22 =	sadd.s32 s22, s23;
	s23 =	simm.s32 $0x0  }
0x11: {  	s8 =	sadd.s32 $0x6800, s10;
	s10 =	sshrl.u32 s11, $0x3;
	s11 =	simm.s32 $0x3  }
.LBB2_1:
0x12: {  	[spmem:s10], [sflag:s6] =	dma.local [hbm:s5], $0x2800  }
0x13: {  	_ =	swait.ge [sflag:s11], $0x2800  }
0x14: {  	[sflag:s11] =	ssyncset.done $0x0  }
0x15: {  	[sflag:s11] =	ssyncadd.s32 $0xFFFFD800  }
0x16: {  	[tilespmem:s12], [sflag:$0x3] =	stream.linear.gather [hbm4b:s7+s3], $0x1400, $0x38;
	[tilespmem:$0x1E800] =	vst v63  }
0x17: {  	_ =	swait.ge [sflag:s11], $0x1400  }
0x18: {  	[sflag:s11] =	ssyncset.done $0x0  }
0x19: {  	[sflag:s11] =	ssyncadd.s32 $0xFFFFEC00  }
0x1a: {  	[tilespmem:s13], [sflag:$0x3] =	stream.linear.gather [hbm4b:s8+s3], $0x1400, $0x38;
	[tilespmem:$0x1E800] =	vst v63  }
0x1b: {  	_ =	swait.ge [sflag:s11], $0x1400  }
0x1c: {  	[sflag:s11] =	ssyncset.done $0x0  }
0x1d: {  	[sflag:s11] =	ssyncadd.s32 $0xFFFFEC00  }
0x1e: {  	[bflag:$0x0] =	sbarrier.arrive $0xFFFF  }
0x1f: {  	[tilespmem:s15], [sflag:$0x1] =	stream.indirect.gather [hbm4b:s4+s14], $0x80, s12, s14, $0xb8;
	[tilespmem:$0x1E800] =	vst v63  }
0x20: {  	_ = 	snop  }
0x21: {  	[tilespmem:s17], [sflag:$0x2] =	stream.indirect.gather [hbm4b:s4+s14], $0x80, s16, s14, $0xb8;
	[tilespmem:$0x1E800] =	vst v63  }
0x22: {  	_ =	swait.ge [sflag:s18], $0x4000  }
0x23: {  	[sflag:s18] =	ssyncset.done $0x0  }
0x24: {  	s24 =	simm.s32 $0x1D400;
	[sflag:s18] =	ssyncadd.s32 $0xFFFFC000  }
0x25: {  	[spmem:s2] =	stream.indirect.scatter.add.f32 [tilespmem:s15], [sflag:$0x3], $0x80, s24, s14, $0xb8;
	[tilespmem:$0x1E800] =	vst v63  }
0x26: {  	_ =	swait.ge [sflag:s11], $0x4000  }
0x27: {  	[sflag:s11] =	ssyncset.done $0x0  }
0x28: {  	s30 =	simm.s32 $0x1C100;
	[sflag:s11] =	ssyncadd.s32 $0xFFFFC000  }
0x29: {  	[tilespmem:s15], [sflag:$0x1] =	stream.indirect.gather [hbm4b:s4+s14], $0x80, s30, s14, $0xb8;
	[tilespmem:$0x1E800] =	vst v63  }
0x2a: {  	_ =	swait.ge [sflag:s19], $0x4000  }
0x2b: {  	[sflag:s19] =	ssyncset.done $0x0  }
0x2c: {  	s31 =	simm.s32 $0x1D480;
	[sflag:s19] =	ssyncadd.s32 $0xFFFFC000  }
0x2d: {  	[spmem:s2] =	stream.indirect.scatter.add.f32 [tilespmem:s17], [sflag:$0x3], $0x80, s31, s14, $0xb8;
	[tilespmem:$0x1E800] =	vst v63  }
0x2e: {  	_ =	swait.ge [sflag:s11], $0x4000  }
0x2f: {  	[sflag:s11] =	ssyncset.done $0x0  }
0x30: {  	s25 =	simm.s32 $0x1C180;
	s24 =	simm.s32 $0x400;
	[sflag:s11] =	ssyncadd.s32 $0xFFFFC000  }
.LBB2_2:
0x31: {  	[tilespmem:s17], [sflag:$0x2] =	stream.indirect.gather [hbm4b:s4+s14], $0x80, s25, s14, $0xb8;
	[tilespmem:$0x1E800] =	vst v63  }
0x32: {  	s25 =	smov.u32 s24  }
0x33: {  	p0 =	sne.s32 s24, $0x4800;
	s24 =	sadd.s32 $0x400, s24;
	_ =	swait.ge [sflag:s18], $0x4000  }
0x34: {  	s25 =	sshra.s32 s25, $0x2;
	[sflag:s18] =	ssyncset.done $0x0  }
0x35: {  	s26 =	sadd.s32 $0x1D400, s25;
	[sflag:s18] =	ssyncadd.s32 $0xFFFFC000  }
0x36: {  	[spmem:s2] =	stream.indirect.scatter.add.f32 [tilespmem:s15], [sflag:$0x3], $0x80, s26, s14, $0xb8;
	[tilespmem:$0x1E800] =	vst v63  }
0x37: {  	_ =	swait.ge [sflag:s11], $0x4000  }
0x38: {  	[sflag:s11] =	ssyncset.done $0x0  }
0x39: {  	s26 =	sadd.s32 $0x1C100, s25;
	[sflag:s11] =	ssyncadd.s32 $0xFFFFC000  }
0x3a: {  	[tilespmem:s15], [sflag:$0x1] =	stream.indirect.gather [hbm4b:s4+s14], $0x80, s26, s14, $0xb8;
	[tilespmem:$0x1E800] =	vst v63  }
0x3b: {  	_ =	swait.ge [sflag:s19], $0x4000  }
0x3c: {  	[sflag:s19] =	ssyncset.done $0x0  }
.Ltmp0:
0x3d: {  	s26 =	sadd.s32 $0x1D480, s25;
	[sflag:s19] =	ssyncadd.s32 $0xFFFFC000;
	(pc) =	sbr.rel @p0 .LBB2_2-.Ltmp0, $4  }
0x3e: {  	[spmem:s2] =	stream.indirect.scatter.add.f32 [tilespmem:s17], [sflag:$0x3], $0x80, s26, s14, $0xb8;
	[tilespmem:$0x1E800] =	vst v63  }
0x3f: {  	_ =	swait.ge [sflag:s11], $0x4000  }
0x40: {  	[sflag:s11] =	ssyncset.done $0x0  }
0x41: {  	s25 =	sadd.s32 $0x1C180, s25;
	[sflag:s11] =	ssyncadd.s32 $0xFFFFC000  }
0x42: {  	[tilespmem:s17], [sflag:$0x2] =	stream.indirect.gather [hbm4b:s4+s14], $0x80, s25, s14, $0xb8;
	[tilespmem:$0x1E800] =	vst v63  }
0x43: {  	_ =	swait.ge [sflag:s18], $0x4000  }
0x44: {  	[sflag:s18] =	ssyncset.done $0x0  }
0x45: {  	[sflag:s18] =	ssyncadd.s32 $0xFFFFC000  }
0x46: {  	[spmem:s2] =	stream.indirect.scatter.add.f32 [tilespmem:s15], [sflag:$0x3], $0x80, s20, s14, $0xb8;
	[tilespmem:$0x1E800] =	vst v63  }
0x47: {  	_ =	swait.ge [sflag:s11], $0x4000  }
0x48: {  	[sflag:s11] =	ssyncset.done $0x0  }
0x49: {  	[sflag:s11] =	ssyncadd.s32 $0xFFFFC000  }
0x4a: {  	_ =	swait.ge [sflag:s19], $0x4000  }
0x4b: {  	[sflag:s19] =	ssyncset.done $0x0  }
0x4c: {  	[sflag:s19] =	ssyncadd.s32 $0xFFFFC000  }
0x4d: {  	[spmem:s2] =	stream.indirect.scatter.add.f32 [tilespmem:s17], [sflag:$0x3], $0x80, s21, s14, $0xb8;
	[tilespmem:$0x1E800] =	vst v63  }
0x4e: {  	_ =	swait.ge [sflag:s11], $0x4000  }
0x4f: {  	s23 =	sadd.s32 $0x1, s23;
	[sflag:s11] =	ssyncset.done $0x0  }
0x50: {  	p0 =	sne.s32 s23, s9;
	[sflag:s11] =	ssyncadd.s32 $0xFFFFC000  }
.Ltmp1:
0x51: {  	[bflag:$0x0] =	sbarrier.arrive $0xFFFF;
	(pc) =	sbr.rel @p0 .LBB2_1-.Ltmp1, $4  }
0x52: {  	[hbm:s22], [sflag:s6] =	dma.local [spmem:s10], $0x2800  }
0x53: {  	_ =	swait.ge [sflag:s11], $0x2800  }
0x54: {  	[sflag:s11] =	ssyncset.done $0x0  }
0x55: {  	[sflag:s11] =	ssyncadd.s32 $0xFFFFD800  }
0x56: {  	_ =	sfence.sel $0x180000  }
0x57: {  	[bflag:$0x0] =	sbarrier.arrive $0xFFFF  }
0x58: {  	p0 =	sne.s32 s0, $0x0;
	_ =	strace $0x90000065  }
0x59: {  	s0 =	sadd.s32 @!p0 $0x100000, s1;
	[bflag:$0x2] =	sbarrier.arrive $0xFFFF  }
0x5a: {  	[sflag:s0] =	ssyncadd.tile.s32 @!p0 $0x1;
	_ =	shalt  }
.Lfunc_end2:
_tile_overlayer_lowered:
.L_overlay_start_2:
0x5b: {  	(tag) =	ssettag $0x2  }
0x5c: {  	s0 =	rddreg [dreg:$0x0];
	s2 =	stileid.u32  }
0x5d: {  	s1 =	rddreg [dreg:$0x1];
	p0 =	sne.s32 s2, $0x0  }
0x5e: {  	s3 =	rddreg [dreg:$0x2];
	[bflag:$0x3] =	sbarrier.arrive $0xFFFF;
	s2 =	simm.s32 @!p0 $0x1C03  }
0x5f: {  	[timem:s3], [sflag:s2] =	dma.local @!p0 [hbm:s0], s1  }
0x60: {  	s0 =	simm.s32 @!p0 $0x3  }
0x61: {  	_ =	swait.ge @!p0 [sflag:s0], s1  }
0x62: {  	s1 =	ssub.s32 @!p0 $0x0, s1;
	[sflag:s0] =	ssyncset.done @!p0 $0x0  }
0x63: {  	[sflag:s0] =	ssyncadd.s32 @!p0 s1  }
0x64: {  	[bflag:$0x3] =	sbarrier.arrive $0xFFFF  }
0x65: {  	_ =	shalt  }

</sc_bundles>
